<compile_context>
chip_gen: v7x
topology: tpu7x:2x2x1
jax: 0.10.2.dev20260603
libtpu: 0.0.44.dev20260713+nightly
codegen_flags: <defaults>
</compile_context>

<pallas_src>
import functools

import jax
import jax.numpy as jnp
from jax import lax
from jax.experimental import pallas as pl
from jax.experimental.pallas import tpu as pltpu
from jax.experimental.pallas import tpu_sc as plsc

_NC = 2
_NS = 16
_NW = _NC * _NS
_L = 16
_D = 128
_C = 80
_NBUF = 2


def _normalize_body(z_ref, out_ref):
    x = z_ref[...]
    ss = jnp.sum(x * x, axis=-1, keepdims=True)
    out_ref[...] = x / jnp.maximum(jnp.sqrt(ss), 1e-12)


def _make_edge_dot(n_edges: int):
    ew = n_edges // _NW
    n_chunks = ew // _C
    mesh = plsc.VectorSubcoreMesh(core_axis_name="c", subcore_axis_name="s")

    @functools.partial(
        pl.kernel,
        mesh=mesh,
        out_type=jax.ShapeDtypeStruct((_NW, n_chunks, _C), jnp.float32),
        compiler_params=pltpu.CompilerParams(
            needs_layout_passes=False, use_tc_tiling_on_sc=False
        ),
        scratch_types=[
            pltpu.VMEM_SHARED((10000, _D // 2), jnp.int32),
            pltpu.VMEM((n_chunks, _C), jnp.int32),
            pltpu.VMEM((n_chunks, _C), jnp.int32),
            pltpu.VMEM((n_chunks, _C), jnp.float32),
            [
                dict(
                    rows_u=pltpu.VMEM((_C, _D // 2), jnp.int32),
                    rows_v=pltpu.VMEM((_C, _D // 2), jnp.int32),
                    sem=pltpu.SemaphoreType.DMA,
                )
                for _ in range(_NBUF)
            ],
        ],
    )
    def edge_dot(zn, u, v, out, tab, idx_u, idx_v, oc, bufs):
        wid = lax.axis_index("s") * _NC + lax.axis_index("c")

        @pl.when(lax.axis_index("s") == 0)
        def _():
            pltpu.sync_copy(zn, tab)

        pltpu.sync_copy(u.at[wid], idx_u)
        pltpu.sync_copy(v.at[wid], idx_v)
        plsc.subcore_barrier()

        def issue(t, b):
            pltpu.async_copy(tab.at[idx_u.at[t]], b["rows_u"], b["sem"])
            pltpu.async_copy(tab.at[idx_v.at[t]], b["rows_v"], b["sem"])

        def drain(t, b):
            pltpu.make_async_copy(tab.at[idx_u.at[t]], b["rows_u"], b["sem"]).wait()
            pltpu.make_async_copy(tab.at[idx_v.at[t]], b["rows_v"], b["sem"]).wait()

        lanes = lax.iota(jnp.int32, _L)

        def compute(t, b):
            ru, rv = b["rows_u"], b["rows_v"]

            def edge_dot16(e):
                acc_a = None
                acc_b = None
                for k in range(_D // (2 * _L)):
                    xu = plsc.bitcast(ru[e, pl.ds(k * _L, _L)], jnp.bfloat16)
                    xv = plsc.bitcast(rv[e, pl.ds(k * _L, _L)], jnp.bfloat16)
                    pa, pb = plsc.unpack(xu * xv, format=plsc.PackFormat.INTERLEAVED)
                    acc_a = pa if acc_a is None else acc_a + pa
                    acc_b = pb if acc_b is None else acc_b + pb
                return acc_a + acc_b

            def group_body(g, carry):
                r0 = pl.multiple_of(g * _L, _L)
                res = jnp.zeros((_L,), jnp.float32)
                for j in range(_L):
                    res = jnp.where(lanes == j, jnp.sum(edge_dot16(r0 + j)), res)
                oc[t, pl.ds(r0, _L)] = res
                return carry

            lax.fori_loop(0, _C // _L, group_body, 0)

        for p in range(_NBUF):
            issue(p, bufs[p])

        def pipe_body(k, carry):
            t0 = k * _NBUF
            for p in range(_NBUF):
                t = t0 + p
                drain(t, bufs[p])
                compute(t, bufs[p])

                @pl.when(t + _NBUF < n_chunks)
                def _():
                    issue(t + _NBUF, bufs[p])

            return carry

        lax.fori_loop(0, n_chunks // _NBUF, pipe_body, 0)
        for p in range(n_chunks % _NBUF):
            t = (n_chunks // _NBUF) * _NBUF + p
            drain(t, bufs[p])
            compute(t, bufs[p])
        pltpu.sync_copy(oc, out.at[wid])

    return edge_dot


def kernel(z, edge_index):
    n, d = z.shape
    assert d == _D
    zn = pl.pallas_call(
        _normalize_body,
        out_shape=jax.ShapeDtypeStruct((n, d), jnp.float32),
    )(z)
    znp = jax.lax.bitcast_convert_type(
        zn.astype(jnp.bfloat16).reshape(n, d // 2, 2), jnp.int32
    )
    u = edge_index[0].astype(jnp.int32)
    v = edge_index[1].astype(jnp.int32)
    n_edges = u.shape[0]
    assert n_edges % (_NW * _C) == 0
    n_chunks = n_edges // (_NW * _C)
    u3 = u.reshape(_NW, n_chunks, _C)
    v3 = v.reshape(_NW, n_chunks, _C)
    out = _make_edge_dot(n_edges)(znp, u3, v3)
    return out.reshape(n_edges)

# --- scband reference (transcript-rebuilt; emitter-appended) ---
"""Pipeline reference for scband-dot-decoder-43662637531916 (READ-ONLY COPY).

The authoritative reference and input builder live on the scoring server;
editing this copy changes nothing except your own understanding.
"""

import jax, jax.numpy as jnp
import numpy as np


def setup_inputs(seed: int = 0) -> dict:
    key = jax.random.key(seed)
    k1, k2 = jax.random.split(key, 2)
    z = jax.random.normal(k1, (10000, 128), dtype=jnp.float32)
    edge_index = jax.random.randint(k2, (2, 320000), 0, 10000, dtype=jnp.int64)
    return {"z": z, "edge_index": edge_index}


def _l2_normalize(x, eps=1e-12):
    # matches torch.nn.functional.normalize(p=2, dim=-1): x / max(||x||, eps)
    norm = jnp.sqrt(jnp.sum(x * x, axis=-1, keepdims=True))
    return x / jnp.maximum(norm, eps)


def reference(z, edge_index):
    u = edge_index[0]
    v = edge_index[1]
    zu = jnp.take(z, u, axis=0)
    zv = jnp.take(z, v, axis=0)
    zu = _l2_normalize(zu)
    zv = _l2_normalize(zv)
    return jnp.sum(zu * zv, axis=-1)

if __name__ == "__main__":
    import jax
    _d = setup_inputs()
    print(jax.jit(kernel)(*tuple(_d.values())))

</pallas_src>

<mosaic_0001>
#map = affine_map<(d0, d1) -> (0, 0)>
#map1 = affine_map<(d0, d1) -> (0, 0, 0)>
module attributes {stable_mosaic.version = 14 : i64} {
  func.func @edge_dot(%arg0: i32, %arg1: i32, %arg2: memref<10000x64xi32, #tpu.memory_space<hbm>>, %arg3: memref<32x125x80xi32, #tpu.memory_space<hbm>>, %arg4: memref<32x125x80xi32, #tpu.memory_space<hbm>>, %arg5: memref<32x125x80xf32, #tpu.memory_space<hbm>>, %arg6: memref<10000x64xi32, #tpu.memory_space<vmem_shared>>, %arg7: memref<125x80xi32, #tpu.memory_space<vmem>>, %arg8: memref<125x80xi32, #tpu.memory_space<vmem>>, %arg9: memref<125x80xf32, #tpu.memory_space<vmem>>, %arg10: memref<80x64xi32, #tpu.memory_space<vmem>>, %arg11: memref<80x64xi32, #tpu.memory_space<vmem>>, %arg12: memref<!tpu.dma_semaphore, #tpu.memory_space<semaphore_mem>>, %arg13: memref<80x64xi32, #tpu.memory_space<vmem>>, %arg14: memref<80x64xi32, #tpu.memory_space<vmem>>, %arg15: memref<!tpu.dma_semaphore, #tpu.memory_space<semaphore_mem>>) attributes {dimension_semantics = [#tpu.dimension_semantics<core_parallel>, #tpu.dimension_semantics<subcore_parallel>], iteration_bounds = array<i64: 2, 16>, scalar_prefetch = 0 : i64, scratch_operands = 10 : i64, tpu.core_type = #tpu.core_type<sc_vector_subcore>, window_params = [{transform_indices = #map}, {transform_indices = #map1}, {transform_indices = #map1}, {transform_indices = #map1}]} {
    %mul3A = arith.constant 2 : i32
    %mul3A_0 = arith.muli %arg1, %mul3A : i32
    %add3A = arith.addi %mul3A_0, %arg0 : i32
    %eq3A = arith.constant 0 : i32
    %eq3A_1 = arith.cmpi eq, %arg1, %eq3A : i32
    %convert_element_type3A = arith.extui %eq3A_1 : i1 to i32
    %cond3A = arith.constant 0 : i32
    %cond3A_2 = arith.cmpi ne, %convert_element_type3A, %cond3A : i32
    scf.if %cond3A_2 {
      "tpu.region"() ({
        %run_scoped3A = tpu.sem_alloc : memref<!tpu.dma_semaphore, #tpu.memory_space<semaphore_mem>>
        tpu.enqueue_dma source(%arg2 : memref<10000x64xi32, #tpu.memory_space<hbm>>) target(%arg6 : memref<10000x64xi32, #tpu.memory_space<vmem_shared>>) target_semaphore(%run_scoped3A : memref<!tpu.dma_semaphore, #tpu.memory_space<semaphore_mem>>)
        tpu.wait_dma2 semaphore(%run_scoped3A : memref<!tpu.dma_semaphore, #tpu.memory_space<semaphore_mem>>) src(%arg2 : memref<10000x64xi32, #tpu.memory_space<hbm>>) dst(%arg6 : memref<10000x64xi32, #tpu.memory_space<vmem_shared>>)
        tpu.yield
      }) : () -> ()
    } else {
    }
    "tpu.region"() ({
      %run_scoped3A = tpu.sem_alloc : memref<!tpu.dma_semaphore, #tpu.memory_space<semaphore_mem>>
      %dma_start3A_54 = arith.constant 0 : i32
      %dma_start3A_55 = arith.constant 0 : i32
      %dma_start3A_56 = tpu.memref_slice %arg3[%add3A, %dma_start3A_54, %dma_start3A_55] : memref<32x125x80xi32, #tpu.memory_space<hbm>> -> memref<1x125x80xi32, #tpu.memory_space<hbm>>
      %dma_start3A_57 = tpu.memref_squeeze %dma_start3A_56 : memref<1x125x80xi32, #tpu.memory_space<hbm>> -> memref<125x80xi32, #tpu.memory_space<hbm>>
      %dma_start3A_58 = arith.constant 0 : i32
      %dma_start3A_59 = arith.constant 0 : i32
      %dma_start3A_60 = tpu.memref_slice %arg3[%add3A, %dma_start3A_58, %dma_start3A_59] : memref<32x125x80xi32, #tpu.memory_space<hbm>> -> memref<1x125x80xi32, #tpu.memory_space<hbm>>
      %dma_start3A_61 = tpu.memref_squeeze %dma_start3A_60 : memref<1x125x80xi32, #tpu.memory_space<hbm>> -> memref<125x80xi32, #tpu.memory_space<hbm>>
      tpu.enqueue_dma source(%dma_start3A_61 : memref<125x80xi32, #tpu.memory_space<hbm>>) target(%arg7 : memref<125x80xi32, #tpu.memory_space<vmem>>) target_semaphore(%run_scoped3A : memref<!tpu.dma_semaphore, #tpu.memory_space<semaphore_mem>>)
      %dma_wait3A_62 = arith.constant 0 : i32
      %dma_wait3A_63 = arith.constant 0 : i32
      %dma_wait3A_64 = tpu.memref_slice %arg3[%add3A, %dma_wait3A_62, %dma_wait3A_63] : memref<32x125x80xi32, #tpu.memory_space<hbm>> -> memref<1x125x80xi32, #tpu.memory_space<hbm>>
      %dma_wait3A_65 = tpu.memref_squeeze %dma_wait3A_64 : memref<1x125x80xi32, #tpu.memory_space<hbm>> -> memref<125x80xi32, #tpu.memory_space<hbm>>
      %dma_wait3A_66 = arith.constant 0 : i32
      %dma_wait3A_67 = arith.constant 0 : i32
      %dma_wait3A_68 = tpu.memref_slice %arg3[%add3A, %dma_wait3A_66, %dma_wait3A_67] : memref<32x125x80xi32, #tpu.memory_space<hbm>> -> memref<1x125x80xi32, #tpu.memory_space<hbm>>
      %dma_wait3A_69 = tpu.memref_squeeze %dma_wait3A_68 : memref<1x125x80xi32, #tpu.memory_space<hbm>> -> memref<125x80xi32, #tpu.memory_space<hbm>>
      tpu.wait_dma2 semaphore(%run_scoped3A : memref<!tpu.dma_semaphore, #tpu.memory_space<semaphore_mem>>) src(%dma_wait3A_69 : memref<125x80xi32, #tpu.memory_space<hbm>>) dst(%arg7 : memref<125x80xi32, #tpu.memory_space<vmem>>)
      tpu.yield
    }) : () -> ()
    "tpu.region"() ({
      %run_scoped3A = tpu.sem_alloc : memref<!tpu.dma_semaphore, #tpu.memory_space<semaphore_mem>>
      %dma_start3A_54 = arith.constant 0 : i32
      %dma_start3A_55 = arith.constant 0 : i32
      %dma_start3A_56 = tpu.memref_slice %arg4[%add3A, %dma_start3A_54, %dma_start3A_55] : memref<32x125x80xi32, #tpu.memory_space<hbm>> -> memref<1x125x80xi32, #tpu.memory_space<hbm>>
      %dma_start3A_57 = tpu.memref_squeeze %dma_start3A_56 : memref<1x125x80xi32, #tpu.memory_space<hbm>> -> memref<125x80xi32, #tpu.memory_space<hbm>>
      %dma_start3A_58 = arith.constant 0 : i32
      %dma_start3A_59 = arith.constant 0 : i32
      %dma_start3A_60 = tpu.memref_slice %arg4[%add3A, %dma_start3A_58, %dma_start3A_59] : memref<32x125x80xi32, #tpu.memory_space<hbm>> -> memref<1x125x80xi32, #tpu.memory_space<hbm>>
      %dma_start3A_61 = tpu.memref_squeeze %dma_start3A_60 : memref<1x125x80xi32, #tpu.memory_space<hbm>> -> memref<125x80xi32, #tpu.memory_space<hbm>>
      tpu.enqueue_dma source(%dma_start3A_61 : memref<125x80xi32, #tpu.memory_space<hbm>>) target(%arg8 : memref<125x80xi32, #tpu.memory_space<vmem>>) target_semaphore(%run_scoped3A : memref<!tpu.dma_semaphore, #tpu.memory_space<semaphore_mem>>)
      %dma_wait3A_62 = arith.constant 0 : i32
      %dma_wait3A_63 = arith.constant 0 : i32
      %dma_wait3A_64 = tpu.memref_slice %arg4[%add3A, %dma_wait3A_62, %dma_wait3A_63] : memref<32x125x80xi32, #tpu.memory_space<hbm>> -> memref<1x125x80xi32, #tpu.memory_space<hbm>>
      %dma_wait3A_65 = tpu.memref_squeeze %dma_wait3A_64 : memref<1x125x80xi32, #tpu.memory_space<hbm>> -> memref<125x80xi32, #tpu.memory_space<hbm>>
      %dma_wait3A_66 = arith.constant 0 : i32
      %dma_wait3A_67 = arith.constant 0 : i32
      %dma_wait3A_68 = tpu.memref_slice %arg4[%add3A, %dma_wait3A_66, %dma_wait3A_67] : memref<32x125x80xi32, #tpu.memory_space<hbm>> -> memref<1x125x80xi32, #tpu.memory_space<hbm>>
      %dma_wait3A_69 = tpu.memref_squeeze %dma_wait3A_68 : memref<1x125x80xi32, #tpu.memory_space<hbm>> -> memref<125x80xi32, #tpu.memory_space<hbm>>
      tpu.wait_dma2 semaphore(%run_scoped3A : memref<!tpu.dma_semaphore, #tpu.memory_space<semaphore_mem>>) src(%dma_wait3A_69 : memref<125x80xi32, #tpu.memory_space<hbm>>) dst(%arg8 : memref<125x80xi32, #tpu.memory_space<vmem>>)
      tpu.yield
    }) : () -> ()
    %barrier3A = arith.constant 0 : index
    tpu.barrier barrier_id(%barrier3A)
    %iota3A = tpu.iota {dimensions = array<i32: 0>} : vector<16xi32>
    %dma_start3A = arith.constant 0 : i32
    %dma_start3A_3 = arith.constant 0 : i32
    %dma_start3A_4 = tpu.memref_slice %arg7[%dma_start3A, %dma_start3A_3] : memref<125x80xi32, #tpu.memory_space<vmem>> -> memref<1x80xi32, #tpu.memory_space<vmem>>
    %dma_start3A_5 = tpu.memref_squeeze %dma_start3A_4 : memref<1x80xi32, #tpu.memory_space<vmem>> -> memref<80xi32, #tpu.memory_space<vmem>>
    %dma_start3A_6 = arith.constant 0 : i32
    %dma_start3A_7 = arith.constant 0 : i32
    %dma_start3A_8 = tpu.memref_slice %arg6[%dma_start3A_6, %dma_start3A_7] : memref<10000x64xi32, #tpu.memory_space<vmem_shared>> -> memref<10000x64xi32, #tpu.memory_space<vmem_shared>>
    tpu.enqueue_indirect_dma source(%dma_start3A_8 : memref<10000x64xi32, #tpu.memory_space<vmem_shared>>) target(%arg10 : memref<80x64xi32, #tpu.memory_space<vmem>>) offsets(%dma_start3A_5 : memref<80xi32, #tpu.memory_space<vmem>>) semaphore(%arg12 : memref<!tpu.dma_semaphore, #tpu.memory_space<semaphore_mem>>)
    %dma_start3A_9 = arith.constant 0 : i32
    %dma_start3A_10 = arith.constant 0 : i32
    %dma_start3A_11 = tpu.memref_slice %arg8[%dma_start3A_9, %dma_start3A_10] : memref<125x80xi32, #tpu.memory_space<vmem>> -> memref<1x80xi32, #tpu.memory_space<vmem>>
    %dma_start3A_12 = tpu.memref_squeeze %dma_start3A_11 : memref<1x80xi32, #tpu.memory_space<vmem>> -> memref<80xi32, #tpu.memory_space<vmem>>
    %dma_start3A_13 = arith.constant 0 : i32
    %dma_start3A_14 = arith.constant 0 : i32
    %dma_start3A_15 = tpu.memref_slice %arg6[%dma_start3A_13, %dma_start3A_14] : memref<10000x64xi32, #tpu.memory_space<vmem_shared>> -> memref<10000x64xi32, #tpu.memory_space<vmem_shared>>
    tpu.enqueue_indirect_dma source(%dma_start3A_15 : memref<10000x64xi32, #tpu.memory_space<vmem_shared>>) target(%arg11 : memref<80x64xi32, #tpu.memory_space<vmem>>) offsets(%dma_start3A_12 : memref<80xi32, #tpu.memory_space<vmem>>) semaphore(%arg12 : memref<!tpu.dma_semaphore, #tpu.memory_space<semaphore_mem>>)
    %dma_start3A_16 = arith.constant 1 : i32
    %dma_start3A_17 = arith.constant 0 : i32
    %dma_start3A_18 = tpu.memref_slice %arg7[%dma_start3A_16, %dma_start3A_17] : memref<125x80xi32, #tpu.memory_space<vmem>> -> memref<1x80xi32, #tpu.memory_space<vmem>>
    %dma_start3A_19 = tpu.memref_squeeze %dma_start3A_18 : memref<1x80xi32, #tpu.memory_space<vmem>> -> memref<80xi32, #tpu.memory_space<vmem>>
    %dma_start3A_20 = arith.constant 0 : i32
    %dma_start3A_21 = arith.constant 0 : i32
    %dma_start3A_22 = tpu.memref_slice %arg6[%dma_start3A_20, %dma_start3A_21] : memref<10000x64xi32, #tpu.memory_space<vmem_shared>> -> memref<10000x64xi32, #tpu.memory_space<vmem_shared>>
    tpu.enqueue_indirect_dma source(%dma_start3A_22 : memref<10000x64xi32, #tpu.memory_space<vmem_shared>>) target(%arg13 : memref<80x64xi32, #tpu.memory_space<vmem>>) offsets(%dma_start3A_19 : memref<80xi32, #tpu.memory_space<vmem>>) semaphore(%arg15 : memref<!tpu.dma_semaphore, #tpu.memory_space<semaphore_mem>>)
    %dma_start3A_23 = arith.constant 1 : i32
    %dma_start3A_24 = arith.constant 0 : i32
    %dma_start3A_25 = tpu.memref_slice %arg8[%dma_start3A_23, %dma_start3A_24] : memref<125x80xi32, #tpu.memory_space<vmem>> -> memref<1x80xi32, #tpu.memory_space<vmem>>
    %dma_start3A_26 = tpu.memref_squeeze %dma_start3A_25 : memref<1x80xi32, #tpu.memory_space<vmem>> -> memref<80xi32, #tpu.memory_space<vmem>>
    %dma_start3A_27 = arith.constant 0 : i32
    %dma_start3A_28 = arith.constant 0 : i32
    %dma_start3A_29 = tpu.memref_slice %arg6[%dma_start3A_27, %dma_start3A_28] : memref<10000x64xi32, #tpu.memory_space<vmem_shared>> -> memref<10000x64xi32, #tpu.memory_space<vmem_shared>>
    tpu.enqueue_indirect_dma source(%dma_start3A_29 : memref<10000x64xi32, #tpu.memory_space<vmem_shared>>) target(%arg14 : memref<80x64xi32, #tpu.memory_space<vmem>>) offsets(%dma_start3A_26 : memref<80xi32, #tpu.memory_space<vmem>>) semaphore(%arg15 : memref<!tpu.dma_semaphore, #tpu.memory_space<semaphore_mem>>)
    %scan3A = arith.constant 0 : i32
    %scan3A_30 = arith.constant 0 : i32
    %scan3A_31 = arith.constant 62 : i32
    %scan3A_32 = arith.addi %scan3A_30, %scan3A_31 : i32
    %scan3A_33 = arith.constant 1 : i32
    scf.for %scan3A_54 = %scan3A_30 to %scan3A_32 step %scan3A_33  : i32 {
      %mul3A_55 = arith.constant 2 : i32
      %mul3A_56 = arith.muli %scan3A_54, %mul3A_55 : i32
      %add3A_57 = arith.constant 0 : i32
      %add3A_58 = arith.addi %mul3A_56, %add3A_57 : i32
      %dma_wait3A_59 = arith.constant 0 : i32
      %dma_wait3A_60 = tpu.memref_slice %arg7[%add3A_58, %dma_wait3A_59] : memref<125x80xi32, #tpu.memory_space<vmem>> -> memref<1x80xi32, #tpu.memory_space<vmem>>
      %dma_wait3A_61 = tpu.memref_squeeze %dma_wait3A_60 : memref<1x80xi32, #tpu.memory_space<vmem>> -> memref<80xi32, #tpu.memory_space<vmem>>
      %dma_wait3A_62 = arith.constant 0 : i32
      %dma_wait3A_63 = arith.constant 0 : i32
      %dma_wait3A_64 = tpu.memref_slice %arg6[%dma_wait3A_62, %dma_wait3A_63] : memref<10000x64xi32, #tpu.memory_space<vmem_shared>> -> memref<10000x64xi32, #tpu.memory_space<vmem_shared>>
      tpu.wait_indirect_dma semaphore(%arg12 : memref<!tpu.dma_semaphore, #tpu.memory_space<semaphore_mem>>) src(%dma_wait3A_64 : memref<10000x64xi32, #tpu.memory_space<vmem_shared>>) dst(%arg10 : memref<80x64xi32, #tpu.memory_space<vmem>>)
      %dma_wait3A_65 = arith.constant 0 : i32
      %dma_wait3A_66 = tpu.memref_slice %arg8[%add3A_58, %dma_wait3A_65] : memref<125x80xi32, #tpu.memory_space<vmem>> -> memref<1x80xi32, #tpu.memory_space<vmem>>
      %dma_wait3A_67 = tpu.memref_squeeze %dma_wait3A_66 : memref<1x80xi32, #tpu.memory_space<vmem>> -> memref<80xi32, #tpu.memory_space<vmem>>
      %dma_wait3A_68 = arith.constant 0 : i32
      %dma_wait3A_69 = arith.constant 0 : i32
      %dma_wait3A_70 = tpu.memref_slice %arg6[%dma_wait3A_68, %dma_wait3A_69] : memref<10000x64xi32, #tpu.memory_space<vmem_shared>> -> memref<10000x64xi32, #tpu.memory_space<vmem_shared>>
      tpu.wait_indirect_dma semaphore(%arg12 : memref<!tpu.dma_semaphore, #tpu.memory_space<semaphore_mem>>) src(%dma_wait3A_70 : memref<10000x64xi32, #tpu.memory_space<vmem_shared>>) dst(%arg11 : memref<80x64xi32, #tpu.memory_space<vmem>>)
      %scan3A_71 = arith.constant 0 : i32
      %scan3A_72 = arith.constant 0 : i32
      %scan3A_73 = arith.constant 5 : i32
      %scan3A_74 = arith.addi %scan3A_72, %scan3A_73 : i32
      %scan3A_75 = arith.constant 1 : i32
      scf.for %scan3A_110 = %scan3A_72 to %scan3A_74 step %scan3A_75  : i32 {
        %mul3A_111 = arith.constant 16 : i32
        %mul3A_112 = arith.muli %scan3A_110, %mul3A_111 : i32
        %multiple_of3A = tpu.assume_multiple %mul3A_112, 16 : i32
        %broadcast_in_dim3A = arith.constant 0.000000e+00 : f32
        %broadcast_in_dim3A_113 = vector.broadcast %broadcast_in_dim3A : f32 to vector<16xf32>
        %eq3A_114 = arith.constant 0 : i32
        %eq3A_115 = vector.broadcast %eq3A_114 : i32 to vector<16xi32>
        %eq3A_116 = arith.cmpi eq, %iota3A, %eq3A_115 : vector<16xi32>
        %add3A_117 = arith.constant 0 : i32
        %add3A_118 = arith.addi %multiple_of3A, %add3A_117 : i32
        %get3A = arith.index_cast %add3A_118 : i32 to index
        %get3A_119 = arith.constant 0 : index
        %get3A_120 = tpu.vector_load %arg10[%get3A, %get3A_119] {strides = array<i32>} : memref<80x64xi32, #tpu.memory_space<vmem>>, vector<16xi32>,
        %bitcast3A = vector.bitcast %get3A_120 : vector<16xi32> to vector<32xbf16>
        %get3A_121 = arith.index_cast %add3A_118 : i32 to index
        %get3A_122 = arith.constant 0 : index
        %get3A_123 = tpu.vector_load %arg11[%get3A_121, %get3A_122] {strides = array<i32>} : memref<80x64xi32, #tpu.memory_space<vmem>>, vector<16xi32>,
        %bitcast3A_124 = vector.bitcast %get3A_123 : vector<16xi32> to vector<32xbf16>
        %mul3A_125 = arith.mulf %bitcast3A, %bitcast3A_124 : vector<32xbf16>
        %unpack3A = tpu.unpack_subelements %mul3A_125, 0 {pack_format = #tpu.pack_format<interleaved>} : vector<32xbf16> -> vector<16xf32>
        %unpack3A_126 = tpu.unpack_subelements %mul3A_125, 1 {pack_format = #tpu.pack_format<interleaved>} : vector<32xbf16> -> vector<16xf32>
        %get3A_127 = arith.index_cast %add3A_118 : i32 to index
        %get3A_128 = arith.constant 16 : index
        %get3A_129 = tpu.vector_load %arg10[%get3A_127, %get3A_128] {strides = array<i32>} : memref<80x64xi32, #tpu.memory_space<vmem>>, vector<16xi32>,
        %bitcast3A_130 = vector.bitcast %get3A_129 : vector<16xi32> to vector<32xbf16>
        %get3A_131 = arith.index_cast %add3A_118 : i32 to index
        %get3A_132 = arith.constant 16 : index
        %get3A_133 = tpu.vector_load %arg11[%get3A_131, %get3A_132] {strides = array<i32>} : memref<80x64xi32, #tpu.memory_space<vmem>>, vector<16xi32>,
        %bitcast3A_134 = vector.bitcast %get3A_133 : vector<16xi32> to vector<32xbf16>
        %mul3A_135 = arith.mulf %bitcast3A_130, %bitcast3A_134 : vector<32xbf16>
        %unpack3A_136 = tpu.unpack_subelements %mul3A_135, 0 {pack_format = #tpu.pack_format<interleaved>} : vector<32xbf16> -> vector<16xf32>
        %unpack3A_137 = tpu.unpack_subelements %mul3A_135, 1 {pack_format = #tpu.pack_format<interleaved>} : vector<32xbf16> -> vector<16xf32>
        %add3A_138 = arith.addf %unpack3A, %unpack3A_136 : vector<16xf32>
        %add3A_139 = arith.addf %unpack3A_126, %unpack3A_137 : vector<16xf32>
        %get3A_140 = arith.index_cast %add3A_118 : i32 to index
        %get3A_141 = arith.constant 32 : index
        %get3A_142 = tpu.vector_load %arg10[%get3A_140, %get3A_141] {strides = array<i32>} : memref<80x64xi32, #tpu.memory_space<vmem>>, vector<16xi32>,
        %bitcast3A_143 = vector.bitcast %get3A_142 : vector<16xi32> to vector<32xbf16>
        %get3A_144 = arith.index_cast %add3A_118 : i32 to index
        %get3A_145 = arith.constant 32 : index
        %get3A_146 = tpu.vector_load %arg11[%get3A_144, %get3A_145] {strides = array<i32>} : memref<80x64xi32, #tpu.memory_space<vmem>>, vector<16xi32>,
        %bitcast3A_147 = vector.bitcast %get3A_146 : vector<16xi32> to vector<32xbf16>
        %mul3A_148 = arith.mulf %bitcast3A_143, %bitcast3A_147 : vector<32xbf16>
        %unpack3A_149 = tpu.unpack_subelements %mul3A_148, 0 {pack_format = #tpu.pack_format<interleaved>} : vector<32xbf16> -> vector<16xf32>
        %unpack3A_150 = tpu.unpack_subelements %mul3A_148, 1 {pack_format = #tpu.pack_format<interleaved>} : vector<32xbf16> -> vector<16xf32>
        %add3A_151 = arith.addf %add3A_138, %unpack3A_149 : vector<16xf32>
        %add3A_152 = arith.addf %add3A_139, %unpack3A_150 : vector<16xf32>
        %get3A_153 = arith.index_cast %add3A_118 : i32 to index
        %get3A_154 = arith.constant 48 : index
        %get3A_155 = tpu.vector_load %arg10[%get3A_153, %get3A_154] {strides = array<i32>} : memref<80x64xi32, #tpu.memory_space<vmem>>, vector<16xi32>,
        %bitcast3A_156 = vector.bitcast %get3A_155 : vector<16xi32> to vector<32xbf16>
        %get3A_157 = arith.index_cast %add3A_118 : i32 to index
        %get3A_158 = arith.constant 48 : index
        %get3A_159 = tpu.vector_load %arg11[%get3A_157, %get3A_158] {strides = array<i32>} : memref<80x64xi32, #tpu.memory_space<vmem>>, vector<16xi32>,
        %bitcast3A_160 = vector.bitcast %get3A_159 : vector<16xi32> to vector<32xbf16>
        %mul3A_161 = arith.mulf %bitcast3A_156, %bitcast3A_160 : vector<32xbf16>
        %unpack3A_162 = tpu.unpack_subelements %mul3A_161, 0 {pack_format = #tpu.pack_format<interleaved>} : vector<32xbf16> -> vector<16xf32>
        %unpack3A_163 = tpu.unpack_subelements %mul3A_161, 1 {pack_format = #tpu.pack_format<interleaved>} : vector<32xbf16> -> vector<16xf32>
        %add3A_164 = arith.addf %add3A_151, %unpack3A_162 : vector<16xf32>
        %add3A_165 = arith.addf %add3A_152, %unpack3A_163 : vector<16xf32>
        %add3A_166 = arith.addf %add3A_164, %add3A_165 : vector<16xf32>
        %reduce_sum3A = arith.constant true
        %reduce_sum3A_167 = vector.broadcast %reduce_sum3A : i1 to vector<16xi1>
        %reduce_sum3A_168 = tpu.scan <sum>, %add3A_166 masked %reduce_sum3A_167 : vector<16xf32>, vector<16xi1> -> vector<16xf32>
        %reduce_sum3A_169 = vector.extract %reduce_sum3A_168[15] : f32 from vector<16xf32>
        %broadcast_in_dim3A_170 = vector.broadcast %reduce_sum3A_169 : f32 to vector<16xf32>
        %select_n3A = arith.select %eq3A_116, %broadcast_in_dim3A_170, %broadcast_in_dim3A_113 : vector<16xi1>, vector<16xf32>
        %eq3A_171 = arith.constant 1 : i32
        %eq3A_172 = vector.broadcast %eq3A_171 : i32 to vector<16xi32>
        %eq3A_173 = arith.cmpi eq, %iota3A, %eq3A_172 : vector<16xi32>
        %add3A_174 = arith.constant 1 : i32
        %add3A_175 = arith.addi %multiple_of3A, %add3A_174 : i32
        %get3A_176 = arith.index_cast %add3A_175 : i32 to index
        %get3A_177 = arith.constant 0 : index
        %get3A_178 = tpu.vector_load %arg10[%get3A_176, %get3A_177] {strides = array<i32>} : memref<80x64xi32, #tpu.memory_space<vmem>>, vector<16xi32>,
        %bitcast3A_179 = vector.bitcast %get3A_178 : vector<16xi32> to vector<32xbf16>
        %get3A_180 = arith.index_cast %add3A_175 : i32 to index
        %get3A_181 = arith.constant 0 : index
        %get3A_182 = tpu.vector_load %arg11[%get3A_180, %get3A_181] {strides = array<i32>} : memref<80x64xi32, #tpu.memory_space<vmem>>, vector<16xi32>,
        %bitcast3A_183 = vector.bitcast %get3A_182 : vector<16xi32> to vector<32xbf16>
        %mul3A_184 = arith.mulf %bitcast3A_179, %bitcast3A_183 : vector<32xbf16>
        %unpack3A_185 = tpu.unpack_subelements %mul3A_184, 0 {pack_format = #tpu.pack_format<interleaved>} : vector<32xbf16> -> vector<16xf32>
        %unpack3A_186 = tpu.unpack_subelements %mul3A_184, 1 {pack_format = #tpu.pack_format<interleaved>} : vector<32xbf16> -> vector<16xf32>
        %get3A_187 = arith.index_cast %add3A_175 : i32 to index
        %get3A_188 = arith.constant 16 : index
        %get3A_189 = tpu.vector_load %arg10[%get3A_187, %get3A_188] {strides = array<i32>} : memref<80x64xi32, #tpu.memory_space<vmem>>, vector<16xi32>,
        %bitcast3A_190 = vector.bitcast %get3A_189 : vector<16xi32> to vector<32xbf16>
        %get3A_191 = arith.index_cast %add3A_175 : i32 to index
        %get3A_192 = arith.constant 16 : index
        %get3A_193 = tpu.vector_load %arg11[%get3A_191, %get3A_192] {strides = array<i32>} : memref<80x64xi32, #tpu.memory_space<vmem>>, vector<16xi32>,
        %bitcast3A_194 = vector.bitcast %get3A_193 : vector<16xi32> to vector<32xbf16>
        %mul3A_195 = arith.mulf %bitcast3A_190, %bitcast3A_194 : vector<32xbf16>
        %unpack3A_196 = tpu.unpack_subelements %mul3A_195, 0 {pack_format = #tpu.pack_format<interleaved>} : vector<32xbf16> -> vector<16xf32>
        %unpack3A_197 = tpu.unpack_subelements %mul3A_195, 1 {pack_format = #tpu.pack_format<interleaved>} : vector<32xbf16> -> vector<16xf32>
        %add3A_198 = arith.addf %unpack3A_185, %unpack3A_196 : vector<16xf32>
        %add3A_199 = arith.addf %unpack3A_186, %unpack3A_197 : vector<16xf32>
        %get3A_200 = arith.index_cast %add3A_175 : i32 to index
        %get3A_201 = arith.constant 32 : index
        %get3A_202 = tpu.vector_load %arg10[%get3A_200, %get3A_201] {strides = array<i32>} : memref<80x64xi32, #tpu.memory_space<vmem>>, vector<16xi32>,
        %bitcast3A_203 = vector.bitcast %get3A_202 : vector<16xi32> to vector<32xbf16>
        %get3A_204 = arith.index_cast %add3A_175 : i32 to index
        %get3A_205 = arith.constant 32 : index
        %get3A_206 = tpu.vector_load %arg11[%get3A_204, %get3A_205] {strides = array<i32>} : memref<80x64xi32, #tpu.memory_space<vmem>>, vector<16xi32>,
        %bitcast3A_207 = vector.bitcast %get3A_206 : vector<16xi32> to vector<32xbf16>
        %mul3A_208 = arith.mulf %bitcast3A_203, %bitcast3A_207 : vector<32xbf16>
        %unpack3A_209 = tpu.unpack_subelements %mul3A_208, 0 {pack_format = #tpu.pack_format<interleaved>} : vector<32xbf16> -> vector<16xf32>
        %unpack3A_210 = tpu.unpack_subelements %mul3A_208, 1 {pack_format = #tpu.pack_format<interleaved>} : vector<32xbf16> -> vector<16xf32>
        %add3A_211 = arith.addf %add3A_198, %unpack3A_209 : vector<16xf32>
        %add3A_212 = arith.addf %add3A_199, %unpack3A_210 : vector<16xf32>
        %get3A_213 = arith.index_cast %add3A_175 : i32 to index
        %get3A_214 = arith.constant 48 : index
        %get3A_215 = tpu.vector_load %arg10[%get3A_213, %get3A_214] {strides = array<i32>} : memref<80x64xi32, #tpu.memory_space<vmem>>, vector<16xi32>,
        %bitcast3A_216 = vector.bitcast %get3A_215 : vector<16xi32> to vector<32xbf16>
        %get3A_217 = arith.index_cast %add3A_175 : i32 to index
        %get3A_218 = arith.constant 48 : index
        %get3A_219 = tpu.vector_load %arg11[%get3A_217, %get3A_218] {strides = array<i32>} : memref<80x64xi32, #tpu.memory_space<vmem>>, vector<16xi32>,
        %bitcast3A_220 = vector.bitcast %get3A_219 : vector<16xi32> to vector<32xbf16>
        %mul3A_221 = arith.mulf %bitcast3A_216, %bitcast3A_220 : vector<32xbf16>
        %unpack3A_222 = tpu.unpack_subelements %mul3A_221, 0 {pack_format = #tpu.pack_format<interleaved>} : vector<32xbf16> -> vector<16xf32>
        %unpack3A_223 = tpu.unpack_subelements %mul3A_221, 1 {pack_format = #tpu.pack_format<interleaved>} : vector<32xbf16> -> vector<16xf32>
        %add3A_224 = arith.addf %add3A_211, %unpack3A_222 : vector<16xf32>
        %add3A_225 = arith.addf %add3A_212, %unpack3A_223 : vector<16xf32>
        %add3A_226 = arith.addf %add3A_224, %add3A_225 : vector<16xf32>
        %reduce_sum3A_227 = arith.constant true
        %reduce_sum3A_228 = vector.broadcast %reduce_sum3A_227 : i1 to vector<16xi1>
        %reduce_sum3A_229 = tpu.scan <sum>, %add3A_226 masked %reduce_sum3A_228 : vector<16xf32>, vector<16xi1> -> vector<16xf32>
        %reduce_sum3A_230 = vector.extract %reduce_sum3A_229[15] : f32 from vector<16xf32>
        %broadcast_in_dim3A_231 = vector.broadcast %reduce_sum3A_230 : f32 to vector<16xf32>
        %select_n3A_232 = arith.select %eq3A_173, %broadcast_in_dim3A_231, %select_n3A : vector<16xi1>, vector<16xf32>
        %eq3A_233 = arith.constant 2 : i32
        %eq3A_234 = vector.broadcast %eq3A_233 : i32 to vector<16xi32>
        %eq3A_235 = arith.cmpi eq, %iota3A, %eq3A_234 : vector<16xi32>
        %add3A_236 = arith.constant 2 : i32
        %add3A_237 = arith.addi %multiple_of3A, %add3A_236 : i32
        %get3A_238 = arith.index_cast %add3A_237 : i32 to index
        %get3A_239 = arith.constant 0 : index
        %get3A_240 = tpu.vector_load %arg10[%get3A_238, %get3A_239] {strides = array<i32>} : memref<80x64xi32, #tpu.memory_space<vmem>>, vector<16xi32>,
        %bitcast3A_241 = vector.bitcast %get3A_240 : vector<16xi32> to vector<32xbf16>
        %get3A_242 = arith.index_cast %add3A_237 : i32 to index
        %get3A_243 = arith.constant 0 : index
        %get3A_244 = tpu.vector_load %arg11[%get3A_242, %get3A_243] {strides = array<i32>} : memref<80x64xi32, #tpu.memory_space<vmem>>, vector<16xi32>,
        %bitcast3A_245 = vector.bitcast %get3A_244 : vector<16xi32> to vector<32xbf16>
        %mul3A_246 = arith.mulf %bitcast3A_241, %bitcast3A_245 : vector<32xbf16>
        %unpack3A_247 = tpu.unpack_subelements %mul3A_246, 0 {pack_format = #tpu.pack_format<interleaved>} : vector<32xbf16> -> vector<16xf32>
        %unpack3A_248 = tpu.unpack_subelements %mul3A_246, 1 {pack_format = #tpu.pack_format<interleaved>} : vector<32xbf16> -> vector<16xf32>
        %get3A_249 = arith.index_cast %add3A_237 : i32 to index
        %get3A_250 = arith.constant 16 : index
        %get3A_251 = tpu.vector_load %arg10[%get3A_249, %get3A_250] {strides = array<i32>} : memref<80x64xi32, #tpu.memory_space<vmem>>, vector<16xi32>,
        %bitcast3A_252 = vector.bitcast %get3A_251 : vector<16xi32> to vector<32xbf16>
        %get3A_253 = arith.index_cast %add3A_237 : i32 to index
        %get3A_254 = arith.constant 16 : index
        %get3A_255 = tpu.vector_load %arg11[%get3A_253, %get3A_254] {strides = array<i32>} : memref<80x64xi32, #tpu.memory_space<vmem>>, vector<16xi32>,
        %bitcast3A_256 = vector.bitcast %get3A_255 : vector<16xi32> to vector<32xbf16>
        %mul3A_257 = arith.mulf %bitcast3A_252, %bitcast3A_256 : vector<32xbf16>
        %unpack3A_258 = tpu.unpack_subelements %mul3A_257, 0 {pack_format = #tpu.pack_format<interleaved>} : vector<32xbf16> -> vector<16xf32>
        %unpack3A_259 = tpu.unpack_subelements %mul3A_257, 1 {pack_format = #tpu.pack_format<interleaved>} : vector<32xbf16> -> vector<16xf32>
        %add3A_260 = arith.addf %unpack3A_247, %unpack3A_258 : vector<16xf32>
        %add3A_261 = arith.addf %unpack3A_248, %unpack3A_259 : vector<16xf32>
        %get3A_262 = arith.index_cast %add3A_237 : i32 to index
        %get3A_263 = arith.constant 32 : index
        %get3A_264 = tpu.vector_load %arg10[%get3A_262, %get3A_263] {strides = array<i32>} : memref<80x64xi32, #tpu.memory_space<vmem>>, vector<16xi32>,
        %bitcast3A_265 = vector.bitcast %get3A_264 : vector<16xi32> to vector<32xbf16>
        %get3A_266 = arith.index_cast %add3A_237 : i32 to index
        %get3A_267 = arith.constant 32 : index
        %get3A_268 = tpu.vector_load %arg11[%get3A_266, %get3A_267] {strides = array<i32>} : memref<80x64xi32, #tpu.memory_space<vmem>>, vector<16xi32>,
        %bitcast3A_269 = vector.bitcast %get3A_268 : vector<16xi32> to vector<32xbf16>
        %mul3A_270 = arith.mulf %bitcast3A_265, %bitcast3A_269 : vector<32xbf16>
        %unpack3A_271 = tpu.unpack_subelements %mul3A_270, 0 {pack_format = #tpu.pack_format<interleaved>} : vector<32xbf16> -> vector<16xf32>
        %unpack3A_272 = tpu.unpack_subelements %mul3A_270, 1 {pack_format = #tpu.pack_format<interleaved>} : vector<32xbf16> -> vector<16xf32>
        %add3A_273 = arith.addf %add3A_260, %unpack3A_271 : vector<16xf32>
        %add3A_274 = arith.addf %add3A_261, %unpack3A_272 : vector<16xf32>
        %get3A_275 = arith.index_cast %add3A_237 : i32 to index
        %get3A_276 = arith.constant 48 : index
        %get3A_277 = tpu.vector_load %arg10[%get3A_275, %get3A_276] {strides = array<i32>} : memref<80x64xi32, #tpu.memory_space<vmem>>, vector<16xi32>,
        %bitcast3A_278 = vector.bitcast %get3A_277 : vector<16xi32> to vector<32xbf16>
        %get3A_279 = arith.index_cast %add3A_237 : i32 to index
        %get3A_280 = arith.constant 48 : index
        %get3A_281 = tpu.vector_load %arg11[%get3A_279, %get3A_280] {strides = array<i32>} : memref<80x64xi32, #tpu.memory_space<vmem>>, vector<16xi32>,
        %bitcast3A_282 = vector.bitcast %get3A_281 : vector<16xi32> to vector<32xbf16>
        %mul3A_283 = arith.mulf %bitcast3A_278, %bitcast3A_282 : vector<32xbf16>
        %unpack3A_284 = tpu.unpack_subelements %mul3A_283, 0 {pack_format = #tpu.pack_format<interleaved>} : vector<32xbf16> -> vector<16xf32>
        %unpack3A_285 = tpu.unpack_subelements %mul3A_283, 1 {pack_format = #tpu.pack_format<interleaved>} : vector<32xbf16> -> vector<16xf32>
        %add3A_286 = arith.addf %add3A_273, %unpack3A_284 : vector<16xf32>
        %add3A_287 = arith.addf %add3A_274, %unpack3A_285 : vector<16xf32>
        %add3A_288 = arith.addf %add3A_286, %add3A_287 : vector<16xf32>
        %reduce_sum3A_289 = arith.constant true
        %reduce_sum3A_290 = vector.broadcast %reduce_sum3A_289 : i1 to vector<16xi1>
        %reduce_sum3A_291 = tpu.scan <sum>, %add3A_288 masked %reduce_sum3A_290 : vector<16xf32>, vector<16xi1> -> vector<16xf32>
        %reduce_sum3A_292 = vector.extract %reduce_sum3A_291[15] : f32 from vector<16xf32>
        %broadcast_in_dim3A_293 = vector.broadcast %reduce_sum3A_292 : f32 to vector<16xf32>
        %select_n3A_294 = arith.select %eq3A_235, %broadcast_in_dim3A_293, %select_n3A_232 : vector<16xi1>, vector<16xf32>
        %eq3A_295 = arith.constant 3 : i32
        %eq3A_296 = vector.broadcast %eq3A_295 : i32 to vector<16xi32>
        %eq3A_297 = arith.cmpi eq, %iota3A, %eq3A_296 : vector<16xi32>
        %add3A_298 = arith.constant 3 : i32
        %add3A_299 = arith.addi %multiple_of3A, %add3A_298 : i32
        %get3A_300 = arith.index_cast %add3A_299 : i32 to index
        %get3A_301 = arith.constant 0 : index
        %get3A_302 = tpu.vector_load %arg10[%get3A_300, %get3A_301] {strides = array<i32>} : memref<80x64xi32, #tpu.memory_space<vmem>>, vector<16xi32>,
        %bitcast3A_303 = vector.bitcast %get3A_302 : vector<16xi32> to vector<32xbf16>
        %get3A_304 = arith.index_cast %add3A_299 : i32 to index
        %get3A_305 = arith.constant 0 : index
        %get3A_306 = tpu.vector_load %arg11[%get3A_304, %get3A_305] {strides = array<i32>} : memref<80x64xi32, #tpu.memory_space<vmem>>, vector<16xi32>,
        %bitcast3A_307 = vector.bitcast %get3A_306 : vector<16xi32> to vector<32xbf16>
        %mul3A_308 = arith.mulf %bitcast3A_303, %bitcast3A_307 : vector<32xbf16>
        %unpack3A_309 = tpu.unpack_subelements %mul3A_308, 0 {pack_format = #tpu.pack_format<interleaved>} : vector<32xbf16> -> vector<16xf32>
        %unpack3A_310 = tpu.unpack_subelements %mul3A_308, 1 {pack_format = #tpu.pack_format<interleaved>} : vector<32xbf16> -> vector<16xf32>
        %get3A_311 = arith.index_cast %add3A_299 : i32 to index
        %get3A_312 = arith.constant 16 : index
        %get3A_313 = tpu.vector_load %arg10[%get3A_311, %get3A_312] {strides = array<i32>} : memref<80x64xi32, #tpu.memory_space<vmem>>, vector<16xi32>,
        %bitcast3A_314 = vector.bitcast %get3A_313 : vector<16xi32> to vector<32xbf16>
        %get3A_315 = arith.index_cast %add3A_299 : i32 to index
        %get3A_316 = arith.constant 16 : index
        %get3A_317 = tpu.vector_load %arg11[%get3A_315, %get3A_316] {strides = array<i32>} : memref<80x64xi32, #tpu.memory_space<vmem>>, vector<16xi32>,
        %bitcast3A_318 = vector.bitcast %get3A_317 : vector<16xi32> to vector<32xbf16>
        %mul3A_319 = arith.mulf %bitcast3A_314, %bitcast3A_318 : vector<32xbf16>
        %unpack3A_320 = tpu.unpack_subelements %mul3A_319, 0 {pack_format = #tpu.pack_format<interleaved>} : vector<32xbf16> -> vector<16xf32>
        %unpack3A_321 = tpu.unpack_subelements %mul3A_319, 1 {pack_format = #tpu.pack_format<interleaved>} : vector<32xbf16> -> vector<16xf32>
        %add3A_322 = arith.addf %unpack3A_309, %unpack3A_320 : vector<16xf32>
        %add3A_323 = arith.addf %unpack3A_310, %unpack3A_321 : vector<16xf32>
        %get3A_324 = arith.index_cast %add3A_299 : i32 to index
        %get3A_325 = arith.constant 32 : index
        %get3A_326 = tpu.vector_load %arg10[%get3A_324, %get3A_325] {strides = array<i32>} : memref<80x64xi32, #tpu.memory_space<vmem>>, vector<16xi32>,
        %bitcast3A_327 = vector.bitcast %get3A_326 : vector<16xi32> to vector<32xbf16>
        %get3A_328 = arith.index_cast %add3A_299 : i32 to index
        %get3A_329 = arith.constant 32 : index
        %get3A_330 = tpu.vector_load %arg11[%get3A_328, %get3A_329] {strides = array<i32>} : memref<80x64xi32, #tpu.memory_space<vmem>>, vector<16xi32>,
        %bitcast3A_331 = vector.bitcast %get3A_330 : vector<16xi32> to vector<32xbf16>
        %mul3A_332 = arith.mulf %bitcast3A_327, %bitcast3A_331 : vector<32xbf16>
        %unpack3A_333 = tpu.unpack_subelements %mul3A_332, 0 {pack_format = #tpu.pack_format<interleaved>} : vector<32xbf16> -> vector<16xf32>
        %unpack3A_334 = tpu.unpack_subelements %mul3A_332, 1 {pack_format = #tpu.pack_format<interleaved>} : vector<32xbf16> -> vector<16xf32>
        %add3A_335 = arith.addf %add3A_322, %unpack3A_333 : vector<16xf32>
        %add3A_336 = arith.addf %add3A_323, %unpack3A_334 : vector<16xf32>
        %get3A_337 = arith.index_cast %add3A_299 : i32 to index
        %get3A_338 = arith.constant 48 : index
        %get3A_339 = tpu.vector_load %arg10[%get3A_337, %get3A_338] {strides = array<i32>} : memref<80x64xi32, #tpu.memory_space<vmem>>, vector<16xi32>,
        %bitcast3A_340 = vector.bitcast %get3A_339 : vector<16xi32> to vector<32xbf16>
        %get3A_341 = arith.index_cast %add3A_299 : i32 to index
        %get3A_342 = arith.constant 48 : index
        %get3A_343 = tpu.vector_load %arg11[%get3A_341, %get3A_342] {strides = array<i32>} : memref<80x64xi32, #tpu.memory_space<vmem>>, vector<16xi32>,
        %bitcast3A_344 = vector.bitcast %get3A_343 : vector<16xi32> to vector<32xbf16>
        %mul3A_345 = arith.mulf %bitcast3A_340, %bitcast3A_344 : vector<32xbf16>
        %unpack3A_346 = tpu.unpack_subelements %mul3A_345, 0 {pack_format = #tpu.pack_format<interleaved>} : vector<32xbf16> -> vector<16xf32>
        %unpack3A_347 = tpu.unpack_subelements %mul3A_345, 1 {pack_format = #tpu.pack_format<interleaved>} : vector<32xbf16> -> vector<16xf32>
        %add3A_348 = arith.addf %add3A_335, %unpack3A_346 : vector<16xf32>
        %add3A_349 = arith.addf %add3A_336, %unpack3A_347 : vector<16xf32>
        %add3A_350 = arith.addf %add3A_348, %add3A_349 : vector<16xf32>
        %reduce_sum3A_351 = arith.constant true
        %reduce_sum3A_352 = vector.broadcast %reduce_sum3A_351 : i1 to vector<16xi1>
        %reduce_sum3A_353 = tpu.scan <sum>, %add3A_350 masked %reduce_sum3A_352 : vector<16xf32>, vector<16xi1> -> vector<16xf32>
        %reduce_sum3A_354 = vector.extract %reduce_sum3A_353[15] : f32 from vector<16xf32>
        %broadcast_in_dim3A_355 = vector.broadcast %reduce_sum3A_354 : f32 to vector<16xf32>
        %select_n3A_356 = arith.select %eq3A_297, %broadcast_in_dim3A_355, %select_n3A_294 : vector<16xi1>, vector<16xf32>
        %eq3A_357 = arith.constant 4 : i32
        %eq3A_358 = vector.broadcast %eq3A_357 : i32 to vector<16xi32>
        %eq3A_359 = arith.cmpi eq, %iota3A, %eq3A_358 : vector<16xi32>
        %add3A_360 = arith.constant 4 : i32
        %add3A_361 = arith.addi %multiple_of3A, %add3A_360 : i32
        %get3A_362 = arith.index_cast %add3A_361 : i32 to index
        %get3A_363 = arith.constant 0 : index
        %get3A_364 = tpu.vector_load %arg10[%get3A_362, %get3A_363] {strides = array<i32>} : memref<80x64xi32, #tpu.memory_space<vmem>>, vector<16xi32>,
        %bitcast3A_365 = vector.bitcast %get3A_364 : vector<16xi32> to vector<32xbf16>
        %get3A_366 = arith.index_cast %add3A_361 : i32 to index
        %get3A_367 = arith.constant 0 : index
        %get3A_368 = tpu.vector_load %arg11[%get3A_366, %get3A_367] {strides = array<i32>} : memref<80x64xi32, #tpu.memory_space<vmem>>, vector<16xi32>,
        %bitcast3A_369 = vector.bitcast %get3A_368 : vector<16xi32> to vector<32xbf16>
        %mul3A_370 = arith.mulf %bitcast3A_365, %bitcast3A_369 : vector<32xbf16>
        %unpack3A_371 = tpu.unpack_subelements %mul3A_370, 0 {pack_format = #tpu.pack_format<interleaved>} : vector<32xbf16> -> vector<16xf32>
        %unpack3A_372 = tpu.unpack_subelements %mul3A_370, 1 {pack_format = #tpu.pack_format<interleaved>} : vector<32xbf16> -> vector<16xf32>
        %get3A_373 = arith.index_cast %add3A_361 : i32 to index
        %get3A_374 = arith.constant 16 : index
        %get3A_375 = tpu.vector_load %arg10[%get3A_373, %get3A_374] {strides = array<i32>} : memref<80x64xi32, #tpu.memory_space<vmem>>, vector<16xi32>,
        %bitcast3A_376 = vector.bitcast %get3A_375 : vector<16xi32> to vector<32xbf16>
        %get3A_377 = arith.index_cast %add3A_361 : i32 to index
        %get3A_378 = arith.constant 16 : index
        %get3A_379 = tpu.vector_load %arg11[%get3A_377, %get3A_378] {strides = array<i32>} : memref<80x64xi32, #tpu.memory_space<vmem>>, vector<16xi32>,
        %bitcast3A_380 = vector.bitcast %get3A_379 : vector<16xi32> to vector<32xbf16>
        %mul3A_381 = arith.mulf %bitcast3A_376, %bitcast3A_380 : vector<32xbf16>
        %unpack3A_382 = tpu.unpack_subelements %mul3A_381, 0 {pack_format = #tpu.pack_format<interleaved>} : vector<32xbf16> -> vector<16xf32>
        %unpack3A_383 = tpu.unpack_subelements %mul3A_381, 1 {pack_format = #tpu.pack_format<interleaved>} : vector<32xbf16> -> vector<16xf32>
        %add3A_384 = arith.addf %unpack3A_371, %unpack3A_382 : vector<16xf32>
        %add3A_385 = arith.addf %unpack3A_372, %unpack3A_383 : vector<16xf32>
        %get3A_386 = arith.index_cast %add3A_361 : i32 to index
        %get3A_387 = arith.constant 32 : index
        %get3A_388 = tpu.vector_load %arg10[%get3A_386, %get3A_387] {strides = array<i32>} : memref<80x64xi32, #tpu.memory_space<vmem>>, vector<16xi32>,
        %bitcast3A_389 = vector.bitcast %get3A_388 : vector<16xi32> to vector<32xbf16>
        %get3A_390 = arith.index_cast %add3A_361 : i32 to index
        %get3A_391 = arith.constant 32 : index
        %get3A_392 = tpu.vector_load %arg11[%get3A_390, %get3A_391] {strides = array<i32>} : memref<80x64xi32, #tpu.memory_space<vmem>>, vector<16xi32>,
        %bitcast3A_393 = vector.bitcast %get3A_392 : vector<16xi32> to vector<32xbf16>
        %mul3A_394 = arith.mulf %bitcast3A_389, %bitcast3A_393 : vector<32xbf16>
        %unpack3A_395 = tpu.unpack_subelements %mul3A_394, 0 {pack_format = #tpu.pack_format<interleaved>} : vector<32xbf16> -> vector<16xf32>
        %unpack3A_396 = tpu.unpack_subelements %mul3A_394, 1 {pack_format = #tpu.pack_format<interleaved>} : vector<32xbf16> -> vector<16xf32>
        %add3A_397 = arith.addf %add3A_384, %unpack3A_395 : vector<16xf32>
        %add3A_398 = arith.addf %add3A_385, %unpack3A_396 : vector<16xf32>
        %get3A_399 = arith.index_cast %add3A_361 : i32 to index
        %get3A_400 = arith.constant 48 : index
        %get3A_401 = tpu.vector_load %arg10[%get3A_399, %get3A_400] {strides = array<i32>} : memref<80x64xi32, #tpu.memory_space<vmem>>, vector<16xi32>,
        %bitcast3A_402 = vector.bitcast %get3A_401 : vector<16xi32> to vector<32xbf16>
        %get3A_403 = arith.index_cast %add3A_361 : i32 to index
        %get3A_404 = arith.constant 48 : index
        %get3A_405 = tpu.vector_load %arg11[%get3A_403, %get3A_404] {strides = array<i32>} : memref<80x64xi32, #tpu.memory_space<vmem>>, vector<16xi32>,
        %bitcast3A_406 = vector.bitcast %get3A_405 : vector<16xi32> to vector<32xbf16>
        %mul3A_407 = arith.mulf %bitcast3A_402, %bitcast3A_406 : vector<32xbf16>
        %unpack3A_408 = tpu.unpack_subelements %mul3A_407, 0 {pack_format = #tpu.pack_format<interleaved>} : vector<32xbf16> -> vector<16xf32>
        %unpack3A_409 = tpu.unpack_subelements %mul3A_407, 1 {pack_format = #tpu.pack_format<interleaved>} : vector<32xbf16> -> vector<16xf32>
        %add3A_410 = arith.addf %add3A_397, %unpack3A_408 : vector<16xf32>
        %add3A_411 = arith.addf %add3A_398, %unpack3A_409 : vector<16xf32>
        %add3A_412 = arith.addf %add3A_410, %add3A_411 : vector<16xf32>
        %reduce_sum3A_413 = arith.constant true
        %reduce_sum3A_414 = vector.broadcast %reduce_sum3A_413 : i1 to vector<16xi1>
        %reduce_sum3A_415 = tpu.scan <sum>, %add3A_412 masked %reduce_sum3A_414 : vector<16xf32>, vector<16xi1> -> vector<16xf32>
        %reduce_sum3A_416 = vector.extract %reduce_sum3A_415[15] : f32 from vector<16xf32>
        %broadcast_in_dim3A_417 = vector.broadcast %reduce_sum3A_416 : f32 to vector<16xf32>
        %select_n3A_418 = arith.select %eq3A_359, %broadcast_in_dim3A_417, %select_n3A_356 : vector<16xi1>, vector<16xf32>
        %eq3A_419 = arith.constant 5 : i32
        %eq3A_420 = vector.broadcast %eq3A_419 : i32 to vector<16xi32>
        %eq3A_421 = arith.cmpi eq, %iota3A, %eq3A_420 : vector<16xi32>
        %add3A_422 = arith.constant 5 : i32
        %add3A_423 = arith.addi %multiple_of3A, %add3A_422 : i32
        %get3A_424 = arith.index_cast %add3A_423 : i32 to index
        %get3A_425 = arith.constant 0 : index
        %get3A_426 = tpu.vector_load %arg10[%get3A_424, %get3A_425] {strides = array<i32>} : memref<80x64xi32, #tpu.memory_space<vmem>>, vector<16xi32>,
        %bitcast3A_427 = vector.bitcast %get3A_426 : vector<16xi32> to vector<32xbf16>
        %get3A_428 = arith.index_cast %add3A_423 : i32 to index
        %get3A_429 = arith.constant 0 : index
        %get3A_430 = tpu.vector_load %arg11[%get3A_428, %get3A_429] {strides = array<i32>} : memref<80x64xi32, #tpu.memory_space<vmem>>, vector<16xi32>,
        %bitcast3A_431 = vector.bitcast %get3A_430 : vector<16xi32> to vector<32xbf16>
        %mul3A_432 = arith.mulf %bitcast3A_427, %bitcast3A_431 : vector<32xbf16>
        %unpack3A_433 = tpu.unpack_subelements %mul3A_432, 0 {pack_format = #tpu.pack_format<interleaved>} : vector<32xbf16> -> vector<16xf32>
        %unpack3A_434 = tpu.unpack_subelements %mul3A_432, 1 {pack_format = #tpu.pack_format<interleaved>} : vector<32xbf16> -> vector<16xf32>
        %get3A_435 = arith.index_cast %add3A_423 : i32 to index
        %get3A_436 = arith.constant 16 : index
        %get3A_437 = tpu.vector_load %arg10[%get3A_435, %get3A_436] {strides = array<i32>} : memref<80x64xi32, #tpu.memory_space<vmem>>, vector<16xi32>,
        %bitcast3A_438 = vector.bitcast %get3A_437 : vector<16xi32> to vector<32xbf16>
        %get3A_439 = arith.index_cast %add3A_423 : i32 to index
        %get3A_440 = arith.constant 16 : index
        %get3A_441 = tpu.vector_load %arg11[%get3A_439, %get3A_440] {strides = array<i32>} : memref<80x64xi32, #tpu.memory_space<vmem>>, vector<16xi32>,
        %bitcast3A_442 = vector.bitcast %get3A_441 : vector<16xi32> to vector<32xbf16>
        %mul3A_443 = arith.mulf %bitcast3A_438, %bitcast3A_442 : vector<32xbf16>
        %unpack3A_444 = tpu.unpack_subelements %mul3A_443, 0 {pack_format = #tpu.pack_format<interleaved>} : vector<32xbf16> -> vector<16xf32>
        %unpack3A_445 = tpu.unpack_subelements %mul3A_443, 1 {pack_format = #tpu.pack_format<interleaved>} : vector<32xbf16> -> vector<16xf32>
        %add3A_446 = arith.addf %unpack3A_433, %unpack3A_444 : vector<16xf32>
        %add3A_447 = arith.addf %unpack3A_434, %unpack3A_445 : vector<16xf32>
        %get3A_448 = arith.index_cast %add3A_423 : i32 to index
        %get3A_449 = arith.constant 32 : index
        %get3A_450 = tpu.vector_load %arg10[%get3A_448, %get3A_449] {strides = array<i32>} : memref<80x64xi32, #tpu.memory_space<vmem>>, vector<16xi32>,
        %bitcast3A_451 = vector.bitcast %get3A_450 : vector<16xi32> to vector<32xbf16>
        %get3A_452 = arith.index_cast %add3A_423 : i32 to index
        %get3A_453 = arith.constant 32 : index
        %get3A_454 = tpu.vector_load %arg11[%get3A_452, %get3A_453] {strides = array<i32>} : memref<80x64xi32, #tpu.memory_space<vmem>>, vector<16xi32>,
        %bitcast3A_455 = vector.bitcast %get3A_454 : vector<16xi32> to vector<32xbf16>
        %mul3A_456 = arith.mulf %bitcast3A_451, %bitcast3A_455 : vector<32xbf16>
        %unpack3A_457 = tpu.unpack_subelements %mul3A_456, 0 {pack_format = #tpu.pack_format<interleaved>} : vector<32xbf16> -> vector<16xf32>
        %unpack3A_458 = tpu.unpack_subelements %mul3A_456, 1 {pack_format = #tpu.pack_format<interleaved>} : vector<32xbf16> -> vector<16xf32>
        %add3A_459 = arith.addf %add3A_446, %unpack3A_457 : vector<16xf32>
        %add3A_460 = arith.addf %add3A_447, %unpack3A_458 : vector<16xf32>
        %get3A_461 = arith.index_cast %add3A_423 : i32 to index
        %get3A_462 = arith.constant 48 : index
        %get3A_463 = tpu.vector_load %arg10[%get3A_461, %get3A_462] {strides = array<i32>} : memref<80x64xi32, #tpu.memory_space<vmem>>, vector<16xi32>,
        %bitcast3A_464 = vector.bitcast %get3A_463 : vector<16xi32> to vector<32xbf16>
        %get3A_465 = arith.index_cast %add3A_423 : i32 to index
        %get3A_466 = arith.constant 48 : index
        %get3A_467 = tpu.vector_load %arg11[%get3A_465, %get3A_466] {strides = array<i32>} : memref<80x64xi32, #tpu.memory_space<vmem>>, vector<16xi32>,
        %bitcast3A_468 = vector.bitcast %get3A_467 : vector<16xi32> to vector<32xbf16>
        %mul3A_469 = arith.mulf %bitcast3A_464, %bitcast3A_468 : vector<32xbf16>
        %unpack3A_470 = tpu.unpack_subelements %mul3A_469, 0 {pack_format = #tpu.pack_format<interleaved>} : vector<32xbf16> -> vector<16xf32>
        %unpack3A_471 = tpu.unpack_subelements %mul3A_469, 1 {pack_format = #tpu.pack_format<interleaved>} : vector<32xbf16> -> vector<16xf32>
        %add3A_472 = arith.addf %add3A_459, %unpack3A_470 : vector<16xf32>
        %add3A_473 = arith.addf %add3A_460, %unpack3A_471 : vector<16xf32>
        %add3A_474 = arith.addf %add3A_472, %add3A_473 : vector<16xf32>
        %reduce_sum3A_475 = arith.constant true
        %reduce_sum3A_476 = vector.broadcast %reduce_sum3A_475 : i1 to vector<16xi1>
        %reduce_sum3A_477 = tpu.scan <sum>, %add3A_474 masked %reduce_sum3A_476 : vector<16xf32>, vector<16xi1> -> vector<16xf32>
        %reduce_sum3A_478 = vector.extract %reduce_sum3A_477[15] : f32 from vector<16xf32>
        %broadcast_in_dim3A_479 = vector.broadcast %reduce_sum3A_478 : f32 to vector<16xf32>
        %select_n3A_480 = arith.select %eq3A_421, %broadcast_in_dim3A_479, %select_n3A_418 : vector<16xi1>, vector<16xf32>
        %eq3A_481 = arith.constant 6 : i32
        %eq3A_482 = vector.broadcast %eq3A_481 : i32 to vector<16xi32>
        %eq3A_483 = arith.cmpi eq, %iota3A, %eq3A_482 : vector<16xi32>
        %add3A_484 = arith.constant 6 : i32
        %add3A_485 = arith.addi %multiple_of3A, %add3A_484 : i32
        %get3A_486 = arith.index_cast %add3A_485 : i32 to index
        %get3A_487 = arith.constant 0 : index
        %get3A_488 = tpu.vector_load %arg10[%get3A_486, %get3A_487] {strides = array<i32>} : memref<80x64xi32, #tpu.memory_space<vmem>>, vector<16xi32>,
        %bitcast3A_489 = vector.bitcast %get3A_488 : vector<16xi32> to vector<32xbf16>
        %get3A_490 = arith.index_cast %add3A_485 : i32 to index
        %get3A_491 = arith.constant 0 : index
        %get3A_492 = tpu.vector_load %arg11[%get3A_490, %get3A_491] {strides = array<i32>} : memref<80x64xi32, #tpu.memory_space<vmem>>, vector<16xi32>,
        %bitcast3A_493 = vector.bitcast %get3A_492 : vector<16xi32> to vector<32xbf16>
        %mul3A_494 = arith.mulf %bitcast3A_489, %bitcast3A_493 : vector<32xbf16>
        %unpack3A_495 = tpu.unpack_subelements %mul3A_494, 0 {pack_format = #tpu.pack_format<interleaved>} : vector<32xbf16> -> vector<16xf32>
        %unpack3A_496 = tpu.unpack_subelements %mul3A_494, 1 {pack_format = #tpu.pack_format<interleaved>} : vector<32xbf16> -> vector<16xf32>
        %get3A_497 = arith.index_cast %add3A_485 : i32 to index
        %get3A_498 = arith.constant 16 : index
        %get3A_499 = tpu.vector_load %arg10[%get3A_497, %get3A_498] {strides = array<i32>} : memref<80x64xi32, #tpu.memory_space<vmem>>, vector<16xi32>,
        %bitcast3A_500 = vector.bitcast %get3A_499 : vector<16xi32> to vector<32xbf16>
        %get3A_501 = arith.index_cast %add3A_485 : i32 to index
        %get3A_502 = arith.constant 16 : index
        %get3A_503 = tpu.vector_load %arg11[%get3A_501, %get3A_502] {strides = array<i32>} : memref<80x64xi32, #tpu.memory_space<vmem>>, vector<16xi32>,
        %bitcast3A_504 = vector.bitcast %get3A_503 : vector<16xi32> to vector<32xbf16>
        %mul3A_505 = arith.mulf %bitcast3A_500, %bitcast3A_504 : vector<32xbf16>
        %unpack3A_506 = tpu.unpack_subelements %mul3A_505, 0 {pack_format = #tpu.pack_format<interleaved>} : vector<32xbf16> -> vector<16xf32>
        %unpack3A_507 = tpu.unpack_subelements %mul3A_505, 1 {pack_format = #tpu.pack_format<interleaved>} : vector<32xbf16> -> vector<16xf32>
        %add3A_508 = arith.addf %unpack3A_495, %unpack3A_506 : vector<16xf32>
        %add3A_509 = arith.addf %unpack3A_496, %unpack3A_507 : vector<16xf32>
        %get3A_510 = arith.index_cast %add3A_485 : i32 to index
        %get3A_511 = arith.constant 32 : index
        %get3A_512 = tpu.vector_load %arg10[%get3A_510, %get3A_511] {strides = array<i32>} : memref<80x64xi32, #tpu.memory_space<vmem>>, vector<16xi32>,
        %bitcast3A_513 = vector.bitcast %get3A_512 : vector<16xi32> to vector<32xbf16>
        %get3A_514 = arith.index_cast %add3A_485 : i32 to index
        %get3A_515 = arith.constant 32 : index
        %get3A_516 = tpu.vector_load %arg11[%get3A_514, %get3A_515] {strides = array<i32>} : memref<80x64xi32, #tpu.memory_space<vmem>>, vector<16xi32>,
        %bitcast3A_517 = vector.bitcast %get3A_516 : vector<16xi32> to vector<32xbf16>
        %mul3A_518 = arith.mulf %bitcast3A_513, %bitcast3A_517 : vector<32xbf16>
        %unpack3A_519 = tpu.unpack_subelements %mul3A_518, 0 {pack_format = #tpu.pack_format<interleaved>} : vector<32xbf16> -> vector<16xf32>
        %unpack3A_520 = tpu.unpack_subelements %mul3A_518, 1 {pack_format = #tpu.pack_format<interleaved>} : vector<32xbf16> -> vector<16xf32>
        %add3A_521 = arith.addf %add3A_508, %unpack3A_519 : vector<16xf32>
        %add3A_522 = arith.addf %add3A_509, %unpack3A_520 : vector<16xf32>
        %get3A_523 = arith.index_cast %add3A_485 : i32 to index
        %get3A_524 = arith.constant 48 : index
        %get3A_525 = tpu.vector_load %arg10[%get3A_523, %get3A_524] {strides = array<i32>} : memref<80x64xi32, #tpu.memory_space<vmem>>, vector<16xi32>,
        %bitcast3A_526 = vector.bitcast %get3A_525 : vector<16xi32> to vector<32xbf16>
        %get3A_527 = arith.index_cast %add3A_485 : i32 to index
        %get3A_528 = arith.constant 48 : index
        %get3A_529 = tpu.vector_load %arg11[%get3A_527, %get3A_528] {strides = array<i32>} : memref<80x64xi32, #tpu.memory_space<vmem>>, vector<16xi32>,
        %bitcast3A_530 = vector.bitcast %get3A_529 : vector<16xi32> to vector<32xbf16>
        %mul3A_531 = arith.mulf %bitcast3A_526, %bitcast3A_530 : vector<32xbf16>
        %unpack3A_532 = tpu.unpack_subelements %mul3A_531, 0 {pack_format = #tpu.pack_format<interleaved>} : vector<32xbf16> -> vector<16xf32>
        %unpack3A_533 = tpu.unpack_subelements %mul3A_531, 1 {pack_format = #tpu.pack_format<interleaved>} : vector<32xbf16> -> vector<16xf32>
        %add3A_534 = arith.addf %add3A_521, %unpack3A_532 : vector<16xf32>
        %add3A_535 = arith.addf %add3A_522, %unpack3A_533 : vector<16xf32>
        %add3A_536 = arith.addf %add3A_534, %add3A_535 : vector<16xf32>
        %reduce_sum3A_537 = arith.constant true
        %reduce_sum3A_538 = vector.broadcast %reduce_sum3A_537 : i1 to vector<16xi1>
        %reduce_sum3A_539 = tpu.scan <sum>, %add3A_536 masked %reduce_sum3A_538 : vector<16xf32>, vector<16xi1> -> vector<16xf32>
        %reduce_sum3A_540 = vector.extract %reduce_sum3A_539[15] : f32 from vector<16xf32>
        %broadcast_in_dim3A_541 = vector.broadcast %reduce_sum3A_540 : f32 to vector<16xf32>
        %select_n3A_542 = arith.select %eq3A_483, %broadcast_in_dim3A_541, %select_n3A_480 : vector<16xi1>, vector<16xf32>
        %eq3A_543 = arith.constant 7 : i32
        %eq3A_544 = vector.broadcast %eq3A_543 : i32 to vector<16xi32>
        %eq3A_545 = arith.cmpi eq, %iota3A, %eq3A_544 : vector<16xi32>
        %add3A_546 = arith.constant 7 : i32
        %add3A_547 = arith.addi %multiple_of3A, %add3A_546 : i32
        %get3A_548 = arith.index_cast %add3A_547 : i32 to index
        %get3A_549 = arith.constant 0 : index
        %get3A_550 = tpu.vector_load %arg10[%get3A_548, %get3A_549] {strides = array<i32>} : memref<80x64xi32, #tpu.memory_space<vmem>>, vector<16xi32>,
        %bitcast3A_551 = vector.bitcast %get3A_550 : vector<16xi32> to vector<32xbf16>
        %get3A_552 = arith.index_cast %add3A_547 : i32 to index
        %get3A_553 = arith.constant 0 : index
        %get3A_554 = tpu.vector_load %arg11[%get3A_552, %get3A_553] {strides = array<i32>} : memref<80x64xi32, #tpu.memory_space<vmem>>, vector<16xi32>,
        %bitcast3A_555 = vector.bitcast %get3A_554 : vector<16xi32> to vector<32xbf16>
        %mul3A_556 = arith.mulf %bitcast3A_551, %bitcast3A_555 : vector<32xbf16>
        %unpack3A_557 = tpu.unpack_subelements %mul3A_556, 0 {pack_format = #tpu.pack_format<interleaved>} : vector<32xbf16> -> vector<16xf32>
        %unpack3A_558 = tpu.unpack_subelements %mul3A_556, 1 {pack_format = #tpu.pack_format<interleaved>} : vector<32xbf16> -> vector<16xf32>
        %get3A_559 = arith.index_cast %add3A_547 : i32 to index
        %get3A_560 = arith.constant 16 : index
        %get3A_561 = tpu.vector_load %arg10[%get3A_559, %get3A_560] {strides = array<i32>} : memref<80x64xi32, #tpu.memory_space<vmem>>, vector<16xi32>,
        %bitcast3A_562 = vector.bitcast %get3A_561 : vector<16xi32> to vector<32xbf16>
        %get3A_563 = arith.index_cast %add3A_547 : i32 to index
        %get3A_564 = arith.constant 16 : index
        %get3A_565 = tpu.vector_load %arg11[%get3A_563, %get3A_564] {strides = array<i32>} : memref<80x64xi32, #tpu.memory_space<vmem>>, vector<16xi32>,
        %bitcast3A_566 = vector.bitcast %get3A_565 : vector<16xi32> to vector<32xbf16>
        %mul3A_567 = arith.mulf %bitcast3A_562, %bitcast3A_566 : vector<32xbf16>
        %unpack3A_568 = tpu.unpack_subelements %mul3A_567, 0 {pack_format = #tpu.pack_format<interleaved>} : vector<32xbf16> -> vector<16xf32>
        %unpack3A_569 = tpu.unpack_subelements %mul3A_567, 1 {pack_format = #tpu.pack_format<interleaved>} : vector<32xbf16> -> vector<16xf32>
        %add3A_570 = arith.addf %unpack3A_557, %unpack3A_568 : vector<16xf32>
        %add3A_571 = arith.addf %unpack3A_558, %unpack3A_569 : vector<16xf32>
        %get3A_572 = arith.index_cast %add3A_547 : i32 to index
        %get3A_573 = arith.constant 32 : index
        %get3A_574 = tpu.vector_load %arg10[%get3A_572, %get3A_573] {strides = array<i32>} : memref<80x64xi32, #tpu.memory_space<vmem>>, vector<16xi32>,
        %bitcast3A_575 = vector.bitcast %get3A_574 : vector<16xi32> to vector<32xbf16>
        %get3A_576 = arith.index_cast %add3A_547 : i32 to index
        %get3A_577 = arith.constant 32 : index
        %get3A_578 = tpu.vector_load %arg11[%get3A_576, %get3A_577] {strides = array<i32>} : memref<80x64xi32, #tpu.memory_space<vmem>>, vector<16xi32>,
        %bitcast3A_579 = vector.bitcast %get3A_578 : vector<16xi32> to vector<32xbf16>
        %mul3A_580 = arith.mulf %bitcast3A_575, %bitcast3A_579 : vector<32xbf16>
        %unpack3A_581 = tpu.unpack_subelements %mul3A_580, 0 {pack_format = #tpu.pack_format<interleaved>} : vector<32xbf16> -> vector<16xf32>
        %unpack3A_582 = tpu.unpack_subelements %mul3A_580, 1 {pack_format = #tpu.pack_format<interleaved>} : vector<32xbf16> -> vector<16xf32>
        %add3A_583 = arith.addf %add3A_570, %unpack3A_581 : vector<16xf32>
        %add3A_584 = arith.addf %add3A_571, %unpack3A_582 : vector<16xf32>
        %get3A_585 = arith.index_cast %add3A_547 : i32 to index
        %get3A_586 = arith.constant 48 : index
        %get3A_587 = tpu.vector_load %arg10[%get3A_585, %get3A_586] {strides = array<i32>} : memref<80x64xi32, #tpu.memory_space<vmem>>, vector<16xi32>,
        %bitcast3A_588 = vector.bitcast %get3A_587 : vector<16xi32> to vector<32xbf16>
        %get3A_589 = arith.index_cast %add3A_547 : i32 to index
        %get3A_590 = arith.constant 48 : index
        %get3A_591 = tpu.vector_load %arg11[%get3A_589, %get3A_590] {strides = array<i32>} : memref<80x64xi32, #tpu.memory_space<vmem>>, vector<16xi32>,
        %bitcast3A_592 = vector.bitcast %get3A_591 : vector<16xi32> to vector<32xbf16>
        %mul3A_593 = arith.mulf %bitcast3A_588, %bitcast3A_592 : vector<32xbf16>
        %unpack3A_594 = tpu.unpack_subelements %mul3A_593, 0 {pack_format = #tpu.pack_format<interleaved>} : vector<32xbf16> -> vector<16xf32>
        %unpack3A_595 = tpu.unpack_subelements %mul3A_593, 1 {pack_format = #tpu.pack_format<interleaved>} : vector<32xbf16> -> vector<16xf32>
        %add3A_596 = arith.addf %add3A_583, %unpack3A_594 : vector<16xf32>
        %add3A_597 = arith.addf %add3A_584, %unpack3A_595 : vector<16xf32>
        %add3A_598 = arith.addf %add3A_596, %add3A_597 : vector<16xf32>
        %reduce_sum3A_599 = arith.constant true
        %reduce_sum3A_600 = vector.broadcast %reduce_sum3A_599 : i1 to vector<16xi1>
        %reduce_sum3A_601 = tpu.scan <sum>, %add3A_598 masked %reduce_sum3A_600 : vector<16xf32>, vector<16xi1> -> vector<16xf32>
        %reduce_sum3A_602 = vector.extract %reduce_sum3A_601[15] : f32 from vector<16xf32>
        %broadcast_in_dim3A_603 = vector.broadcast %reduce_sum3A_602 : f32 to vector<16xf32>
        %select_n3A_604 = arith.select %eq3A_545, %broadcast_in_dim3A_603, %select_n3A_542 : vector<16xi1>, vector<16xf32>
        %eq3A_605 = arith.constant 8 : i32
        %eq3A_606 = vector.broadcast %eq3A_605 : i32 to vector<16xi32>
        %eq3A_607 = arith.cmpi eq, %iota3A, %eq3A_606 : vector<16xi32>
        %add3A_608 = arith.constant 8 : i32
        %add3A_609 = arith.addi %multiple_of3A, %add3A_608 : i32
        %get3A_610 = arith.index_cast %add3A_609 : i32 to index
        %get3A_611 = arith.constant 0 : index
        %get3A_612 = tpu.vector_load %arg10[%get3A_610, %get3A_611] {strides = array<i32>} : memref<80x64xi32, #tpu.memory_space<vmem>>, vector<16xi32>,
        %bitcast3A_613 = vector.bitcast %get3A_612 : vector<16xi32> to vector<32xbf16>
        %get3A_614 = arith.index_cast %add3A_609 : i32 to index
        %get3A_615 = arith.constant 0 : index
        %get3A_616 = tpu.vector_load %arg11[%get3A_614, %get3A_615] {strides = array<i32>} : memref<80x64xi32, #tpu.memory_space<vmem>>, vector<16xi32>,
        %bitcast3A_617 = vector.bitcast %get3A_616 : vector<16xi32> to vector<32xbf16>
        %mul3A_618 = arith.mulf %bitcast3A_613, %bitcast3A_617 : vector<32xbf16>
        %unpack3A_619 = tpu.unpack_subelements %mul3A_618, 0 {pack_format = #tpu.pack_format<interleaved>} : vector<32xbf16> -> vector<16xf32>
        %unpack3A_620 = tpu.unpack_subelements %mul3A_618, 1 {pack_format = #tpu.pack_format<interleaved>} : vector<32xbf16> -> vector<16xf32>
        %get3A_621 = arith.index_cast %add3A_609 : i32 to index
        %get3A_622 = arith.constant 16 : index
        %get3A_623 = tpu.vector_load %arg10[%get3A_621, %get3A_622] {strides = array<i32>} : memref<80x64xi32, #tpu.memory_space<vmem>>, vector<16xi32>,
        %bitcast3A_624 = vector.bitcast %get3A_623 : vector<16xi32> to vector<32xbf16>
        %get3A_625 = arith.index_cast %add3A_609 : i32 to index
        %get3A_626 = arith.constant 16 : index
        %get3A_627 = tpu.vector_load %arg11[%get3A_625, %get3A_626] {strides = array<i32>} : memref<80x64xi32, #tpu.memory_space<vmem>>, vector<16xi32>,
        %bitcast3A_628 = vector.bitcast %get3A_627 : vector<16xi32> to vector<32xbf16>
        %mul3A_629 = arith.mulf %bitcast3A_624, %bitcast3A_628 : vector<32xbf16>
        %unpack3A_630 = tpu.unpack_subelements %mul3A_629, 0 {pack_format = #tpu.pack_format<interleaved>} : vector<32xbf16> -> vector<16xf32>
        %unpack3A_631 = tpu.unpack_subelements %mul3A_629, 1 {pack_format = #tpu.pack_format<interleaved>} : vector<32xbf16> -> vector<16xf32>
        %add3A_632 = arith.addf %unpack3A_619, %unpack3A_630 : vector<16xf32>
        %add3A_633 = arith.addf %unpack3A_620, %unpack3A_631 : vector<16xf32>
        %get3A_634 = arith.index_cast %add3A_609 : i32 to index
        %get3A_635 = arith.constant 32 : index
        %get3A_636 = tpu.vector_load %arg10[%get3A_634, %get3A_635] {strides = array<i32>} : memref<80x64xi32, #tpu.memory_space<vmem>>, vector<16xi32>,
        %bitcast3A_637 = vector.bitcast %get3A_636 : vector<16xi32> to vector<32xbf16>
        %get3A_638 = arith.index_cast %add3A_609 : i32 to index
        %get3A_639 = arith.constant 32 : index
        %get3A_640 = tpu.vector_load %arg11[%get3A_638, %get3A_639] {strides = array<i32>} : memref<80x64xi32, #tpu.memory_space<vmem>>, vector<16xi32>,
        %bitcast3A_641 = vector.bitcast %get3A_640 : vector<16xi32> to vector<32xbf16>
        %mul3A_642 = arith.mulf %bitcast3A_637, %bitcast3A_641 : vector<32xbf16>
        %unpack3A_643 = tpu.unpack_subelements %mul3A_642, 0 {pack_format = #tpu.pack_format<interleaved>} : vector<32xbf16> -> vector<16xf32>
        %unpack3A_644 = tpu.unpack_subelements %mul3A_642, 1 {pack_format = #tpu.pack_format<interleaved>} : vector<32xbf16> -> vector<16xf32>
        %add3A_645 = arith.addf %add3A_632, %unpack3A_643 : vector<16xf32>
        %add3A_646 = arith.addf %add3A_633, %unpack3A_644 : vector<16xf32>
        %get3A_647 = arith.index_cast %add3A_609 : i32 to index
        %get3A_648 = arith.constant 48 : index
        %get3A_649 = tpu.vector_load %arg10[%get3A_647, %get3A_648] {strides = array<i32>} : memref<80x64xi32, #tpu.memory_space<vmem>>, vector<16xi32>,
        %bitcast3A_650 = vector.bitcast %get3A_649 : vector<16xi32> to vector<32xbf16>
        %get3A_651 = arith.index_cast %add3A_609 : i32 to index
        %get3A_652 = arith.constant 48 : index
        %get3A_653 = tpu.vector_load %arg11[%get3A_651, %get3A_652] {strides = array<i32>} : memref<80x64xi32, #tpu.memory_space<vmem>>, vector<16xi32>,
        %bitcast3A_654 = vector.bitcast %get3A_653 : vector<16xi32> to vector<32xbf16>
        %mul3A_655 = arith.mulf %bitcast3A_650, %bitcast3A_654 : vector<32xbf16>
        %unpack3A_656 = tpu.unpack_subelements %mul3A_655, 0 {pack_format = #tpu.pack_format<interleaved>} : vector<32xbf16> -> vector<16xf32>
        %unpack3A_657 = tpu.unpack_subelements %mul3A_655, 1 {pack_format = #tpu.pack_format<interleaved>} : vector<32xbf16> -> vector<16xf32>
        %add3A_658 = arith.addf %add3A_645, %unpack3A_656 : vector<16xf32>
        %add3A_659 = arith.addf %add3A_646, %unpack3A_657 : vector<16xf32>
        %add3A_660 = arith.addf %add3A_658, %add3A_659 : vector<16xf32>
        %reduce_sum3A_661 = arith.constant true
        %reduce_sum3A_662 = vector.broadcast %reduce_sum3A_661 : i1 to vector<16xi1>
        %reduce_sum3A_663 = tpu.scan <sum>, %add3A_660 masked %reduce_sum3A_662 : vector<16xf32>, vector<16xi1> -> vector<16xf32>
        %reduce_sum3A_664 = vector.extract %reduce_sum3A_663[15] : f32 from vector<16xf32>
        %broadcast_in_dim3A_665 = vector.broadcast %reduce_sum3A_664 : f32 to vector<16xf32>
        %select_n3A_666 = arith.select %eq3A_607, %broadcast_in_dim3A_665, %select_n3A_604 : vector<16xi1>, vector<16xf32>
        %eq3A_667 = arith.constant 9 : i32
        %eq3A_668 = vector.broadcast %eq3A_667 : i32 to vector<16xi32>
        %eq3A_669 = arith.cmpi eq, %iota3A, %eq3A_668 : vector<16xi32>
        %add3A_670 = arith.constant 9 : i32
        %add3A_671 = arith.addi %multiple_of3A, %add3A_670 : i32
        %get3A_672 = arith.index_cast %add3A_671 : i32 to index
        %get3A_673 = arith.constant 0 : index
        %get3A_674 = tpu.vector_load %arg10[%get3A_672, %get3A_673] {strides = array<i32>} : memref<80x64xi32, #tpu.memory_space<vmem>>, vector<16xi32>,
        %bitcast3A_675 = vector.bitcast %get3A_674 : vector<16xi32> to vector<32xbf16>
        %get3A_676 = arith.index_cast %add3A_671 : i32 to index
        %get3A_677 = arith.constant 0 : index
        %get3A_678 = tpu.vector_load %arg11[%get3A_676, %get3A_677] {strides = array<i32>} : memref<80x64xi32, #tpu.memory_space<vmem>>, vector<16xi32>,
        %bitcast3A_679 = vector.bitcast %get3A_678 : vector<16xi32> to vector<32xbf16>
        %mul3A_680 = arith.mulf %bitcast3A_675, %bitcast3A_679 : vector<32xbf16>
        %unpack3A_681 = tpu.unpack_subelements %mul3A_680, 0 {pack_format = #tpu.pack_format<interleaved>} : vector<32xbf16> -> vector<16xf32>
        %unpack3A_682 = tpu.unpack_subelements %mul3A_680, 1 {pack_format = #tpu.pack_format<interleaved>} : vector<32xbf16> -> vector<16xf32>
        %get3A_683 = arith.index_cast %add3A_671 : i32 to index
        %get3A_684 = arith.constant 16 : index
        %get3A_685 = tpu.vector_load %arg10[%get3A_683, %get3A_684] {strides = array<i32>} : memref<80x64xi32, #tpu.memory_space<vmem>>, vector<16xi32>,
        %bitcast3A_686 = vector.bitcast %get3A_685 : vector<16xi32> to vector<32xbf16>
        %get3A_687 = arith.index_cast %add3A_671 : i32 to index
        %get3A_688 = arith.constant 16 : index
        %get3A_689 = tpu.vector_load %arg11[%get3A_687, %get3A_688] {strides = array<i32>} : memref<80x64xi32, #tpu.memory_space<vmem>>, vector<16xi32>,
        %bitcast3A_690 = vector.bitcast %get3A_689 : vector<16xi32> to vector<32xbf16>
        %mul3A_691 = arith.mulf %bitcast3A_686, %bitcast3A_690 : vector<32xbf16>
        %unpack3A_692 = tpu.unpack_subelements %mul3A_691, 0 {pack_format = #tpu.pack_format<interleaved>} : vector<32xbf16> -> vector<16xf32>
        %unpack3A_693 = tpu.unpack_subelements %mul3A_691, 1 {pack_format = #tpu.pack_format<interleaved>} : vector<32xbf16> -> vector<16xf32>
        %add3A_694 = arith.addf %unpack3A_681, %unpack3A_692 : vector<16xf32>
        %add3A_695 = arith.addf %unpack3A_682, %unpack3A_693 : vector<16xf32>
        %get3A_696 = arith.index_cast %add3A_671 : i32 to index
        %get3A_697 = arith.constant 32 : index
        %get3A_698 = tpu.vector_load %arg10[%get3A_696, %get3A_697] {strides = array<i32>} : memref<80x64xi32, #tpu.memory_space<vmem>>, vector<16xi32>,
        %bitcast3A_699 = vector.bitcast %get3A_698 : vector<16xi32> to vector<32xbf16>
        %get3A_700 = arith.index_cast %add3A_671 : i32 to index
        %get3A_701 = arith.constant 32 : index
        %get3A_702 = tpu.vector_load %arg11[%get3A_700, %get3A_701] {strides = array<i32>} : memref<80x64xi32, #tpu.memory_space<vmem>>, vector<16xi32>,
        %bitcast3A_703 = vector.bitcast %get3A_702 : vector<16xi32> to vector<32xbf16>
        %mul3A_704 = arith.mulf %bitcast3A_699, %bitcast3A_703 : vector<32xbf16>
        %unpack3A_705 = tpu.unpack_subelements %mul3A_704, 0 {pack_format = #tpu.pack_format<interleaved>} : vector<32xbf16> -> vector<16xf32>
        %unpack3A_706 = tpu.unpack_subelements %mul3A_704, 1 {pack_format = #tpu.pack_format<interleaved>} : vector<32xbf16> -> vector<16xf32>
        %add3A_707 = arith.addf %add3A_694, %unpack3A_705 : vector<16xf32>
        %add3A_708 = arith.addf %add3A_695, %unpack3A_706 : vector<16xf32>
        %get3A_709 = arith.index_cast %add3A_671 : i32 to index
        %get3A_710 = arith.constant 48 : index
        %get3A_711 = tpu.vector_load %arg10[%get3A_709, %get3A_710] {strides = array<i32>} : memref<80x64xi32, #tpu.memory_space<vmem>>, vector<16xi32>,
        %bitcast3A_712 = vector.bitcast %get3A_711 : vector<16xi32> to vector<32xbf16>
        %get3A_713 = arith.index_cast %add3A_671 : i32 to index
        %get3A_714 = arith.constant 48 : index
        %get3A_715 = tpu.vector_load %arg11[%get3A_713, %get3A_714] {strides = array<i32>} : memref<80x64xi32, #tpu.memory_space<vmem>>, vector<16xi32>,
        %bitcast3A_716 = vector.bitcast %get3A_715 : vector<16xi32> to vector<32xbf16>
        %mul3A_717 = arith.mulf %bitcast3A_712, %bitcast3A_716 : vector<32xbf16>
        %unpack3A_718 = tpu.unpack_subelements %mul3A_717, 0 {pack_format = #tpu.pack_format<interleaved>} : vector<32xbf16> -> vector<16xf32>
        %unpack3A_719 = tpu.unpack_subelements %mul3A_717, 1 {pack_format = #tpu.pack_format<interleaved>} : vector<32xbf16> -> vector<16xf32>
        %add3A_720 = arith.addf %add3A_707, %unpack3A_718 : vector<16xf32>
        %add3A_721 = arith.addf %add3A_708, %unpack3A_719 : vector<16xf32>
        %add3A_722 = arith.addf %add3A_720, %add3A_721 : vector<16xf32>
        %reduce_sum3A_723 = arith.constant true
        %reduce_sum3A_724 = vector.broadcast %reduce_sum3A_723 : i1 to vector<16xi1>
        %reduce_sum3A_725 = tpu.scan <sum>, %add3A_722 masked %reduce_sum3A_724 : vector<16xf32>, vector<16xi1> -> vector<16xf32>
        %reduce_sum3A_726 = vector.extract %reduce_sum3A_725[15] : f32 from vector<16xf32>
        %broadcast_in_dim3A_727 = vector.broadcast %reduce_sum3A_726 : f32 to vector<16xf32>
        %select_n3A_728 = arith.select %eq3A_669, %broadcast_in_dim3A_727, %select_n3A_666 : vector<16xi1>, vector<16xf32>
        %eq3A_729 = arith.constant 10 : i32
        %eq3A_730 = vector.broadcast %eq3A_729 : i32 to vector<16xi32>
        %eq3A_731 = arith.cmpi eq, %iota3A, %eq3A_730 : vector<16xi32>
        %add3A_732 = arith.constant 10 : i32
        %add3A_733 = arith.addi %multiple_of3A, %add3A_732 : i32
        %get3A_734 = arith.index_cast %add3A_733 : i32 to index
        %get3A_735 = arith.constant 0 : index
        %get3A_736 = tpu.vector_load %arg10[%get3A_734, %get3A_735] {strides = array<i32>} : memref<80x64xi32, #tpu.memory_space<vmem>>, vector<16xi32>,
        %bitcast3A_737 = vector.bitcast %get3A_736 : vector<16xi32> to vector<32xbf16>
        %get3A_738 = arith.index_cast %add3A_733 : i32 to index
        %get3A_739 = arith.constant 0 : index
        %get3A_740 = tpu.vector_load %arg11[%get3A_738, %get3A_739] {strides = array<i32>} : memref<80x64xi32, #tpu.memory_space<vmem>>, vector<16xi32>,
        %bitcast3A_741 = vector.bitcast %get3A_740 : vector<16xi32> to vector<32xbf16>
        %mul3A_742 = arith.mulf %bitcast3A_737, %bitcast3A_741 : vector<32xbf16>
        %unpack3A_743 = tpu.unpack_subelements %mul3A_742, 0 {pack_format = #tpu.pack_format<interleaved>} : vector<32xbf16> -> vector<16xf32>
        %unpack3A_744 = tpu.unpack_subelements %mul3A_742, 1 {pack_format = #tpu.pack_format<interleaved>} : vector<32xbf16> -> vector<16xf32>
        %get3A_745 = arith.index_cast %add3A_733 : i32 to index
        %get3A_746 = arith.constant 16 : index
        %get3A_747 = tpu.vector_load %arg10[%get3A_745, %get3A_746] {strides = array<i32>} : memref<80x64xi32, #tpu.memory_space<vmem>>, vector<16xi32>,
        %bitcast3A_748 = vector.bitcast %get3A_747 : vector<16xi32> to vector<32xbf16>
        %get3A_749 = arith.index_cast %add3A_733 : i32 to index
        %get3A_750 = arith.constant 16 : index
        %get3A_751 = tpu.vector_load %arg11[%get3A_749, %get3A_750] {strides = array<i32>} : memref<80x64xi32, #tpu.memory_space<vmem>>, vector<16xi32>,
        %bitcast3A_752 = vector.bitcast %get3A_751 : vector<16xi32> to vector<32xbf16>
        %mul3A_753 = arith.mulf %bitcast3A_748, %bitcast3A_752 : vector<32xbf16>
        %unpack3A_754 = tpu.unpack_subelements %mul3A_753, 0 {pack_format = #tpu.pack_format<interleaved>} : vector<32xbf16> -> vector<16xf32>
        %unpack3A_755 = tpu.unpack_subelements %mul3A_753, 1 {pack_format = #tpu.pack_format<interleaved>} : vector<32xbf16> -> vector<16xf32>
        %add3A_756 = arith.addf %unpack3A_743, %unpack3A_754 : vector<16xf32>
        %add3A_757 = arith.addf %unpack3A_744, %unpack3A_755 : vector<16xf32>
        %get3A_758 = arith.index_cast %add3A_733 : i32 to index
        %get3A_759 = arith.constant 32 : index
        %get3A_760 = tpu.vector_load %arg10[%get3A_758, %get3A_759] {strides = array<i32>} : memref<80x64xi32, #tpu.memory_space<vmem>>, vector<16xi32>,
        %bitcast3A_761 = vector.bitcast %get3A_760 : vector<16xi32> to vector<32xbf16>
        %get3A_762 = arith.index_cast %add3A_733 : i32 to index
        %get3A_763 = arith.constant 32 : index
        %get3A_764 = tpu.vector_load %arg11[%get3A_762, %get3A_763] {strides = array<i32>} : memref<80x64xi32, #tpu.memory_space<vmem>>, vector<16xi32>,
        %bitcast3A_765 = vector.bitcast %get3A_764 : vector<16xi32> to vector<32xbf16>
        %mul3A_766 = arith.mulf %bitcast3A_761, %bitcast3A_765 : vector<32xbf16>
        %unpack3A_767 = tpu.unpack_subelements %mul3A_766, 0 {pack_format = #tpu.pack_format<interleaved>} : vector<32xbf16> -> vector<16xf32>
        %unpack3A_768 = tpu.unpack_subelements %mul3A_766, 1 {pack_format = #tpu.pack_format<interleaved>} : vector<32xbf16> -> vector<16xf32>
        %add3A_769 = arith.addf %add3A_756, %unpack3A_767 : vector<16xf32>
        %add3A_770 = arith.addf %add3A_757, %unpack3A_768 : vector<16xf32>
        %get3A_771 = arith.index_cast %add3A_733 : i32 to index
        %get3A_772 = arith.constant 48 : index
        %get3A_773 = tpu.vector_load %arg10[%get3A_771, %get3A_772] {strides = array<i32>} : memref<80x64xi32, #tpu.memory_space<vmem>>, vector<16xi32>,
        %bitcast3A_774 = vector.bitcast %get3A_773 : vector<16xi32> to vector<32xbf16>
        %get3A_775 = arith.index_cast %add3A_733 : i32 to index
        %get3A_776 = arith.constant 48 : index
        %get3A_777 = tpu.vector_load %arg11[%get3A_775, %get3A_776] {strides = array<i32>} : memref<80x64xi32, #tpu.memory_space<vmem>>, vector<16xi32>,
        %bitcast3A_778 = vector.bitcast %get3A_777 : vector<16xi32> to vector<32xbf16>
        %mul3A_779 = arith.mulf %bitcast3A_774, %bitcast3A_778 : vector<32xbf16>
        %unpack3A_780 = tpu.unpack_subelements %mul3A_779, 0 {pack_format = #tpu.pack_format<interleaved>} : vector<32xbf16> -> vector<16xf32>
        %unpack3A_781 = tpu.unpack_subelements %mul3A_779, 1 {pack_format = #tpu.pack_format<interleaved>} : vector<32xbf16> -> vector<16xf32>
        %add3A_782 = arith.addf %add3A_769, %unpack3A_780 : vector<16xf32>
        %add3A_783 = arith.addf %add3A_770, %unpack3A_781 : vector<16xf32>
        %add3A_784 = arith.addf %add3A_782, %add3A_783 : vector<16xf32>
        %reduce_sum3A_785 = arith.constant true
        %reduce_sum3A_786 = vector.broadcast %reduce_sum3A_785 : i1 to vector<16xi1>
        %reduce_sum3A_787 = tpu.scan <sum>, %add3A_784 masked %reduce_sum3A_786 : vector<16xf32>, vector<16xi1> -> vector<16xf32>
        %reduce_sum3A_788 = vector.extract %reduce_sum3A_787[15] : f32 from vector<16xf32>
        %broadcast_in_dim3A_789 = vector.broadcast %reduce_sum3A_788 : f32 to vector<16xf32>
        %select_n3A_790 = arith.select %eq3A_731, %broadcast_in_dim3A_789, %select_n3A_728 : vector<16xi1>, vector<16xf32>
        %eq3A_791 = arith.constant 11 : i32
        %eq3A_792 = vector.broadcast %eq3A_791 : i32 to vector<16xi32>
        %eq3A_793 = arith.cmpi eq, %iota3A, %eq3A_792 : vector<16xi32>
        %add3A_794 = arith.constant 11 : i32
        %add3A_795 = arith.addi %multiple_of3A, %add3A_794 : i32
        %get3A_796 = arith.index_cast %add3A_795 : i32 to index
        %get3A_797 = arith.constant 0 : index
        %get3A_798 = tpu.vector_load %arg10[%get3A_796, %get3A_797] {strides = array<i32>} : memref<80x64xi32, #tpu.memory_space<vmem>>, vector<16xi32>,
        %bitcast3A_799 = vector.bitcast %get3A_798 : vector<16xi32> to vector<32xbf16>
        %get3A_800 = arith.index_cast %add3A_795 : i32 to index
        %get3A_801 = arith.constant 0 : index
        %get3A_802 = tpu.vector_load %arg11[%get3A_800, %get3A_801] {strides = array<i32>} : memref<80x64xi32, #tpu.memory_space<vmem>>, vector<16xi32>,
        %bitcast3A_803 = vector.bitcast %get3A_802 : vector<16xi32> to vector<32xbf16>
        %mul3A_804 = arith.mulf %bitcast3A_799, %bitcast3A_803 : vector<32xbf16>
        %unpack3A_805 = tpu.unpack_subelements %mul3A_804, 0 {pack_format = #tpu.pack_format<interleaved>} : vector<32xbf16> -> vector<16xf32>
        %unpack3A_806 = tpu.unpack_subelements %mul3A_804, 1 {pack_format = #tpu.pack_format<interleaved>} : vector<32xbf16> -> vector<16xf32>
        %get3A_807 = arith.index_cast %add3A_795 : i32 to index
        %get3A_808 = arith.constant 16 : index
        %get3A_809 = tpu.vector_load %arg10[%get3A_807, %get3A_808] {strides = array<i32>} : memref<80x64xi32, #tpu.memory_space<vmem>>, vector<16xi32>,
        %bitcast3A_810 = vector.bitcast %get3A_809 : vector<16xi32> to vector<32xbf16>
        %get3A_811 = arith.index_cast %add3A_795 : i32 to index
        %get3A_812 = arith.constant 16 : index
        %get3A_813 = tpu.vector_load %arg11[%get3A_811, %get3A_812] {strides = array<i32>} : memref<80x64xi32, #tpu.memory_space<vmem>>, vector<16xi32>,
        %bitcast3A_814 = vector.bitcast %get3A_813 : vector<16xi32> to vector<32xbf16>
        %mul3A_815 = arith.mulf %bitcast3A_810, %bitcast3A_814 : vector<32xbf16>
        %unpack3A_816 = tpu.unpack_subelements %mul3A_815, 0 {pack_format = #tpu.pack_format<interleaved>} : vector<32xbf16> -> vector<16xf32>
        %unpack3A_817 = tpu.unpack_subelements %mul3A_815, 1 {pack_format = #tpu.pack_format<interleaved>} : vector<32xbf16> -> vector<16xf32>
        %add3A_818 = arith.addf %unpack3A_805, %unpack3A_816 : vector<16xf32>
        %add3A_819 = arith.addf %unpack3A_806, %unpack3A_817 : vector<16xf32>
        %get3A_820 = arith.index_cast %add3A_795 : i32 to index
        %get3A_821 = arith.constant 32 : index
        %get3A_822 = tpu.vector_load %arg10[%get3A_820, %get3A_821] {strides = array<i32>} : memref<80x64xi32, #tpu.memory_space<vmem>>, vector<16xi32>,
        %bitcast3A_823 = vector.bitcast %get3A_822 : vector<16xi32> to vector<32xbf16>
        %get3A_824 = arith.index_cast %add3A_795 : i32 to index
        %get3A_825 = arith.constant 32 : index
        %get3A_826 = tpu.vector_load %arg11[%get3A_824, %get3A_825] {strides = array<i32>} : memref<80x64xi32, #tpu.memory_space<vmem>>, vector<16xi32>,
        %bitcast3A_827 = vector.bitcast %get3A_826 : vector<16xi32> to vector<32xbf16>
        %mul3A_828 = arith.mulf %bitcast3A_823, %bitcast3A_827 : vector<32xbf16>
        %unpack3A_829 = tpu.unpack_subelements %mul3A_828, 0 {pack_format = #tpu.pack_format<interleaved>} : vector<32xbf16> -> vector<16xf32>
        %unpack3A_830 = tpu.unpack_subelements %mul3A_828, 1 {pack_format = #tpu.pack_format<interleaved>} : vector<32xbf16> -> vector<16xf32>
        %add3A_831 = arith.addf %add3A_818, %unpack3A_829 : vector<16xf32>
        %add3A_832 = arith.addf %add3A_819, %unpack3A_830 : vector<16xf32>
        %get3A_833 = arith.index_cast %add3A_795 : i32 to index
        %get3A_834 = arith.constant 48 : index
        %get3A_835 = tpu.vector_load %arg10[%get3A_833, %get3A_834] {strides = array<i32>} : memref<80x64xi32, #tpu.memory_space<vmem>>, vector<16xi32>,
        %bitcast3A_836 = vector.bitcast %get3A_835 : vector<16xi32> to vector<32xbf16>
        %get3A_837 = arith.index_cast %add3A_795 : i32 to index
        %get3A_838 = arith.constant 48 : index
        %get3A_839 = tpu.vector_load %arg11[%get3A_837, %get3A_838] {strides = array<i32>} : memref<80x64xi32, #tpu.memory_space<vmem>>, vector<16xi32>,
        %bitcast3A_840 = vector.bitcast %get3A_839 : vector<16xi32> to vector<32xbf16>
        %mul3A_841 = arith.mulf %bitcast3A_836, %bitcast3A_840 : vector<32xbf16>
        %unpack3A_842 = tpu.unpack_subelements %mul3A_841, 0 {pack_format = #tpu.pack_format<interleaved>} : vector<32xbf16> -> vector<16xf32>
        %unpack3A_843 = tpu.unpack_subelements %mul3A_841, 1 {pack_format = #tpu.pack_format<interleaved>} : vector<32xbf16> -> vector<16xf32>
        %add3A_844 = arith.addf %add3A_831, %unpack3A_842 : vector<16xf32>
        %add3A_845 = arith.addf %add3A_832, %unpack3A_843 : vector<16xf32>
        %add3A_846 = arith.addf %add3A_844, %add3A_845 : vector<16xf32>
        %reduce_sum3A_847 = arith.constant true
        %reduce_sum3A_848 = vector.broadcast %reduce_sum3A_847 : i1 to vector<16xi1>
        %reduce_sum3A_849 = tpu.scan <sum>, %add3A_846 masked %reduce_sum3A_848 : vector<16xf32>, vector<16xi1> -> vector<16xf32>
        %reduce_sum3A_850 = vector.extract %reduce_sum3A_849[15] : f32 from vector<16xf32>
        %broadcast_in_dim3A_851 = vector.broadcast %reduce_sum3A_850 : f32 to vector<16xf32>
        %select_n3A_852 = arith.select %eq3A_793, %broadcast_in_dim3A_851, %select_n3A_790 : vector<16xi1>, vector<16xf32>
        %eq3A_853 = arith.constant 12 : i32
        %eq3A_854 = vector.broadcast %eq3A_853 : i32 to vector<16xi32>
        %eq3A_855 = arith.cmpi eq, %iota3A, %eq3A_854 : vector<16xi32>
        %add3A_856 = arith.constant 12 : i32
        %add3A_857 = arith.addi %multiple_of3A, %add3A_856 : i32
        %get3A_858 = arith.index_cast %add3A_857 : i32 to index
        %get3A_859 = arith.constant 0 : index
        %get3A_860 = tpu.vector_load %arg10[%get3A_858, %get3A_859] {strides = array<i32>} : memref<80x64xi32, #tpu.memory_space<vmem>>, vector<16xi32>,
        %bitcast3A_861 = vector.bitcast %get3A_860 : vector<16xi32> to vector<32xbf16>
        %get3A_862 = arith.index_cast %add3A_857 : i32 to index
        %get3A_863 = arith.constant 0 : index
        %get3A_864 = tpu.vector_load %arg11[%get3A_862, %get3A_863] {strides = array<i32>} : memref<80x64xi32, #tpu.memory_space<vmem>>, vector<16xi32>,
        %bitcast3A_865 = vector.bitcast %get3A_864 : vector<16xi32> to vector<32xbf16>
        %mul3A_866 = arith.mulf %bitcast3A_861, %bitcast3A_865 : vector<32xbf16>
        %unpack3A_867 = tpu.unpack_subelements %mul3A_866, 0 {pack_format = #tpu.pack_format<interleaved>} : vector<32xbf16> -> vector<16xf32>
        %unpack3A_868 = tpu.unpack_subelements %mul3A_866, 1 {pack_format = #tpu.pack_format<interleaved>} : vector<32xbf16> -> vector<16xf32>
        %get3A_869 = arith.index_cast %add3A_857 : i32 to index
        %get3A_870 = arith.constant 16 : index
        %get3A_871 = tpu.vector_load %arg10[%get3A_869, %get3A_870] {strides = array<i32>} : memref<80x64xi32, #tpu.memory_space<vmem>>, vector<16xi32>,
        %bitcast3A_872 = vector.bitcast %get3A_871 : vector<16xi32> to vector<32xbf16>
        %get3A_873 = arith.index_cast %add3A_857 : i32 to index
        %get3A_874 = arith.constant 16 : index
        %get3A_875 = tpu.vector_load %arg11[%get3A_873, %get3A_874] {strides = array<i32>} : memref<80x64xi32, #tpu.memory_space<vmem>>, vector<16xi32>,
        %bitcast3A_876 = vector.bitcast %get3A_875 : vector<16xi32> to vector<32xbf16>
        %mul3A_877 = arith.mulf %bitcast3A_872, %bitcast3A_876 : vector<32xbf16>
        %unpack3A_878 = tpu.unpack_subelements %mul3A_877, 0 {pack_format = #tpu.pack_format<interleaved>} : vector<32xbf16> -> vector<16xf32>
        %unpack3A_879 = tpu.unpack_subelements %mul3A_877, 1 {pack_format = #tpu.pack_format<interleaved>} : vector<32xbf16> -> vector<16xf32>
        %add3A_880 = arith.addf %unpack3A_867, %unpack3A_878 : vector<16xf32>
        %add3A_881 = arith.addf %unpack3A_868, %unpack3A_879 : vector<16xf32>
        %get3A_882 = arith.index_cast %add3A_857 : i32 to index
        %get3A_883 = arith.constant 32 : index
        %get3A_884 = tpu.vector_load %arg10[%get3A_882, %get3A_883] {strides = array<i32>} : memref<80x64xi32, #tpu.memory_space<vmem>>, vector<16xi32>,
        %bitcast3A_885 = vector.bitcast %get3A_884 : vector<16xi32> to vector<32xbf16>
        %get3A_886 = arith.index_cast %add3A_857 : i32 to index
        %get3A_887 = arith.constant 32 : index
        %get3A_888 = tpu.vector_load %arg11[%get3A_886, %get3A_887] {strides = array<i32>} : memref<80x64xi32, #tpu.memory_space<vmem>>, vector<16xi32>,
        %bitcast3A_889 = vector.bitcast %get3A_888 : vector<16xi32> to vector<32xbf16>
        %mul3A_890 = arith.mulf %bitcast3A_885, %bitcast3A_889 : vector<32xbf16>
        %unpack3A_891 = tpu.unpack_subelements %mul3A_890, 0 {pack_format = #tpu.pack_format<interleaved>} : vector<32xbf16> -> vector<16xf32>
        %unpack3A_892 = tpu.unpack_subelements %mul3A_890, 1 {pack_format = #tpu.pack_format<interleaved>} : vector<32xbf16> -> vector<16xf32>
        %add3A_893 = arith.addf %add3A_880, %unpack3A_891 : vector<16xf32>
        %add3A_894 = arith.addf %add3A_881, %unpack3A_892 : vector<16xf32>
        %get3A_895 = arith.index_cast %add3A_857 : i32 to index
        %get3A_896 = arith.constant 48 : index
        %get3A_897 = tpu.vector_load %arg10[%get3A_895, %get3A_896] {strides = array<i32>} : memref<80x64xi32, #tpu.memory_space<vmem>>, vector<16xi32>,
        %bitcast3A_898 = vector.bitcast %get3A_897 : vector<16xi32> to vector<32xbf16>
        %get3A_899 = arith.index_cast %add3A_857 : i32 to index
        %get3A_900 = arith.constant 48 : index
        %get3A_901 = tpu.vector_load %arg11[%get3A_899, %get3A_900] {strides = array<i32>} : memref<80x64xi32, #tpu.memory_space<vmem>>, vector<16xi32>,
        %bitcast3A_902 = vector.bitcast %get3A_901 : vector<16xi32> to vector<32xbf16>
        %mul3A_903 = arith.mulf %bitcast3A_898, %bitcast3A_902 : vector<32xbf16>
        %unpack3A_904 = tpu.unpack_subelements %mul3A_903, 0 {pack_format = #tpu.pack_format<interleaved>} : vector<32xbf16> -> vector<16xf32>
        %unpack3A_905 = tpu.unpack_subelements %mul3A_903, 1 {pack_format = #tpu.pack_format<interleaved>} : vector<32xbf16> -> vector<16xf32>
        %add3A_906 = arith.addf %add3A_893, %unpack3A_904 : vector<16xf32>
        %add3A_907 = arith.addf %add3A_894, %unpack3A_905 : vector<16xf32>
        %add3A_908 = arith.addf %add3A_906, %add3A_907 : vector<16xf32>
        %reduce_sum3A_909 = arith.constant true
        %reduce_sum3A_910 = vector.broadcast %reduce_sum3A_909 : i1 to vector<16xi1>
        %reduce_sum3A_911 = tpu.scan <sum>, %add3A_908 masked %reduce_sum3A_910 : vector<16xf32>, vector<16xi1> -> vector<16xf32>
        %reduce_sum3A_912 = vector.extract %reduce_sum3A_911[15] : f32 from vector<16xf32>
        %broadcast_in_dim3A_913 = vector.broadcast %reduce_sum3A_912 : f32 to vector<16xf32>
        %select_n3A_914 = arith.select %eq3A_855, %broadcast_in_dim3A_913, %select_n3A_852 : vector<16xi1>, vector<16xf32>
        %eq3A_915 = arith.constant 13 : i32
        %eq3A_916 = vector.broadcast %eq3A_915 : i32 to vector<16xi32>
        %eq3A_917 = arith.cmpi eq, %iota3A, %eq3A_916 : vector<16xi32>
        %add3A_918 = arith.constant 13 : i32
        %add3A_919 = arith.addi %multiple_of3A, %add3A_918 : i32
        %get3A_920 = arith.index_cast %add3A_919 : i32 to index
        %get3A_921 = arith.constant 0 : index
        %get3A_922 = tpu.vector_load %arg10[%get3A_920, %get3A_921] {strides = array<i32>} : memref<80x64xi32, #tpu.memory_space<vmem>>, vector<16xi32>,
        %bitcast3A_923 = vector.bitcast %get3A_922 : vector<16xi32> to vector<32xbf16>
        %get3A_924 = arith.index_cast %add3A_919 : i32 to index
        %get3A_925 = arith.constant 0 : index
        %get3A_926 = tpu.vector_load %arg11[%get3A_924, %get3A_925] {strides = array<i32>} : memref<80x64xi32, #tpu.memory_space<vmem>>, vector<16xi32>,
        %bitcast3A_927 = vector.bitcast %get3A_926 : vector<16xi32> to vector<32xbf16>
        %mul3A_928 = arith.mulf %bitcast3A_923, %bitcast3A_927 : vector<32xbf16>
        %unpack3A_929 = tpu.unpack_subelements %mul3A_928, 0 {pack_format = #tpu.pack_format<interleaved>} : vector<32xbf16> -> vector<16xf32>
        %unpack3A_930 = tpu.unpack_subelements %mul3A_928, 1 {pack_format = #tpu.pack_format<interleaved>} : vector<32xbf16> -> vector<16xf32>
        %get3A_931 = arith.index_cast %add3A_919 : i32 to index
        %get3A_932 = arith.constant 16 : index
        %get3A_933 = tpu.vector_load %arg10[%get3A_931, %get3A_932] {strides = array<i32>} : memref<80x64xi32, #tpu.memory_space<vmem>>, vector<16xi32>,
        %bitcast3A_934 = vector.bitcast %get3A_933 : vector<16xi32> to vector<32xbf16>
        %get3A_935 = arith.index_cast %add3A_919 : i32 to index
        %get3A_936 = arith.constant 16 : index
        %get3A_937 = tpu.vector_load %arg11[%get3A_935, %get3A_936] {strides = array<i32>} : memref<80x64xi32, #tpu.memory_space<vmem>>, vector<16xi32>,
        %bitcast3A_938 = vector.bitcast %get3A_937 : vector<16xi32> to vector<32xbf16>
        %mul3A_939 = arith.mulf %bitcast3A_934, %bitcast3A_938 : vector<32xbf16>
        %unpack3A_940 = tpu.unpack_subelements %mul3A_939, 0 {pack_format = #tpu.pack_format<interleaved>} : vector<32xbf16> -> vector<16xf32>
        %unpack3A_941 = tpu.unpack_subelements %mul3A_939, 1 {pack_format = #tpu.pack_format<interleaved>} : vector<32xbf16> -> vector<16xf32>
        %add3A_942 = arith.addf %unpack3A_929, %unpack3A_940 : vector<16xf32>
        %add3A_943 = arith.addf %unpack3A_930, %unpack3A_941 : vector<16xf32>
        %get3A_944 = arith.index_cast %add3A_919 : i32 to index
        %get3A_945 = arith.constant 32 : index
        %get3A_946 = tpu.vector_load %arg10[%get3A_944, %get3A_945] {strides = array<i32>} : memref<80x64xi32, #tpu.memory_space<vmem>>, vector<16xi32>,
        %bitcast3A_947 = vector.bitcast %get3A_946 : vector<16xi32> to vector<32xbf16>
        %get3A_948 = arith.index_cast %add3A_919 : i32 to index
        %get3A_949 = arith.constant 32 : index
        %get3A_950 = tpu.vector_load %arg11[%get3A_948, %get3A_949] {strides = array<i32>} : memref<80x64xi32, #tpu.memory_space<vmem>>, vector<16xi32>,
        %bitcast3A_951 = vector.bitcast %get3A_950 : vector<16xi32> to vector<32xbf16>
        %mul3A_952 = arith.mulf %bitcast3A_947, %bitcast3A_951 : vector<32xbf16>
        %unpack3A_953 = tpu.unpack_subelements %mul3A_952, 0 {pack_format = #tpu.pack_format<interleaved>} : vector<32xbf16> -> vector<16xf32>
        %unpack3A_954 = tpu.unpack_subelements %mul3A_952, 1 {pack_format = #tpu.pack_format<interleaved>} : vector<32xbf16> -> vector<16xf32>
        %add3A_955 = arith.addf %add3A_942, %unpack3A_953 : vector<16xf32>
        %add3A_956 = arith.addf %add3A_943, %unpack3A_954 : vector<16xf32>
        %get3A_957 = arith.index_cast %add3A_919 : i32 to index
        %get3A_958 = arith.constant 48 : index
        %get3A_959 = tpu.vector_load %arg10[%get3A_957, %get3A_958] {strides = array<i32>} : memref<80x64xi32, #tpu.memory_space<vmem>>, vector<16xi32>,
        %bitcast3A_960 = vector.bitcast %get3A_959 : vector<16xi32> to vector<32xbf16>
        %get3A_961 = arith.index_cast %add3A_919 : i32 to index
        %get3A_962 = arith.constant 48 : index
        %get3A_963 = tpu.vector_load %arg11[%get3A_961, %get3A_962] {strides = array<i32>} : memref<80x64xi32, #tpu.memory_space<vmem>>, vector<16xi32>,
        %bitcast3A_964 = vector.bitcast %get3A_963 : vector<16xi32> to vector<32xbf16>
        %mul3A_965 = arith.mulf %bitcast3A_960, %bitcast3A_964 : vector<32xbf16>
        %unpack3A_966 = tpu.unpack_subelements %mul3A_965, 0 {pack_format = #tpu.pack_format<interleaved>} : vector<32xbf16> -> vector<16xf32>
        %unpack3A_967 = tpu.unpack_subelements %mul3A_965, 1 {pack_format = #tpu.pack_format<interleaved>} : vector<32xbf16> -> vector<16xf32>
        %add3A_968 = arith.addf %add3A_955, %unpack3A_966 : vector<16xf32>
        %add3A_969 = arith.addf %add3A_956, %unpack3A_967 : vector<16xf32>
        %add3A_970 = arith.addf %add3A_968, %add3A_969 : vector<16xf32>
        %reduce_sum3A_971 = arith.constant true
        %reduce_sum3A_972 = vector.broadcast %reduce_sum3A_971 : i1 to vector<16xi1>
        %reduce_sum3A_973 = tpu.scan <sum>, %add3A_970 masked %reduce_sum3A_972 : vector<16xf32>, vector<16xi1> -> vector<16xf32>
        %reduce_sum3A_974 = vector.extract %reduce_sum3A_973[15] : f32 from vector<16xf32>
        %broadcast_in_dim3A_975 = vector.broadcast %reduce_sum3A_974 : f32 to vector<16xf32>
        %select_n3A_976 = arith.select %eq3A_917, %broadcast_in_dim3A_975, %select_n3A_914 : vector<16xi1>, vector<16xf32>
        %eq3A_977 = arith.constant 14 : i32
        %eq3A_978 = vector.broadcast %eq3A_977 : i32 to vector<16xi32>
        %eq3A_979 = arith.cmpi eq, %iota3A, %eq3A_978 : vector<16xi32>
        %add3A_980 = arith.constant 14 : i32
        %add3A_981 = arith.addi %multiple_of3A, %add3A_980 : i32
        %get3A_982 = arith.index_cast %add3A_981 : i32 to index
        %get3A_983 = arith.constant 0 : index
        %get3A_984 = tpu.vector_load %arg10[%get3A_982, %get3A_983] {strides = array<i32>} : memref<80x64xi32, #tpu.memory_space<vmem>>, vector<16xi32>,
        %bitcast3A_985 = vector.bitcast %get3A_984 : vector<16xi32> to vector<32xbf16>
        %get3A_986 = arith.index_cast %add3A_981 : i32 to index
        %get3A_987 = arith.constant 0 : index
        %get3A_988 = tpu.vector_load %arg11[%get3A_986, %get3A_987] {strides = array<i32>} : memref<80x64xi32, #tpu.memory_space<vmem>>, vector<16xi32>,
        %bitcast3A_989 = vector.bitcast %get3A_988 : vector<16xi32> to vector<32xbf16>
        %mul3A_990 = arith.mulf %bitcast3A_985, %bitcast3A_989 : vector<32xbf16>
        %unpack3A_991 = tpu.unpack_subelements %mul3A_990, 0 {pack_format = #tpu.pack_format<interleaved>} : vector<32xbf16> -> vector<16xf32>
        %unpack3A_992 = tpu.unpack_subelements %mul3A_990, 1 {pack_format = #tpu.pack_format<interleaved>} : vector<32xbf16> -> vector<16xf32>
        %get3A_993 = arith.index_cast %add3A_981 : i32 to index
        %get3A_994 = arith.constant 16 : index
        %get3A_995 = tpu.vector_load %arg10[%get3A_993, %get3A_994] {strides = array<i32>} : memref<80x64xi32, #tpu.memory_space<vmem>>, vector<16xi32>,
        %bitcast3A_996 = vector.bitcast %get3A_995 : vector<16xi32> to vector<32xbf16>
        %get3A_997 = arith.index_cast %add3A_981 : i32 to index
        %get3A_998 = arith.constant 16 : index
        %get3A_999 = tpu.vector_load %arg11[%get3A_997, %get3A_998] {strides = array<i32>} : memref<80x64xi32, #tpu.memory_space<vmem>>, vector<16xi32>,
        %bitcast3A_1000 = vector.bitcast %get3A_999 : vector<16xi32> to vector<32xbf16>
        %mul3A_1001 = arith.mulf %bitcast3A_996, %bitcast3A_1000 : vector<32xbf16>
        %unpack3A_1002 = tpu.unpack_subelements %mul3A_1001, 0 {pack_format = #tpu.pack_format<interleaved>} : vector<32xbf16> -> vector<16xf32>
        %unpack3A_1003 = tpu.unpack_subelements %mul3A_1001, 1 {pack_format = #tpu.pack_format<interleaved>} : vector<32xbf16> -> vector<16xf32>
        %add3A_1004 = arith.addf %unpack3A_991, %unpack3A_1002 : vector<16xf32>
        %add3A_1005 = arith.addf %unpack3A_992, %unpack3A_1003 : vector<16xf32>
        %get3A_1006 = arith.index_cast %add3A_981 : i32 to index
        %get3A_1007 = arith.constant 32 : index
        %get3A_1008 = tpu.vector_load %arg10[%get3A_1006, %get3A_1007] {strides = array<i32>} : memref<80x64xi32, #tpu.memory_space<vmem>>, vector<16xi32>,
        %bitcast3A_1009 = vector.bitcast %get3A_1008 : vector<16xi32> to vector<32xbf16>
        %get3A_1010 = arith.index_cast %add3A_981 : i32 to index
        %get3A_1011 = arith.constant 32 : index
        %get3A_1012 = tpu.vector_load %arg11[%get3A_1010, %get3A_1011] {strides = array<i32>} : memref<80x64xi32, #tpu.memory_space<vmem>>, vector<16xi32>,
        %bitcast3A_1013 = vector.bitcast %get3A_1012 : vector<16xi32> to vector<32xbf16>
        %mul3A_1014 = arith.mulf %bitcast3A_1009, %bitcast3A_1013 : vector<32xbf16>
        %unpack3A_1015 = tpu.unpack_subelements %mul3A_1014, 0 {pack_format = #tpu.pack_format<interleaved>} : vector<32xbf16> -> vector<16xf32>
        %unpack3A_1016 = tpu.unpack_subelements %mul3A_1014, 1 {pack_format = #tpu.pack_format<interleaved>} : vector<32xbf16> -> vector<16xf32>
        %add3A_1017 = arith.addf %add3A_1004, %unpack3A_1015 : vector<16xf32>
        %add3A_1018 = arith.addf %add3A_1005, %unpack3A_1016 : vector<16xf32>
        %get3A_1019 = arith.index_cast %add3A_981 : i32 to index
        %get3A_1020 = arith.constant 48 : index
        %get3A_1021 = tpu.vector_load %arg10[%get3A_1019, %get3A_1020] {strides = array<i32>} : memref<80x64xi32, #tpu.memory_space<vmem>>, vector<16xi32>,
        %bitcast3A_1022 = vector.bitcast %get3A_1021 : vector<16xi32> to vector<32xbf16>
        %get3A_1023 = arith.index_cast %add3A_981 : i32 to index
        %get3A_1024 = arith.constant 48 : index
        %get3A_1025 = tpu.vector_load %arg11[%get3A_1023, %get3A_1024] {strides = array<i32>} : memref<80x64xi32, #tpu.memory_space<vmem>>, vector<16xi32>,
        %bitcast3A_1026 = vector.bitcast %get3A_1025 : vector<16xi32> to vector<32xbf16>
        %mul3A_1027 = arith.mulf %bitcast3A_1022, %bitcast3A_1026 : vector<32xbf16>
        %unpack3A_1028 = tpu.unpack_subelements %mul3A_1027, 0 {pack_format = #tpu.pack_format<interleaved>} : vector<32xbf16> -> vector<16xf32>
        %unpack3A_1029 = tpu.unpack_subelements %mul3A_1027, 1 {pack_format = #tpu.pack_format<interleaved>} : vector<32xbf16> -> vector<16xf32>
        %add3A_1030 = arith.addf %add3A_1017, %unpack3A_1028 : vector<16xf32>
        %add3A_1031 = arith.addf %add3A_1018, %unpack3A_1029 : vector<16xf32>
        %add3A_1032 = arith.addf %add3A_1030, %add3A_1031 : vector<16xf32>
        %reduce_sum3A_1033 = arith.constant true
        %reduce_sum3A_1034 = vector.broadcast %reduce_sum3A_1033 : i1 to vector<16xi1>
        %reduce_sum3A_1035 = tpu.scan <sum>, %add3A_1032 masked %reduce_sum3A_1034 : vector<16xf32>, vector<16xi1> -> vector<16xf32>
        %reduce_sum3A_1036 = vector.extract %reduce_sum3A_1035[15] : f32 from vector<16xf32>
        %broadcast_in_dim3A_1037 = vector.broadcast %reduce_sum3A_1036 : f32 to vector<16xf32>
        %select_n3A_1038 = arith.select %eq3A_979, %broadcast_in_dim3A_1037, %select_n3A_976 : vector<16xi1>, vector<16xf32>
        %eq3A_1039 = arith.constant 15 : i32
        %eq3A_1040 = vector.broadcast %eq3A_1039 : i32 to vector<16xi32>
        %eq3A_1041 = arith.cmpi eq, %iota3A, %eq3A_1040 : vector<16xi32>
        %add3A_1042 = arith.constant 15 : i32
        %add3A_1043 = arith.addi %multiple_of3A, %add3A_1042 : i32
        %get3A_1044 = arith.index_cast %add3A_1043 : i32 to index
        %get3A_1045 = arith.constant 0 : index
        %get3A_1046 = tpu.vector_load %arg10[%get3A_1044, %get3A_1045] {strides = array<i32>} : memref<80x64xi32, #tpu.memory_space<vmem>>, vector<16xi32>,
        %bitcast3A_1047 = vector.bitcast %get3A_1046 : vector<16xi32> to vector<32xbf16>
        %get3A_1048 = arith.index_cast %add3A_1043 : i32 to index
        %get3A_1049 = arith.constant 0 : index
        %get3A_1050 = tpu.vector_load %arg11[%get3A_1048, %get3A_1049] {strides = array<i32>} : memref<80x64xi32, #tpu.memory_space<vmem>>, vector<16xi32>,
        %bitcast3A_1051 = vector.bitcast %get3A_1050 : vector<16xi32> to vector<32xbf16>
        %mul3A_1052 = arith.mulf %bitcast3A_1047, %bitcast3A_1051 : vector<32xbf16>
        %unpack3A_1053 = tpu.unpack_subelements %mul3A_1052, 0 {pack_format = #tpu.pack_format<interleaved>} : vector<32xbf16> -> vector<16xf32>
        %unpack3A_1054 = tpu.unpack_subelements %mul3A_1052, 1 {pack_format = #tpu.pack_format<interleaved>} : vector<32xbf16> -> vector<16xf32>
        %get3A_1055 = arith.index_cast %add3A_1043 : i32 to index
        %get3A_1056 = arith.constant 16 : index
        %get3A_1057 = tpu.vector_load %arg10[%get3A_1055, %get3A_1056] {strides = array<i32>} : memref<80x64xi32, #tpu.memory_space<vmem>>, vector<16xi32>,
        %bitcast3A_1058 = vector.bitcast %get3A_1057 : vector<16xi32> to vector<32xbf16>
        %get3A_1059 = arith.index_cast %add3A_1043 : i32 to index
        %get3A_1060 = arith.constant 16 : index
        %get3A_1061 = tpu.vector_load %arg11[%get3A_1059, %get3A_1060] {strides = array<i32>} : memref<80x64xi32, #tpu.memory_space<vmem>>, vector<16xi32>,
        %bitcast3A_1062 = vector.bitcast %get3A_1061 : vector<16xi32> to vector<32xbf16>
        %mul3A_1063 = arith.mulf %bitcast3A_1058, %bitcast3A_1062 : vector<32xbf16>
        %unpack3A_1064 = tpu.unpack_subelements %mul3A_1063, 0 {pack_format = #tpu.pack_format<interleaved>} : vector<32xbf16> -> vector<16xf32>
        %unpack3A_1065 = tpu.unpack_subelements %mul3A_1063, 1 {pack_format = #tpu.pack_format<interleaved>} : vector<32xbf16> -> vector<16xf32>
        %add3A_1066 = arith.addf %unpack3A_1053, %unpack3A_1064 : vector<16xf32>
        %add3A_1067 = arith.addf %unpack3A_1054, %unpack3A_1065 : vector<16xf32>
        %get3A_1068 = arith.index_cast %add3A_1043 : i32 to index
        %get3A_1069 = arith.constant 32 : index
        %get3A_1070 = tpu.vector_load %arg10[%get3A_1068, %get3A_1069] {strides = array<i32>} : memref<80x64xi32, #tpu.memory_space<vmem>>, vector<16xi32>,
        %bitcast3A_1071 = vector.bitcast %get3A_1070 : vector<16xi32> to vector<32xbf16>
        %get3A_1072 = arith.index_cast %add3A_1043 : i32 to index
        %get3A_1073 = arith.constant 32 : index
        %get3A_1074 = tpu.vector_load %arg11[%get3A_1072, %get3A_1073] {strides = array<i32>} : memref<80x64xi32, #tpu.memory_space<vmem>>, vector<16xi32>,
        %bitcast3A_1075 = vector.bitcast %get3A_1074 : vector<16xi32> to vector<32xbf16>
        %mul3A_1076 = arith.mulf %bitcast3A_1071, %bitcast3A_1075 : vector<32xbf16>
        %unpack3A_1077 = tpu.unpack_subelements %mul3A_1076, 0 {pack_format = #tpu.pack_format<interleaved>} : vector<32xbf16> -> vector<16xf32>
        %unpack3A_1078 = tpu.unpack_subelements %mul3A_1076, 1 {pack_format = #tpu.pack_format<interleaved>} : vector<32xbf16> -> vector<16xf32>
        %add3A_1079 = arith.addf %add3A_1066, %unpack3A_1077 : vector<16xf32>
        %add3A_1080 = arith.addf %add3A_1067, %unpack3A_1078 : vector<16xf32>
        %get3A_1081 = arith.index_cast %add3A_1043 : i32 to index
        %get3A_1082 = arith.constant 48 : index
        %get3A_1083 = tpu.vector_load %arg10[%get3A_1081, %get3A_1082] {strides = array<i32>} : memref<80x64xi32, #tpu.memory_space<vmem>>, vector<16xi32>,
        %bitcast3A_1084 = vector.bitcast %get3A_1083 : vector<16xi32> to vector<32xbf16>
        %get3A_1085 = arith.index_cast %add3A_1043 : i32 to index
        %get3A_1086 = arith.constant 48 : index
        %get3A_1087 = tpu.vector_load %arg11[%get3A_1085, %get3A_1086] {strides = array<i32>} : memref<80x64xi32, #tpu.memory_space<vmem>>, vector<16xi32>,
        %bitcast3A_1088 = vector.bitcast %get3A_1087 : vector<16xi32> to vector<32xbf16>
        %mul3A_1089 = arith.mulf %bitcast3A_1084, %bitcast3A_1088 : vector<32xbf16>
        %unpack3A_1090 = tpu.unpack_subelements %mul3A_1089, 0 {pack_format = #tpu.pack_format<interleaved>} : vector<32xbf16> -> vector<16xf32>
        %unpack3A_1091 = tpu.unpack_subelements %mul3A_1089, 1 {pack_format = #tpu.pack_format<interleaved>} : vector<32xbf16> -> vector<16xf32>
        %add3A_1092 = arith.addf %add3A_1079, %unpack3A_1090 : vector<16xf32>
        %add3A_1093 = arith.addf %add3A_1080, %unpack3A_1091 : vector<16xf32>
        %add3A_1094 = arith.addf %add3A_1092, %add3A_1093 : vector<16xf32>
        %reduce_sum3A_1095 = arith.constant true
        %reduce_sum3A_1096 = vector.broadcast %reduce_sum3A_1095 : i1 to vector<16xi1>
        %reduce_sum3A_1097 = tpu.scan <sum>, %add3A_1094 masked %reduce_sum3A_1096 : vector<16xf32>, vector<16xi1> -> vector<16xf32>
        %reduce_sum3A_1098 = vector.extract %reduce_sum3A_1097[15] : f32 from vector<16xf32>
        %broadcast_in_dim3A_1099 = vector.broadcast %reduce_sum3A_1098 : f32 to vector<16xf32>
        %select_n3A_1100 = arith.select %eq3A_1041, %broadcast_in_dim3A_1099, %select_n3A_1038 : vector<16xi1>, vector<16xf32>
        %swap3A = arith.index_cast %add3A_58 : i32 to index
        %swap3A_1101 = arith.index_cast %multiple_of3A : i32 to index
        %swap3A_1102 = tpu.vector_load %arg9[%swap3A, %swap3A_1101] {strides = array<i32>} : memref<125x80xf32, #tpu.memory_space<vmem>>, vector<16xf32>,
        tpu.vector_store %arg9[%swap3A, %swap3A_1101], %select_n3A_1100 {strides = array<i32>} : memref<125x80xf32, #tpu.memory_space<vmem>>, vector<16xf32>,
      }
      %scan3A_76 = arith.constant 5 : i32
      %add3A_77 = arith.constant 2 : i32
      %add3A_78 = arith.addi %add3A_58, %add3A_77 : i32
      %lt3A = arith.constant 125 : i32
      %lt3A_79 = arith.cmpi slt, %add3A_78, %lt3A : i32
      %convert_element_type3A_80 = arith.extui %lt3A_79 : i1 to i32
      %cond3A_81 = arith.constant 0 : i32
      %cond3A_82 = arith.cmpi ne, %convert_element_type3A_80, %cond3A_81 : i32
      scf.if %cond3A_82 {
        %add3A_110 = arith.constant 2 : i32
        %add3A_111 = arith.addi %add3A_58, %add3A_110 : i32
        %dma_start3A_112 = arith.constant 0 : i32
        %dma_start3A_113 = tpu.memref_slice %arg7[%add3A_111, %dma_start3A_112] : memref<125x80xi32, #tpu.memory_space<vmem>> -> memref<1x80xi32, #tpu.memory_space<vmem>>
        %dma_start3A_114 = tpu.memref_squeeze %dma_start3A_113 : memref<1x80xi32, #tpu.memory_space<vmem>> -> memref<80xi32, #tpu.memory_space<vmem>>
        %dma_start3A_115 = arith.constant 0 : i32
        %dma_start3A_116 = arith.constant 0 : i32
        %dma_start3A_117 = tpu.memref_slice %arg6[%dma_start3A_115, %dma_start3A_116] : memref<10000x64xi32, #tpu.memory_space<vmem_shared>> -> memref<10000x64xi32, #tpu.memory_space<vmem_shared>>
        tpu.enqueue_indirect_dma source(%dma_start3A_117 : memref<10000x64xi32, #tpu.memory_space<vmem_shared>>) target(%arg10 : memref<80x64xi32, #tpu.memory_space<vmem>>) offsets(%dma_start3A_114 : memref<80xi32, #tpu.memory_space<vmem>>) semaphore(%arg12 : memref<!tpu.dma_semaphore, #tpu.memory_space<semaphore_mem>>)
        %dma_start3A_118 = arith.constant 0 : i32
        %dma_start3A_119 = tpu.memref_slice %arg8[%add3A_111, %dma_start3A_118] : memref<125x80xi32, #tpu.memory_space<vmem>> -> memref<1x80xi32, #tpu.memory_space<vmem>>
        %dma_start3A_120 = tpu.memref_squeeze %dma_start3A_119 : memref<1x80xi32, #tpu.memory_space<vmem>> -> memref<80xi32, #tpu.memory_space<vmem>>
        %dma_start3A_121 = arith.constant 0 : i32
        %dma_start3A_122 = arith.constant 0 : i32
        %dma_start3A_123 = tpu.memref_slice %arg6[%dma_start3A_121, %dma_start3A_122] : memref<10000x64xi32, #tpu.memory_space<vmem_shared>> -> memref<10000x64xi32, #tpu.memory_space<vmem_shared>>
        tpu.enqueue_indirect_dma source(%dma_start3A_123 : memref<10000x64xi32, #tpu.memory_space<vmem_shared>>) target(%arg11 : memref<80x64xi32, #tpu.memory_space<vmem>>) offsets(%dma_start3A_120 : memref<80xi32, #tpu.memory_space<vmem>>) semaphore(%arg12 : memref<!tpu.dma_semaphore, #tpu.memory_space<semaphore_mem>>)
      } else {
      }
      %add3A_83 = arith.constant 1 : i32
      %add3A_84 = arith.addi %mul3A_56, %add3A_83 : i32
      %dma_wait3A_85 = arith.constant 0 : i32
      %dma_wait3A_86 = tpu.memref_slice %arg7[%add3A_84, %dma_wait3A_85] : memref<125x80xi32, #tpu.memory_space<vmem>> -> memref<1x80xi32, #tpu.memory_space<vmem>>
      %dma_wait3A_87 = tpu.memref_squeeze %dma_wait3A_86 : memref<1x80xi32, #tpu.memory_space<vmem>> -> memref<80xi32, #tpu.memory_space<vmem>>
      %dma_wait3A_88 = arith.constant 0 : i32
      %dma_wait3A_89 = arith.constant 0 : i32
      %dma_wait3A_90 = tpu.memref_slice %arg6[%dma_wait3A_88, %dma_wait3A_89] : memref<10000x64xi32, #tpu.memory_space<vmem_shared>> -> memref<10000x64xi32, #tpu.memory_space<vmem_shared>>
      tpu.wait_indirect_dma semaphore(%arg15 : memref<!tpu.dma_semaphore, #tpu.memory_space<semaphore_mem>>) src(%dma_wait3A_90 : memref<10000x64xi32, #tpu.memory_space<vmem_shared>>) dst(%arg13 : memref<80x64xi32, #tpu.memory_space<vmem>>)
      %dma_wait3A_91 = arith.constant 0 : i32
      %dma_wait3A_92 = tpu.memref_slice %arg8[%add3A_84, %dma_wait3A_91] : memref<125x80xi32, #tpu.memory_space<vmem>> -> memref<1x80xi32, #tpu.memory_space<vmem>>
      %dma_wait3A_93 = tpu.memref_squeeze %dma_wait3A_92 : memref<1x80xi32, #tpu.memory_space<vmem>> -> memref<80xi32, #tpu.memory_space<vmem>>
      %dma_wait3A_94 = arith.constant 0 : i32
      %dma_wait3A_95 = arith.constant 0 : i32
      %dma_wait3A_96 = tpu.memref_slice %arg6[%dma_wait3A_94, %dma_wait3A_95] : memref<10000x64xi32, #tpu.memory_space<vmem_shared>> -> memref<10000x64xi32, #tpu.memory_space<vmem_shared>>
      tpu.wait_indirect_dma semaphore(%arg15 : memref<!tpu.dma_semaphore, #tpu.memory_space<semaphore_mem>>) src(%dma_wait3A_96 : memref<10000x64xi32, #tpu.memory_space<vmem_shared>>) dst(%arg14 : memref<80x64xi32, #tpu.memory_space<vmem>>)
      %scan3A_97 = arith.constant 0 : i32
      %scan3A_98 = arith.constant 0 : i32
      %scan3A_99 = arith.constant 5 : i32
      %scan3A_100 = arith.addi %scan3A_98, %scan3A_99 : i32
      %scan3A_101 = arith.constant 1 : i32
      scf.for %scan3A_110 = %scan3A_98 to %scan3A_100 step %scan3A_101  : i32 {
        %mul3A_111 = arith.constant 16 : i32
        %mul3A_112 = arith.muli %scan3A_110, %mul3A_111 : i32
        %multiple_of3A = tpu.assume_multiple %mul3A_112, 16 : i32
        %broadcast_in_dim3A = arith.constant 0.000000e+00 : f32
        %broadcast_in_dim3A_113 = vector.broadcast %broadcast_in_dim3A : f32 to vector<16xf32>
        %eq3A_114 = arith.constant 0 : i32
        %eq3A_115 = vector.broadcast %eq3A_114 : i32 to vector<16xi32>
        %eq3A_116 = arith.cmpi eq, %iota3A, %eq3A_115 : vector<16xi32>
        %add3A_117 = arith.constant 0 : i32
        %add3A_118 = arith.addi %multiple_of3A, %add3A_117 : i32
        %get3A = arith.index_cast %add3A_118 : i32 to index
        %get3A_119 = arith.constant 0 : index
        %get3A_120 = tpu.vector_load %arg13[%get3A, %get3A_119] {strides = array<i32>} : memref<80x64xi32, #tpu.memory_space<vmem>>, vector<16xi32>,
        %bitcast3A = vector.bitcast %get3A_120 : vector<16xi32> to vector<32xbf16>
        %get3A_121 = arith.index_cast %add3A_118 : i32 to index
        %get3A_122 = arith.constant 0 : index
        %get3A_123 = tpu.vector_load %arg14[%get3A_121, %get3A_122] {strides = array<i32>} : memref<80x64xi32, #tpu.memory_space<vmem>>, vector<16xi32>,
        %bitcast3A_124 = vector.bitcast %get3A_123 : vector<16xi32> to vector<32xbf16>
        %mul3A_125 = arith.mulf %bitcast3A, %bitcast3A_124 : vector<32xbf16>
        %unpack3A = tpu.unpack_subelements %mul3A_125, 0 {pack_format = #tpu.pack_format<interleaved>} : vector<32xbf16> -> vector<16xf32>
        %unpack3A_126 = tpu.unpack_subelements %mul3A_125, 1 {pack_format = #tpu.pack_format<interleaved>} : vector<32xbf16> -> vector<16xf32>
        %get3A_127 = arith.index_cast %add3A_118 : i32 to index
        %get3A_128 = arith.constant 16 : index
        %get3A_129 = tpu.vector_load %arg13[%get3A_127, %get3A_128] {strides = array<i32>} : memref<80x64xi32, #tpu.memory_space<vmem>>, vector<16xi32>,
        %bitcast3A_130 = vector.bitcast %get3A_129 : vector<16xi32> to vector<32xbf16>
        %get3A_131 = arith.index_cast %add3A_118 : i32 to index
        %get3A_132 = arith.constant 16 : index
        %get3A_133 = tpu.vector_load %arg14[%get3A_131, %get3A_132] {strides = array<i32>} : memref<80x64xi32, #tpu.memory_space<vmem>>, vector<16xi32>,
        %bitcast3A_134 = vector.bitcast %get3A_133 : vector<16xi32> to vector<32xbf16>
        %mul3A_135 = arith.mulf %bitcast3A_130, %bitcast3A_134 : vector<32xbf16>
        %unpack3A_136 = tpu.unpack_subelements %mul3A_135, 0 {pack_format = #tpu.pack_format<interleaved>} : vector<32xbf16> -> vector<16xf32>
        %unpack3A_137 = tpu.unpack_subelements %mul3A_135, 1 {pack_format = #tpu.pack_format<interleaved>} : vector<32xbf16> -> vector<16xf32>
        %add3A_138 = arith.addf %unpack3A, %unpack3A_136 : vector<16xf32>
        %add3A_139 = arith.addf %unpack3A_126, %unpack3A_137 : vector<16xf32>
        %get3A_140 = arith.index_cast %add3A_118 : i32 to index
        %get3A_141 = arith.constant 32 : index
        %get3A_142 = tpu.vector_load %arg13[%get3A_140, %get3A_141] {strides = array<i32>} : memref<80x64xi32, #tpu.memory_space<vmem>>, vector<16xi32>,
        %bitcast3A_143 = vector.bitcast %get3A_142 : vector<16xi32> to vector<32xbf16>
        %get3A_144 = arith.index_cast %add3A_118 : i32 to index
        %get3A_145 = arith.constant 32 : index
        %get3A_146 = tpu.vector_load %arg14[%get3A_144, %get3A_145] {strides = array<i32>} : memref<80x64xi32, #tpu.memory_space<vmem>>, vector<16xi32>,
        %bitcast3A_147 = vector.bitcast %get3A_146 : vector<16xi32> to vector<32xbf16>
        %mul3A_148 = arith.mulf %bitcast3A_143, %bitcast3A_147 : vector<32xbf16>
        %unpack3A_149 = tpu.unpack_subelements %mul3A_148, 0 {pack_format = #tpu.pack_format<interleaved>} : vector<32xbf16> -> vector<16xf32>
        %unpack3A_150 = tpu.unpack_subelements %mul3A_148, 1 {pack_format = #tpu.pack_format<interleaved>} : vector<32xbf16> -> vector<16xf32>
        %add3A_151 = arith.addf %add3A_138, %unpack3A_149 : vector<16xf32>
        %add3A_152 = arith.addf %add3A_139, %unpack3A_150 : vector<16xf32>
        %get3A_153 = arith.index_cast %add3A_118 : i32 to index
        %get3A_154 = arith.constant 48 : index
        %get3A_155 = tpu.vector_load %arg13[%get3A_153, %get3A_154] {strides = array<i32>} : memref<80x64xi32, #tpu.memory_space<vmem>>, vector<16xi32>,
        %bitcast3A_156 = vector.bitcast %get3A_155 : vector<16xi32> to vector<32xbf16>
        %get3A_157 = arith.index_cast %add3A_118 : i32 to index
        %get3A_158 = arith.constant 48 : index
        %get3A_159 = tpu.vector_load %arg14[%get3A_157, %get3A_158] {strides = array<i32>} : memref<80x64xi32, #tpu.memory_space<vmem>>, vector<16xi32>,
        %bitcast3A_160 = vector.bitcast %get3A_159 : vector<16xi32> to vector<32xbf16>
        %mul3A_161 = arith.mulf %bitcast3A_156, %bitcast3A_160 : vector<32xbf16>
        %unpack3A_162 = tpu.unpack_subelements %mul3A_161, 0 {pack_format = #tpu.pack_format<interleaved>} : vector<32xbf16> -> vector<16xf32>
        %unpack3A_163 = tpu.unpack_subelements %mul3A_161, 1 {pack_format = #tpu.pack_format<interleaved>} : vector<32xbf16> -> vector<16xf32>
        %add3A_164 = arith.addf %add3A_151, %unpack3A_162 : vector<16xf32>
        %add3A_165 = arith.addf %add3A_152, %unpack3A_163 : vector<16xf32>
        %add3A_166 = arith.addf %add3A_164, %add3A_165 : vector<16xf32>
        %reduce_sum3A = arith.constant true
        %reduce_sum3A_167 = vector.broadcast %reduce_sum3A : i1 to vector<16xi1>
        %reduce_sum3A_168 = tpu.scan <sum>, %add3A_166 masked %reduce_sum3A_167 : vector<16xf32>, vector<16xi1> -> vector<16xf32>
        %reduce_sum3A_169 = vector.extract %reduce_sum3A_168[15] : f32 from vector<16xf32>
        %broadcast_in_dim3A_170 = vector.broadcast %reduce_sum3A_169 : f32 to vector<16xf32>
        %select_n3A = arith.select %eq3A_116, %broadcast_in_dim3A_170, %broadcast_in_dim3A_113 : vector<16xi1>, vector<16xf32>
        %eq3A_171 = arith.constant 1 : i32
        %eq3A_172 = vector.broadcast %eq3A_171 : i32 to vector<16xi32>
        %eq3A_173 = arith.cmpi eq, %iota3A, %eq3A_172 : vector<16xi32>
        %add3A_174 = arith.constant 1 : i32
        %add3A_175 = arith.addi %multiple_of3A, %add3A_174 : i32
        %get3A_176 = arith.index_cast %add3A_175 : i32 to index
        %get3A_177 = arith.constant 0 : index
        %get3A_178 = tpu.vector_load %arg13[%get3A_176, %get3A_177] {strides = array<i32>} : memref<80x64xi32, #tpu.memory_space<vmem>>, vector<16xi32>,
        %bitcast3A_179 = vector.bitcast %get3A_178 : vector<16xi32> to vector<32xbf16>
        %get3A_180 = arith.index_cast %add3A_175 : i32 to index
        %get3A_181 = arith.constant 0 : index
        %get3A_182 = tpu.vector_load %arg14[%get3A_180, %get3A_181] {strides = array<i32>} : memref<80x64xi32, #tpu.memory_space<vmem>>, vector<16xi32>,
        %bitcast3A_183 = vector.bitcast %get3A_182 : vector<16xi32> to vector<32xbf16>
        %mul3A_184 = arith.mulf %bitcast3A_179, %bitcast3A_183 : vector<32xbf16>
        %unpack3A_185 = tpu.unpack_subelements %mul3A_184, 0 {pack_format = #tpu.pack_format<interleaved>} : vector<32xbf16> -> vector<16xf32>
        %unpack3A_186 = tpu.unpack_subelements %mul3A_184, 1 {pack_format = #tpu.pack_format<interleaved>} : vector<32xbf16> -> vector<16xf32>
        %get3A_187 = arith.index_cast %add3A_175 : i32 to index
        %get3A_188 = arith.constant 16 : index
        %get3A_189 = tpu.vector_load %arg13[%get3A_187, %get3A_188] {strides = array<i32>} : memref<80x64xi32, #tpu.memory_space<vmem>>, vector<16xi32>,
        %bitcast3A_190 = vector.bitcast %get3A_189 : vector<16xi32> to vector<32xbf16>
        %get3A_191 = arith.index_cast %add3A_175 : i32 to index
        %get3A_192 = arith.constant 16 : index
        %get3A_193 = tpu.vector_load %arg14[%get3A_191, %get3A_192] {strides = array<i32>} : memref<80x64xi32, #tpu.memory_space<vmem>>, vector<16xi32>,
        %bitcast3A_194 = vector.bitcast %get3A_193 : vector<16xi32> to vector<32xbf16>
        %mul3A_195 = arith.mulf %bitcast3A_190, %bitcast3A_194 : vector<32xbf16>
        %unpack3A_196 = tpu.unpack_subelements %mul3A_195, 0 {pack_format = #tpu.pack_format<interleaved>} : vector<32xbf16> -> vector<16xf32>
        %unpack3A_197 = tpu.unpack_subelements %mul3A_195, 1 {pack_format = #tpu.pack_format<interleaved>} : vector<32xbf16> -> vector<16xf32>
        %add3A_198 = arith.addf %unpack3A_185, %unpack3A_196 : vector<16xf32>
        %add3A_199 = arith.addf %unpack3A_186, %unpack3A_197 : vector<16xf32>
        %get3A_200 = arith.index_cast %add3A_175 : i32 to index
        %get3A_201 = arith.constant 32 : index
        %get3A_202 = tpu.vector_load %arg13[%get3A_200, %get3A_201] {strides = array<i32>} : memref<80x64xi32, #tpu.memory_space<vmem>>, vector<16xi32>,
        %bitcast3A_203 = vector.bitcast %get3A_202 : vector<16xi32> to vector<32xbf16>
        %get3A_204 = arith.index_cast %add3A_175 : i32 to index
        %get3A_205 = arith.constant 32 : index
        %get3A_206 = tpu.vector_load %arg14[%get3A_204, %get3A_205] {strides = array<i32>} : memref<80x64xi32, #tpu.memory_space<vmem>>, vector<16xi32>,
        %bitcast3A_207 = vector.bitcast %get3A_206 : vector<16xi32> to vector<32xbf16>
        %mul3A_208 = arith.mulf %bitcast3A_203, %bitcast3A_207 : vector<32xbf16>
        %unpack3A_209 = tpu.unpack_subelements %mul3A_208, 0 {pack_format = #tpu.pack_format<interleaved>} : vector<32xbf16> -> vector<16xf32>
        %unpack3A_210 = tpu.unpack_subelements %mul3A_208, 1 {pack_format = #tpu.pack_format<interleaved>} : vector<32xbf16> -> vector<16xf32>
        %add3A_211 = arith.addf %add3A_198, %unpack3A_209 : vector<16xf32>
        %add3A_212 = arith.addf %add3A_199, %unpack3A_210 : vector<16xf32>
        %get3A_213 = arith.index_cast %add3A_175 : i32 to index
        %get3A_214 = arith.constant 48 : index
        %get3A_215 = tpu.vector_load %arg13[%get3A_213, %get3A_214] {strides = array<i32>} : memref<80x64xi32, #tpu.memory_space<vmem>>, vector<16xi32>,
        %bitcast3A_216 = vector.bitcast %get3A_215 : vector<16xi32> to vector<32xbf16>
        %get3A_217 = arith.index_cast %add3A_175 : i32 to index
        %get3A_218 = arith.constant 48 : index
        %get3A_219 = tpu.vector_load %arg14[%get3A_217, %get3A_218] {strides = array<i32>} : memref<80x64xi32, #tpu.memory_space<vmem>>, vector<16xi32>,
        %bitcast3A_220 = vector.bitcast %get3A_219 : vector<16xi32> to vector<32xbf16>
        %mul3A_221 = arith.mulf %bitcast3A_216, %bitcast3A_220 : vector<32xbf16>
        %unpack3A_222 = tpu.unpack_subelements %mul3A_221, 0 {pack_format = #tpu.pack_format<interleaved>} : vector<32xbf16> -> vector<16xf32>
        %unpack3A_223 = tpu.unpack_subelements %mul3A_221, 1 {pack_format = #tpu.pack_format<interleaved>} : vector<32xbf16> -> vector<16xf32>
        %add3A_224 = arith.addf %add3A_211, %unpack3A_222 : vector<16xf32>
        %add3A_225 = arith.addf %add3A_212, %unpack3A_223 : vector<16xf32>
        %add3A_226 = arith.addf %add3A_224, %add3A_225 : vector<16xf32>
        %reduce_sum3A_227 = arith.constant true
        %reduce_sum3A_228 = vector.broadcast %reduce_sum3A_227 : i1 to vector<16xi1>
        %reduce_sum3A_229 = tpu.scan <sum>, %add3A_226 masked %reduce_sum3A_228 : vector<16xf32>, vector<16xi1> -> vector<16xf32>
        %reduce_sum3A_230 = vector.extract %reduce_sum3A_229[15] : f32 from vector<16xf32>
        %broadcast_in_dim3A_231 = vector.broadcast %reduce_sum3A_230 : f32 to vector<16xf32>
        %select_n3A_232 = arith.select %eq3A_173, %broadcast_in_dim3A_231, %select_n3A : vector<16xi1>, vector<16xf32>
        %eq3A_233 = arith.constant 2 : i32
        %eq3A_234 = vector.broadcast %eq3A_233 : i32 to vector<16xi32>
        %eq3A_235 = arith.cmpi eq, %iota3A, %eq3A_234 : vector<16xi32>
        %add3A_236 = arith.constant 2 : i32
        %add3A_237 = arith.addi %multiple_of3A, %add3A_236 : i32
        %get3A_238 = arith.index_cast %add3A_237 : i32 to index
        %get3A_239 = arith.constant 0 : index
        %get3A_240 = tpu.vector_load %arg13[%get3A_238, %get3A_239] {strides = array<i32>} : memref<80x64xi32, #tpu.memory_space<vmem>>, vector<16xi32>,
        %bitcast3A_241 = vector.bitcast %get3A_240 : vector<16xi32> to vector<32xbf16>
        %get3A_242 = arith.index_cast %add3A_237 : i32 to index
        %get3A_243 = arith.constant 0 : index
        %get3A_244 = tpu.vector_load %arg14[%get3A_242, %get3A_243] {strides = array<i32>} : memref<80x64xi32, #tpu.memory_space<vmem>>, vector<16xi32>,
        %bitcast3A_245 = vector.bitcast %get3A_244 : vector<16xi32> to vector<32xbf16>
        %mul3A_246 = arith.mulf %bitcast3A_241, %bitcast3A_245 : vector<32xbf16>
        %unpack3A_247 = tpu.unpack_subelements %mul3A_246, 0 {pack_format = #tpu.pack_format<interleaved>} : vector<32xbf16> -> vector<16xf32>
        %unpack3A_248 = tpu.unpack_subelements %mul3A_246, 1 {pack_format = #tpu.pack_format<interleaved>} : vector<32xbf16> -> vector<16xf32>
        %get3A_249 = arith.index_cast %add3A_237 : i32 to index
        %get3A_250 = arith.constant 16 : index
        %get3A_251 = tpu.vector_load %arg13[%get3A_249, %get3A_250] {strides = array<i32>} : memref<80x64xi32, #tpu.memory_space<vmem>>, vector<16xi32>,
        %bitcast3A_252 = vector.bitcast %get3A_251 : vector<16xi32> to vector<32xbf16>
        %get3A_253 = arith.index_cast %add3A_237 : i32 to index
        %get3A_254 = arith.constant 16 : index
        %get3A_255 = tpu.vector_load %arg14[%get3A_253, %get3A_254] {strides = array<i32>} : memref<80x64xi32, #tpu.memory_space<vmem>>, vector<16xi32>,
        %bitcast3A_256 = vector.bitcast %get3A_255 : vector<16xi32> to vector<32xbf16>
        %mul3A_257 = arith.mulf %bitcast3A_252, %bitcast3A_256 : vector<32xbf16>
        %unpack3A_258 = tpu.unpack_subelements %mul3A_257, 0 {pack_format = #tpu.pack_format<interleaved>} : vector<32xbf16> -> vector<16xf32>
        %unpack3A_259 = tpu.unpack_subelements %mul3A_257, 1 {pack_format = #tpu.pack_format<interleaved>} : vector<32xbf16> -> vector<16xf32>
        %add3A_260 = arith.addf %unpack3A_247, %unpack3A_258 : vector<16xf32>
        %add3A_261 = arith.addf %unpack3A_248, %unpack3A_259 : vector<16xf32>
        %get3A_262 = arith.index_cast %add3A_237 : i32 to index
        %get3A_263 = arith.constant 32 : index
        %get3A_264 = tpu.vector_load %arg13[%get3A_262, %get3A_263] {strides = array<i32>} : memref<80x64xi32, #tpu.memory_space<vmem>>, vector<16xi32>,
        %bitcast3A_265 = vector.bitcast %get3A_264 : vector<16xi32> to vector<32xbf16>
        %get3A_266 = arith.index_cast %add3A_237 : i32 to index
        %get3A_267 = arith.constant 32 : index
        %get3A_268 = tpu.vector_load %arg14[%get3A_266, %get3A_267] {strides = array<i32>} : memref<80x64xi32, #tpu.memory_space<vmem>>, vector<16xi32>,
        %bitcast3A_269 = vector.bitcast %get3A_268 : vector<16xi32> to vector<32xbf16>
        %mul3A_270 = arith.mulf %bitcast3A_265, %bitcast3A_269 : vector<32xbf16>
        %unpack3A_271 = tpu.unpack_subelements %mul3A_270, 0 {pack_format = #tpu.pack_format<interleaved>} : vector<32xbf16> -> vector<16xf32>
        %unpack3A_272 = tpu.unpack_subelements %mul3A_270, 1 {pack_format = #tpu.pack_format<interleaved>} : vector<32xbf16> -> vector<16xf32>
        %add3A_273 = arith.addf %add3A_260, %unpack3A_271 : vector<16xf32>
        %add3A_274 = arith.addf %add3A_261, %unpack3A_272 : vector<16xf32>
        %get3A_275 = arith.index_cast %add3A_237 : i32 to index
        %get3A_276 = arith.constant 48 : index
        %get3A_277 = tpu.vector_load %arg13[%get3A_275, %get3A_276] {strides = array<i32>} : memref<80x64xi32, #tpu.memory_space<vmem>>, vector<16xi32>,
        %bitcast3A_278 = vector.bitcast %get3A_277 : vector<16xi32> to vector<32xbf16>
        %get3A_279 = arith.index_cast %add3A_237 : i32 to index
        %get3A_280 = arith.constant 48 : index
        %get3A_281 = tpu.vector_load %arg14[%get3A_279, %get3A_280] {strides = array<i32>} : memref<80x64xi32, #tpu.memory_space<vmem>>, vector<16xi32>,
        %bitcast3A_282 = vector.bitcast %get3A_281 : vector<16xi32> to vector<32xbf16>
        %mul3A_283 = arith.mulf %bitcast3A_278, %bitcast3A_282 : vector<32xbf16>
        %unpack3A_284 = tpu.unpack_subelements %mul3A_283, 0 {pack_format = #tpu.pack_format<interleaved>} : vector<32xbf16> -> vector<16xf32>
        %unpack3A_285 = tpu.unpack_subelements %mul3A_283, 1 {pack_format = #tpu.pack_format<interleaved>} : vector<32xbf16> -> vector<16xf32>
        %add3A_286 = arith.addf %add3A_273, %unpack3A_284 : vector<16xf32>
        %add3A_287 = arith.addf %add3A_274, %unpack3A_285 : vector<16xf32>
        %add3A_288 = arith.addf %add3A_286, %add3A_287 : vector<16xf32>
        %reduce_sum3A_289 = arith.constant true
        %reduce_sum3A_290 = vector.broadcast %reduce_sum3A_289 : i1 to vector<16xi1>
        %reduce_sum3A_291 = tpu.scan <sum>, %add3A_288 masked %reduce_sum3A_290 : vector<16xf32>, vector<16xi1> -> vector<16xf32>
        %reduce_sum3A_292 = vector.extract %reduce_sum3A_291[15] : f32 from vector<16xf32>
        %broadcast_in_dim3A_293 = vector.broadcast %reduce_sum3A_292 : f32 to vector<16xf32>
        %select_n3A_294 = arith.select %eq3A_235, %broadcast_in_dim3A_293, %select_n3A_232 : vector<16xi1>, vector<16xf32>
        %eq3A_295 = arith.constant 3 : i32
        %eq3A_296 = vector.broadcast %eq3A_295 : i32 to vector<16xi32>
        %eq3A_297 = arith.cmpi eq, %iota3A, %eq3A_296 : vector<16xi32>
        %add3A_298 = arith.constant 3 : i32
        %add3A_299 = arith.addi %multiple_of3A, %add3A_298 : i32
        %get3A_300 = arith.index_cast %add3A_299 : i32 to index
        %get3A_301 = arith.constant 0 : index
        %get3A_302 = tpu.vector_load %arg13[%get3A_300, %get3A_301] {strides = array<i32>} : memref<80x64xi32, #tpu.memory_space<vmem>>, vector<16xi32>,
        %bitcast3A_303 = vector.bitcast %get3A_302 : vector<16xi32> to vector<32xbf16>
        %get3A_304 = arith.index_cast %add3A_299 : i32 to index
        %get3A_305 = arith.constant 0 : index
        %get3A_306 = tpu.vector_load %arg14[%get3A_304, %get3A_305] {strides = array<i32>} : memref<80x64xi32, #tpu.memory_space<vmem>>, vector<16xi32>,
        %bitcast3A_307 = vector.bitcast %get3A_306 : vector<16xi32> to vector<32xbf16>
        %mul3A_308 = arith.mulf %bitcast3A_303, %bitcast3A_307 : vector<32xbf16>
        %unpack3A_309 = tpu.unpack_subelements %mul3A_308, 0 {pack_format = #tpu.pack_format<interleaved>} : vector<32xbf16> -> vector<16xf32>
        %unpack3A_310 = tpu.unpack_subelements %mul3A_308, 1 {pack_format = #tpu.pack_format<interleaved>} : vector<32xbf16> -> vector<16xf32>
        %get3A_311 = arith.index_cast %add3A_299 : i32 to index
        %get3A_312 = arith.constant 16 : index
        %get3A_313 = tpu.vector_load %arg13[%get3A_311, %get3A_312] {strides = array<i32>} : memref<80x64xi32, #tpu.memory_space<vmem>>, vector<16xi32>,
        %bitcast3A_314 = vector.bitcast %get3A_313 : vector<16xi32> to vector<32xbf16>
        %get3A_315 = arith.index_cast %add3A_299 : i32 to index
        %get3A_316 = arith.constant 16 : index
        %get3A_317 = tpu.vector_load %arg14[%get3A_315, %get3A_316] {strides = array<i32>} : memref<80x64xi32, #tpu.memory_space<vmem>>, vector<16xi32>,
        %bitcast3A_318 = vector.bitcast %get3A_317 : vector<16xi32> to vector<32xbf16>
        %mul3A_319 = arith.mulf %bitcast3A_314, %bitcast3A_318 : vector<32xbf16>
        %unpack3A_320 = tpu.unpack_subelements %mul3A_319, 0 {pack_format = #tpu.pack_format<interleaved>} : vector<32xbf16> -> vector<16xf32>
        %unpack3A_321 = tpu.unpack_subelements %mul3A_319, 1 {pack_format = #tpu.pack_format<interleaved>} : vector<32xbf16> -> vector<16xf32>
        %add3A_322 = arith.addf %unpack3A_309, %unpack3A_320 : vector<16xf32>
        %add3A_323 = arith.addf %unpack3A_310, %unpack3A_321 : vector<16xf32>
        %get3A_324 = arith.index_cast %add3A_299 : i32 to index
        %get3A_325 = arith.constant 32 : index
        %get3A_326 = tpu.vector_load %arg13[%get3A_324, %get3A_325] {strides = array<i32>} : memref<80x64xi32, #tpu.memory_space<vmem>>, vector<16xi32>,
        %bitcast3A_327 = vector.bitcast %get3A_326 : vector<16xi32> to vector<32xbf16>
        %get3A_328 = arith.index_cast %add3A_299 : i32 to index
        %get3A_329 = arith.constant 32 : index
        %get3A_330 = tpu.vector_load %arg14[%get3A_328, %get3A_329] {strides = array<i32>} : memref<80x64xi32, #tpu.memory_space<vmem>>, vector<16xi32>,
        %bitcast3A_331 = vector.bitcast %get3A_330 : vector<16xi32> to vector<32xbf16>
        %mul3A_332 = arith.mulf %bitcast3A_327, %bitcast3A_331 : vector<32xbf16>
        %unpack3A_333 = tpu.unpack_subelements %mul3A_332, 0 {pack_format = #tpu.pack_format<interleaved>} : vector<32xbf16> -> vector<16xf32>
        %unpack3A_334 = tpu.unpack_subelements %mul3A_332, 1 {pack_format = #tpu.pack_format<interleaved>} : vector<32xbf16> -> vector<16xf32>
        %add3A_335 = arith.addf %add3A_322, %unpack3A_333 : vector<16xf32>
        %add3A_336 = arith.addf %add3A_323, %unpack3A_334 : vector<16xf32>
        %get3A_337 = arith.index_cast %add3A_299 : i32 to index
        %get3A_338 = arith.constant 48 : index
        %get3A_339 = tpu.vector_load %arg13[%get3A_337, %get3A_338] {strides = array<i32>} : memref<80x64xi32, #tpu.memory_space<vmem>>, vector<16xi32>,
        %bitcast3A_340 = vector.bitcast %get3A_339 : vector<16xi32> to vector<32xbf16>
        %get3A_341 = arith.index_cast %add3A_299 : i32 to index
        %get3A_342 = arith.constant 48 : index
        %get3A_343 = tpu.vector_load %arg14[%get3A_341, %get3A_342] {strides = array<i32>} : memref<80x64xi32, #tpu.memory_space<vmem>>, vector<16xi32>,
        %bitcast3A_344 = vector.bitcast %get3A_343 : vector<16xi32> to vector<32xbf16>
        %mul3A_345 = arith.mulf %bitcast3A_340, %bitcast3A_344 : vector<32xbf16>
        %unpack3A_346 = tpu.unpack_subelements %mul3A_345, 0 {pack_format = #tpu.pack_format<interleaved>} : vector<32xbf16> -> vector<16xf32>
        %unpack3A_347 = tpu.unpack_subelements %mul3A_345, 1 {pack_format = #tpu.pack_format<interleaved>} : vector<32xbf16> -> vector<16xf32>
        %add3A_348 = arith.addf %add3A_335, %unpack3A_346 : vector<16xf32>
        %add3A_349 = arith.addf %add3A_336, %unpack3A_347 : vector<16xf32>
        %add3A_350 = arith.addf %add3A_348, %add3A_349 : vector<16xf32>
        %reduce_sum3A_351 = arith.constant true
        %reduce_sum3A_352 = vector.broadcast %reduce_sum3A_351 : i1 to vector<16xi1>
        %reduce_sum3A_353 = tpu.scan <sum>, %add3A_350 masked %reduce_sum3A_352 : vector<16xf32>, vector<16xi1> -> vector<16xf32>
        %reduce_sum3A_354 = vector.extract %reduce_sum3A_353[15] : f32 from vector<16xf32>
        %broadcast_in_dim3A_355 = vector.broadcast %reduce_sum3A_354 : f32 to vector<16xf32>
        %select_n3A_356 = arith.select %eq3A_297, %broadcast_in_dim3A_355, %select_n3A_294 : vector<16xi1>, vector<16xf32>
        %eq3A_357 = arith.constant 4 : i32
        %eq3A_358 = vector.broadcast %eq3A_357 : i32 to vector<16xi32>
        %eq3A_359 = arith.cmpi eq, %iota3A, %eq3A_358 : vector<16xi32>
        %add3A_360 = arith.constant 4 : i32
        %add3A_361 = arith.addi %multiple_of3A, %add3A_360 : i32
        %get3A_362 = arith.index_cast %add3A_361 : i32 to index
        %get3A_363 = arith.constant 0 : index
        %get3A_364 = tpu.vector_load %arg13[%get3A_362, %get3A_363] {strides = array<i32>} : memref<80x64xi32, #tpu.memory_space<vmem>>, vector<16xi32>,
        %bitcast3A_365 = vector.bitcast %get3A_364 : vector<16xi32> to vector<32xbf16>
        %get3A_366 = arith.index_cast %add3A_361 : i32 to index
        %get3A_367 = arith.constant 0 : index
        %get3A_368 = tpu.vector_load %arg14[%get3A_366, %get3A_367] {strides = array<i32>} : memref<80x64xi32, #tpu.memory_space<vmem>>, vector<16xi32>,
        %bitcast3A_369 = vector.bitcast %get3A_368 : vector<16xi32> to vector<32xbf16>
        %mul3A_370 = arith.mulf %bitcast3A_365, %bitcast3A_369 : vector<32xbf16>
        %unpack3A_371 = tpu.unpack_subelements %mul3A_370, 0 {pack_format = #tpu.pack_format<interleaved>} : vector<32xbf16> -> vector<16xf32>
        %unpack3A_372 = tpu.unpack_subelements %mul3A_370, 1 {pack_format = #tpu.pack_format<interleaved>} : vector<32xbf16> -> vector<16xf32>
        %get3A_373 = arith.index_cast %add3A_361 : i32 to index
        %get3A_374 = arith.constant 16 : index
        %get3A_375 = tpu.vector_load %arg13[%get3A_373, %get3A_374] {strides = array<i32>} : memref<80x64xi32, #tpu.memory_space<vmem>>, vector<16xi32>,
        %bitcast3A_376 = vector.bitcast %get3A_375 : vector<16xi32> to vector<32xbf16>
        %get3A_377 = arith.index_cast %add3A_361 : i32 to index
        %get3A_378 = arith.constant 16 : index
        %get3A_379 = tpu.vector_load %arg14[%get3A_377, %get3A_378] {strides = array<i32>} : memref<80x64xi32, #tpu.memory_space<vmem>>, vector<16xi32>,
        %bitcast3A_380 = vector.bitcast %get3A_379 : vector<16xi32> to vector<32xbf16>
        %mul3A_381 = arith.mulf %bitcast3A_376, %bitcast3A_380 : vector<32xbf16>
        %unpack3A_382 = tpu.unpack_subelements %mul3A_381, 0 {pack_format = #tpu.pack_format<interleaved>} : vector<32xbf16> -> vector<16xf32>
        %unpack3A_383 = tpu.unpack_subelements %mul3A_381, 1 {pack_format = #tpu.pack_format<interleaved>} : vector<32xbf16> -> vector<16xf32>
        %add3A_384 = arith.addf %unpack3A_371, %unpack3A_382 : vector<16xf32>
        %add3A_385 = arith.addf %unpack3A_372, %unpack3A_383 : vector<16xf32>
        %get3A_386 = arith.index_cast %add3A_361 : i32 to index
        %get3A_387 = arith.constant 32 : index
        %get3A_388 = tpu.vector_load %arg13[%get3A_386, %get3A_387] {strides = array<i32>} : memref<80x64xi32, #tpu.memory_space<vmem>>, vector<16xi32>,
        %bitcast3A_389 = vector.bitcast %get3A_388 : vector<16xi32> to vector<32xbf16>
        %get3A_390 = arith.index_cast %add3A_361 : i32 to index
        %get3A_391 = arith.constant 32 : index
        %get3A_392 = tpu.vector_load %arg14[%get3A_390, %get3A_391] {strides = array<i32>} : memref<80x64xi32, #tpu.memory_space<vmem>>, vector<16xi32>,
        %bitcast3A_393 = vector.bitcast %get3A_392 : vector<16xi32> to vector<32xbf16>
        %mul3A_394 = arith.mulf %bitcast3A_389, %bitcast3A_393 : vector<32xbf16>
        %unpack3A_395 = tpu.unpack_subelements %mul3A_394, 0 {pack_format = #tpu.pack_format<interleaved>} : vector<32xbf16> -> vector<16xf32>
        %unpack3A_396 = tpu.unpack_subelements %mul3A_394, 1 {pack_format = #tpu.pack_format<interleaved>} : vector<32xbf16> -> vector<16xf32>
        %add3A_397 = arith.addf %add3A_384, %unpack3A_395 : vector<16xf32>
        %add3A_398 = arith.addf %add3A_385, %unpack3A_396 : vector<16xf32>
        %get3A_399 = arith.index_cast %add3A_361 : i32 to index
        %get3A_400 = arith.constant 48 : index
        %get3A_401 = tpu.vector_load %arg13[%get3A_399, %get3A_400] {strides = array<i32>} : memref<80x64xi32, #tpu.memory_space<vmem>>, vector<16xi32>,
        %bitcast3A_402 = vector.bitcast %get3A_401 : vector<16xi32> to vector<32xbf16>
        %get3A_403 = arith.index_cast %add3A_361 : i32 to index
        %get3A_404 = arith.constant 48 : index
        %get3A_405 = tpu.vector_load %arg14[%get3A_403, %get3A_404] {strides = array<i32>} : memref<80x64xi32, #tpu.memory_space<vmem>>, vector<16xi32>,
        %bitcast3A_406 = vector.bitcast %get3A_405 : vector<16xi32> to vector<32xbf16>
        %mul3A_407 = arith.mulf %bitcast3A_402, %bitcast3A_406 : vector<32xbf16>
        %unpack3A_408 = tpu.unpack_subelements %mul3A_407, 0 {pack_format = #tpu.pack_format<interleaved>} : vector<32xbf16> -> vector<16xf32>
        %unpack3A_409 = tpu.unpack_subelements %mul3A_407, 1 {pack_format = #tpu.pack_format<interleaved>} : vector<32xbf16> -> vector<16xf32>
        %add3A_410 = arith.addf %add3A_397, %unpack3A_408 : vector<16xf32>
        %add3A_411 = arith.addf %add3A_398, %unpack3A_409 : vector<16xf32>
        %add3A_412 = arith.addf %add3A_410, %add3A_411 : vector<16xf32>
        %reduce_sum3A_413 = arith.constant true
        %reduce_sum3A_414 = vector.broadcast %reduce_sum3A_413 : i1 to vector<16xi1>
        %reduce_sum3A_415 = tpu.scan <sum>, %add3A_412 masked %reduce_sum3A_414 : vector<16xf32>, vector<16xi1> -> vector<16xf32>
        %reduce_sum3A_416 = vector.extract %reduce_sum3A_415[15] : f32 from vector<16xf32>
        %broadcast_in_dim3A_417 = vector.broadcast %reduce_sum3A_416 : f32 to vector<16xf32>
        %select_n3A_418 = arith.select %eq3A_359, %broadcast_in_dim3A_417, %select_n3A_356 : vector<16xi1>, vector<16xf32>
        %eq3A_419 = arith.constant 5 : i32
        %eq3A_420 = vector.broadcast %eq3A_419 : i32 to vector<16xi32>
        %eq3A_421 = arith.cmpi eq, %iota3A, %eq3A_420 : vector<16xi32>
        %add3A_422 = arith.constant 5 : i32
        %add3A_423 = arith.addi %multiple_of3A, %add3A_422 : i32
        %get3A_424 = arith.index_cast %add3A_423 : i32 to index
        %get3A_425 = arith.constant 0 : index
        %get3A_426 = tpu.vector_load %arg13[%get3A_424, %get3A_425] {strides = array<i32>} : memref<80x64xi32, #tpu.memory_space<vmem>>, vector<16xi32>,
        %bitcast3A_427 = vector.bitcast %get3A_426 : vector<16xi32> to vector<32xbf16>
        %get3A_428 = arith.index_cast %add3A_423 : i32 to index
        %get3A_429 = arith.constant 0 : index
        %get3A_430 = tpu.vector_load %arg14[%get3A_428, %get3A_429] {strides = array<i32>} : memref<80x64xi32, #tpu.memory_space<vmem>>, vector<16xi32>,
        %bitcast3A_431 = vector.bitcast %get3A_430 : vector<16xi32> to vector<32xbf16>
        %mul3A_432 = arith.mulf %bitcast3A_427, %bitcast3A_431 : vector<32xbf16>
        %unpack3A_433 = tpu.unpack_subelements %mul3A_432, 0 {pack_format = #tpu.pack_format<interleaved>} : vector<32xbf16> -> vector<16xf32>
        %unpack3A_434 = tpu.unpack_subelements %mul3A_432, 1 {pack_format = #tpu.pack_format<interleaved>} : vector<32xbf16> -> vector<16xf32>
        %get3A_435 = arith.index_cast %add3A_423 : i32 to index
        %get3A_436 = arith.constant 16 : index
        %get3A_437 = tpu.vector_load %arg13[%get3A_435, %get3A_436] {strides = array<i32>} : memref<80x64xi32, #tpu.memory_space<vmem>>, vector<16xi32>,
        %bitcast3A_438 = vector.bitcast %get3A_437 : vector<16xi32> to vector<32xbf16>
        %get3A_439 = arith.index_cast %add3A_423 : i32 to index
        %get3A_440 = arith.constant 16 : index
        %get3A_441 = tpu.vector_load %arg14[%get3A_439, %get3A_440] {strides = array<i32>} : memref<80x64xi32, #tpu.memory_space<vmem>>, vector<16xi32>,
        %bitcast3A_442 = vector.bitcast %get3A_441 : vector<16xi32> to vector<32xbf16>
        %mul3A_443 = arith.mulf %bitcast3A_438, %bitcast3A_442 : vector<32xbf16>
        %unpack3A_444 = tpu.unpack_subelements %mul3A_443, 0 {pack_format = #tpu.pack_format<interleaved>} : vector<32xbf16> -> vector<16xf32>
        %unpack3A_445 = tpu.unpack_subelements %mul3A_443, 1 {pack_format = #tpu.pack_format<interleaved>} : vector<32xbf16> -> vector<16xf32>
        %add3A_446 = arith.addf %unpack3A_433, %unpack3A_444 : vector<16xf32>
        %add3A_447 = arith.addf %unpack3A_434, %unpack3A_445 : vector<16xf32>
        %get3A_448 = arith.index_cast %add3A_423 : i32 to index
        %get3A_449 = arith.constant 32 : index
        %get3A_450 = tpu.vector_load %arg13[%get3A_448, %get3A_449] {strides = array<i32>} : memref<80x64xi32, #tpu.memory_space<vmem>>, vector<16xi32>,
        %bitcast3A_451 = vector.bitcast %get3A_450 : vector<16xi32> to vector<32xbf16>
        %get3A_452 = arith.index_cast %add3A_423 : i32 to index
        %get3A_453 = arith.constant 32 : index
        %get3A_454 = tpu.vector_load %arg14[%get3A_452, %get3A_453] {strides = array<i32>} : memref<80x64xi32, #tpu.memory_space<vmem>>, vector<16xi32>,
        %bitcast3A_455 = vector.bitcast %get3A_454 : vector<16xi32> to vector<32xbf16>
        %mul3A_456 = arith.mulf %bitcast3A_451, %bitcast3A_455 : vector<32xbf16>
        %unpack3A_457 = tpu.unpack_subelements %mul3A_456, 0 {pack_format = #tpu.pack_format<interleaved>} : vector<32xbf16> -> vector<16xf32>
        %unpack3A_458 = tpu.unpack_subelements %mul3A_456, 1 {pack_format = #tpu.pack_format<interleaved>} : vector<32xbf16> -> vector<16xf32>
        %add3A_459 = arith.addf %add3A_446, %unpack3A_457 : vector<16xf32>
        %add3A_460 = arith.addf %add3A_447, %unpack3A_458 : vector<16xf32>
        %get3A_461 = arith.index_cast %add3A_423 : i32 to index
        %get3A_462 = arith.constant 48 : index
        %get3A_463 = tpu.vector_load %arg13[%get3A_461, %get3A_462] {strides = array<i32>} : memref<80x64xi32, #tpu.memory_space<vmem>>, vector<16xi32>,
        %bitcast3A_464 = vector.bitcast %get3A_463 : vector<16xi32> to vector<32xbf16>
        %get3A_465 = arith.index_cast %add3A_423 : i32 to index
        %get3A_466 = arith.constant 48 : index
        %get3A_467 = tpu.vector_load %arg14[%get3A_465, %get3A_466] {strides = array<i32>} : memref<80x64xi32, #tpu.memory_space<vmem>>, vector<16xi32>,
        %bitcast3A_468 = vector.bitcast %get3A_467 : vector<16xi32> to vector<32xbf16>
        %mul3A_469 = arith.mulf %bitcast3A_464, %bitcast3A_468 : vector<32xbf16>
        %unpack3A_470 = tpu.unpack_subelements %mul3A_469, 0 {pack_format = #tpu.pack_format<interleaved>} : vector<32xbf16> -> vector<16xf32>
        %unpack3A_471 = tpu.unpack_subelements %mul3A_469, 1 {pack_format = #tpu.pack_format<interleaved>} : vector<32xbf16> -> vector<16xf32>
        %add3A_472 = arith.addf %add3A_459, %unpack3A_470 : vector<16xf32>
        %add3A_473 = arith.addf %add3A_460, %unpack3A_471 : vector<16xf32>
        %add3A_474 = arith.addf %add3A_472, %add3A_473 : vector<16xf32>
        %reduce_sum3A_475 = arith.constant true
        %reduce_sum3A_476 = vector.broadcast %reduce_sum3A_475 : i1 to vector<16xi1>
        %reduce_sum3A_477 = tpu.scan <sum>, %add3A_474 masked %reduce_sum3A_476 : vector<16xf32>, vector<16xi1> -> vector<16xf32>
        %reduce_sum3A_478 = vector.extract %reduce_sum3A_477[15] : f32 from vector<16xf32>
        %broadcast_in_dim3A_479 = vector.broadcast %reduce_sum3A_478 : f32 to vector<16xf32>
        %select_n3A_480 = arith.select %eq3A_421, %broadcast_in_dim3A_479, %select_n3A_418 : vector<16xi1>, vector<16xf32>
        %eq3A_481 = arith.constant 6 : i32
        %eq3A_482 = vector.broadcast %eq3A_481 : i32 to vector<16xi32>
        %eq3A_483 = arith.cmpi eq, %iota3A, %eq3A_482 : vector<16xi32>
        %add3A_484 = arith.constant 6 : i32
        %add3A_485 = arith.addi %multiple_of3A, %add3A_484 : i32
        %get3A_486 = arith.index_cast %add3A_485 : i32 to index
        %get3A_487 = arith.constant 0 : index
        %get3A_488 = tpu.vector_load %arg13[%get3A_486, %get3A_487] {strides = array<i32>} : memref<80x64xi32, #tpu.memory_space<vmem>>, vector<16xi32>,
        %bitcast3A_489 = vector.bitcast %get3A_488 : vector<16xi32> to vector<32xbf16>
        %get3A_490 = arith.index_cast %add3A_485 : i32 to index
        %get3A_491 = arith.constant 0 : index
        %get3A_492 = tpu.vector_load %arg14[%get3A_490, %get3A_491] {strides = array<i32>} : memref<80x64xi32, #tpu.memory_space<vmem>>, vector<16xi32>,
        %bitcast3A_493 = vector.bitcast %get3A_492 : vector<16xi32> to vector<32xbf16>
        %mul3A_494 = arith.mulf %bitcast3A_489, %bitcast3A_493 : vector<32xbf16>
        %unpack3A_495 = tpu.unpack_subelements %mul3A_494, 0 {pack_format = #tpu.pack_format<interleaved>} : vector<32xbf16> -> vector<16xf32>
        %unpack3A_496 = tpu.unpack_subelements %mul3A_494, 1 {pack_format = #tpu.pack_format<interleaved>} : vector<32xbf16> -> vector<16xf32>
        %get3A_497 = arith.index_cast %add3A_485 : i32 to index
        %get3A_498 = arith.constant 16 : index
        %get3A_499 = tpu.vector_load %arg13[%get3A_497, %get3A_498] {strides = array<i32>} : memref<80x64xi32, #tpu.memory_space<vmem>>, vector<16xi32>,
        %bitcast3A_500 = vector.bitcast %get3A_499 : vector<16xi32> to vector<32xbf16>
        %get3A_501 = arith.index_cast %add3A_485 : i32 to index
        %get3A_502 = arith.constant 16 : index
        %get3A_503 = tpu.vector_load %arg14[%get3A_501, %get3A_502] {strides = array<i32>} : memref<80x64xi32, #tpu.memory_space<vmem>>, vector<16xi32>,
        %bitcast3A_504 = vector.bitcast %get3A_503 : vector<16xi32> to vector<32xbf16>
        %mul3A_505 = arith.mulf %bitcast3A_500, %bitcast3A_504 : vector<32xbf16>
        %unpack3A_506 = tpu.unpack_subelements %mul3A_505, 0 {pack_format = #tpu.pack_format<interleaved>} : vector<32xbf16> -> vector<16xf32>
        %unpack3A_507 = tpu.unpack_subelements %mul3A_505, 1 {pack_format = #tpu.pack_format<interleaved>} : vector<32xbf16> -> vector<16xf32>
        %add3A_508 = arith.addf %unpack3A_495, %unpack3A_506 : vector<16xf32>
        %add3A_509 = arith.addf %unpack3A_496, %unpack3A_507 : vector<16xf32>
        %get3A_510 = arith.index_cast %add3A_485 : i32 to index
        %get3A_511 = arith.constant 32 : index
        %get3A_512 = tpu.vector_load %arg13[%get3A_510, %get3A_511] {strides = array<i32>} : memref<80x64xi32, #tpu.memory_space<vmem>>, vector<16xi32>,
        %bitcast3A_513 = vector.bitcast %get3A_512 : vector<16xi32> to vector<32xbf16>
        %get3A_514 = arith.index_cast %add3A_485 : i32 to index
        %get3A_515 = arith.constant 32 : index
        %get3A_516 = tpu.vector_load %arg14[%get3A_514, %get3A_515] {strides = array<i32>} : memref<80x64xi32, #tpu.memory_space<vmem>>, vector<16xi32>,
        %bitcast3A_517 = vector.bitcast %get3A_516 : vector<16xi32> to vector<32xbf16>
        %mul3A_518 = arith.mulf %bitcast3A_513, %bitcast3A_517 : vector<32xbf16>
        %unpack3A_519 = tpu.unpack_subelements %mul3A_518, 0 {pack_format = #tpu.pack_format<interleaved>} : vector<32xbf16> -> vector<16xf32>
        %unpack3A_520 = tpu.unpack_subelements %mul3A_518, 1 {pack_format = #tpu.pack_format<interleaved>} : vector<32xbf16> -> vector<16xf32>
        %add3A_521 = arith.addf %add3A_508, %unpack3A_519 : vector<16xf32>
        %add3A_522 = arith.addf %add3A_509, %unpack3A_520 : vector<16xf32>
        %get3A_523 = arith.index_cast %add3A_485 : i32 to index
        %get3A_524 = arith.constant 48 : index
        %get3A_525 = tpu.vector_load %arg13[%get3A_523, %get3A_524] {strides = array<i32>} : memref<80x64xi32, #tpu.memory_space<vmem>>, vector<16xi32>,
        %bitcast3A_526 = vector.bitcast %get3A_525 : vector<16xi32> to vector<32xbf16>
        %get3A_527 = arith.index_cast %add3A_485 : i32 to index
        %get3A_528 = arith.constant 48 : index
        %get3A_529 = tpu.vector_load %arg14[%get3A_527, %get3A_528] {strides = array<i32>} : memref<80x64xi32, #tpu.memory_space<vmem>>, vector<16xi32>,
        %bitcast3A_530 = vector.bitcast %get3A_529 : vector<16xi32> to vector<32xbf16>
        %mul3A_531 = arith.mulf %bitcast3A_526, %bitcast3A_530 : vector<32xbf16>
        %unpack3A_532 = tpu.unpack_subelements %mul3A_531, 0 {pack_format = #tpu.pack_format<interleaved>} : vector<32xbf16> -> vector<16xf32>
        %unpack3A_533 = tpu.unpack_subelements %mul3A_531, 1 {pack_format = #tpu.pack_format<interleaved>} : vector<32xbf16> -> vector<16xf32>
        %add3A_534 = arith.addf %add3A_521, %unpack3A_532 : vector<16xf32>
        %add3A_535 = arith.addf %add3A_522, %unpack3A_533 : vector<16xf32>
        %add3A_536 = arith.addf %add3A_534, %add3A_535 : vector<16xf32>
        %reduce_sum3A_537 = arith.constant true
        %reduce_sum3A_538 = vector.broadcast %reduce_sum3A_537 : i1 to vector<16xi1>
        %reduce_sum3A_539 = tpu.scan <sum>, %add3A_536 masked %reduce_sum3A_538 : vector<16xf32>, vector<16xi1> -> vector<16xf32>
        %reduce_sum3A_540 = vector.extract %reduce_sum3A_539[15] : f32 from vector<16xf32>
        %broadcast_in_dim3A_541 = vector.broadcast %reduce_sum3A_540 : f32 to vector<16xf32>
        %select_n3A_542 = arith.select %eq3A_483, %broadcast_in_dim3A_541, %select_n3A_480 : vector<16xi1>, vector<16xf32>
        %eq3A_543 = arith.constant 7 : i32
        %eq3A_544 = vector.broadcast %eq3A_543 : i32 to vector<16xi32>
        %eq3A_545 = arith.cmpi eq, %iota3A, %eq3A_544 : vector<16xi32>
        %add3A_546 = arith.constant 7 : i32
        %add3A_547 = arith.addi %multiple_of3A, %add3A_546 : i32
        %get3A_548 = arith.index_cast %add3A_547 : i32 to index
        %get3A_549 = arith.constant 0 : index
        %get3A_550 = tpu.vector_load %arg13[%get3A_548, %get3A_549] {strides = array<i32>} : memref<80x64xi32, #tpu.memory_space<vmem>>, vector<16xi32>,
        %bitcast3A_551 = vector.bitcast %get3A_550 : vector<16xi32> to vector<32xbf16>
        %get3A_552 = arith.index_cast %add3A_547 : i32 to index
        %get3A_553 = arith.constant 0 : index
        %get3A_554 = tpu.vector_load %arg14[%get3A_552, %get3A_553] {strides = array<i32>} : memref<80x64xi32, #tpu.memory_space<vmem>>, vector<16xi32>,
        %bitcast3A_555 = vector.bitcast %get3A_554 : vector<16xi32> to vector<32xbf16>
        %mul3A_556 = arith.mulf %bitcast3A_551, %bitcast3A_555 : vector<32xbf16>
        %unpack3A_557 = tpu.unpack_subelements %mul3A_556, 0 {pack_format = #tpu.pack_format<interleaved>} : vector<32xbf16> -> vector<16xf32>
        %unpack3A_558 = tpu.unpack_subelements %mul3A_556, 1 {pack_format = #tpu.pack_format<interleaved>} : vector<32xbf16> -> vector<16xf32>
        %get3A_559 = arith.index_cast %add3A_547 : i32 to index
        %get3A_560 = arith.constant 16 : index
        %get3A_561 = tpu.vector_load %arg13[%get3A_559, %get3A_560] {strides = array<i32>} : memref<80x64xi32, #tpu.memory_space<vmem>>, vector<16xi32>,
        %bitcast3A_562 = vector.bitcast %get3A_561 : vector<16xi32> to vector<32xbf16>
        %get3A_563 = arith.index_cast %add3A_547 : i32 to index
        %get3A_564 = arith.constant 16 : index
        %get3A_565 = tpu.vector_load %arg14[%get3A_563, %get3A_564] {strides = array<i32>} : memref<80x64xi32, #tpu.memory_space<vmem>>, vector<16xi32>,
        %bitcast3A_566 = vector.bitcast %get3A_565 : vector<16xi32> to vector<32xbf16>
        %mul3A_567 = arith.mulf %bitcast3A_562, %bitcast3A_566 : vector<32xbf16>
        %unpack3A_568 = tpu.unpack_subelements %mul3A_567, 0 {pack_format = #tpu.pack_format<interleaved>} : vector<32xbf16> -> vector<16xf32>
        %unpack3A_569 = tpu.unpack_subelements %mul3A_567, 1 {pack_format = #tpu.pack_format<interleaved>} : vector<32xbf16> -> vector<16xf32>
        %add3A_570 = arith.addf %unpack3A_557, %unpack3A_568 : vector<16xf32>
        %add3A_571 = arith.addf %unpack3A_558, %unpack3A_569 : vector<16xf32>
        %get3A_572 = arith.index_cast %add3A_547 : i32 to index
        %get3A_573 = arith.constant 32 : index
        %get3A_574 = tpu.vector_load %arg13[%get3A_572, %get3A_573] {strides = array<i32>} : memref<80x64xi32, #tpu.memory_space<vmem>>, vector<16xi32>,
        %bitcast3A_575 = vector.bitcast %get3A_574 : vector<16xi32> to vector<32xbf16>
        %get3A_576 = arith.index_cast %add3A_547 : i32 to index
        %get3A_577 = arith.constant 32 : index
        %get3A_578 = tpu.vector_load %arg14[%get3A_576, %get3A_577] {strides = array<i32>} : memref<80x64xi32, #tpu.memory_space<vmem>>, vector<16xi32>,
        %bitcast3A_579 = vector.bitcast %get3A_578 : vector<16xi32> to vector<32xbf16>
        %mul3A_580 = arith.mulf %bitcast3A_575, %bitcast3A_579 : vector<32xbf16>
        %unpack3A_581 = tpu.unpack_subelements %mul3A_580, 0 {pack_format = #tpu.pack_format<interleaved>} : vector<32xbf16> -> vector<16xf32>
        %unpack3A_582 = tpu.unpack_subelements %mul3A_580, 1 {pack_format = #tpu.pack_format<interleaved>} : vector<32xbf16> -> vector<16xf32>
        %add3A_583 = arith.addf %add3A_570, %unpack3A_581 : vector<16xf32>
        %add3A_584 = arith.addf %add3A_571, %unpack3A_582 : vector<16xf32>
        %get3A_585 = arith.index_cast %add3A_547 : i32 to index
        %get3A_586 = arith.constant 48 : index
        %get3A_587 = tpu.vector_load %arg13[%get3A_585, %get3A_586] {strides = array<i32>} : memref<80x64xi32, #tpu.memory_space<vmem>>, vector<16xi32>,
        %bitcast3A_588 = vector.bitcast %get3A_587 : vector<16xi32> to vector<32xbf16>
        %get3A_589 = arith.index_cast %add3A_547 : i32 to index
        %get3A_590 = arith.constant 48 : index
        %get3A_591 = tpu.vector_load %arg14[%get3A_589, %get3A_590] {strides = array<i32>} : memref<80x64xi32, #tpu.memory_space<vmem>>, vector<16xi32>,
        %bitcast3A_592 = vector.bitcast %get3A_591 : vector<16xi32> to vector<32xbf16>
        %mul3A_593 = arith.mulf %bitcast3A_588, %bitcast3A_592 : vector<32xbf16>
        %unpack3A_594 = tpu.unpack_subelements %mul3A_593, 0 {pack_format = #tpu.pack_format<interleaved>} : vector<32xbf16> -> vector<16xf32>
        %unpack3A_595 = tpu.unpack_subelements %mul3A_593, 1 {pack_format = #tpu.pack_format<interleaved>} : vector<32xbf16> -> vector<16xf32>
        %add3A_596 = arith.addf %add3A_583, %unpack3A_594 : vector<16xf32>
        %add3A_597 = arith.addf %add3A_584, %unpack3A_595 : vector<16xf32>
        %add3A_598 = arith.addf %add3A_596, %add3A_597 : vector<16xf32>
        %reduce_sum3A_599 = arith.constant true
        %reduce_sum3A_600 = vector.broadcast %reduce_sum3A_599 : i1 to vector<16xi1>
        %reduce_sum3A_601 = tpu.scan <sum>, %add3A_598 masked %reduce_sum3A_600 : vector<16xf32>, vector<16xi1> -> vector<16xf32>
        %reduce_sum3A_602 = vector.extract %reduce_sum3A_601[15] : f32 from vector<16xf32>
        %broadcast_in_dim3A_603 = vector.broadcast %reduce_sum3A_602 : f32 to vector<16xf32>
        %select_n3A_604 = arith.select %eq3A_545, %broadcast_in_dim3A_603, %select_n3A_542 : vector<16xi1>, vector<16xf32>
        %eq3A_605 = arith.constant 8 : i32
        %eq3A_606 = vector.broadcast %eq3A_605 : i32 to vector<16xi32>
        %eq3A_607 = arith.cmpi eq, %iota3A, %eq3A_606 : vector<16xi32>
        %add3A_608 = arith.constant 8 : i32
        %add3A_609 = arith.addi %multiple_of3A, %add3A_608 : i32
        %get3A_610 = arith.index_cast %add3A_609 : i32 to index
        %get3A_611 = arith.constant 0 : index
        %get3A_612 = tpu.vector_load %arg13[%get3A_610, %get3A_611] {strides = array<i32>} : memref<80x64xi32, #tpu.memory_space<vmem>>, vector<16xi32>,
        %bitcast3A_613 = vector.bitcast %get3A_612 : vector<16xi32> to vector<32xbf16>
        %get3A_614 = arith.index_cast %add3A_609 : i32 to index
        %get3A_615 = arith.constant 0 : index
        %get3A_616 = tpu.vector_load %arg14[%get3A_614, %get3A_615] {strides = array<i32>} : memref<80x64xi32, #tpu.memory_space<vmem>>, vector<16xi32>,
        %bitcast3A_617 = vector.bitcast %get3A_616 : vector<16xi32> to vector<32xbf16>
        %mul3A_618 = arith.mulf %bitcast3A_613, %bitcast3A_617 : vector<32xbf16>
        %unpack3A_619 = tpu.unpack_subelements %mul3A_618, 0 {pack_format = #tpu.pack_format<interleaved>} : vector<32xbf16> -> vector<16xf32>
        %unpack3A_620 = tpu.unpack_subelements %mul3A_618, 1 {pack_format = #tpu.pack_format<interleaved>} : vector<32xbf16> -> vector<16xf32>
        %get3A_621 = arith.index_cast %add3A_609 : i32 to index
        %get3A_622 = arith.constant 16 : index
        %get3A_623 = tpu.vector_load %arg13[%get3A_621, %get3A_622] {strides = array<i32>} : memref<80x64xi32, #tpu.memory_space<vmem>>, vector<16xi32>,
        %bitcast3A_624 = vector.bitcast %get3A_623 : vector<16xi32> to vector<32xbf16>
        %get3A_625 = arith.index_cast %add3A_609 : i32 to index
        %get3A_626 = arith.constant 16 : index
        %get3A_627 = tpu.vector_load %arg14[%get3A_625, %get3A_626] {strides = array<i32>} : memref<80x64xi32, #tpu.memory_space<vmem>>, vector<16xi32>,
        %bitcast3A_628 = vector.bitcast %get3A_627 : vector<16xi32> to vector<32xbf16>
        %mul3A_629 = arith.mulf %bitcast3A_624, %bitcast3A_628 : vector<32xbf16>
        %unpack3A_630 = tpu.unpack_subelements %mul3A_629, 0 {pack_format = #tpu.pack_format<interleaved>} : vector<32xbf16> -> vector<16xf32>
        %unpack3A_631 = tpu.unpack_subelements %mul3A_629, 1 {pack_format = #tpu.pack_format<interleaved>} : vector<32xbf16> -> vector<16xf32>
        %add3A_632 = arith.addf %unpack3A_619, %unpack3A_630 : vector<16xf32>
        %add3A_633 = arith.addf %unpack3A_620, %unpack3A_631 : vector<16xf32>
        %get3A_634 = arith.index_cast %add3A_609 : i32 to index
        %get3A_635 = arith.constant 32 : index
        %get3A_636 = tpu.vector_load %arg13[%get3A_634, %get3A_635] {strides = array<i32>} : memref<80x64xi32, #tpu.memory_space<vmem>>, vector<16xi32>,
        %bitcast3A_637 = vector.bitcast %get3A_636 : vector<16xi32> to vector<32xbf16>
        %get3A_638 = arith.index_cast %add3A_609 : i32 to index
        %get3A_639 = arith.constant 32 : index
        %get3A_640 = tpu.vector_load %arg14[%get3A_638, %get3A_639] {strides = array<i32>} : memref<80x64xi32, #tpu.memory_space<vmem>>, vector<16xi32>,
        %bitcast3A_641 = vector.bitcast %get3A_640 : vector<16xi32> to vector<32xbf16>
        %mul3A_642 = arith.mulf %bitcast3A_637, %bitcast3A_641 : vector<32xbf16>
        %unpack3A_643 = tpu.unpack_subelements %mul3A_642, 0 {pack_format = #tpu.pack_format<interleaved>} : vector<32xbf16> -> vector<16xf32>
        %unpack3A_644 = tpu.unpack_subelements %mul3A_642, 1 {pack_format = #tpu.pack_format<interleaved>} : vector<32xbf16> -> vector<16xf32>
        %add3A_645 = arith.addf %add3A_632, %unpack3A_643 : vector<16xf32>
        %add3A_646 = arith.addf %add3A_633, %unpack3A_644 : vector<16xf32>
        %get3A_647 = arith.index_cast %add3A_609 : i32 to index
        %get3A_648 = arith.constant 48 : index
        %get3A_649 = tpu.vector_load %arg13[%get3A_647, %get3A_648] {strides = array<i32>} : memref<80x64xi32, #tpu.memory_space<vmem>>, vector<16xi32>,
        %bitcast3A_650 = vector.bitcast %get3A_649 : vector<16xi32> to vector<32xbf16>
        %get3A_651 = arith.index_cast %add3A_609 : i32 to index
        %get3A_652 = arith.constant 48 : index
        %get3A_653 = tpu.vector_load %arg14[%get3A_651, %get3A_652] {strides = array<i32>} : memref<80x64xi32, #tpu.memory_space<vmem>>, vector<16xi32>,
        %bitcast3A_654 = vector.bitcast %get3A_653 : vector<16xi32> to vector<32xbf16>
        %mul3A_655 = arith.mulf %bitcast3A_650, %bitcast3A_654 : vector<32xbf16>
        %unpack3A_656 = tpu.unpack_subelements %mul3A_655, 0 {pack_format = #tpu.pack_format<interleaved>} : vector<32xbf16> -> vector<16xf32>
        %unpack3A_657 = tpu.unpack_subelements %mul3A_655, 1 {pack_format = #tpu.pack_format<interleaved>} : vector<32xbf16> -> vector<16xf32>
        %add3A_658 = arith.addf %add3A_645, %unpack3A_656 : vector<16xf32>
        %add3A_659 = arith.addf %add3A_646, %unpack3A_657 : vector<16xf32>
        %add3A_660 = arith.addf %add3A_658, %add3A_659 : vector<16xf32>
        %reduce_sum3A_661 = arith.constant true
        %reduce_sum3A_662 = vector.broadcast %reduce_sum3A_661 : i1 to vector<16xi1>
        %reduce_sum3A_663 = tpu.scan <sum>, %add3A_660 masked %reduce_sum3A_662 : vector<16xf32>, vector<16xi1> -> vector<16xf32>
        %reduce_sum3A_664 = vector.extract %reduce_sum3A_663[15] : f32 from vector<16xf32>
        %broadcast_in_dim3A_665 = vector.broadcast %reduce_sum3A_664 : f32 to vector<16xf32>
        %select_n3A_666 = arith.select %eq3A_607, %broadcast_in_dim3A_665, %select_n3A_604 : vector<16xi1>, vector<16xf32>
        %eq3A_667 = arith.constant 9 : i32
        %eq3A_668 = vector.broadcast %eq3A_667 : i32 to vector<16xi32>
        %eq3A_669 = arith.cmpi eq, %iota3A, %eq3A_668 : vector<16xi32>
        %add3A_670 = arith.constant 9 : i32
        %add3A_671 = arith.addi %multiple_of3A, %add3A_670 : i32
        %get3A_672 = arith.index_cast %add3A_671 : i32 to index
        %get3A_673 = arith.constant 0 : index
        %get3A_674 = tpu.vector_load %arg13[%get3A_672, %get3A_673] {strides = array<i32>} : memref<80x64xi32, #tpu.memory_space<vmem>>, vector<16xi32>,
        %bitcast3A_675 = vector.bitcast %get3A_674 : vector<16xi32> to vector<32xbf16>
        %get3A_676 = arith.index_cast %add3A_671 : i32 to index
        %get3A_677 = arith.constant 0 : index
        %get3A_678 = tpu.vector_load %arg14[%get3A_676, %get3A_677] {strides = array<i32>} : memref<80x64xi32, #tpu.memory_space<vmem>>, vector<16xi32>,
        %bitcast3A_679 = vector.bitcast %get3A_678 : vector<16xi32> to vector<32xbf16>
        %mul3A_680 = arith.mulf %bitcast3A_675, %bitcast3A_679 : vector<32xbf16>
        %unpack3A_681 = tpu.unpack_subelements %mul3A_680, 0 {pack_format = #tpu.pack_format<interleaved>} : vector<32xbf16> -> vector<16xf32>
        %unpack3A_682 = tpu.unpack_subelements %mul3A_680, 1 {pack_format = #tpu.pack_format<interleaved>} : vector<32xbf16> -> vector<16xf32>
        %get3A_683 = arith.index_cast %add3A_671 : i32 to index
        %get3A_684 = arith.constant 16 : index
        %get3A_685 = tpu.vector_load %arg13[%get3A_683, %get3A_684] {strides = array<i32>} : memref<80x64xi32, #tpu.memory_space<vmem>>, vector<16xi32>,
        %bitcast3A_686 = vector.bitcast %get3A_685 : vector<16xi32> to vector<32xbf16>
        %get3A_687 = arith.index_cast %add3A_671 : i32 to index
        %get3A_688 = arith.constant 16 : index
        %get3A_689 = tpu.vector_load %arg14[%get3A_687, %get3A_688] {strides = array<i32>} : memref<80x64xi32, #tpu.memory_space<vmem>>, vector<16xi32>,
        %bitcast3A_690 = vector.bitcast %get3A_689 : vector<16xi32> to vector<32xbf16>
        %mul3A_691 = arith.mulf %bitcast3A_686, %bitcast3A_690 : vector<32xbf16>
        %unpack3A_692 = tpu.unpack_subelements %mul3A_691, 0 {pack_format = #tpu.pack_format<interleaved>} : vector<32xbf16> -> vector<16xf32>
        %unpack3A_693 = tpu.unpack_subelements %mul3A_691, 1 {pack_format = #tpu.pack_format<interleaved>} : vector<32xbf16> -> vector<16xf32>
        %add3A_694 = arith.addf %unpack3A_681, %unpack3A_692 : vector<16xf32>
        %add3A_695 = arith.addf %unpack3A_682, %unpack3A_693 : vector<16xf32>
        %get3A_696 = arith.index_cast %add3A_671 : i32 to index
        %get3A_697 = arith.constant 32 : index
        %get3A_698 = tpu.vector_load %arg13[%get3A_696, %get3A_697] {strides = array<i32>} : memref<80x64xi32, #tpu.memory_space<vmem>>, vector<16xi32>,
        %bitcast3A_699 = vector.bitcast %get3A_698 : vector<16xi32> to vector<32xbf16>
        %get3A_700 = arith.index_cast %add3A_671 : i32 to index
        %get3A_701 = arith.constant 32 : index
        %get3A_702 = tpu.vector_load %arg14[%get3A_700, %get3A_701] {strides = array<i32>} : memref<80x64xi32, #tpu.memory_space<vmem>>, vector<16xi32>,
        %bitcast3A_703 = vector.bitcast %get3A_702 : vector<16xi32> to vector<32xbf16>
        %mul3A_704 = arith.mulf %bitcast3A_699, %bitcast3A_703 : vector<32xbf16>
        %unpack3A_705 = tpu.unpack_subelements %mul3A_704, 0 {pack_format = #tpu.pack_format<interleaved>} : vector<32xbf16> -> vector<16xf32>
        %unpack3A_706 = tpu.unpack_subelements %mul3A_704, 1 {pack_format = #tpu.pack_format<interleaved>} : vector<32xbf16> -> vector<16xf32>
        %add3A_707 = arith.addf %add3A_694, %unpack3A_705 : vector<16xf32>
        %add3A_708 = arith.addf %add3A_695, %unpack3A_706 : vector<16xf32>
        %get3A_709 = arith.index_cast %add3A_671 : i32 to index
        %get3A_710 = arith.constant 48 : index
        %get3A_711 = tpu.vector_load %arg13[%get3A_709, %get3A_710] {strides = array<i32>} : memref<80x64xi32, #tpu.memory_space<vmem>>, vector<16xi32>,
        %bitcast3A_712 = vector.bitcast %get3A_711 : vector<16xi32> to vector<32xbf16>
        %get3A_713 = arith.index_cast %add3A_671 : i32 to index
        %get3A_714 = arith.constant 48 : index
        %get3A_715 = tpu.vector_load %arg14[%get3A_713, %get3A_714] {strides = array<i32>} : memref<80x64xi32, #tpu.memory_space<vmem>>, vector<16xi32>,
        %bitcast3A_716 = vector.bitcast %get3A_715 : vector<16xi32> to vector<32xbf16>
        %mul3A_717 = arith.mulf %bitcast3A_712, %bitcast3A_716 : vector<32xbf16>
        %unpack3A_718 = tpu.unpack_subelements %mul3A_717, 0 {pack_format = #tpu.pack_format<interleaved>} : vector<32xbf16> -> vector<16xf32>
        %unpack3A_719 = tpu.unpack_subelements %mul3A_717, 1 {pack_format = #tpu.pack_format<interleaved>} : vector<32xbf16> -> vector<16xf32>
        %add3A_720 = arith.addf %add3A_707, %unpack3A_718 : vector<16xf32>
        %add3A_721 = arith.addf %add3A_708, %unpack3A_719 : vector<16xf32>
        %add3A_722 = arith.addf %add3A_720, %add3A_721 : vector<16xf32>
        %reduce_sum3A_723 = arith.constant true
        %reduce_sum3A_724 = vector.broadcast %reduce_sum3A_723 : i1 to vector<16xi1>
        %reduce_sum3A_725 = tpu.scan <sum>, %add3A_722 masked %reduce_sum3A_724 : vector<16xf32>, vector<16xi1> -> vector<16xf32>
        %reduce_sum3A_726 = vector.extract %reduce_sum3A_725[15] : f32 from vector<16xf32>
        %broadcast_in_dim3A_727 = vector.broadcast %reduce_sum3A_726 : f32 to vector<16xf32>
        %select_n3A_728 = arith.select %eq3A_669, %broadcast_in_dim3A_727, %select_n3A_666 : vector<16xi1>, vector<16xf32>
        %eq3A_729 = arith.constant 10 : i32
        %eq3A_730 = vector.broadcast %eq3A_729 : i32 to vector<16xi32>
        %eq3A_731 = arith.cmpi eq, %iota3A, %eq3A_730 : vector<16xi32>
        %add3A_732 = arith.constant 10 : i32
        %add3A_733 = arith.addi %multiple_of3A, %add3A_732 : i32
        %get3A_734 = arith.index_cast %add3A_733 : i32 to index
        %get3A_735 = arith.constant 0 : index
        %get3A_736 = tpu.vector_load %arg13[%get3A_734, %get3A_735] {strides = array<i32>} : memref<80x64xi32, #tpu.memory_space<vmem>>, vector<16xi32>,
        %bitcast3A_737 = vector.bitcast %get3A_736 : vector<16xi32> to vector<32xbf16>
        %get3A_738 = arith.index_cast %add3A_733 : i32 to index
        %get3A_739 = arith.constant 0 : index
        %get3A_740 = tpu.vector_load %arg14[%get3A_738, %get3A_739] {strides = array<i32>} : memref<80x64xi32, #tpu.memory_space<vmem>>, vector<16xi32>,
        %bitcast3A_741 = vector.bitcast %get3A_740 : vector<16xi32> to vector<32xbf16>
        %mul3A_742 = arith.mulf %bitcast3A_737, %bitcast3A_741 : vector<32xbf16>
        %unpack3A_743 = tpu.unpack_subelements %mul3A_742, 0 {pack_format = #tpu.pack_format<interleaved>} : vector<32xbf16> -> vector<16xf32>
        %unpack3A_744 = tpu.unpack_subelements %mul3A_742, 1 {pack_format = #tpu.pack_format<interleaved>} : vector<32xbf16> -> vector<16xf32>
        %get3A_745 = arith.index_cast %add3A_733 : i32 to index
        %get3A_746 = arith.constant 16 : index
        %get3A_747 = tpu.vector_load %arg13[%get3A_745, %get3A_746] {strides = array<i32>} : memref<80x64xi32, #tpu.memory_space<vmem>>, vector<16xi32>,
        %bitcast3A_748 = vector.bitcast %get3A_747 : vector<16xi32> to vector<32xbf16>
        %get3A_749 = arith.index_cast %add3A_733 : i32 to index
        %get3A_750 = arith.constant 16 : index
        %get3A_751 = tpu.vector_load %arg14[%get3A_749, %get3A_750] {strides = array<i32>} : memref<80x64xi32, #tpu.memory_space<vmem>>, vector<16xi32>,
        %bitcast3A_752 = vector.bitcast %get3A_751 : vector<16xi32> to vector<32xbf16>
        %mul3A_753 = arith.mulf %bitcast3A_748, %bitcast3A_752 : vector<32xbf16>
        %unpack3A_754 = tpu.unpack_subelements %mul3A_753, 0 {pack_format = #tpu.pack_format<interleaved>} : vector<32xbf16> -> vector<16xf32>
        %unpack3A_755 = tpu.unpack_subelements %mul3A_753, 1 {pack_format = #tpu.pack_format<interleaved>} : vector<32xbf16> -> vector<16xf32>
        %add3A_756 = arith.addf %unpack3A_743, %unpack3A_754 : vector<16xf32>
        %add3A_757 = arith.addf %unpack3A_744, %unpack3A_755 : vector<16xf32>
        %get3A_758 = arith.index_cast %add3A_733 : i32 to index
        %get3A_759 = arith.constant 32 : index
        %get3A_760 = tpu.vector_load %arg13[%get3A_758, %get3A_759] {strides = array<i32>} : memref<80x64xi32, #tpu.memory_space<vmem>>, vector<16xi32>,
        %bitcast3A_761 = vector.bitcast %get3A_760 : vector<16xi32> to vector<32xbf16>
        %get3A_762 = arith.index_cast %add3A_733 : i32 to index
        %get3A_763 = arith.constant 32 : index
        %get3A_764 = tpu.vector_load %arg14[%get3A_762, %get3A_763] {strides = array<i32>} : memref<80x64xi32, #tpu.memory_space<vmem>>, vector<16xi32>,
        %bitcast3A_765 = vector.bitcast %get3A_764 : vector<16xi32> to vector<32xbf16>
        %mul3A_766 = arith.mulf %bitcast3A_761, %bitcast3A_765 : vector<32xbf16>
        %unpack3A_767 = tpu.unpack_subelements %mul3A_766, 0 {pack_format = #tpu.pack_format<interleaved>} : vector<32xbf16> -> vector<16xf32>
        %unpack3A_768 = tpu.unpack_subelements %mul3A_766, 1 {pack_format = #tpu.pack_format<interleaved>} : vector<32xbf16> -> vector<16xf32>
        %add3A_769 = arith.addf %add3A_756, %unpack3A_767 : vector<16xf32>
        %add3A_770 = arith.addf %add3A_757, %unpack3A_768 : vector<16xf32>
        %get3A_771 = arith.index_cast %add3A_733 : i32 to index
        %get3A_772 = arith.constant 48 : index
        %get3A_773 = tpu.vector_load %arg13[%get3A_771, %get3A_772] {strides = array<i32>} : memref<80x64xi32, #tpu.memory_space<vmem>>, vector<16xi32>,
        %bitcast3A_774 = vector.bitcast %get3A_773 : vector<16xi32> to vector<32xbf16>
        %get3A_775 = arith.index_cast %add3A_733 : i32 to index
        %get3A_776 = arith.constant 48 : index
        %get3A_777 = tpu.vector_load %arg14[%get3A_775, %get3A_776] {strides = array<i32>} : memref<80x64xi32, #tpu.memory_space<vmem>>, vector<16xi32>,
        %bitcast3A_778 = vector.bitcast %get3A_777 : vector<16xi32> to vector<32xbf16>
        %mul3A_779 = arith.mulf %bitcast3A_774, %bitcast3A_778 : vector<32xbf16>
        %unpack3A_780 = tpu.unpack_subelements %mul3A_779, 0 {pack_format = #tpu.pack_format<interleaved>} : vector<32xbf16> -> vector<16xf32>
        %unpack3A_781 = tpu.unpack_subelements %mul3A_779, 1 {pack_format = #tpu.pack_format<interleaved>} : vector<32xbf16> -> vector<16xf32>
        %add3A_782 = arith.addf %add3A_769, %unpack3A_780 : vector<16xf32>
        %add3A_783 = arith.addf %add3A_770, %unpack3A_781 : vector<16xf32>
        %add3A_784 = arith.addf %add3A_782, %add3A_783 : vector<16xf32>
        %reduce_sum3A_785 = arith.constant true
        %reduce_sum3A_786 = vector.broadcast %reduce_sum3A_785 : i1 to vector<16xi1>
        %reduce_sum3A_787 = tpu.scan <sum>, %add3A_784 masked %reduce_sum3A_786 : vector<16xf32>, vector<16xi1> -> vector<16xf32>
        %reduce_sum3A_788 = vector.extract %reduce_sum3A_787[15] : f32 from vector<16xf32>
        %broadcast_in_dim3A_789 = vector.broadcast %reduce_sum3A_788 : f32 to vector<16xf32>
        %select_n3A_790 = arith.select %eq3A_731, %broadcast_in_dim3A_789, %select_n3A_728 : vector<16xi1>, vector<16xf32>
        %eq3A_791 = arith.constant 11 : i32
        %eq3A_792 = vector.broadcast %eq3A_791 : i32 to vector<16xi32>
        %eq3A_793 = arith.cmpi eq, %iota3A, %eq3A_792 : vector<16xi32>
        %add3A_794 = arith.constant 11 : i32
        %add3A_795 = arith.addi %multiple_of3A, %add3A_794 : i32
        %get3A_796 = arith.index_cast %add3A_795 : i32 to index
        %get3A_797 = arith.constant 0 : index
        %get3A_798 = tpu.vector_load %arg13[%get3A_796, %get3A_797] {strides = array<i32>} : memref<80x64xi32, #tpu.memory_space<vmem>>, vector<16xi32>,
        %bitcast3A_799 = vector.bitcast %get3A_798 : vector<16xi32> to vector<32xbf16>
        %get3A_800 = arith.index_cast %add3A_795 : i32 to index
        %get3A_801 = arith.constant 0 : index
        %get3A_802 = tpu.vector_load %arg14[%get3A_800, %get3A_801] {strides = array<i32>} : memref<80x64xi32, #tpu.memory_space<vmem>>, vector<16xi32>,
        %bitcast3A_803 = vector.bitcast %get3A_802 : vector<16xi32> to vector<32xbf16>
        %mul3A_804 = arith.mulf %bitcast3A_799, %bitcast3A_803 : vector<32xbf16>
        %unpack3A_805 = tpu.unpack_subelements %mul3A_804, 0 {pack_format = #tpu.pack_format<interleaved>} : vector<32xbf16> -> vector<16xf32>
        %unpack3A_806 = tpu.unpack_subelements %mul3A_804, 1 {pack_format = #tpu.pack_format<interleaved>} : vector<32xbf16> -> vector<16xf32>
        %get3A_807 = arith.index_cast %add3A_795 : i32 to index
        %get3A_808 = arith.constant 16 : index
        %get3A_809 = tpu.vector_load %arg13[%get3A_807, %get3A_808] {strides = array<i32>} : memref<80x64xi32, #tpu.memory_space<vmem>>, vector<16xi32>,
        %bitcast3A_810 = vector.bitcast %get3A_809 : vector<16xi32> to vector<32xbf16>
        %get3A_811 = arith.index_cast %add3A_795 : i32 to index
        %get3A_812 = arith.constant 16 : index
        %get3A_813 = tpu.vector_load %arg14[%get3A_811, %get3A_812] {strides = array<i32>} : memref<80x64xi32, #tpu.memory_space<vmem>>, vector<16xi32>,
        %bitcast3A_814 = vector.bitcast %get3A_813 : vector<16xi32> to vector<32xbf16>
        %mul3A_815 = arith.mulf %bitcast3A_810, %bitcast3A_814 : vector<32xbf16>
        %unpack3A_816 = tpu.unpack_subelements %mul3A_815, 0 {pack_format = #tpu.pack_format<interleaved>} : vector<32xbf16> -> vector<16xf32>
        %unpack3A_817 = tpu.unpack_subelements %mul3A_815, 1 {pack_format = #tpu.pack_format<interleaved>} : vector<32xbf16> -> vector<16xf32>
        %add3A_818 = arith.addf %unpack3A_805, %unpack3A_816 : vector<16xf32>
        %add3A_819 = arith.addf %unpack3A_806, %unpack3A_817 : vector<16xf32>
        %get3A_820 = arith.index_cast %add3A_795 : i32 to index
        %get3A_821 = arith.constant 32 : index
        %get3A_822 = tpu.vector_load %arg13[%get3A_820, %get3A_821] {strides = array<i32>} : memref<80x64xi32, #tpu.memory_space<vmem>>, vector<16xi32>,
        %bitcast3A_823 = vector.bitcast %get3A_822 : vector<16xi32> to vector<32xbf16>
        %get3A_824 = arith.index_cast %add3A_795 : i32 to index
        %get3A_825 = arith.constant 32 : index
        %get3A_826 = tpu.vector_load %arg14[%get3A_824, %get3A_825] {strides = array<i32>} : memref<80x64xi32, #tpu.memory_space<vmem>>, vector<16xi32>,
        %bitcast3A_827 = vector.bitcast %get3A_826 : vector<16xi32> to vector<32xbf16>
        %mul3A_828 = arith.mulf %bitcast3A_823, %bitcast3A_827 : vector<32xbf16>
        %unpack3A_829 = tpu.unpack_subelements %mul3A_828, 0 {pack_format = #tpu.pack_format<interleaved>} : vector<32xbf16> -> vector<16xf32>
        %unpack3A_830 = tpu.unpack_subelements %mul3A_828, 1 {pack_format = #tpu.pack_format<interleaved>} : vector<32xbf16> -> vector<16xf32>
        %add3A_831 = arith.addf %add3A_818, %unpack3A_829 : vector<16xf32>
        %add3A_832 = arith.addf %add3A_819, %unpack3A_830 : vector<16xf32>
        %get3A_833 = arith.index_cast %add3A_795 : i32 to index
        %get3A_834 = arith.constant 48 : index
        %get3A_835 = tpu.vector_load %arg13[%get3A_833, %get3A_834] {strides = array<i32>} : memref<80x64xi32, #tpu.memory_space<vmem>>, vector<16xi32>,
        %bitcast3A_836 = vector.bitcast %get3A_835 : vector<16xi32> to vector<32xbf16>
        %get3A_837 = arith.index_cast %add3A_795 : i32 to index
        %get3A_838 = arith.constant 48 : index
        %get3A_839 = tpu.vector_load %arg14[%get3A_837, %get3A_838] {strides = array<i32>} : memref<80x64xi32, #tpu.memory_space<vmem>>, vector<16xi32>,
        %bitcast3A_840 = vector.bitcast %get3A_839 : vector<16xi32> to vector<32xbf16>
        %mul3A_841 = arith.mulf %bitcast3A_836, %bitcast3A_840 : vector<32xbf16>
        %unpack3A_842 = tpu.unpack_subelements %mul3A_841, 0 {pack_format = #tpu.pack_format<interleaved>} : vector<32xbf16> -> vector<16xf32>
        %unpack3A_843 = tpu.unpack_subelements %mul3A_841, 1 {pack_format = #tpu.pack_format<interleaved>} : vector<32xbf16> -> vector<16xf32>
        %add3A_844 = arith.addf %add3A_831, %unpack3A_842 : vector<16xf32>
        %add3A_845 = arith.addf %add3A_832, %unpack3A_843 : vector<16xf32>
        %add3A_846 = arith.addf %add3A_844, %add3A_845 : vector<16xf32>
        %reduce_sum3A_847 = arith.constant true
        %reduce_sum3A_848 = vector.broadcast %reduce_sum3A_847 : i1 to vector<16xi1>
        %reduce_sum3A_849 = tpu.scan <sum>, %add3A_846 masked %reduce_sum3A_848 : vector<16xf32>, vector<16xi1> -> vector<16xf32>
        %reduce_sum3A_850 = vector.extract %reduce_sum3A_849[15] : f32 from vector<16xf32>
        %broadcast_in_dim3A_851 = vector.broadcast %reduce_sum3A_850 : f32 to vector<16xf32>
        %select_n3A_852 = arith.select %eq3A_793, %broadcast_in_dim3A_851, %select_n3A_790 : vector<16xi1>, vector<16xf32>
        %eq3A_853 = arith.constant 12 : i32
        %eq3A_854 = vector.broadcast %eq3A_853 : i32 to vector<16xi32>
        %eq3A_855 = arith.cmpi eq, %iota3A, %eq3A_854 : vector<16xi32>
        %add3A_856 = arith.constant 12 : i32
        %add3A_857 = arith.addi %multiple_of3A, %add3A_856 : i32
        %get3A_858 = arith.index_cast %add3A_857 : i32 to index
        %get3A_859 = arith.constant 0 : index
        %get3A_860 = tpu.vector_load %arg13[%get3A_858, %get3A_859] {strides = array<i32>} : memref<80x64xi32, #tpu.memory_space<vmem>>, vector<16xi32>,
        %bitcast3A_861 = vector.bitcast %get3A_860 : vector<16xi32> to vector<32xbf16>
        %get3A_862 = arith.index_cast %add3A_857 : i32 to index
        %get3A_863 = arith.constant 0 : index
        %get3A_864 = tpu.vector_load %arg14[%get3A_862, %get3A_863] {strides = array<i32>} : memref<80x64xi32, #tpu.memory_space<vmem>>, vector<16xi32>,
        %bitcast3A_865 = vector.bitcast %get3A_864 : vector<16xi32> to vector<32xbf16>
        %mul3A_866 = arith.mulf %bitcast3A_861, %bitcast3A_865 : vector<32xbf16>
        %unpack3A_867 = tpu.unpack_subelements %mul3A_866, 0 {pack_format = #tpu.pack_format<interleaved>} : vector<32xbf16> -> vector<16xf32>
        %unpack3A_868 = tpu.unpack_subelements %mul3A_866, 1 {pack_format = #tpu.pack_format<interleaved>} : vector<32xbf16> -> vector<16xf32>
        %get3A_869 = arith.index_cast %add3A_857 : i32 to index
        %get3A_870 = arith.constant 16 : index
        %get3A_871 = tpu.vector_load %arg13[%get3A_869, %get3A_870] {strides = array<i32>} : memref<80x64xi32, #tpu.memory_space<vmem>>, vector<16xi32>,
        %bitcast3A_872 = vector.bitcast %get3A_871 : vector<16xi32> to vector<32xbf16>
        %get3A_873 = arith.index_cast %add3A_857 : i32 to index
        %get3A_874 = arith.constant 16 : index
        %get3A_875 = tpu.vector_load %arg14[%get3A_873, %get3A_874] {strides = array<i32>} : memref<80x64xi32, #tpu.memory_space<vmem>>, vector<16xi32>,
        %bitcast3A_876 = vector.bitcast %get3A_875 : vector<16xi32> to vector<32xbf16>
        %mul3A_877 = arith.mulf %bitcast3A_872, %bitcast3A_876 : vector<32xbf16>
        %unpack3A_878 = tpu.unpack_subelements %mul3A_877, 0 {pack_format = #tpu.pack_format<interleaved>} : vector<32xbf16> -> vector<16xf32>
        %unpack3A_879 = tpu.unpack_subelements %mul3A_877, 1 {pack_format = #tpu.pack_format<interleaved>} : vector<32xbf16> -> vector<16xf32>
        %add3A_880 = arith.addf %unpack3A_867, %unpack3A_878 : vector<16xf32>
        %add3A_881 = arith.addf %unpack3A_868, %unpack3A_879 : vector<16xf32>
        %get3A_882 = arith.index_cast %add3A_857 : i32 to index
        %get3A_883 = arith.constant 32 : index
        %get3A_884 = tpu.vector_load %arg13[%get3A_882, %get3A_883] {strides = array<i32>} : memref<80x64xi32, #tpu.memory_space<vmem>>, vector<16xi32>,
        %bitcast3A_885 = vector.bitcast %get3A_884 : vector<16xi32> to vector<32xbf16>
        %get3A_886 = arith.index_cast %add3A_857 : i32 to index
        %get3A_887 = arith.constant 32 : index
        %get3A_888 = tpu.vector_load %arg14[%get3A_886, %get3A_887] {strides = array<i32>} : memref<80x64xi32, #tpu.memory_space<vmem>>, vector<16xi32>,
        %bitcast3A_889 = vector.bitcast %get3A_888 : vector<16xi32> to vector<32xbf16>
        %mul3A_890 = arith.mulf %bitcast3A_885, %bitcast3A_889 : vector<32xbf16>
        %unpack3A_891 = tpu.unpack_subelements %mul3A_890, 0 {pack_format = #tpu.pack_format<interleaved>} : vector<32xbf16> -> vector<16xf32>
        %unpack3A_892 = tpu.unpack_subelements %mul3A_890, 1 {pack_format = #tpu.pack_format<interleaved>} : vector<32xbf16> -> vector<16xf32>
        %add3A_893 = arith.addf %add3A_880, %unpack3A_891 : vector<16xf32>
        %add3A_894 = arith.addf %add3A_881, %unpack3A_892 : vector<16xf32>
        %get3A_895 = arith.index_cast %add3A_857 : i32 to index
        %get3A_896 = arith.constant 48 : index
        %get3A_897 = tpu.vector_load %arg13[%get3A_895, %get3A_896] {strides = array<i32>} : memref<80x64xi32, #tpu.memory_space<vmem>>, vector<16xi32>,
        %bitcast3A_898 = vector.bitcast %get3A_897 : vector<16xi32> to vector<32xbf16>
        %get3A_899 = arith.index_cast %add3A_857 : i32 to index
        %get3A_900 = arith.constant 48 : index
        %get3A_901 = tpu.vector_load %arg14[%get3A_899, %get3A_900] {strides = array<i32>} : memref<80x64xi32, #tpu.memory_space<vmem>>, vector<16xi32>,
        %bitcast3A_902 = vector.bitcast %get3A_901 : vector<16xi32> to vector<32xbf16>
        %mul3A_903 = arith.mulf %bitcast3A_898, %bitcast3A_902 : vector<32xbf16>
        %unpack3A_904 = tpu.unpack_subelements %mul3A_903, 0 {pack_format = #tpu.pack_format<interleaved>} : vector<32xbf16> -> vector<16xf32>
        %unpack3A_905 = tpu.unpack_subelements %mul3A_903, 1 {pack_format = #tpu.pack_format<interleaved>} : vector<32xbf16> -> vector<16xf32>
        %add3A_906 = arith.addf %add3A_893, %unpack3A_904 : vector<16xf32>
        %add3A_907 = arith.addf %add3A_894, %unpack3A_905 : vector<16xf32>
        %add3A_908 = arith.addf %add3A_906, %add3A_907 : vector<16xf32>
        %reduce_sum3A_909 = arith.constant true
        %reduce_sum3A_910 = vector.broadcast %reduce_sum3A_909 : i1 to vector<16xi1>
        %reduce_sum3A_911 = tpu.scan <sum>, %add3A_908 masked %reduce_sum3A_910 : vector<16xf32>, vector<16xi1> -> vector<16xf32>
        %reduce_sum3A_912 = vector.extract %reduce_sum3A_911[15] : f32 from vector<16xf32>
        %broadcast_in_dim3A_913 = vector.broadcast %reduce_sum3A_912 : f32 to vector<16xf32>
        %select_n3A_914 = arith.select %eq3A_855, %broadcast_in_dim3A_913, %select_n3A_852 : vector<16xi1>, vector<16xf32>
        %eq3A_915 = arith.constant 13 : i32
        %eq3A_916 = vector.broadcast %eq3A_915 : i32 to vector<16xi32>
        %eq3A_917 = arith.cmpi eq, %iota3A, %eq3A_916 : vector<16xi32>
        %add3A_918 = arith.constant 13 : i32
        %add3A_919 = arith.addi %multiple_of3A, %add3A_918 : i32
        %get3A_920 = arith.index_cast %add3A_919 : i32 to index
        %get3A_921 = arith.constant 0 : index
        %get3A_922 = tpu.vector_load %arg13[%get3A_920, %get3A_921] {strides = array<i32>} : memref<80x64xi32, #tpu.memory_space<vmem>>, vector<16xi32>,
        %bitcast3A_923 = vector.bitcast %get3A_922 : vector<16xi32> to vector<32xbf16>
        %get3A_924 = arith.index_cast %add3A_919 : i32 to index
        %get3A_925 = arith.constant 0 : index
        %get3A_926 = tpu.vector_load %arg14[%get3A_924, %get3A_925] {strides = array<i32>} : memref<80x64xi32, #tpu.memory_space<vmem>>, vector<16xi32>,
        %bitcast3A_927 = vector.bitcast %get3A_926 : vector<16xi32> to vector<32xbf16>
        %mul3A_928 = arith.mulf %bitcast3A_923, %bitcast3A_927 : vector<32xbf16>
        %unpack3A_929 = tpu.unpack_subelements %mul3A_928, 0 {pack_format = #tpu.pack_format<interleaved>} : vector<32xbf16> -> vector<16xf32>
        %unpack3A_930 = tpu.unpack_subelements %mul3A_928, 1 {pack_format = #tpu.pack_format<interleaved>} : vector<32xbf16> -> vector<16xf32>
        %get3A_931 = arith.index_cast %add3A_919 : i32 to index
        %get3A_932 = arith.constant 16 : index
        %get3A_933 = tpu.vector_load %arg13[%get3A_931, %get3A_932] {strides = array<i32>} : memref<80x64xi32, #tpu.memory_space<vmem>>, vector<16xi32>,
        %bitcast3A_934 = vector.bitcast %get3A_933 : vector<16xi32> to vector<32xbf16>
        %get3A_935 = arith.index_cast %add3A_919 : i32 to index
        %get3A_936 = arith.constant 16 : index
        %get3A_937 = tpu.vector_load %arg14[%get3A_935, %get3A_936] {strides = array<i32>} : memref<80x64xi32, #tpu.memory_space<vmem>>, vector<16xi32>,
        %bitcast3A_938 = vector.bitcast %get3A_937 : vector<16xi32> to vector<32xbf16>
        %mul3A_939 = arith.mulf %bitcast3A_934, %bitcast3A_938 : vector<32xbf16>
        %unpack3A_940 = tpu.unpack_subelements %mul3A_939, 0 {pack_format = #tpu.pack_format<interleaved>} : vector<32xbf16> -> vector<16xf32>
        %unpack3A_941 = tpu.unpack_subelements %mul3A_939, 1 {pack_format = #tpu.pack_format<interleaved>} : vector<32xbf16> -> vector<16xf32>
        %add3A_942 = arith.addf %unpack3A_929, %unpack3A_940 : vector<16xf32>
        %add3A_943 = arith.addf %unpack3A_930, %unpack3A_941 : vector<16xf32>
        %get3A_944 = arith.index_cast %add3A_919 : i32 to index
        %get3A_945 = arith.constant 32 : index
        %get3A_946 = tpu.vector_load %arg13[%get3A_944, %get3A_945] {strides = array<i32>} : memref<80x64xi32, #tpu.memory_space<vmem>>, vector<16xi32>,
        %bitcast3A_947 = vector.bitcast %get3A_946 : vector<16xi32> to vector<32xbf16>
        %get3A_948 = arith.index_cast %add3A_919 : i32 to index
        %get3A_949 = arith.constant 32 : index
        %get3A_950 = tpu.vector_load %arg14[%get3A_948, %get3A_949] {strides = array<i32>} : memref<80x64xi32, #tpu.memory_space<vmem>>, vector<16xi32>,
        %bitcast3A_951 = vector.bitcast %get3A_950 : vector<16xi32> to vector<32xbf16>
        %mul3A_952 = arith.mulf %bitcast3A_947, %bitcast3A_951 : vector<32xbf16>
        %unpack3A_953 = tpu.unpack_subelements %mul3A_952, 0 {pack_format = #tpu.pack_format<interleaved>} : vector<32xbf16> -> vector<16xf32>
        %unpack3A_954 = tpu.unpack_subelements %mul3A_952, 1 {pack_format = #tpu.pack_format<interleaved>} : vector<32xbf16> -> vector<16xf32>
        %add3A_955 = arith.addf %add3A_942, %unpack3A_953 : vector<16xf32>
        %add3A_956 = arith.addf %add3A_943, %unpack3A_954 : vector<16xf32>
        %get3A_957 = arith.index_cast %add3A_919 : i32 to index
        %get3A_958 = arith.constant 48 : index
        %get3A_959 = tpu.vector_load %arg13[%get3A_957, %get3A_958] {strides = array<i32>} : memref<80x64xi32, #tpu.memory_space<vmem>>, vector<16xi32>,
        %bitcast3A_960 = vector.bitcast %get3A_959 : vector<16xi32> to vector<32xbf16>
        %get3A_961 = arith.index_cast %add3A_919 : i32 to index
        %get3A_962 = arith.constant 48 : index
        %get3A_963 = tpu.vector_load %arg14[%get3A_961, %get3A_962] {strides = array<i32>} : memref<80x64xi32, #tpu.memory_space<vmem>>, vector<16xi32>,
        %bitcast3A_964 = vector.bitcast %get3A_963 : vector<16xi32> to vector<32xbf16>
        %mul3A_965 = arith.mulf %bitcast3A_960, %bitcast3A_964 : vector<32xbf16>
        %unpack3A_966 = tpu.unpack_subelements %mul3A_965, 0 {pack_format = #tpu.pack_format<interleaved>} : vector<32xbf16> -> vector<16xf32>
        %unpack3A_967 = tpu.unpack_subelements %mul3A_965, 1 {pack_format = #tpu.pack_format<interleaved>} : vector<32xbf16> -> vector<16xf32>
        %add3A_968 = arith.addf %add3A_955, %unpack3A_966 : vector<16xf32>
        %add3A_969 = arith.addf %add3A_956, %unpack3A_967 : vector<16xf32>
        %add3A_970 = arith.addf %add3A_968, %add3A_969 : vector<16xf32>
        %reduce_sum3A_971 = arith.constant true
        %reduce_sum3A_972 = vector.broadcast %reduce_sum3A_971 : i1 to vector<16xi1>
        %reduce_sum3A_973 = tpu.scan <sum>, %add3A_970 masked %reduce_sum3A_972 : vector<16xf32>, vector<16xi1> -> vector<16xf32>
        %reduce_sum3A_974 = vector.extract %reduce_sum3A_973[15] : f32 from vector<16xf32>
        %broadcast_in_dim3A_975 = vector.broadcast %reduce_sum3A_974 : f32 to vector<16xf32>
        %select_n3A_976 = arith.select %eq3A_917, %broadcast_in_dim3A_975, %select_n3A_914 : vector<16xi1>, vector<16xf32>
        %eq3A_977 = arith.constant 14 : i32
        %eq3A_978 = vector.broadcast %eq3A_977 : i32 to vector<16xi32>
        %eq3A_979 = arith.cmpi eq, %iota3A, %eq3A_978 : vector<16xi32>
        %add3A_980 = arith.constant 14 : i32
        %add3A_981 = arith.addi %multiple_of3A, %add3A_980 : i32
        %get3A_982 = arith.index_cast %add3A_981 : i32 to index
        %get3A_983 = arith.constant 0 : index
        %get3A_984 = tpu.vector_load %arg13[%get3A_982, %get3A_983] {strides = array<i32>} : memref<80x64xi32, #tpu.memory_space<vmem>>, vector<16xi32>,
        %bitcast3A_985 = vector.bitcast %get3A_984 : vector<16xi32> to vector<32xbf16>
        %get3A_986 = arith.index_cast %add3A_981 : i32 to index
        %get3A_987 = arith.constant 0 : index
        %get3A_988 = tpu.vector_load %arg14[%get3A_986, %get3A_987] {strides = array<i32>} : memref<80x64xi32, #tpu.memory_space<vmem>>, vector<16xi32>,
        %bitcast3A_989 = vector.bitcast %get3A_988 : vector<16xi32> to vector<32xbf16>
        %mul3A_990 = arith.mulf %bitcast3A_985, %bitcast3A_989 : vector<32xbf16>
        %unpack3A_991 = tpu.unpack_subelements %mul3A_990, 0 {pack_format = #tpu.pack_format<interleaved>} : vector<32xbf16> -> vector<16xf32>
        %unpack3A_992 = tpu.unpack_subelements %mul3A_990, 1 {pack_format = #tpu.pack_format<interleaved>} : vector<32xbf16> -> vector<16xf32>
        %get3A_993 = arith.index_cast %add3A_981 : i32 to index
        %get3A_994 = arith.constant 16 : index
        %get3A_995 = tpu.vector_load %arg13[%get3A_993, %get3A_994] {strides = array<i32>} : memref<80x64xi32, #tpu.memory_space<vmem>>, vector<16xi32>,
        %bitcast3A_996 = vector.bitcast %get3A_995 : vector<16xi32> to vector<32xbf16>
        %get3A_997 = arith.index_cast %add3A_981 : i32 to index
        %get3A_998 = arith.constant 16 : index
        %get3A_999 = tpu.vector_load %arg14[%get3A_997, %get3A_998] {strides = array<i32>} : memref<80x64xi32, #tpu.memory_space<vmem>>, vector<16xi32>,
        %bitcast3A_1000 = vector.bitcast %get3A_999 : vector<16xi32> to vector<32xbf16>
        %mul3A_1001 = arith.mulf %bitcast3A_996, %bitcast3A_1000 : vector<32xbf16>
        %unpack3A_1002 = tpu.unpack_subelements %mul3A_1001, 0 {pack_format = #tpu.pack_format<interleaved>} : vector<32xbf16> -> vector<16xf32>
        %unpack3A_1003 = tpu.unpack_subelements %mul3A_1001, 1 {pack_format = #tpu.pack_format<interleaved>} : vector<32xbf16> -> vector<16xf32>
        %add3A_1004 = arith.addf %unpack3A_991, %unpack3A_1002 : vector<16xf32>
        %add3A_1005 = arith.addf %unpack3A_992, %unpack3A_1003 : vector<16xf32>
        %get3A_1006 = arith.index_cast %add3A_981 : i32 to index
        %get3A_1007 = arith.constant 32 : index
        %get3A_1008 = tpu.vector_load %arg13[%get3A_1006, %get3A_1007] {strides = array<i32>} : memref<80x64xi32, #tpu.memory_space<vmem>>, vector<16xi32>,
        %bitcast3A_1009 = vector.bitcast %get3A_1008 : vector<16xi32> to vector<32xbf16>
        %get3A_1010 = arith.index_cast %add3A_981 : i32 to index
        %get3A_1011 = arith.constant 32 : index
        %get3A_1012 = tpu.vector_load %arg14[%get3A_1010, %get3A_1011] {strides = array<i32>} : memref<80x64xi32, #tpu.memory_space<vmem>>, vector<16xi32>,
        %bitcast3A_1013 = vector.bitcast %get3A_1012 : vector<16xi32> to vector<32xbf16>
        %mul3A_1014 = arith.mulf %bitcast3A_1009, %bitcast3A_1013 : vector<32xbf16>
        %unpack3A_1015 = tpu.unpack_subelements %mul3A_1014, 0 {pack_format = #tpu.pack_format<interleaved>} : vector<32xbf16> -> vector<16xf32>
        %unpack3A_1016 = tpu.unpack_subelements %mul3A_1014, 1 {pack_format = #tpu.pack_format<interleaved>} : vector<32xbf16> -> vector<16xf32>
        %add3A_1017 = arith.addf %add3A_1004, %unpack3A_1015 : vector<16xf32>
        %add3A_1018 = arith.addf %add3A_1005, %unpack3A_1016 : vector<16xf32>
        %get3A_1019 = arith.index_cast %add3A_981 : i32 to index
        %get3A_1020 = arith.constant 48 : index
        %get3A_1021 = tpu.vector_load %arg13[%get3A_1019, %get3A_1020] {strides = array<i32>} : memref<80x64xi32, #tpu.memory_space<vmem>>, vector<16xi32>,
        %bitcast3A_1022 = vector.bitcast %get3A_1021 : vector<16xi32> to vector<32xbf16>
        %get3A_1023 = arith.index_cast %add3A_981 : i32 to index
        %get3A_1024 = arith.constant 48 : index
        %get3A_1025 = tpu.vector_load %arg14[%get3A_1023, %get3A_1024] {strides = array<i32>} : memref<80x64xi32, #tpu.memory_space<vmem>>, vector<16xi32>,
        %bitcast3A_1026 = vector.bitcast %get3A_1025 : vector<16xi32> to vector<32xbf16>
        %mul3A_1027 = arith.mulf %bitcast3A_1022, %bitcast3A_1026 : vector<32xbf16>
        %unpack3A_1028 = tpu.unpack_subelements %mul3A_1027, 0 {pack_format = #tpu.pack_format<interleaved>} : vector<32xbf16> -> vector<16xf32>
        %unpack3A_1029 = tpu.unpack_subelements %mul3A_1027, 1 {pack_format = #tpu.pack_format<interleaved>} : vector<32xbf16> -> vector<16xf32>
        %add3A_1030 = arith.addf %add3A_1017, %unpack3A_1028 : vector<16xf32>
        %add3A_1031 = arith.addf %add3A_1018, %unpack3A_1029 : vector<16xf32>
        %add3A_1032 = arith.addf %add3A_1030, %add3A_1031 : vector<16xf32>
        %reduce_sum3A_1033 = arith.constant true
        %reduce_sum3A_1034 = vector.broadcast %reduce_sum3A_1033 : i1 to vector<16xi1>
        %reduce_sum3A_1035 = tpu.scan <sum>, %add3A_1032 masked %reduce_sum3A_1034 : vector<16xf32>, vector<16xi1> -> vector<16xf32>
        %reduce_sum3A_1036 = vector.extract %reduce_sum3A_1035[15] : f32 from vector<16xf32>
        %broadcast_in_dim3A_1037 = vector.broadcast %reduce_sum3A_1036 : f32 to vector<16xf32>
        %select_n3A_1038 = arith.select %eq3A_979, %broadcast_in_dim3A_1037, %select_n3A_976 : vector<16xi1>, vector<16xf32>
        %eq3A_1039 = arith.constant 15 : i32
        %eq3A_1040 = vector.broadcast %eq3A_1039 : i32 to vector<16xi32>
        %eq3A_1041 = arith.cmpi eq, %iota3A, %eq3A_1040 : vector<16xi32>
        %add3A_1042 = arith.constant 15 : i32
        %add3A_1043 = arith.addi %multiple_of3A, %add3A_1042 : i32
        %get3A_1044 = arith.index_cast %add3A_1043 : i32 to index
        %get3A_1045 = arith.constant 0 : index
        %get3A_1046 = tpu.vector_load %arg13[%get3A_1044, %get3A_1045] {strides = array<i32>} : memref<80x64xi32, #tpu.memory_space<vmem>>, vector<16xi32>,
        %bitcast3A_1047 = vector.bitcast %get3A_1046 : vector<16xi32> to vector<32xbf16>
        %get3A_1048 = arith.index_cast %add3A_1043 : i32 to index
        %get3A_1049 = arith.constant 0 : index
        %get3A_1050 = tpu.vector_load %arg14[%get3A_1048, %get3A_1049] {strides = array<i32>} : memref<80x64xi32, #tpu.memory_space<vmem>>, vector<16xi32>,
        %bitcast3A_1051 = vector.bitcast %get3A_1050 : vector<16xi32> to vector<32xbf16>
        %mul3A_1052 = arith.mulf %bitcast3A_1047, %bitcast3A_1051 : vector<32xbf16>
        %unpack3A_1053 = tpu.unpack_subelements %mul3A_1052, 0 {pack_format = #tpu.pack_format<interleaved>} : vector<32xbf16> -> vector<16xf32>
        %unpack3A_1054 = tpu.unpack_subelements %mul3A_1052, 1 {pack_format = #tpu.pack_format<interleaved>} : vector<32xbf16> -> vector<16xf32>
        %get3A_1055 = arith.index_cast %add3A_1043 : i32 to index
        %get3A_1056 = arith.constant 16 : index
        %get3A_1057 = tpu.vector_load %arg13[%get3A_1055, %get3A_1056] {strides = array<i32>} : memref<80x64xi32, #tpu.memory_space<vmem>>, vector<16xi32>,
        %bitcast3A_1058 = vector.bitcast %get3A_1057 : vector<16xi32> to vector<32xbf16>
        %get3A_1059 = arith.index_cast %add3A_1043 : i32 to index
        %get3A_1060 = arith.constant 16 : index
        %get3A_1061 = tpu.vector_load %arg14[%get3A_1059, %get3A_1060] {strides = array<i32>} : memref<80x64xi32, #tpu.memory_space<vmem>>, vector<16xi32>,
        %bitcast3A_1062 = vector.bitcast %get3A_1061 : vector<16xi32> to vector<32xbf16>
        %mul3A_1063 = arith.mulf %bitcast3A_1058, %bitcast3A_1062 : vector<32xbf16>
        %unpack3A_1064 = tpu.unpack_subelements %mul3A_1063, 0 {pack_format = #tpu.pack_format<interleaved>} : vector<32xbf16> -> vector<16xf32>
        %unpack3A_1065 = tpu.unpack_subelements %mul3A_1063, 1 {pack_format = #tpu.pack_format<interleaved>} : vector<32xbf16> -> vector<16xf32>
        %add3A_1066 = arith.addf %unpack3A_1053, %unpack3A_1064 : vector<16xf32>
        %add3A_1067 = arith.addf %unpack3A_1054, %unpack3A_1065 : vector<16xf32>
        %get3A_1068 = arith.index_cast %add3A_1043 : i32 to index
        %get3A_1069 = arith.constant 32 : index
        %get3A_1070 = tpu.vector_load %arg13[%get3A_1068, %get3A_1069] {strides = array<i32>} : memref<80x64xi32, #tpu.memory_space<vmem>>, vector<16xi32>,
        %bitcast3A_1071 = vector.bitcast %get3A_1070 : vector<16xi32> to vector<32xbf16>
        %get3A_1072 = arith.index_cast %add3A_1043 : i32 to index
        %get3A_1073 = arith.constant 32 : index
        %get3A_1074 = tpu.vector_load %arg14[%get3A_1072, %get3A_1073] {strides = array<i32>} : memref<80x64xi32, #tpu.memory_space<vmem>>, vector<16xi32>,
        %bitcast3A_1075 = vector.bitcast %get3A_1074 : vector<16xi32> to vector<32xbf16>
        %mul3A_1076 = arith.mulf %bitcast3A_1071, %bitcast3A_1075 : vector<32xbf16>
        %unpack3A_1077 = tpu.unpack_subelements %mul3A_1076, 0 {pack_format = #tpu.pack_format<interleaved>} : vector<32xbf16> -> vector<16xf32>
        %unpack3A_1078 = tpu.unpack_subelements %mul3A_1076, 1 {pack_format = #tpu.pack_format<interleaved>} : vector<32xbf16> -> vector<16xf32>
        %add3A_1079 = arith.addf %add3A_1066, %unpack3A_1077 : vector<16xf32>
        %add3A_1080 = arith.addf %add3A_1067, %unpack3A_1078 : vector<16xf32>
        %get3A_1081 = arith.index_cast %add3A_1043 : i32 to index
        %get3A_1082 = arith.constant 48 : index
        %get3A_1083 = tpu.vector_load %arg13[%get3A_1081, %get3A_1082] {strides = array<i32>} : memref<80x64xi32, #tpu.memory_space<vmem>>, vector<16xi32>,
        %bitcast3A_1084 = vector.bitcast %get3A_1083 : vector<16xi32> to vector<32xbf16>
        %get3A_1085 = arith.index_cast %add3A_1043 : i32 to index
        %get3A_1086 = arith.constant 48 : index
        %get3A_1087 = tpu.vector_load %arg14[%get3A_1085, %get3A_1086] {strides = array<i32>} : memref<80x64xi32, #tpu.memory_space<vmem>>, vector<16xi32>,
        %bitcast3A_1088 = vector.bitcast %get3A_1087 : vector<16xi32> to vector<32xbf16>
        %mul3A_1089 = arith.mulf %bitcast3A_1084, %bitcast3A_1088 : vector<32xbf16>
        %unpack3A_1090 = tpu.unpack_subelements %mul3A_1089, 0 {pack_format = #tpu.pack_format<interleaved>} : vector<32xbf16> -> vector<16xf32>
        %unpack3A_1091 = tpu.unpack_subelements %mul3A_1089, 1 {pack_format = #tpu.pack_format<interleaved>} : vector<32xbf16> -> vector<16xf32>
        %add3A_1092 = arith.addf %add3A_1079, %unpack3A_1090 : vector<16xf32>
        %add3A_1093 = arith.addf %add3A_1080, %unpack3A_1091 : vector<16xf32>
        %add3A_1094 = arith.addf %add3A_1092, %add3A_1093 : vector<16xf32>
        %reduce_sum3A_1095 = arith.constant true
        %reduce_sum3A_1096 = vector.broadcast %reduce_sum3A_1095 : i1 to vector<16xi1>
        %reduce_sum3A_1097 = tpu.scan <sum>, %add3A_1094 masked %reduce_sum3A_1096 : vector<16xf32>, vector<16xi1> -> vector<16xf32>
        %reduce_sum3A_1098 = vector.extract %reduce_sum3A_1097[15] : f32 from vector<16xf32>
        %broadcast_in_dim3A_1099 = vector.broadcast %reduce_sum3A_1098 : f32 to vector<16xf32>
        %select_n3A_1100 = arith.select %eq3A_1041, %broadcast_in_dim3A_1099, %select_n3A_1038 : vector<16xi1>, vector<16xf32>
        %swap3A = arith.index_cast %add3A_84 : i32 to index
        %swap3A_1101 = arith.index_cast %multiple_of3A : i32 to index
        %swap3A_1102 = tpu.vector_load %arg9[%swap3A, %swap3A_1101] {strides = array<i32>} : memref<125x80xf32, #tpu.memory_space<vmem>>, vector<16xf32>,
        tpu.vector_store %arg9[%swap3A, %swap3A_1101], %select_n3A_1100 {strides = array<i32>} : memref<125x80xf32, #tpu.memory_space<vmem>>, vector<16xf32>,
      }
      %scan3A_102 = arith.constant 5 : i32
      %add3A_103 = arith.constant 2 : i32
      %add3A_104 = arith.addi %add3A_84, %add3A_103 : i32
      %lt3A_105 = arith.constant 125 : i32
      %lt3A_106 = arith.cmpi slt, %add3A_104, %lt3A_105 : i32
      %convert_element_type3A_107 = arith.extui %lt3A_106 : i1 to i32
      %cond3A_108 = arith.constant 0 : i32
      %cond3A_109 = arith.cmpi ne, %convert_element_type3A_107, %cond3A_108 : i32
      scf.if %cond3A_109 {
        %add3A_110 = arith.constant 2 : i32
        %add3A_111 = arith.addi %add3A_84, %add3A_110 : i32
        %dma_start3A_112 = arith.constant 0 : i32
        %dma_start3A_113 = tpu.memref_slice %arg7[%add3A_111, %dma_start3A_112] : memref<125x80xi32, #tpu.memory_space<vmem>> -> memref<1x80xi32, #tpu.memory_space<vmem>>
        %dma_start3A_114 = tpu.memref_squeeze %dma_start3A_113 : memref<1x80xi32, #tpu.memory_space<vmem>> -> memref<80xi32, #tpu.memory_space<vmem>>
        %dma_start3A_115 = arith.constant 0 : i32
        %dma_start3A_116 = arith.constant 0 : i32
        %dma_start3A_117 = tpu.memref_slice %arg6[%dma_start3A_115, %dma_start3A_116] : memref<10000x64xi32, #tpu.memory_space<vmem_shared>> -> memref<10000x64xi32, #tpu.memory_space<vmem_shared>>
        tpu.enqueue_indirect_dma source(%dma_start3A_117 : memref<10000x64xi32, #tpu.memory_space<vmem_shared>>) target(%arg13 : memref<80x64xi32, #tpu.memory_space<vmem>>) offsets(%dma_start3A_114 : memref<80xi32, #tpu.memory_space<vmem>>) semaphore(%arg15 : memref<!tpu.dma_semaphore, #tpu.memory_space<semaphore_mem>>)
        %dma_start3A_118 = arith.constant 0 : i32
        %dma_start3A_119 = tpu.memref_slice %arg8[%add3A_111, %dma_start3A_118] : memref<125x80xi32, #tpu.memory_space<vmem>> -> memref<1x80xi32, #tpu.memory_space<vmem>>
        %dma_start3A_120 = tpu.memref_squeeze %dma_start3A_119 : memref<1x80xi32, #tpu.memory_space<vmem>> -> memref<80xi32, #tpu.memory_space<vmem>>
        %dma_start3A_121 = arith.constant 0 : i32
        %dma_start3A_122 = arith.constant 0 : i32
        %dma_start3A_123 = tpu.memref_slice %arg6[%dma_start3A_121, %dma_start3A_122] : memref<10000x64xi32, #tpu.memory_space<vmem_shared>> -> memref<10000x64xi32, #tpu.memory_space<vmem_shared>>
        tpu.enqueue_indirect_dma source(%dma_start3A_123 : memref<10000x64xi32, #tpu.memory_space<vmem_shared>>) target(%arg14 : memref<80x64xi32, #tpu.memory_space<vmem>>) offsets(%dma_start3A_120 : memref<80xi32, #tpu.memory_space<vmem>>) semaphore(%arg15 : memref<!tpu.dma_semaphore, #tpu.memory_space<semaphore_mem>>)
      } else {
      }
    }
    %scan3A_34 = arith.constant 62 : i32
    %dma_wait3A = arith.constant 124 : i32
    %dma_wait3A_35 = arith.constant 0 : i32
    %dma_wait3A_36 = tpu.memref_slice %arg7[%dma_wait3A, %dma_wait3A_35] : memref<125x80xi32, #tpu.memory_space<vmem>> -> memref<1x80xi32, #tpu.memory_space<vmem>>
    %dma_wait3A_37 = tpu.memref_squeeze %dma_wait3A_36 : memref<1x80xi32, #tpu.memory_space<vmem>> -> memref<80xi32, #tpu.memory_space<vmem>>
    %dma_wait3A_38 = arith.constant 0 : i32
    %dma_wait3A_39 = arith.constant 0 : i32
    %dma_wait3A_40 = tpu.memref_slice %arg6[%dma_wait3A_38, %dma_wait3A_39] : memref<10000x64xi32, #tpu.memory_space<vmem_shared>> -> memref<10000x64xi32, #tpu.memory_space<vmem_shared>>
    tpu.wait_indirect_dma semaphore(%arg12 : memref<!tpu.dma_semaphore, #tpu.memory_space<semaphore_mem>>) src(%dma_wait3A_40 : memref<10000x64xi32, #tpu.memory_space<vmem_shared>>) dst(%arg10 : memref<80x64xi32, #tpu.memory_space<vmem>>)
    %dma_wait3A_41 = arith.constant 124 : i32
    %dma_wait3A_42 = arith.constant 0 : i32
    %dma_wait3A_43 = tpu.memref_slice %arg8[%dma_wait3A_41, %dma_wait3A_42] : memref<125x80xi32, #tpu.memory_space<vmem>> -> memref<1x80xi32, #tpu.memory_space<vmem>>
    %dma_wait3A_44 = tpu.memref_squeeze %dma_wait3A_43 : memref<1x80xi32, #tpu.memory_space<vmem>> -> memref<80xi32, #tpu.memory_space<vmem>>
    %dma_wait3A_45 = arith.constant 0 : i32
    %dma_wait3A_46 = arith.constant 0 : i32
    %dma_wait3A_47 = tpu.memref_slice %arg6[%dma_wait3A_45, %dma_wait3A_46] : memref<10000x64xi32, #tpu.memory_space<vmem_shared>> -> memref<10000x64xi32, #tpu.memory_space<vmem_shared>>
    tpu.wait_indirect_dma semaphore(%arg12 : memref<!tpu.dma_semaphore, #tpu.memory_space<semaphore_mem>>) src(%dma_wait3A_47 : memref<10000x64xi32, #tpu.memory_space<vmem_shared>>) dst(%arg11 : memref<80x64xi32, #tpu.memory_space<vmem>>)
    %scan3A_48 = arith.constant 0 : i32
    %scan3A_49 = arith.constant 0 : i32
    %scan3A_50 = arith.constant 5 : i32
    %scan3A_51 = arith.addi %scan3A_49, %scan3A_50 : i32
    %scan3A_52 = arith.constant 1 : i32
    scf.for %scan3A_54 = %scan3A_49 to %scan3A_51 step %scan3A_52  : i32 {
      %mul3A_55 = arith.constant 16 : i32
      %mul3A_56 = arith.muli %scan3A_54, %mul3A_55 : i32
      %multiple_of3A = tpu.assume_multiple %mul3A_56, 16 : i32
      %broadcast_in_dim3A = arith.constant 0.000000e+00 : f32
      %broadcast_in_dim3A_57 = vector.broadcast %broadcast_in_dim3A : f32 to vector<16xf32>
      %eq3A_58 = arith.constant 0 : i32
      %eq3A_59 = vector.broadcast %eq3A_58 : i32 to vector<16xi32>
      %eq3A_60 = arith.cmpi eq, %iota3A, %eq3A_59 : vector<16xi32>
      %add3A_61 = arith.constant 0 : i32
      %add3A_62 = arith.addi %multiple_of3A, %add3A_61 : i32
      %get3A = arith.index_cast %add3A_62 : i32 to index
      %get3A_63 = arith.constant 0 : index
      %get3A_64 = tpu.vector_load %arg10[%get3A, %get3A_63] {strides = array<i32>} : memref<80x64xi32, #tpu.memory_space<vmem>>, vector<16xi32>,
      %bitcast3A = vector.bitcast %get3A_64 : vector<16xi32> to vector<32xbf16>
      %get3A_65 = arith.index_cast %add3A_62 : i32 to index
      %get3A_66 = arith.constant 0 : index
      %get3A_67 = tpu.vector_load %arg11[%get3A_65, %get3A_66] {strides = array<i32>} : memref<80x64xi32, #tpu.memory_space<vmem>>, vector<16xi32>,
      %bitcast3A_68 = vector.bitcast %get3A_67 : vector<16xi32> to vector<32xbf16>
      %mul3A_69 = arith.mulf %bitcast3A, %bitcast3A_68 : vector<32xbf16>
      %unpack3A = tpu.unpack_subelements %mul3A_69, 0 {pack_format = #tpu.pack_format<interleaved>} : vector<32xbf16> -> vector<16xf32>
      %unpack3A_70 = tpu.unpack_subelements %mul3A_69, 1 {pack_format = #tpu.pack_format<interleaved>} : vector<32xbf16> -> vector<16xf32>
      %get3A_71 = arith.index_cast %add3A_62 : i32 to index
      %get3A_72 = arith.constant 16 : index
      %get3A_73 = tpu.vector_load %arg10[%get3A_71, %get3A_72] {strides = array<i32>} : memref<80x64xi32, #tpu.memory_space<vmem>>, vector<16xi32>,
      %bitcast3A_74 = vector.bitcast %get3A_73 : vector<16xi32> to vector<32xbf16>
      %get3A_75 = arith.index_cast %add3A_62 : i32 to index
      %get3A_76 = arith.constant 16 : index
      %get3A_77 = tpu.vector_load %arg11[%get3A_75, %get3A_76] {strides = array<i32>} : memref<80x64xi32, #tpu.memory_space<vmem>>, vector<16xi32>,
      %bitcast3A_78 = vector.bitcast %get3A_77 : vector<16xi32> to vector<32xbf16>
      %mul3A_79 = arith.mulf %bitcast3A_74, %bitcast3A_78 : vector<32xbf16>
      %unpack3A_80 = tpu.unpack_subelements %mul3A_79, 0 {pack_format = #tpu.pack_format<interleaved>} : vector<32xbf16> -> vector<16xf32>
      %unpack3A_81 = tpu.unpack_subelements %mul3A_79, 1 {pack_format = #tpu.pack_format<interleaved>} : vector<32xbf16> -> vector<16xf32>
      %add3A_82 = arith.addf %unpack3A, %unpack3A_80 : vector<16xf32>
      %add3A_83 = arith.addf %unpack3A_70, %unpack3A_81 : vector<16xf32>
      %get3A_84 = arith.index_cast %add3A_62 : i32 to index
      %get3A_85 = arith.constant 32 : index
      %get3A_86 = tpu.vector_load %arg10[%get3A_84, %get3A_85] {strides = array<i32>} : memref<80x64xi32, #tpu.memory_space<vmem>>, vector<16xi32>,
      %bitcast3A_87 = vector.bitcast %get3A_86 : vector<16xi32> to vector<32xbf16>
      %get3A_88 = arith.index_cast %add3A_62 : i32 to index
      %get3A_89 = arith.constant 32 : index
      %get3A_90 = tpu.vector_load %arg11[%get3A_88, %get3A_89] {strides = array<i32>} : memref<80x64xi32, #tpu.memory_space<vmem>>, vector<16xi32>,
      %bitcast3A_91 = vector.bitcast %get3A_90 : vector<16xi32> to vector<32xbf16>
      %mul3A_92 = arith.mulf %bitcast3A_87, %bitcast3A_91 : vector<32xbf16>
      %unpack3A_93 = tpu.unpack_subelements %mul3A_92, 0 {pack_format = #tpu.pack_format<interleaved>} : vector<32xbf16> -> vector<16xf32>
      %unpack3A_94 = tpu.unpack_subelements %mul3A_92, 1 {pack_format = #tpu.pack_format<interleaved>} : vector<32xbf16> -> vector<16xf32>
      %add3A_95 = arith.addf %add3A_82, %unpack3A_93 : vector<16xf32>
      %add3A_96 = arith.addf %add3A_83, %unpack3A_94 : vector<16xf32>
      %get3A_97 = arith.index_cast %add3A_62 : i32 to index
      %get3A_98 = arith.constant 48 : index
      %get3A_99 = tpu.vector_load %arg10[%get3A_97, %get3A_98] {strides = array<i32>} : memref<80x64xi32, #tpu.memory_space<vmem>>, vector<16xi32>,
      %bitcast3A_100 = vector.bitcast %get3A_99 : vector<16xi32> to vector<32xbf16>
      %get3A_101 = arith.index_cast %add3A_62 : i32 to index
      %get3A_102 = arith.constant 48 : index
      %get3A_103 = tpu.vector_load %arg11[%get3A_101, %get3A_102] {strides = array<i32>} : memref<80x64xi32, #tpu.memory_space<vmem>>, vector<16xi32>,
      %bitcast3A_104 = vector.bitcast %get3A_103 : vector<16xi32> to vector<32xbf16>
      %mul3A_105 = arith.mulf %bitcast3A_100, %bitcast3A_104 : vector<32xbf16>
      %unpack3A_106 = tpu.unpack_subelements %mul3A_105, 0 {pack_format = #tpu.pack_format<interleaved>} : vector<32xbf16> -> vector<16xf32>
      %unpack3A_107 = tpu.unpack_subelements %mul3A_105, 1 {pack_format = #tpu.pack_format<interleaved>} : vector<32xbf16> -> vector<16xf32>
      %add3A_108 = arith.addf %add3A_95, %unpack3A_106 : vector<16xf32>
      %add3A_109 = arith.addf %add3A_96, %unpack3A_107 : vector<16xf32>
      %add3A_110 = arith.addf %add3A_108, %add3A_109 : vector<16xf32>
      %reduce_sum3A = arith.constant true
      %reduce_sum3A_111 = vector.broadcast %reduce_sum3A : i1 to vector<16xi1>
      %reduce_sum3A_112 = tpu.scan <sum>, %add3A_110 masked %reduce_sum3A_111 : vector<16xf32>, vector<16xi1> -> vector<16xf32>
      %reduce_sum3A_113 = vector.extract %reduce_sum3A_112[15] : f32 from vector<16xf32>
      %broadcast_in_dim3A_114 = vector.broadcast %reduce_sum3A_113 : f32 to vector<16xf32>
      %select_n3A = arith.select %eq3A_60, %broadcast_in_dim3A_114, %broadcast_in_dim3A_57 : vector<16xi1>, vector<16xf32>
      %eq3A_115 = arith.constant 1 : i32
      %eq3A_116 = vector.broadcast %eq3A_115 : i32 to vector<16xi32>
      %eq3A_117 = arith.cmpi eq, %iota3A, %eq3A_116 : vector<16xi32>
      %add3A_118 = arith.constant 1 : i32
      %add3A_119 = arith.addi %multiple_of3A, %add3A_118 : i32
      %get3A_120 = arith.index_cast %add3A_119 : i32 to index
      %get3A_121 = arith.constant 0 : index
      %get3A_122 = tpu.vector_load %arg10[%get3A_120, %get3A_121] {strides = array<i32>} : memref<80x64xi32, #tpu.memory_space<vmem>>, vector<16xi32>,
      %bitcast3A_123 = vector.bitcast %get3A_122 : vector<16xi32> to vector<32xbf16>
      %get3A_124 = arith.index_cast %add3A_119 : i32 to index
      %get3A_125 = arith.constant 0 : index
      %get3A_126 = tpu.vector_load %arg11[%get3A_124, %get3A_125] {strides = array<i32>} : memref<80x64xi32, #tpu.memory_space<vmem>>, vector<16xi32>,
      %bitcast3A_127 = vector.bitcast %get3A_126 : vector<16xi32> to vector<32xbf16>
      %mul3A_128 = arith.mulf %bitcast3A_123, %bitcast3A_127 : vector<32xbf16>
      %unpack3A_129 = tpu.unpack_subelements %mul3A_128, 0 {pack_format = #tpu.pack_format<interleaved>} : vector<32xbf16> -> vector<16xf32>
      %unpack3A_130 = tpu.unpack_subelements %mul3A_128, 1 {pack_format = #tpu.pack_format<interleaved>} : vector<32xbf16> -> vector<16xf32>
      %get3A_131 = arith.index_cast %add3A_119 : i32 to index
      %get3A_132 = arith.constant 16 : index
      %get3A_133 = tpu.vector_load %arg10[%get3A_131, %get3A_132] {strides = array<i32>} : memref<80x64xi32, #tpu.memory_space<vmem>>, vector<16xi32>,
      %bitcast3A_134 = vector.bitcast %get3A_133 : vector<16xi32> to vector<32xbf16>
      %get3A_135 = arith.index_cast %add3A_119 : i32 to index
      %get3A_136 = arith.constant 16 : index
      %get3A_137 = tpu.vector_load %arg11[%get3A_135, %get3A_136] {strides = array<i32>} : memref<80x64xi32, #tpu.memory_space<vmem>>, vector<16xi32>,
      %bitcast3A_138 = vector.bitcast %get3A_137 : vector<16xi32> to vector<32xbf16>
      %mul3A_139 = arith.mulf %bitcast3A_134, %bitcast3A_138 : vector<32xbf16>
      %unpack3A_140 = tpu.unpack_subelements %mul3A_139, 0 {pack_format = #tpu.pack_format<interleaved>} : vector<32xbf16> -> vector<16xf32>
      %unpack3A_141 = tpu.unpack_subelements %mul3A_139, 1 {pack_format = #tpu.pack_format<interleaved>} : vector<32xbf16> -> vector<16xf32>
      %add3A_142 = arith.addf %unpack3A_129, %unpack3A_140 : vector<16xf32>
      %add3A_143 = arith.addf %unpack3A_130, %unpack3A_141 : vector<16xf32>
      %get3A_144 = arith.index_cast %add3A_119 : i32 to index
      %get3A_145 = arith.constant 32 : index
      %get3A_146 = tpu.vector_load %arg10[%get3A_144, %get3A_145] {strides = array<i32>} : memref<80x64xi32, #tpu.memory_space<vmem>>, vector<16xi32>,
      %bitcast3A_147 = vector.bitcast %get3A_146 : vector<16xi32> to vector<32xbf16>
      %get3A_148 = arith.index_cast %add3A_119 : i32 to index
      %get3A_149 = arith.constant 32 : index
      %get3A_150 = tpu.vector_load %arg11[%get3A_148, %get3A_149] {strides = array<i32>} : memref<80x64xi32, #tpu.memory_space<vmem>>, vector<16xi32>,
      %bitcast3A_151 = vector.bitcast %get3A_150 : vector<16xi32> to vector<32xbf16>
      %mul3A_152 = arith.mulf %bitcast3A_147, %bitcast3A_151 : vector<32xbf16>
      %unpack3A_153 = tpu.unpack_subelements %mul3A_152, 0 {pack_format = #tpu.pack_format<interleaved>} : vector<32xbf16> -> vector<16xf32>
      %unpack3A_154 = tpu.unpack_subelements %mul3A_152, 1 {pack_format = #tpu.pack_format<interleaved>} : vector<32xbf16> -> vector<16xf32>
      %add3A_155 = arith.addf %add3A_142, %unpack3A_153 : vector<16xf32>
      %add3A_156 = arith.addf %add3A_143, %unpack3A_154 : vector<16xf32>
      %get3A_157 = arith.index_cast %add3A_119 : i32 to index
      %get3A_158 = arith.constant 48 : index
      %get3A_159 = tpu.vector_load %arg10[%get3A_157, %get3A_158] {strides = array<i32>} : memref<80x64xi32, #tpu.memory_space<vmem>>, vector<16xi32>,
      %bitcast3A_160 = vector.bitcast %get3A_159 : vector<16xi32> to vector<32xbf16>
      %get3A_161 = arith.index_cast %add3A_119 : i32 to index
      %get3A_162 = arith.constant 48 : index
      %get3A_163 = tpu.vector_load %arg11[%get3A_161, %get3A_162] {strides = array<i32>} : memref<80x64xi32, #tpu.memory_space<vmem>>, vector<16xi32>,
      %bitcast3A_164 = vector.bitcast %get3A_163 : vector<16xi32> to vector<32xbf16>
      %mul3A_165 = arith.mulf %bitcast3A_160, %bitcast3A_164 : vector<32xbf16>
      %unpack3A_166 = tpu.unpack_subelements %mul3A_165, 0 {pack_format = #tpu.pack_format<interleaved>} : vector<32xbf16> -> vector<16xf32>
      %unpack3A_167 = tpu.unpack_subelements %mul3A_165, 1 {pack_format = #tpu.pack_format<interleaved>} : vector<32xbf16> -> vector<16xf32>
      %add3A_168 = arith.addf %add3A_155, %unpack3A_166 : vector<16xf32>
      %add3A_169 = arith.addf %add3A_156, %unpack3A_167 : vector<16xf32>
      %add3A_170 = arith.addf %add3A_168, %add3A_169 : vector<16xf32>
      %reduce_sum3A_171 = arith.constant true
      %reduce_sum3A_172 = vector.broadcast %reduce_sum3A_171 : i1 to vector<16xi1>
      %reduce_sum3A_173 = tpu.scan <sum>, %add3A_170 masked %reduce_sum3A_172 : vector<16xf32>, vector<16xi1> -> vector<16xf32>
      %reduce_sum3A_174 = vector.extract %reduce_sum3A_173[15] : f32 from vector<16xf32>
      %broadcast_in_dim3A_175 = vector.broadcast %reduce_sum3A_174 : f32 to vector<16xf32>
      %select_n3A_176 = arith.select %eq3A_117, %broadcast_in_dim3A_175, %select_n3A : vector<16xi1>, vector<16xf32>
      %eq3A_177 = arith.constant 2 : i32
      %eq3A_178 = vector.broadcast %eq3A_177 : i32 to vector<16xi32>
      %eq3A_179 = arith.cmpi eq, %iota3A, %eq3A_178 : vector<16xi32>
      %add3A_180 = arith.constant 2 : i32
      %add3A_181 = arith.addi %multiple_of3A, %add3A_180 : i32
      %get3A_182 = arith.index_cast %add3A_181 : i32 to index
      %get3A_183 = arith.constant 0 : index
      %get3A_184 = tpu.vector_load %arg10[%get3A_182, %get3A_183] {strides = array<i32>} : memref<80x64xi32, #tpu.memory_space<vmem>>, vector<16xi32>,
      %bitcast3A_185 = vector.bitcast %get3A_184 : vector<16xi32> to vector<32xbf16>
      %get3A_186 = arith.index_cast %add3A_181 : i32 to index
      %get3A_187 = arith.constant 0 : index
      %get3A_188 = tpu.vector_load %arg11[%get3A_186, %get3A_187] {strides = array<i32>} : memref<80x64xi32, #tpu.memory_space<vmem>>, vector<16xi32>,
      %bitcast3A_189 = vector.bitcast %get3A_188 : vector<16xi32> to vector<32xbf16>
      %mul3A_190 = arith.mulf %bitcast3A_185, %bitcast3A_189 : vector<32xbf16>
      %unpack3A_191 = tpu.unpack_subelements %mul3A_190, 0 {pack_format = #tpu.pack_format<interleaved>} : vector<32xbf16> -> vector<16xf32>
      %unpack3A_192 = tpu.unpack_subelements %mul3A_190, 1 {pack_format = #tpu.pack_format<interleaved>} : vector<32xbf16> -> vector<16xf32>
      %get3A_193 = arith.index_cast %add3A_181 : i32 to index
      %get3A_194 = arith.constant 16 : index
      %get3A_195 = tpu.vector_load %arg10[%get3A_193, %get3A_194] {strides = array<i32>} : memref<80x64xi32, #tpu.memory_space<vmem>>, vector<16xi32>,
      %bitcast3A_196 = vector.bitcast %get3A_195 : vector<16xi32> to vector<32xbf16>
      %get3A_197 = arith.index_cast %add3A_181 : i32 to index
      %get3A_198 = arith.constant 16 : index
      %get3A_199 = tpu.vector_load %arg11[%get3A_197, %get3A_198] {strides = array<i32>} : memref<80x64xi32, #tpu.memory_space<vmem>>, vector<16xi32>,
      %bitcast3A_200 = vector.bitcast %get3A_199 : vector<16xi32> to vector<32xbf16>
      %mul3A_201 = arith.mulf %bitcast3A_196, %bitcast3A_200 : vector<32xbf16>
      %unpack3A_202 = tpu.unpack_subelements %mul3A_201, 0 {pack_format = #tpu.pack_format<interleaved>} : vector<32xbf16> -> vector<16xf32>
      %unpack3A_203 = tpu.unpack_subelements %mul3A_201, 1 {pack_format = #tpu.pack_format<interleaved>} : vector<32xbf16> -> vector<16xf32>
      %add3A_204 = arith.addf %unpack3A_191, %unpack3A_202 : vector<16xf32>
      %add3A_205 = arith.addf %unpack3A_192, %unpack3A_203 : vector<16xf32>
      %get3A_206 = arith.index_cast %add3A_181 : i32 to index
      %get3A_207 = arith.constant 32 : index
      %get3A_208 = tpu.vector_load %arg10[%get3A_206, %get3A_207] {strides = array<i32>} : memref<80x64xi32, #tpu.memory_space<vmem>>, vector<16xi32>,
      %bitcast3A_209 = vector.bitcast %get3A_208 : vector<16xi32> to vector<32xbf16>
      %get3A_210 = arith.index_cast %add3A_181 : i32 to index
      %get3A_211 = arith.constant 32 : index
      %get3A_212 = tpu.vector_load %arg11[%get3A_210, %get3A_211] {strides = array<i32>} : memref<80x64xi32, #tpu.memory_space<vmem>>, vector<16xi32>,
      %bitcast3A_213 = vector.bitcast %get3A_212 : vector<16xi32> to vector<32xbf16>
      %mul3A_214 = arith.mulf %bitcast3A_209, %bitcast3A_213 : vector<32xbf16>
      %unpack3A_215 = tpu.unpack_subelements %mul3A_214, 0 {pack_format = #tpu.pack_format<interleaved>} : vector<32xbf16> -> vector<16xf32>
      %unpack3A_216 = tpu.unpack_subelements %mul3A_214, 1 {pack_format = #tpu.pack_format<interleaved>} : vector<32xbf16> -> vector<16xf32>
      %add3A_217 = arith.addf %add3A_204, %unpack3A_215 : vector<16xf32>
      %add3A_218 = arith.addf %add3A_205, %unpack3A_216 : vector<16xf32>
      %get3A_219 = arith.index_cast %add3A_181 : i32 to index
      %get3A_220 = arith.constant 48 : index
      %get3A_221 = tpu.vector_load %arg10[%get3A_219, %get3A_220] {strides = array<i32>} : memref<80x64xi32, #tpu.memory_space<vmem>>, vector<16xi32>,
      %bitcast3A_222 = vector.bitcast %get3A_221 : vector<16xi32> to vector<32xbf16>
      %get3A_223 = arith.index_cast %add3A_181 : i32 to index
      %get3A_224 = arith.constant 48 : index
      %get3A_225 = tpu.vector_load %arg11[%get3A_223, %get3A_224] {strides = array<i32>} : memref<80x64xi32, #tpu.memory_space<vmem>>, vector<16xi32>,
      %bitcast3A_226 = vector.bitcast %get3A_225 : vector<16xi32> to vector<32xbf16>
      %mul3A_227 = arith.mulf %bitcast3A_222, %bitcast3A_226 : vector<32xbf16>
      %unpack3A_228 = tpu.unpack_subelements %mul3A_227, 0 {pack_format = #tpu.pack_format<interleaved>} : vector<32xbf16> -> vector<16xf32>
      %unpack3A_229 = tpu.unpack_subelements %mul3A_227, 1 {pack_format = #tpu.pack_format<interleaved>} : vector<32xbf16> -> vector<16xf32>
      %add3A_230 = arith.addf %add3A_217, %unpack3A_228 : vector<16xf32>
      %add3A_231 = arith.addf %add3A_218, %unpack3A_229 : vector<16xf32>
      %add3A_232 = arith.addf %add3A_230, %add3A_231 : vector<16xf32>
      %reduce_sum3A_233 = arith.constant true
      %reduce_sum3A_234 = vector.broadcast %reduce_sum3A_233 : i1 to vector<16xi1>
      %reduce_sum3A_235 = tpu.scan <sum>, %add3A_232 masked %reduce_sum3A_234 : vector<16xf32>, vector<16xi1> -> vector<16xf32>
      %reduce_sum3A_236 = vector.extract %reduce_sum3A_235[15] : f32 from vector<16xf32>
      %broadcast_in_dim3A_237 = vector.broadcast %reduce_sum3A_236 : f32 to vector<16xf32>
      %select_n3A_238 = arith.select %eq3A_179, %broadcast_in_dim3A_237, %select_n3A_176 : vector<16xi1>, vector<16xf32>
      %eq3A_239 = arith.constant 3 : i32
      %eq3A_240 = vector.broadcast %eq3A_239 : i32 to vector<16xi32>
      %eq3A_241 = arith.cmpi eq, %iota3A, %eq3A_240 : vector<16xi32>
      %add3A_242 = arith.constant 3 : i32
      %add3A_243 = arith.addi %multiple_of3A, %add3A_242 : i32
      %get3A_244 = arith.index_cast %add3A_243 : i32 to index
      %get3A_245 = arith.constant 0 : index
      %get3A_246 = tpu.vector_load %arg10[%get3A_244, %get3A_245] {strides = array<i32>} : memref<80x64xi32, #tpu.memory_space<vmem>>, vector<16xi32>,
      %bitcast3A_247 = vector.bitcast %get3A_246 : vector<16xi32> to vector<32xbf16>
      %get3A_248 = arith.index_cast %add3A_243 : i32 to index
      %get3A_249 = arith.constant 0 : index
      %get3A_250 = tpu.vector_load %arg11[%get3A_248, %get3A_249] {strides = array<i32>} : memref<80x64xi32, #tpu.memory_space<vmem>>, vector<16xi32>,
      %bitcast3A_251 = vector.bitcast %get3A_250 : vector<16xi32> to vector<32xbf16>
      %mul3A_252 = arith.mulf %bitcast3A_247, %bitcast3A_251 : vector<32xbf16>
      %unpack3A_253 = tpu.unpack_subelements %mul3A_252, 0 {pack_format = #tpu.pack_format<interleaved>} : vector<32xbf16> -> vector<16xf32>
      %unpack3A_254 = tpu.unpack_subelements %mul3A_252, 1 {pack_format = #tpu.pack_format<interleaved>} : vector<32xbf16> -> vector<16xf32>
      %get3A_255 = arith.index_cast %add3A_243 : i32 to index
      %get3A_256 = arith.constant 16 : index
      %get3A_257 = tpu.vector_load %arg10[%get3A_255, %get3A_256] {strides = array<i32>} : memref<80x64xi32, #tpu.memory_space<vmem>>, vector<16xi32>,
      %bitcast3A_258 = vector.bitcast %get3A_257 : vector<16xi32> to vector<32xbf16>
      %get3A_259 = arith.index_cast %add3A_243 : i32 to index
      %get3A_260 = arith.constant 16 : index
      %get3A_261 = tpu.vector_load %arg11[%get3A_259, %get3A_260] {strides = array<i32>} : memref<80x64xi32, #tpu.memory_space<vmem>>, vector<16xi32>,
      %bitcast3A_262 = vector.bitcast %get3A_261 : vector<16xi32> to vector<32xbf16>
      %mul3A_263 = arith.mulf %bitcast3A_258, %bitcast3A_262 : vector<32xbf16>
      %unpack3A_264 = tpu.unpack_subelements %mul3A_263, 0 {pack_format = #tpu.pack_format<interleaved>} : vector<32xbf16> -> vector<16xf32>
      %unpack3A_265 = tpu.unpack_subelements %mul3A_263, 1 {pack_format = #tpu.pack_format<interleaved>} : vector<32xbf16> -> vector<16xf32>
      %add3A_266 = arith.addf %unpack3A_253, %unpack3A_264 : vector<16xf32>
      %add3A_267 = arith.addf %unpack3A_254, %unpack3A_265 : vector<16xf32>
      %get3A_268 = arith.index_cast %add3A_243 : i32 to index
      %get3A_269 = arith.constant 32 : index
      %get3A_270 = tpu.vector_load %arg10[%get3A_268, %get3A_269] {strides = array<i32>} : memref<80x64xi32, #tpu.memory_space<vmem>>, vector<16xi32>,
      %bitcast3A_271 = vector.bitcast %get3A_270 : vector<16xi32> to vector<32xbf16>
      %get3A_272 = arith.index_cast %add3A_243 : i32 to index
      %get3A_273 = arith.constant 32 : index
      %get3A_274 = tpu.vector_load %arg11[%get3A_272, %get3A_273] {strides = array<i32>} : memref<80x64xi32, #tpu.memory_space<vmem>>, vector<16xi32>,
      %bitcast3A_275 = vector.bitcast %get3A_274 : vector<16xi32> to vector<32xbf16>
      %mul3A_276 = arith.mulf %bitcast3A_271, %bitcast3A_275 : vector<32xbf16>
      %unpack3A_277 = tpu.unpack_subelements %mul3A_276, 0 {pack_format = #tpu.pack_format<interleaved>} : vector<32xbf16> -> vector<16xf32>
      %unpack3A_278 = tpu.unpack_subelements %mul3A_276, 1 {pack_format = #tpu.pack_format<interleaved>} : vector<32xbf16> -> vector<16xf32>
      %add3A_279 = arith.addf %add3A_266, %unpack3A_277 : vector<16xf32>
      %add3A_280 = arith.addf %add3A_267, %unpack3A_278 : vector<16xf32>
      %get3A_281 = arith.index_cast %add3A_243 : i32 to index
      %get3A_282 = arith.constant 48 : index
      %get3A_283 = tpu.vector_load %arg10[%get3A_281, %get3A_282] {strides = array<i32>} : memref<80x64xi32, #tpu.memory_space<vmem>>, vector<16xi32>,
      %bitcast3A_284 = vector.bitcast %get3A_283 : vector<16xi32> to vector<32xbf16>
      %get3A_285 = arith.index_cast %add3A_243 : i32 to index
      %get3A_286 = arith.constant 48 : index
      %get3A_287 = tpu.vector_load %arg11[%get3A_285, %get3A_286] {strides = array<i32>} : memref<80x64xi32, #tpu.memory_space<vmem>>, vector<16xi32>,
      %bitcast3A_288 = vector.bitcast %get3A_287 : vector<16xi32> to vector<32xbf16>
      %mul3A_289 = arith.mulf %bitcast3A_284, %bitcast3A_288 : vector<32xbf16>
      %unpack3A_290 = tpu.unpack_subelements %mul3A_289, 0 {pack_format = #tpu.pack_format<interleaved>} : vector<32xbf16> -> vector<16xf32>
      %unpack3A_291 = tpu.unpack_subelements %mul3A_289, 1 {pack_format = #tpu.pack_format<interleaved>} : vector<32xbf16> -> vector<16xf32>
      %add3A_292 = arith.addf %add3A_279, %unpack3A_290 : vector<16xf32>
      %add3A_293 = arith.addf %add3A_280, %unpack3A_291 : vector<16xf32>
      %add3A_294 = arith.addf %add3A_292, %add3A_293 : vector<16xf32>
      %reduce_sum3A_295 = arith.constant true
      %reduce_sum3A_296 = vector.broadcast %reduce_sum3A_295 : i1 to vector<16xi1>
      %reduce_sum3A_297 = tpu.scan <sum>, %add3A_294 masked %reduce_sum3A_296 : vector<16xf32>, vector<16xi1> -> vector<16xf32>
      %reduce_sum3A_298 = vector.extract %reduce_sum3A_297[15] : f32 from vector<16xf32>
      %broadcast_in_dim3A_299 = vector.broadcast %reduce_sum3A_298 : f32 to vector<16xf32>
      %select_n3A_300 = arith.select %eq3A_241, %broadcast_in_dim3A_299, %select_n3A_238 : vector<16xi1>, vector<16xf32>
      %eq3A_301 = arith.constant 4 : i32
      %eq3A_302 = vector.broadcast %eq3A_301 : i32 to vector<16xi32>
      %eq3A_303 = arith.cmpi eq, %iota3A, %eq3A_302 : vector<16xi32>
      %add3A_304 = arith.constant 4 : i32
      %add3A_305 = arith.addi %multiple_of3A, %add3A_304 : i32
      %get3A_306 = arith.index_cast %add3A_305 : i32 to index
      %get3A_307 = arith.constant 0 : index
      %get3A_308 = tpu.vector_load %arg10[%get3A_306, %get3A_307] {strides = array<i32>} : memref<80x64xi32, #tpu.memory_space<vmem>>, vector<16xi32>,
      %bitcast3A_309 = vector.bitcast %get3A_308 : vector<16xi32> to vector<32xbf16>
      %get3A_310 = arith.index_cast %add3A_305 : i32 to index
      %get3A_311 = arith.constant 0 : index
      %get3A_312 = tpu.vector_load %arg11[%get3A_310, %get3A_311] {strides = array<i32>} : memref<80x64xi32, #tpu.memory_space<vmem>>, vector<16xi32>,
      %bitcast3A_313 = vector.bitcast %get3A_312 : vector<16xi32> to vector<32xbf16>
      %mul3A_314 = arith.mulf %bitcast3A_309, %bitcast3A_313 : vector<32xbf16>
      %unpack3A_315 = tpu.unpack_subelements %mul3A_314, 0 {pack_format = #tpu.pack_format<interleaved>} : vector<32xbf16> -> vector<16xf32>
      %unpack3A_316 = tpu.unpack_subelements %mul3A_314, 1 {pack_format = #tpu.pack_format<interleaved>} : vector<32xbf16> -> vector<16xf32>
      %get3A_317 = arith.index_cast %add3A_305 : i32 to index
      %get3A_318 = arith.constant 16 : index
      %get3A_319 = tpu.vector_load %arg10[%get3A_317, %get3A_318] {strides = array<i32>} : memref<80x64xi32, #tpu.memory_space<vmem>>, vector<16xi32>,
      %bitcast3A_320 = vector.bitcast %get3A_319 : vector<16xi32> to vector<32xbf16>
      %get3A_321 = arith.index_cast %add3A_305 : i32 to index
      %get3A_322 = arith.constant 16 : index
      %get3A_323 = tpu.vector_load %arg11[%get3A_321, %get3A_322] {strides = array<i32>} : memref<80x64xi32, #tpu.memory_space<vmem>>, vector<16xi32>,
      %bitcast3A_324 = vector.bitcast %get3A_323 : vector<16xi32> to vector<32xbf16>
      %mul3A_325 = arith.mulf %bitcast3A_320, %bitcast3A_324 : vector<32xbf16>
      %unpack3A_326 = tpu.unpack_subelements %mul3A_325, 0 {pack_format = #tpu.pack_format<interleaved>} : vector<32xbf16> -> vector<16xf32>
      %unpack3A_327 = tpu.unpack_subelements %mul3A_325, 1 {pack_format = #tpu.pack_format<interleaved>} : vector<32xbf16> -> vector<16xf32>
      %add3A_328 = arith.addf %unpack3A_315, %unpack3A_326 : vector<16xf32>
      %add3A_329 = arith.addf %unpack3A_316, %unpack3A_327 : vector<16xf32>
      %get3A_330 = arith.index_cast %add3A_305 : i32 to index
      %get3A_331 = arith.constant 32 : index
      %get3A_332 = tpu.vector_load %arg10[%get3A_330, %get3A_331] {strides = array<i32>} : memref<80x64xi32, #tpu.memory_space<vmem>>, vector<16xi32>,
      %bitcast3A_333 = vector.bitcast %get3A_332 : vector<16xi32> to vector<32xbf16>
      %get3A_334 = arith.index_cast %add3A_305 : i32 to index
      %get3A_335 = arith.constant 32 : index
      %get3A_336 = tpu.vector_load %arg11[%get3A_334, %get3A_335] {strides = array<i32>} : memref<80x64xi32, #tpu.memory_space<vmem>>, vector<16xi32>,
      %bitcast3A_337 = vector.bitcast %get3A_336 : vector<16xi32> to vector<32xbf16>
      %mul3A_338 = arith.mulf %bitcast3A_333, %bitcast3A_337 : vector<32xbf16>
      %unpack3A_339 = tpu.unpack_subelements %mul3A_338, 0 {pack_format = #tpu.pack_format<interleaved>} : vector<32xbf16> -> vector<16xf32>
      %unpack3A_340 = tpu.unpack_subelements %mul3A_338, 1 {pack_format = #tpu.pack_format<interleaved>} : vector<32xbf16> -> vector<16xf32>
      %add3A_341 = arith.addf %add3A_328, %unpack3A_339 : vector<16xf32>
      %add3A_342 = arith.addf %add3A_329, %unpack3A_340 : vector<16xf32>
      %get3A_343 = arith.index_cast %add3A_305 : i32 to index
      %get3A_344 = arith.constant 48 : index
      %get3A_345 = tpu.vector_load %arg10[%get3A_343, %get3A_344] {strides = array<i32>} : memref<80x64xi32, #tpu.memory_space<vmem>>, vector<16xi32>,
      %bitcast3A_346 = vector.bitcast %get3A_345 : vector<16xi32> to vector<32xbf16>
      %get3A_347 = arith.index_cast %add3A_305 : i32 to index
      %get3A_348 = arith.constant 48 : index
      %get3A_349 = tpu.vector_load %arg11[%get3A_347, %get3A_348] {strides = array<i32>} : memref<80x64xi32, #tpu.memory_space<vmem>>, vector<16xi32>,
      %bitcast3A_350 = vector.bitcast %get3A_349 : vector<16xi32> to vector<32xbf16>
      %mul3A_351 = arith.mulf %bitcast3A_346, %bitcast3A_350 : vector<32xbf16>
      %unpack3A_352 = tpu.unpack_subelements %mul3A_351, 0 {pack_format = #tpu.pack_format<interleaved>} : vector<32xbf16> -> vector<16xf32>
      %unpack3A_353 = tpu.unpack_subelements %mul3A_351, 1 {pack_format = #tpu.pack_format<interleaved>} : vector<32xbf16> -> vector<16xf32>
      %add3A_354 = arith.addf %add3A_341, %unpack3A_352 : vector<16xf32>
      %add3A_355 = arith.addf %add3A_342, %unpack3A_353 : vector<16xf32>
      %add3A_356 = arith.addf %add3A_354, %add3A_355 : vector<16xf32>
      %reduce_sum3A_357 = arith.constant true
      %reduce_sum3A_358 = vector.broadcast %reduce_sum3A_357 : i1 to vector<16xi1>
      %reduce_sum3A_359 = tpu.scan <sum>, %add3A_356 masked %reduce_sum3A_358 : vector<16xf32>, vector<16xi1> -> vector<16xf32>
      %reduce_sum3A_360 = vector.extract %reduce_sum3A_359[15] : f32 from vector<16xf32>
      %broadcast_in_dim3A_361 = vector.broadcast %reduce_sum3A_360 : f32 to vector<16xf32>
      %select_n3A_362 = arith.select %eq3A_303, %broadcast_in_dim3A_361, %select_n3A_300 : vector<16xi1>, vector<16xf32>
      %eq3A_363 = arith.constant 5 : i32
      %eq3A_364 = vector.broadcast %eq3A_363 : i32 to vector<16xi32>
      %eq3A_365 = arith.cmpi eq, %iota3A, %eq3A_364 : vector<16xi32>
      %add3A_366 = arith.constant 5 : i32
      %add3A_367 = arith.addi %multiple_of3A, %add3A_366 : i32
      %get3A_368 = arith.index_cast %add3A_367 : i32 to index
      %get3A_369 = arith.constant 0 : index
      %get3A_370 = tpu.vector_load %arg10[%get3A_368, %get3A_369] {strides = array<i32>} : memref<80x64xi32, #tpu.memory_space<vmem>>, vector<16xi32>,
      %bitcast3A_371 = vector.bitcast %get3A_370 : vector<16xi32> to vector<32xbf16>
      %get3A_372 = arith.index_cast %add3A_367 : i32 to index
      %get3A_373 = arith.constant 0 : index
      %get3A_374 = tpu.vector_load %arg11[%get3A_372, %get3A_373] {strides = array<i32>} : memref<80x64xi32, #tpu.memory_space<vmem>>, vector<16xi32>,
      %bitcast3A_375 = vector.bitcast %get3A_374 : vector<16xi32> to vector<32xbf16>
      %mul3A_376 = arith.mulf %bitcast3A_371, %bitcast3A_375 : vector<32xbf16>
      %unpack3A_377 = tpu.unpack_subelements %mul3A_376, 0 {pack_format = #tpu.pack_format<interleaved>} : vector<32xbf16> -> vector<16xf32>
      %unpack3A_378 = tpu.unpack_subelements %mul3A_376, 1 {pack_format = #tpu.pack_format<interleaved>} : vector<32xbf16> -> vector<16xf32>
      %get3A_379 = arith.index_cast %add3A_367 : i32 to index
      %get3A_380 = arith.constant 16 : index
      %get3A_381 = tpu.vector_load %arg10[%get3A_379, %get3A_380] {strides = array<i32>} : memref<80x64xi32, #tpu.memory_space<vmem>>, vector<16xi32>,
      %bitcast3A_382 = vector.bitcast %get3A_381 : vector<16xi32> to vector<32xbf16>
      %get3A_383 = arith.index_cast %add3A_367 : i32 to index
      %get3A_384 = arith.constant 16 : index
      %get3A_385 = tpu.vector_load %arg11[%get3A_383, %get3A_384] {strides = array<i32>} : memref<80x64xi32, #tpu.memory_space<vmem>>, vector<16xi32>,
      %bitcast3A_386 = vector.bitcast %get3A_385 : vector<16xi32> to vector<32xbf16>
      %mul3A_387 = arith.mulf %bitcast3A_382, %bitcast3A_386 : vector<32xbf16>
      %unpack3A_388 = tpu.unpack_subelements %mul3A_387, 0 {pack_format = #tpu.pack_format<interleaved>} : vector<32xbf16> -> vector<16xf32>
      %unpack3A_389 = tpu.unpack_subelements %mul3A_387, 1 {pack_format = #tpu.pack_format<interleaved>} : vector<32xbf16> -> vector<16xf32>
      %add3A_390 = arith.addf %unpack3A_377, %unpack3A_388 : vector<16xf32>
      %add3A_391 = arith.addf %unpack3A_378, %unpack3A_389 : vector<16xf32>
      %get3A_392 = arith.index_cast %add3A_367 : i32 to index
      %get3A_393 = arith.constant 32 : index
      %get3A_394 = tpu.vector_load %arg10[%get3A_392, %get3A_393] {strides = array<i32>} : memref<80x64xi32, #tpu.memory_space<vmem>>, vector<16xi32>,
      %bitcast3A_395 = vector.bitcast %get3A_394 : vector<16xi32> to vector<32xbf16>
      %get3A_396 = arith.index_cast %add3A_367 : i32 to index
      %get3A_397 = arith.constant 32 : index
      %get3A_398 = tpu.vector_load %arg11[%get3A_396, %get3A_397] {strides = array<i32>} : memref<80x64xi32, #tpu.memory_space<vmem>>, vector<16xi32>,
      %bitcast3A_399 = vector.bitcast %get3A_398 : vector<16xi32> to vector<32xbf16>
      %mul3A_400 = arith.mulf %bitcast3A_395, %bitcast3A_399 : vector<32xbf16>
      %unpack3A_401 = tpu.unpack_subelements %mul3A_400, 0 {pack_format = #tpu.pack_format<interleaved>} : vector<32xbf16> -> vector<16xf32>
      %unpack3A_402 = tpu.unpack_subelements %mul3A_400, 1 {pack_format = #tpu.pack_format<interleaved>} : vector<32xbf16> -> vector<16xf32>
      %add3A_403 = arith.addf %add3A_390, %unpack3A_401 : vector<16xf32>
      %add3A_404 = arith.addf %add3A_391, %unpack3A_402 : vector<16xf32>
      %get3A_405 = arith.index_cast %add3A_367 : i32 to index
      %get3A_406 = arith.constant 48 : index
      %get3A_407 = tpu.vector_load %arg10[%get3A_405, %get3A_406] {strides = array<i32>} : memref<80x64xi32, #tpu.memory_space<vmem>>, vector<16xi32>,
      %bitcast3A_408 = vector.bitcast %get3A_407 : vector<16xi32> to vector<32xbf16>
      %get3A_409 = arith.index_cast %add3A_367 : i32 to index
      %get3A_410 = arith.constant 48 : index
      %get3A_411 = tpu.vector_load %arg11[%get3A_409, %get3A_410] {strides = array<i32>} : memref<80x64xi32, #tpu.memory_space<vmem>>, vector<16xi32>,
      %bitcast3A_412 = vector.bitcast %get3A_411 : vector<16xi32> to vector<32xbf16>
      %mul3A_413 = arith.mulf %bitcast3A_408, %bitcast3A_412 : vector<32xbf16>
      %unpack3A_414 = tpu.unpack_subelements %mul3A_413, 0 {pack_format = #tpu.pack_format<interleaved>} : vector<32xbf16> -> vector<16xf32>
      %unpack3A_415 = tpu.unpack_subelements %mul3A_413, 1 {pack_format = #tpu.pack_format<interleaved>} : vector<32xbf16> -> vector<16xf32>
      %add3A_416 = arith.addf %add3A_403, %unpack3A_414 : vector<16xf32>
      %add3A_417 = arith.addf %add3A_404, %unpack3A_415 : vector<16xf32>
      %add3A_418 = arith.addf %add3A_416, %add3A_417 : vector<16xf32>
      %reduce_sum3A_419 = arith.constant true
      %reduce_sum3A_420 = vector.broadcast %reduce_sum3A_419 : i1 to vector<16xi1>
      %reduce_sum3A_421 = tpu.scan <sum>, %add3A_418 masked %reduce_sum3A_420 : vector<16xf32>, vector<16xi1> -> vector<16xf32>
      %reduce_sum3A_422 = vector.extract %reduce_sum3A_421[15] : f32 from vector<16xf32>
      %broadcast_in_dim3A_423 = vector.broadcast %reduce_sum3A_422 : f32 to vector<16xf32>
      %select_n3A_424 = arith.select %eq3A_365, %broadcast_in_dim3A_423, %select_n3A_362 : vector<16xi1>, vector<16xf32>
      %eq3A_425 = arith.constant 6 : i32
      %eq3A_426 = vector.broadcast %eq3A_425 : i32 to vector<16xi32>
      %eq3A_427 = arith.cmpi eq, %iota3A, %eq3A_426 : vector<16xi32>
      %add3A_428 = arith.constant 6 : i32
      %add3A_429 = arith.addi %multiple_of3A, %add3A_428 : i32
      %get3A_430 = arith.index_cast %add3A_429 : i32 to index
      %get3A_431 = arith.constant 0 : index
      %get3A_432 = tpu.vector_load %arg10[%get3A_430, %get3A_431] {strides = array<i32>} : memref<80x64xi32, #tpu.memory_space<vmem>>, vector<16xi32>,
      %bitcast3A_433 = vector.bitcast %get3A_432 : vector<16xi32> to vector<32xbf16>
      %get3A_434 = arith.index_cast %add3A_429 : i32 to index
      %get3A_435 = arith.constant 0 : index
      %get3A_436 = tpu.vector_load %arg11[%get3A_434, %get3A_435] {strides = array<i32>} : memref<80x64xi32, #tpu.memory_space<vmem>>, vector<16xi32>,
      %bitcast3A_437 = vector.bitcast %get3A_436 : vector<16xi32> to vector<32xbf16>
      %mul3A_438 = arith.mulf %bitcast3A_433, %bitcast3A_437 : vector<32xbf16>
      %unpack3A_439 = tpu.unpack_subelements %mul3A_438, 0 {pack_format = #tpu.pack_format<interleaved>} : vector<32xbf16> -> vector<16xf32>
      %unpack3A_440 = tpu.unpack_subelements %mul3A_438, 1 {pack_format = #tpu.pack_format<interleaved>} : vector<32xbf16> -> vector<16xf32>
      %get3A_441 = arith.index_cast %add3A_429 : i32 to index
      %get3A_442 = arith.constant 16 : index
      %get3A_443 = tpu.vector_load %arg10[%get3A_441, %get3A_442] {strides = array<i32>} : memref<80x64xi32, #tpu.memory_space<vmem>>, vector<16xi32>,
      %bitcast3A_444 = vector.bitcast %get3A_443 : vector<16xi32> to vector<32xbf16>
      %get3A_445 = arith.index_cast %add3A_429 : i32 to index
      %get3A_446 = arith.constant 16 : index
      %get3A_447 = tpu.vector_load %arg11[%get3A_445, %get3A_446] {strides = array<i32>} : memref<80x64xi32, #tpu.memory_space<vmem>>, vector<16xi32>,
      %bitcast3A_448 = vector.bitcast %get3A_447 : vector<16xi32> to vector<32xbf16>
      %mul3A_449 = arith.mulf %bitcast3A_444, %bitcast3A_448 : vector<32xbf16>
      %unpack3A_450 = tpu.unpack_subelements %mul3A_449, 0 {pack_format = #tpu.pack_format<interleaved>} : vector<32xbf16> -> vector<16xf32>
      %unpack3A_451 = tpu.unpack_subelements %mul3A_449, 1 {pack_format = #tpu.pack_format<interleaved>} : vector<32xbf16> -> vector<16xf32>
      %add3A_452 = arith.addf %unpack3A_439, %unpack3A_450 : vector<16xf32>
      %add3A_453 = arith.addf %unpack3A_440, %unpack3A_451 : vector<16xf32>
      %get3A_454 = arith.index_cast %add3A_429 : i32 to index
      %get3A_455 = arith.constant 32 : index
      %get3A_456 = tpu.vector_load %arg10[%get3A_454, %get3A_455] {strides = array<i32>} : memref<80x64xi32, #tpu.memory_space<vmem>>, vector<16xi32>,
      %bitcast3A_457 = vector.bitcast %get3A_456 : vector<16xi32> to vector<32xbf16>
      %get3A_458 = arith.index_cast %add3A_429 : i32 to index
      %get3A_459 = arith.constant 32 : index
      %get3A_460 = tpu.vector_load %arg11[%get3A_458, %get3A_459] {strides = array<i32>} : memref<80x64xi32, #tpu.memory_space<vmem>>, vector<16xi32>,
      %bitcast3A_461 = vector.bitcast %get3A_460 : vector<16xi32> to vector<32xbf16>
      %mul3A_462 = arith.mulf %bitcast3A_457, %bitcast3A_461 : vector<32xbf16>
      %unpack3A_463 = tpu.unpack_subelements %mul3A_462, 0 {pack_format = #tpu.pack_format<interleaved>} : vector<32xbf16> -> vector<16xf32>
      %unpack3A_464 = tpu.unpack_subelements %mul3A_462, 1 {pack_format = #tpu.pack_format<interleaved>} : vector<32xbf16> -> vector<16xf32>
      %add3A_465 = arith.addf %add3A_452, %unpack3A_463 : vector<16xf32>
      %add3A_466 = arith.addf %add3A_453, %unpack3A_464 : vector<16xf32>
      %get3A_467 = arith.index_cast %add3A_429 : i32 to index
      %get3A_468 = arith.constant 48 : index
      %get3A_469 = tpu.vector_load %arg10[%get3A_467, %get3A_468] {strides = array<i32>} : memref<80x64xi32, #tpu.memory_space<vmem>>, vector<16xi32>,
      %bitcast3A_470 = vector.bitcast %get3A_469 : vector<16xi32> to vector<32xbf16>
      %get3A_471 = arith.index_cast %add3A_429 : i32 to index
      %get3A_472 = arith.constant 48 : index
      %get3A_473 = tpu.vector_load %arg11[%get3A_471, %get3A_472] {strides = array<i32>} : memref<80x64xi32, #tpu.memory_space<vmem>>, vector<16xi32>,
      %bitcast3A_474 = vector.bitcast %get3A_473 : vector<16xi32> to vector<32xbf16>
      %mul3A_475 = arith.mulf %bitcast3A_470, %bitcast3A_474 : vector<32xbf16>
      %unpack3A_476 = tpu.unpack_subelements %mul3A_475, 0 {pack_format = #tpu.pack_format<interleaved>} : vector<32xbf16> -> vector<16xf32>
      %unpack3A_477 = tpu.unpack_subelements %mul3A_475, 1 {pack_format = #tpu.pack_format<interleaved>} : vector<32xbf16> -> vector<16xf32>
      %add3A_478 = arith.addf %add3A_465, %unpack3A_476 : vector<16xf32>
      %add3A_479 = arith.addf %add3A_466, %unpack3A_477 : vector<16xf32>
      %add3A_480 = arith.addf %add3A_478, %add3A_479 : vector<16xf32>
      %reduce_sum3A_481 = arith.constant true
      %reduce_sum3A_482 = vector.broadcast %reduce_sum3A_481 : i1 to vector<16xi1>
      %reduce_sum3A_483 = tpu.scan <sum>, %add3A_480 masked %reduce_sum3A_482 : vector<16xf32>, vector<16xi1> -> vector<16xf32>
      %reduce_sum3A_484 = vector.extract %reduce_sum3A_483[15] : f32 from vector<16xf32>
      %broadcast_in_dim3A_485 = vector.broadcast %reduce_sum3A_484 : f32 to vector<16xf32>
      %select_n3A_486 = arith.select %eq3A_427, %broadcast_in_dim3A_485, %select_n3A_424 : vector<16xi1>, vector<16xf32>
      %eq3A_487 = arith.constant 7 : i32
      %eq3A_488 = vector.broadcast %eq3A_487 : i32 to vector<16xi32>
      %eq3A_489 = arith.cmpi eq, %iota3A, %eq3A_488 : vector<16xi32>
      %add3A_490 = arith.constant 7 : i32
      %add3A_491 = arith.addi %multiple_of3A, %add3A_490 : i32
      %get3A_492 = arith.index_cast %add3A_491 : i32 to index
      %get3A_493 = arith.constant 0 : index
      %get3A_494 = tpu.vector_load %arg10[%get3A_492, %get3A_493] {strides = array<i32>} : memref<80x64xi32, #tpu.memory_space<vmem>>, vector<16xi32>,
      %bitcast3A_495 = vector.bitcast %get3A_494 : vector<16xi32> to vector<32xbf16>
      %get3A_496 = arith.index_cast %add3A_491 : i32 to index
      %get3A_497 = arith.constant 0 : index
      %get3A_498 = tpu.vector_load %arg11[%get3A_496, %get3A_497] {strides = array<i32>} : memref<80x64xi32, #tpu.memory_space<vmem>>, vector<16xi32>,
      %bitcast3A_499 = vector.bitcast %get3A_498 : vector<16xi32> to vector<32xbf16>
      %mul3A_500 = arith.mulf %bitcast3A_495, %bitcast3A_499 : vector<32xbf16>
      %unpack3A_501 = tpu.unpack_subelements %mul3A_500, 0 {pack_format = #tpu.pack_format<interleaved>} : vector<32xbf16> -> vector<16xf32>
      %unpack3A_502 = tpu.unpack_subelements %mul3A_500, 1 {pack_format = #tpu.pack_format<interleaved>} : vector<32xbf16> -> vector<16xf32>
      %get3A_503 = arith.index_cast %add3A_491 : i32 to index
      %get3A_504 = arith.constant 16 : index
      %get3A_505 = tpu.vector_load %arg10[%get3A_503, %get3A_504] {strides = array<i32>} : memref<80x64xi32, #tpu.memory_space<vmem>>, vector<16xi32>,
      %bitcast3A_506 = vector.bitcast %get3A_505 : vector<16xi32> to vector<32xbf16>
      %get3A_507 = arith.index_cast %add3A_491 : i32 to index
      %get3A_508 = arith.constant 16 : index
      %get3A_509 = tpu.vector_load %arg11[%get3A_507, %get3A_508] {strides = array<i32>} : memref<80x64xi32, #tpu.memory_space<vmem>>, vector<16xi32>,
      %bitcast3A_510 = vector.bitcast %get3A_509 : vector<16xi32> to vector<32xbf16>
      %mul3A_511 = arith.mulf %bitcast3A_506, %bitcast3A_510 : vector<32xbf16>
      %unpack3A_512 = tpu.unpack_subelements %mul3A_511, 0 {pack_format = #tpu.pack_format<interleaved>} : vector<32xbf16> -> vector<16xf32>
      %unpack3A_513 = tpu.unpack_subelements %mul3A_511, 1 {pack_format = #tpu.pack_format<interleaved>} : vector<32xbf16> -> vector<16xf32>
      %add3A_514 = arith.addf %unpack3A_501, %unpack3A_512 : vector<16xf32>
      %add3A_515 = arith.addf %unpack3A_502, %unpack3A_513 : vector<16xf32>
      %get3A_516 = arith.index_cast %add3A_491 : i32 to index
      %get3A_517 = arith.constant 32 : index
      %get3A_518 = tpu.vector_load %arg10[%get3A_516, %get3A_517] {strides = array<i32>} : memref<80x64xi32, #tpu.memory_space<vmem>>, vector<16xi32>,
      %bitcast3A_519 = vector.bitcast %get3A_518 : vector<16xi32> to vector<32xbf16>
      %get3A_520 = arith.index_cast %add3A_491 : i32 to index
      %get3A_521 = arith.constant 32 : index
      %get3A_522 = tpu.vector_load %arg11[%get3A_520, %get3A_521] {strides = array<i32>} : memref<80x64xi32, #tpu.memory_space<vmem>>, vector<16xi32>,
      %bitcast3A_523 = vector.bitcast %get3A_522 : vector<16xi32> to vector<32xbf16>
      %mul3A_524 = arith.mulf %bitcast3A_519, %bitcast3A_523 : vector<32xbf16>
      %unpack3A_525 = tpu.unpack_subelements %mul3A_524, 0 {pack_format = #tpu.pack_format<interleaved>} : vector<32xbf16> -> vector<16xf32>
      %unpack3A_526 = tpu.unpack_subelements %mul3A_524, 1 {pack_format = #tpu.pack_format<interleaved>} : vector<32xbf16> -> vector<16xf32>
      %add3A_527 = arith.addf %add3A_514, %unpack3A_525 : vector<16xf32>
      %add3A_528 = arith.addf %add3A_515, %unpack3A_526 : vector<16xf32>
      %get3A_529 = arith.index_cast %add3A_491 : i32 to index
      %get3A_530 = arith.constant 48 : index
      %get3A_531 = tpu.vector_load %arg10[%get3A_529, %get3A_530] {strides = array<i32>} : memref<80x64xi32, #tpu.memory_space<vmem>>, vector<16xi32>,
      %bitcast3A_532 = vector.bitcast %get3A_531 : vector<16xi32> to vector<32xbf16>
      %get3A_533 = arith.index_cast %add3A_491 : i32 to index
      %get3A_534 = arith.constant 48 : index
      %get3A_535 = tpu.vector_load %arg11[%get3A_533, %get3A_534] {strides = array<i32>} : memref<80x64xi32, #tpu.memory_space<vmem>>, vector<16xi32>,
      %bitcast3A_536 = vector.bitcast %get3A_535 : vector<16xi32> to vector<32xbf16>
      %mul3A_537 = arith.mulf %bitcast3A_532, %bitcast3A_536 : vector<32xbf16>
      %unpack3A_538 = tpu.unpack_subelements %mul3A_537, 0 {pack_format = #tpu.pack_format<interleaved>} : vector<32xbf16> -> vector<16xf32>
      %unpack3A_539 = tpu.unpack_subelements %mul3A_537, 1 {pack_format = #tpu.pack_format<interleaved>} : vector<32xbf16> -> vector<16xf32>
      %add3A_540 = arith.addf %add3A_527, %unpack3A_538 : vector<16xf32>
      %add3A_541 = arith.addf %add3A_528, %unpack3A_539 : vector<16xf32>
      %add3A_542 = arith.addf %add3A_540, %add3A_541 : vector<16xf32>
      %reduce_sum3A_543 = arith.constant true
      %reduce_sum3A_544 = vector.broadcast %reduce_sum3A_543 : i1 to vector<16xi1>
      %reduce_sum3A_545 = tpu.scan <sum>, %add3A_542 masked %reduce_sum3A_544 : vector<16xf32>, vector<16xi1> -> vector<16xf32>
      %reduce_sum3A_546 = vector.extract %reduce_sum3A_545[15] : f32 from vector<16xf32>
      %broadcast_in_dim3A_547 = vector.broadcast %reduce_sum3A_546 : f32 to vector<16xf32>
      %select_n3A_548 = arith.select %eq3A_489, %broadcast_in_dim3A_547, %select_n3A_486 : vector<16xi1>, vector<16xf32>
      %eq3A_549 = arith.constant 8 : i32
      %eq3A_550 = vector.broadcast %eq3A_549 : i32 to vector<16xi32>
      %eq3A_551 = arith.cmpi eq, %iota3A, %eq3A_550 : vector<16xi32>
      %add3A_552 = arith.constant 8 : i32
      %add3A_553 = arith.addi %multiple_of3A, %add3A_552 : i32
      %get3A_554 = arith.index_cast %add3A_553 : i32 to index
      %get3A_555 = arith.constant 0 : index
      %get3A_556 = tpu.vector_load %arg10[%get3A_554, %get3A_555] {strides = array<i32>} : memref<80x64xi32, #tpu.memory_space<vmem>>, vector<16xi32>,
      %bitcast3A_557 = vector.bitcast %get3A_556 : vector<16xi32> to vector<32xbf16>
      %get3A_558 = arith.index_cast %add3A_553 : i32 to index
      %get3A_559 = arith.constant 0 : index
      %get3A_560 = tpu.vector_load %arg11[%get3A_558, %get3A_559] {strides = array<i32>} : memref<80x64xi32, #tpu.memory_space<vmem>>, vector<16xi32>,
      %bitcast3A_561 = vector.bitcast %get3A_560 : vector<16xi32> to vector<32xbf16>
      %mul3A_562 = arith.mulf %bitcast3A_557, %bitcast3A_561 : vector<32xbf16>
      %unpack3A_563 = tpu.unpack_subelements %mul3A_562, 0 {pack_format = #tpu.pack_format<interleaved>} : vector<32xbf16> -> vector<16xf32>
      %unpack3A_564 = tpu.unpack_subelements %mul3A_562, 1 {pack_format = #tpu.pack_format<interleaved>} : vector<32xbf16> -> vector<16xf32>
      %get3A_565 = arith.index_cast %add3A_553 : i32 to index
      %get3A_566 = arith.constant 16 : index
      %get3A_567 = tpu.vector_load %arg10[%get3A_565, %get3A_566] {strides = array<i32>} : memref<80x64xi32, #tpu.memory_space<vmem>>, vector<16xi32>,
      %bitcast3A_568 = vector.bitcast %get3A_567 : vector<16xi32> to vector<32xbf16>
      %get3A_569 = arith.index_cast %add3A_553 : i32 to index
      %get3A_570 = arith.constant 16 : index
      %get3A_571 = tpu.vector_load %arg11[%get3A_569, %get3A_570] {strides = array<i32>} : memref<80x64xi32, #tpu.memory_space<vmem>>, vector<16xi32>,
      %bitcast3A_572 = vector.bitcast %get3A_571 : vector<16xi32> to vector<32xbf16>
      %mul3A_573 = arith.mulf %bitcast3A_568, %bitcast3A_572 : vector<32xbf16>
      %unpack3A_574 = tpu.unpack_subelements %mul3A_573, 0 {pack_format = #tpu.pack_format<interleaved>} : vector<32xbf16> -> vector<16xf32>
      %unpack3A_575 = tpu.unpack_subelements %mul3A_573, 1 {pack_format = #tpu.pack_format<interleaved>} : vector<32xbf16> -> vector<16xf32>
      %add3A_576 = arith.addf %unpack3A_563, %unpack3A_574 : vector<16xf32>
      %add3A_577 = arith.addf %unpack3A_564, %unpack3A_575 : vector<16xf32>
      %get3A_578 = arith.index_cast %add3A_553 : i32 to index
      %get3A_579 = arith.constant 32 : index
      %get3A_580 = tpu.vector_load %arg10[%get3A_578, %get3A_579] {strides = array<i32>} : memref<80x64xi32, #tpu.memory_space<vmem>>, vector<16xi32>,
      %bitcast3A_581 = vector.bitcast %get3A_580 : vector<16xi32> to vector<32xbf16>
      %get3A_582 = arith.index_cast %add3A_553 : i32 to index
      %get3A_583 = arith.constant 32 : index
      %get3A_584 = tpu.vector_load %arg11[%get3A_582, %get3A_583] {strides = array<i32>} : memref<80x64xi32, #tpu.memory_space<vmem>>, vector<16xi32>,
      %bitcast3A_585 = vector.bitcast %get3A_584 : vector<16xi32> to vector<32xbf16>
      %mul3A_586 = arith.mulf %bitcast3A_581, %bitcast3A_585 : vector<32xbf16>
      %unpack3A_587 = tpu.unpack_subelements %mul3A_586, 0 {pack_format = #tpu.pack_format<interleaved>} : vector<32xbf16> -> vector<16xf32>
      %unpack3A_588 = tpu.unpack_subelements %mul3A_586, 1 {pack_format = #tpu.pack_format<interleaved>} : vector<32xbf16> -> vector<16xf32>
      %add3A_589 = arith.addf %add3A_576, %unpack3A_587 : vector<16xf32>
      %add3A_590 = arith.addf %add3A_577, %unpack3A_588 : vector<16xf32>
      %get3A_591 = arith.index_cast %add3A_553 : i32 to index
      %get3A_592 = arith.constant 48 : index
      %get3A_593 = tpu.vector_load %arg10[%get3A_591, %get3A_592] {strides = array<i32>} : memref<80x64xi32, #tpu.memory_space<vmem>>, vector<16xi32>,
      %bitcast3A_594 = vector.bitcast %get3A_593 : vector<16xi32> to vector<32xbf16>
      %get3A_595 = arith.index_cast %add3A_553 : i32 to index
      %get3A_596 = arith.constant 48 : index
      %get3A_597 = tpu.vector_load %arg11[%get3A_595, %get3A_596] {strides = array<i32>} : memref<80x64xi32, #tpu.memory_space<vmem>>, vector<16xi32>,
      %bitcast3A_598 = vector.bitcast %get3A_597 : vector<16xi32> to vector<32xbf16>
      %mul3A_599 = arith.mulf %bitcast3A_594, %bitcast3A_598 : vector<32xbf16>
      %unpack3A_600 = tpu.unpack_subelements %mul3A_599, 0 {pack_format = #tpu.pack_format<interleaved>} : vector<32xbf16> -> vector<16xf32>
      %unpack3A_601 = tpu.unpack_subelements %mul3A_599, 1 {pack_format = #tpu.pack_format<interleaved>} : vector<32xbf16> -> vector<16xf32>
      %add3A_602 = arith.addf %add3A_589, %unpack3A_600 : vector<16xf32>
      %add3A_603 = arith.addf %add3A_590, %unpack3A_601 : vector<16xf32>
      %add3A_604 = arith.addf %add3A_602, %add3A_603 : vector<16xf32>
      %reduce_sum3A_605 = arith.constant true
      %reduce_sum3A_606 = vector.broadcast %reduce_sum3A_605 : i1 to vector<16xi1>
      %reduce_sum3A_607 = tpu.scan <sum>, %add3A_604 masked %reduce_sum3A_606 : vector<16xf32>, vector<16xi1> -> vector<16xf32>
      %reduce_sum3A_608 = vector.extract %reduce_sum3A_607[15] : f32 from vector<16xf32>
      %broadcast_in_dim3A_609 = vector.broadcast %reduce_sum3A_608 : f32 to vector<16xf32>
      %select_n3A_610 = arith.select %eq3A_551, %broadcast_in_dim3A_609, %select_n3A_548 : vector<16xi1>, vector<16xf32>
      %eq3A_611 = arith.constant 9 : i32
      %eq3A_612 = vector.broadcast %eq3A_611 : i32 to vector<16xi32>
      %eq3A_613 = arith.cmpi eq, %iota3A, %eq3A_612 : vector<16xi32>
      %add3A_614 = arith.constant 9 : i32
      %add3A_615 = arith.addi %multiple_of3A, %add3A_614 : i32
      %get3A_616 = arith.index_cast %add3A_615 : i32 to index
      %get3A_617 = arith.constant 0 : index
      %get3A_618 = tpu.vector_load %arg10[%get3A_616, %get3A_617] {strides = array<i32>} : memref<80x64xi32, #tpu.memory_space<vmem>>, vector<16xi32>,
      %bitcast3A_619 = vector.bitcast %get3A_618 : vector<16xi32> to vector<32xbf16>
      %get3A_620 = arith.index_cast %add3A_615 : i32 to index
      %get3A_621 = arith.constant 0 : index
      %get3A_622 = tpu.vector_load %arg11[%get3A_620, %get3A_621] {strides = array<i32>} : memref<80x64xi32, #tpu.memory_space<vmem>>, vector<16xi32>,
      %bitcast3A_623 = vector.bitcast %get3A_622 : vector<16xi32> to vector<32xbf16>
      %mul3A_624 = arith.mulf %bitcast3A_619, %bitcast3A_623 : vector<32xbf16>
      %unpack3A_625 = tpu.unpack_subelements %mul3A_624, 0 {pack_format = #tpu.pack_format<interleaved>} : vector<32xbf16> -> vector<16xf32>
      %unpack3A_626 = tpu.unpack_subelements %mul3A_624, 1 {pack_format = #tpu.pack_format<interleaved>} : vector<32xbf16> -> vector<16xf32>
      %get3A_627 = arith.index_cast %add3A_615 : i32 to index
      %get3A_628 = arith.constant 16 : index
      %get3A_629 = tpu.vector_load %arg10[%get3A_627, %get3A_628] {strides = array<i32>} : memref<80x64xi32, #tpu.memory_space<vmem>>, vector<16xi32>,
      %bitcast3A_630 = vector.bitcast %get3A_629 : vector<16xi32> to vector<32xbf16>
      %get3A_631 = arith.index_cast %add3A_615 : i32 to index
      %get3A_632 = arith.constant 16 : index
      %get3A_633 = tpu.vector_load %arg11[%get3A_631, %get3A_632] {strides = array<i32>} : memref<80x64xi32, #tpu.memory_space<vmem>>, vector<16xi32>,
      %bitcast3A_634 = vector.bitcast %get3A_633 : vector<16xi32> to vector<32xbf16>
      %mul3A_635 = arith.mulf %bitcast3A_630, %bitcast3A_634 : vector<32xbf16>
      %unpack3A_636 = tpu.unpack_subelements %mul3A_635, 0 {pack_format = #tpu.pack_format<interleaved>} : vector<32xbf16> -> vector<16xf32>
      %unpack3A_637 = tpu.unpack_subelements %mul3A_635, 1 {pack_format = #tpu.pack_format<interleaved>} : vector<32xbf16> -> vector<16xf32>
      %add3A_638 = arith.addf %unpack3A_625, %unpack3A_636 : vector<16xf32>
      %add3A_639 = arith.addf %unpack3A_626, %unpack3A_637 : vector<16xf32>
      %get3A_640 = arith.index_cast %add3A_615 : i32 to index
      %get3A_641 = arith.constant 32 : index
      %get3A_642 = tpu.vector_load %arg10[%get3A_640, %get3A_641] {strides = array<i32>} : memref<80x64xi32, #tpu.memory_space<vmem>>, vector<16xi32>,
      %bitcast3A_643 = vector.bitcast %get3A_642 : vector<16xi32> to vector<32xbf16>
      %get3A_644 = arith.index_cast %add3A_615 : i32 to index
      %get3A_645 = arith.constant 32 : index
      %get3A_646 = tpu.vector_load %arg11[%get3A_644, %get3A_645] {strides = array<i32>} : memref<80x64xi32, #tpu.memory_space<vmem>>, vector<16xi32>,
      %bitcast3A_647 = vector.bitcast %get3A_646 : vector<16xi32> to vector<32xbf16>
      %mul3A_648 = arith.mulf %bitcast3A_643, %bitcast3A_647 : vector<32xbf16>
      %unpack3A_649 = tpu.unpack_subelements %mul3A_648, 0 {pack_format = #tpu.pack_format<interleaved>} : vector<32xbf16> -> vector<16xf32>
      %unpack3A_650 = tpu.unpack_subelements %mul3A_648, 1 {pack_format = #tpu.pack_format<interleaved>} : vector<32xbf16> -> vector<16xf32>
      %add3A_651 = arith.addf %add3A_638, %unpack3A_649 : vector<16xf32>
      %add3A_652 = arith.addf %add3A_639, %unpack3A_650 : vector<16xf32>
      %get3A_653 = arith.index_cast %add3A_615 : i32 to index
      %get3A_654 = arith.constant 48 : index
      %get3A_655 = tpu.vector_load %arg10[%get3A_653, %get3A_654] {strides = array<i32>} : memref<80x64xi32, #tpu.memory_space<vmem>>, vector<16xi32>,
      %bitcast3A_656 = vector.bitcast %get3A_655 : vector<16xi32> to vector<32xbf16>
      %get3A_657 = arith.index_cast %add3A_615 : i32 to index
      %get3A_658 = arith.constant 48 : index
      %get3A_659 = tpu.vector_load %arg11[%get3A_657, %get3A_658] {strides = array<i32>} : memref<80x64xi32, #tpu.memory_space<vmem>>, vector<16xi32>,
      %bitcast3A_660 = vector.bitcast %get3A_659 : vector<16xi32> to vector<32xbf16>
      %mul3A_661 = arith.mulf %bitcast3A_656, %bitcast3A_660 : vector<32xbf16>
      %unpack3A_662 = tpu.unpack_subelements %mul3A_661, 0 {pack_format = #tpu.pack_format<interleaved>} : vector<32xbf16> -> vector<16xf32>
      %unpack3A_663 = tpu.unpack_subelements %mul3A_661, 1 {pack_format = #tpu.pack_format<interleaved>} : vector<32xbf16> -> vector<16xf32>
      %add3A_664 = arith.addf %add3A_651, %unpack3A_662 : vector<16xf32>
      %add3A_665 = arith.addf %add3A_652, %unpack3A_663 : vector<16xf32>
      %add3A_666 = arith.addf %add3A_664, %add3A_665 : vector<16xf32>
      %reduce_sum3A_667 = arith.constant true
      %reduce_sum3A_668 = vector.broadcast %reduce_sum3A_667 : i1 to vector<16xi1>
      %reduce_sum3A_669 = tpu.scan <sum>, %add3A_666 masked %reduce_sum3A_668 : vector<16xf32>, vector<16xi1> -> vector<16xf32>
      %reduce_sum3A_670 = vector.extract %reduce_sum3A_669[15] : f32 from vector<16xf32>
      %broadcast_in_dim3A_671 = vector.broadcast %reduce_sum3A_670 : f32 to vector<16xf32>
      %select_n3A_672 = arith.select %eq3A_613, %broadcast_in_dim3A_671, %select_n3A_610 : vector<16xi1>, vector<16xf32>
      %eq3A_673 = arith.constant 10 : i32
      %eq3A_674 = vector.broadcast %eq3A_673 : i32 to vector<16xi32>
      %eq3A_675 = arith.cmpi eq, %iota3A, %eq3A_674 : vector<16xi32>
      %add3A_676 = arith.constant 10 : i32
      %add3A_677 = arith.addi %multiple_of3A, %add3A_676 : i32
      %get3A_678 = arith.index_cast %add3A_677 : i32 to index
      %get3A_679 = arith.constant 0 : index
      %get3A_680 = tpu.vector_load %arg10[%get3A_678, %get3A_679] {strides = array<i32>} : memref<80x64xi32, #tpu.memory_space<vmem>>, vector<16xi32>,
      %bitcast3A_681 = vector.bitcast %get3A_680 : vector<16xi32> to vector<32xbf16>
      %get3A_682 = arith.index_cast %add3A_677 : i32 to index
      %get3A_683 = arith.constant 0 : index
      %get3A_684 = tpu.vector_load %arg11[%get3A_682, %get3A_683] {strides = array<i32>} : memref<80x64xi32, #tpu.memory_space<vmem>>, vector<16xi32>,
      %bitcast3A_685 = vector.bitcast %get3A_684 : vector<16xi32> to vector<32xbf16>
      %mul3A_686 = arith.mulf %bitcast3A_681, %bitcast3A_685 : vector<32xbf16>
      %unpack3A_687 = tpu.unpack_subelements %mul3A_686, 0 {pack_format = #tpu.pack_format<interleaved>} : vector<32xbf16> -> vector<16xf32>
      %unpack3A_688 = tpu.unpack_subelements %mul3A_686, 1 {pack_format = #tpu.pack_format<interleaved>} : vector<32xbf16> -> vector<16xf32>
      %get3A_689 = arith.index_cast %add3A_677 : i32 to index
      %get3A_690 = arith.constant 16 : index
      %get3A_691 = tpu.vector_load %arg10[%get3A_689, %get3A_690] {strides = array<i32>} : memref<80x64xi32, #tpu.memory_space<vmem>>, vector<16xi32>,
      %bitcast3A_692 = vector.bitcast %get3A_691 : vector<16xi32> to vector<32xbf16>
      %get3A_693 = arith.index_cast %add3A_677 : i32 to index
      %get3A_694 = arith.constant 16 : index
      %get3A_695 = tpu.vector_load %arg11[%get3A_693, %get3A_694] {strides = array<i32>} : memref<80x64xi32, #tpu.memory_space<vmem>>, vector<16xi32>,
      %bitcast3A_696 = vector.bitcast %get3A_695 : vector<16xi32> to vector<32xbf16>
      %mul3A_697 = arith.mulf %bitcast3A_692, %bitcast3A_696 : vector<32xbf16>
      %unpack3A_698 = tpu.unpack_subelements %mul3A_697, 0 {pack_format = #tpu.pack_format<interleaved>} : vector<32xbf16> -> vector<16xf32>
      %unpack3A_699 = tpu.unpack_subelements %mul3A_697, 1 {pack_format = #tpu.pack_format<interleaved>} : vector<32xbf16> -> vector<16xf32>
      %add3A_700 = arith.addf %unpack3A_687, %unpack3A_698 : vector<16xf32>
      %add3A_701 = arith.addf %unpack3A_688, %unpack3A_699 : vector<16xf32>
      %get3A_702 = arith.index_cast %add3A_677 : i32 to index
      %get3A_703 = arith.constant 32 : index
      %get3A_704 = tpu.vector_load %arg10[%get3A_702, %get3A_703] {strides = array<i32>} : memref<80x64xi32, #tpu.memory_space<vmem>>, vector<16xi32>,
      %bitcast3A_705 = vector.bitcast %get3A_704 : vector<16xi32> to vector<32xbf16>
      %get3A_706 = arith.index_cast %add3A_677 : i32 to index
      %get3A_707 = arith.constant 32 : index
      %get3A_708 = tpu.vector_load %arg11[%get3A_706, %get3A_707] {strides = array<i32>} : memref<80x64xi32, #tpu.memory_space<vmem>>, vector<16xi32>,
      %bitcast3A_709 = vector.bitcast %get3A_708 : vector<16xi32> to vector<32xbf16>
      %mul3A_710 = arith.mulf %bitcast3A_705, %bitcast3A_709 : vector<32xbf16>
      %unpack3A_711 = tpu.unpack_subelements %mul3A_710, 0 {pack_format = #tpu.pack_format<interleaved>} : vector<32xbf16> -> vector<16xf32>
      %unpack3A_712 = tpu.unpack_subelements %mul3A_710, 1 {pack_format = #tpu.pack_format<interleaved>} : vector<32xbf16> -> vector<16xf32>
      %add3A_713 = arith.addf %add3A_700, %unpack3A_711 : vector<16xf32>
      %add3A_714 = arith.addf %add3A_701, %unpack3A_712 : vector<16xf32>
      %get3A_715 = arith.index_cast %add3A_677 : i32 to index
      %get3A_716 = arith.constant 48 : index
      %get3A_717 = tpu.vector_load %arg10[%get3A_715, %get3A_716] {strides = array<i32>} : memref<80x64xi32, #tpu.memory_space<vmem>>, vector<16xi32>,
      %bitcast3A_718 = vector.bitcast %get3A_717 : vector<16xi32> to vector<32xbf16>
      %get3A_719 = arith.index_cast %add3A_677 : i32 to index
      %get3A_720 = arith.constant 48 : index
      %get3A_721 = tpu.vector_load %arg11[%get3A_719, %get3A_720] {strides = array<i32>} : memref<80x64xi32, #tpu.memory_space<vmem>>, vector<16xi32>,
      %bitcast3A_722 = vector.bitcast %get3A_721 : vector<16xi32> to vector<32xbf16>
      %mul3A_723 = arith.mulf %bitcast3A_718, %bitcast3A_722 : vector<32xbf16>
      %unpack3A_724 = tpu.unpack_subelements %mul3A_723, 0 {pack_format = #tpu.pack_format<interleaved>} : vector<32xbf16> -> vector<16xf32>
      %unpack3A_725 = tpu.unpack_subelements %mul3A_723, 1 {pack_format = #tpu.pack_format<interleaved>} : vector<32xbf16> -> vector<16xf32>
      %add3A_726 = arith.addf %add3A_713, %unpack3A_724 : vector<16xf32>
      %add3A_727 = arith.addf %add3A_714, %unpack3A_725 : vector<16xf32>
      %add3A_728 = arith.addf %add3A_726, %add3A_727 : vector<16xf32>
      %reduce_sum3A_729 = arith.constant true
      %reduce_sum3A_730 = vector.broadcast %reduce_sum3A_729 : i1 to vector<16xi1>
      %reduce_sum3A_731 = tpu.scan <sum>, %add3A_728 masked %reduce_sum3A_730 : vector<16xf32>, vector<16xi1> -> vector<16xf32>
      %reduce_sum3A_732 = vector.extract %reduce_sum3A_731[15] : f32 from vector<16xf32>
      %broadcast_in_dim3A_733 = vector.broadcast %reduce_sum3A_732 : f32 to vector<16xf32>
      %select_n3A_734 = arith.select %eq3A_675, %broadcast_in_dim3A_733, %select_n3A_672 : vector<16xi1>, vector<16xf32>
      %eq3A_735 = arith.constant 11 : i32
      %eq3A_736 = vector.broadcast %eq3A_735 : i32 to vector<16xi32>
      %eq3A_737 = arith.cmpi eq, %iota3A, %eq3A_736 : vector<16xi32>
      %add3A_738 = arith.constant 11 : i32
      %add3A_739 = arith.addi %multiple_of3A, %add3A_738 : i32
      %get3A_740 = arith.index_cast %add3A_739 : i32 to index
      %get3A_741 = arith.constant 0 : index
      %get3A_742 = tpu.vector_load %arg10[%get3A_740, %get3A_741] {strides = array<i32>} : memref<80x64xi32, #tpu.memory_space<vmem>>, vector<16xi32>,
      %bitcast3A_743 = vector.bitcast %get3A_742 : vector<16xi32> to vector<32xbf16>
      %get3A_744 = arith.index_cast %add3A_739 : i32 to index
      %get3A_745 = arith.constant 0 : index
      %get3A_746 = tpu.vector_load %arg11[%get3A_744, %get3A_745] {strides = array<i32>} : memref<80x64xi32, #tpu.memory_space<vmem>>, vector<16xi32>,
      %bitcast3A_747 = vector.bitcast %get3A_746 : vector<16xi32> to vector<32xbf16>
      %mul3A_748 = arith.mulf %bitcast3A_743, %bitcast3A_747 : vector<32xbf16>
      %unpack3A_749 = tpu.unpack_subelements %mul3A_748, 0 {pack_format = #tpu.pack_format<interleaved>} : vector<32xbf16> -> vector<16xf32>
      %unpack3A_750 = tpu.unpack_subelements %mul3A_748, 1 {pack_format = #tpu.pack_format<interleaved>} : vector<32xbf16> -> vector<16xf32>
      %get3A_751 = arith.index_cast %add3A_739 : i32 to index
      %get3A_752 = arith.constant 16 : index
      %get3A_753 = tpu.vector_load %arg10[%get3A_751, %get3A_752] {strides = array<i32>} : memref<80x64xi32, #tpu.memory_space<vmem>>, vector<16xi32>,
      %bitcast3A_754 = vector.bitcast %get3A_753 : vector<16xi32> to vector<32xbf16>
      %get3A_755 = arith.index_cast %add3A_739 : i32 to index
      %get3A_756 = arith.constant 16 : index
      %get3A_757 = tpu.vector_load %arg11[%get3A_755, %get3A_756] {strides = array<i32>} : memref<80x64xi32, #tpu.memory_space<vmem>>, vector<16xi32>,
      %bitcast3A_758 = vector.bitcast %get3A_757 : vector<16xi32> to vector<32xbf16>
      %mul3A_759 = arith.mulf %bitcast3A_754, %bitcast3A_758 : vector<32xbf16>
      %unpack3A_760 = tpu.unpack_subelements %mul3A_759, 0 {pack_format = #tpu.pack_format<interleaved>} : vector<32xbf16> -> vector<16xf32>
      %unpack3A_761 = tpu.unpack_subelements %mul3A_759, 1 {pack_format = #tpu.pack_format<interleaved>} : vector<32xbf16> -> vector<16xf32>
      %add3A_762 = arith.addf %unpack3A_749, %unpack3A_760 : vector<16xf32>
      %add3A_763 = arith.addf %unpack3A_750, %unpack3A_761 : vector<16xf32>
      %get3A_764 = arith.index_cast %add3A_739 : i32 to index
      %get3A_765 = arith.constant 32 : index
      %get3A_766 = tpu.vector_load %arg10[%get3A_764, %get3A_765] {strides = array<i32>} : memref<80x64xi32, #tpu.memory_space<vmem>>, vector<16xi32>,
      %bitcast3A_767 = vector.bitcast %get3A_766 : vector<16xi32> to vector<32xbf16>
      %get3A_768 = arith.index_cast %add3A_739 : i32 to index
      %get3A_769 = arith.constant 32 : index
      %get3A_770 = tpu.vector_load %arg11[%get3A_768, %get3A_769] {strides = array<i32>} : memref<80x64xi32, #tpu.memory_space<vmem>>, vector<16xi32>,
      %bitcast3A_771 = vector.bitcast %get3A_770 : vector<16xi32> to vector<32xbf16>
      %mul3A_772 = arith.mulf %bitcast3A_767, %bitcast3A_771 : vector<32xbf16>
      %unpack3A_773 = tpu.unpack_subelements %mul3A_772, 0 {pack_format = #tpu.pack_format<interleaved>} : vector<32xbf16> -> vector<16xf32>
      %unpack3A_774 = tpu.unpack_subelements %mul3A_772, 1 {pack_format = #tpu.pack_format<interleaved>} : vector<32xbf16> -> vector<16xf32>
      %add3A_775 = arith.addf %add3A_762, %unpack3A_773 : vector<16xf32>
      %add3A_776 = arith.addf %add3A_763, %unpack3A_774 : vector<16xf32>
      %get3A_777 = arith.index_cast %add3A_739 : i32 to index
      %get3A_778 = arith.constant 48 : index
      %get3A_779 = tpu.vector_load %arg10[%get3A_777, %get3A_778] {strides = array<i32>} : memref<80x64xi32, #tpu.memory_space<vmem>>, vector<16xi32>,
      %bitcast3A_780 = vector.bitcast %get3A_779 : vector<16xi32> to vector<32xbf16>
      %get3A_781 = arith.index_cast %add3A_739 : i32 to index
      %get3A_782 = arith.constant 48 : index
      %get3A_783 = tpu.vector_load %arg11[%get3A_781, %get3A_782] {strides = array<i32>} : memref<80x64xi32, #tpu.memory_space<vmem>>, vector<16xi32>,
      %bitcast3A_784 = vector.bitcast %get3A_783 : vector<16xi32> to vector<32xbf16>
      %mul3A_785 = arith.mulf %bitcast3A_780, %bitcast3A_784 : vector<32xbf16>
      %unpack3A_786 = tpu.unpack_subelements %mul3A_785, 0 {pack_format = #tpu.pack_format<interleaved>} : vector<32xbf16> -> vector<16xf32>
      %unpack3A_787 = tpu.unpack_subelements %mul3A_785, 1 {pack_format = #tpu.pack_format<interleaved>} : vector<32xbf16> -> vector<16xf32>
      %add3A_788 = arith.addf %add3A_775, %unpack3A_786 : vector<16xf32>
      %add3A_789 = arith.addf %add3A_776, %unpack3A_787 : vector<16xf32>
      %add3A_790 = arith.addf %add3A_788, %add3A_789 : vector<16xf32>
      %reduce_sum3A_791 = arith.constant true
      %reduce_sum3A_792 = vector.broadcast %reduce_sum3A_791 : i1 to vector<16xi1>
      %reduce_sum3A_793 = tpu.scan <sum>, %add3A_790 masked %reduce_sum3A_792 : vector<16xf32>, vector<16xi1> -> vector<16xf32>
      %reduce_sum3A_794 = vector.extract %reduce_sum3A_793[15] : f32 from vector<16xf32>
      %broadcast_in_dim3A_795 = vector.broadcast %reduce_sum3A_794 : f32 to vector<16xf32>
      %select_n3A_796 = arith.select %eq3A_737, %broadcast_in_dim3A_795, %select_n3A_734 : vector<16xi1>, vector<16xf32>
      %eq3A_797 = arith.constant 12 : i32
      %eq3A_798 = vector.broadcast %eq3A_797 : i32 to vector<16xi32>
      %eq3A_799 = arith.cmpi eq, %iota3A, %eq3A_798 : vector<16xi32>
      %add3A_800 = arith.constant 12 : i32
      %add3A_801 = arith.addi %multiple_of3A, %add3A_800 : i32
      %get3A_802 = arith.index_cast %add3A_801 : i32 to index
      %get3A_803 = arith.constant 0 : index
      %get3A_804 = tpu.vector_load %arg10[%get3A_802, %get3A_803] {strides = array<i32>} : memref<80x64xi32, #tpu.memory_space<vmem>>, vector<16xi32>,
      %bitcast3A_805 = vector.bitcast %get3A_804 : vector<16xi32> to vector<32xbf16>
      %get3A_806 = arith.index_cast %add3A_801 : i32 to index
      %get3A_807 = arith.constant 0 : index
      %get3A_808 = tpu.vector_load %arg11[%get3A_806, %get3A_807] {strides = array<i32>} : memref<80x64xi32, #tpu.memory_space<vmem>>, vector<16xi32>,
      %bitcast3A_809 = vector.bitcast %get3A_808 : vector<16xi32> to vector<32xbf16>
      %mul3A_810 = arith.mulf %bitcast3A_805, %bitcast3A_809 : vector<32xbf16>
      %unpack3A_811 = tpu.unpack_subelements %mul3A_810, 0 {pack_format = #tpu.pack_format<interleaved>} : vector<32xbf16> -> vector<16xf32>
      %unpack3A_812 = tpu.unpack_subelements %mul3A_810, 1 {pack_format = #tpu.pack_format<interleaved>} : vector<32xbf16> -> vector<16xf32>
      %get3A_813 = arith.index_cast %add3A_801 : i32 to index
      %get3A_814 = arith.constant 16 : index
      %get3A_815 = tpu.vector_load %arg10[%get3A_813, %get3A_814] {strides = array<i32>} : memref<80x64xi32, #tpu.memory_space<vmem>>, vector<16xi32>,
      %bitcast3A_816 = vector.bitcast %get3A_815 : vector<16xi32> to vector<32xbf16>
      %get3A_817 = arith.index_cast %add3A_801 : i32 to index
      %get3A_818 = arith.constant 16 : index
      %get3A_819 = tpu.vector_load %arg11[%get3A_817, %get3A_818] {strides = array<i32>} : memref<80x64xi32, #tpu.memory_space<vmem>>, vector<16xi32>,
      %bitcast3A_820 = vector.bitcast %get3A_819 : vector<16xi32> to vector<32xbf16>
      %mul3A_821 = arith.mulf %bitcast3A_816, %bitcast3A_820 : vector<32xbf16>
      %unpack3A_822 = tpu.unpack_subelements %mul3A_821, 0 {pack_format = #tpu.pack_format<interleaved>} : vector<32xbf16> -> vector<16xf32>
      %unpack3A_823 = tpu.unpack_subelements %mul3A_821, 1 {pack_format = #tpu.pack_format<interleaved>} : vector<32xbf16> -> vector<16xf32>
      %add3A_824 = arith.addf %unpack3A_811, %unpack3A_822 : vector<16xf32>
      %add3A_825 = arith.addf %unpack3A_812, %unpack3A_823 : vector<16xf32>
      %get3A_826 = arith.index_cast %add3A_801 : i32 to index
      %get3A_827 = arith.constant 32 : index
      %get3A_828 = tpu.vector_load %arg10[%get3A_826, %get3A_827] {strides = array<i32>} : memref<80x64xi32, #tpu.memory_space<vmem>>, vector<16xi32>,
      %bitcast3A_829 = vector.bitcast %get3A_828 : vector<16xi32> to vector<32xbf16>
      %get3A_830 = arith.index_cast %add3A_801 : i32 to index
      %get3A_831 = arith.constant 32 : index
      %get3A_832 = tpu.vector_load %arg11[%get3A_830, %get3A_831] {strides = array<i32>} : memref<80x64xi32, #tpu.memory_space<vmem>>, vector<16xi32>,
      %bitcast3A_833 = vector.bitcast %get3A_832 : vector<16xi32> to vector<32xbf16>
      %mul3A_834 = arith.mulf %bitcast3A_829, %bitcast3A_833 : vector<32xbf16>
      %unpack3A_835 = tpu.unpack_subelements %mul3A_834, 0 {pack_format = #tpu.pack_format<interleaved>} : vector<32xbf16> -> vector<16xf32>
      %unpack3A_836 = tpu.unpack_subelements %mul3A_834, 1 {pack_format = #tpu.pack_format<interleaved>} : vector<32xbf16> -> vector<16xf32>
      %add3A_837 = arith.addf %add3A_824, %unpack3A_835 : vector<16xf32>
      %add3A_838 = arith.addf %add3A_825, %unpack3A_836 : vector<16xf32>
      %get3A_839 = arith.index_cast %add3A_801 : i32 to index
      %get3A_840 = arith.constant 48 : index
      %get3A_841 = tpu.vector_load %arg10[%get3A_839, %get3A_840] {strides = array<i32>} : memref<80x64xi32, #tpu.memory_space<vmem>>, vector<16xi32>,
      %bitcast3A_842 = vector.bitcast %get3A_841 : vector<16xi32> to vector<32xbf16>
      %get3A_843 = arith.index_cast %add3A_801 : i32 to index
      %get3A_844 = arith.constant 48 : index
      %get3A_845 = tpu.vector_load %arg11[%get3A_843, %get3A_844] {strides = array<i32>} : memref<80x64xi32, #tpu.memory_space<vmem>>, vector<16xi32>,
      %bitcast3A_846 = vector.bitcast %get3A_845 : vector<16xi32> to vector<32xbf16>
      %mul3A_847 = arith.mulf %bitcast3A_842, %bitcast3A_846 : vector<32xbf16>
      %unpack3A_848 = tpu.unpack_subelements %mul3A_847, 0 {pack_format = #tpu.pack_format<interleaved>} : vector<32xbf16> -> vector<16xf32>
      %unpack3A_849 = tpu.unpack_subelements %mul3A_847, 1 {pack_format = #tpu.pack_format<interleaved>} : vector<32xbf16> -> vector<16xf32>
      %add3A_850 = arith.addf %add3A_837, %unpack3A_848 : vector<16xf32>
      %add3A_851 = arith.addf %add3A_838, %unpack3A_849 : vector<16xf32>
      %add3A_852 = arith.addf %add3A_850, %add3A_851 : vector<16xf32>
      %reduce_sum3A_853 = arith.constant true
      %reduce_sum3A_854 = vector.broadcast %reduce_sum3A_853 : i1 to vector<16xi1>
      %reduce_sum3A_855 = tpu.scan <sum>, %add3A_852 masked %reduce_sum3A_854 : vector<16xf32>, vector<16xi1> -> vector<16xf32>
      %reduce_sum3A_856 = vector.extract %reduce_sum3A_855[15] : f32 from vector<16xf32>
      %broadcast_in_dim3A_857 = vector.broadcast %reduce_sum3A_856 : f32 to vector<16xf32>
      %select_n3A_858 = arith.select %eq3A_799, %broadcast_in_dim3A_857, %select_n3A_796 : vector<16xi1>, vector<16xf32>
      %eq3A_859 = arith.constant 13 : i32
      %eq3A_860 = vector.broadcast %eq3A_859 : i32 to vector<16xi32>
      %eq3A_861 = arith.cmpi eq, %iota3A, %eq3A_860 : vector<16xi32>
      %add3A_862 = arith.constant 13 : i32
      %add3A_863 = arith.addi %multiple_of3A, %add3A_862 : i32
      %get3A_864 = arith.index_cast %add3A_863 : i32 to index
      %get3A_865 = arith.constant 0 : index
      %get3A_866 = tpu.vector_load %arg10[%get3A_864, %get3A_865] {strides = array<i32>} : memref<80x64xi32, #tpu.memory_space<vmem>>, vector<16xi32>,
      %bitcast3A_867 = vector.bitcast %get3A_866 : vector<16xi32> to vector<32xbf16>
      %get3A_868 = arith.index_cast %add3A_863 : i32 to index
      %get3A_869 = arith.constant 0 : index
      %get3A_870 = tpu.vector_load %arg11[%get3A_868, %get3A_869] {strides = array<i32>} : memref<80x64xi32, #tpu.memory_space<vmem>>, vector<16xi32>,
      %bitcast3A_871 = vector.bitcast %get3A_870 : vector<16xi32> to vector<32xbf16>
      %mul3A_872 = arith.mulf %bitcast3A_867, %bitcast3A_871 : vector<32xbf16>
      %unpack3A_873 = tpu.unpack_subelements %mul3A_872, 0 {pack_format = #tpu.pack_format<interleaved>} : vector<32xbf16> -> vector<16xf32>
      %unpack3A_874 = tpu.unpack_subelements %mul3A_872, 1 {pack_format = #tpu.pack_format<interleaved>} : vector<32xbf16> -> vector<16xf32>
      %get3A_875 = arith.index_cast %add3A_863 : i32 to index
      %get3A_876 = arith.constant 16 : index
      %get3A_877 = tpu.vector_load %arg10[%get3A_875, %get3A_876] {strides = array<i32>} : memref<80x64xi32, #tpu.memory_space<vmem>>, vector<16xi32>,
      %bitcast3A_878 = vector.bitcast %get3A_877 : vector<16xi32> to vector<32xbf16>
      %get3A_879 = arith.index_cast %add3A_863 : i32 to index
      %get3A_880 = arith.constant 16 : index
      %get3A_881 = tpu.vector_load %arg11[%get3A_879, %get3A_880] {strides = array<i32>} : memref<80x64xi32, #tpu.memory_space<vmem>>, vector<16xi32>,
      %bitcast3A_882 = vector.bitcast %get3A_881 : vector<16xi32> to vector<32xbf16>
      %mul3A_883 = arith.mulf %bitcast3A_878, %bitcast3A_882 : vector<32xbf16>
      %unpack3A_884 = tpu.unpack_subelements %mul3A_883, 0 {pack_format = #tpu.pack_format<interleaved>} : vector<32xbf16> -> vector<16xf32>
      %unpack3A_885 = tpu.unpack_subelements %mul3A_883, 1 {pack_format = #tpu.pack_format<interleaved>} : vector<32xbf16> -> vector<16xf32>
      %add3A_886 = arith.addf %unpack3A_873, %unpack3A_884 : vector<16xf32>
      %add3A_887 = arith.addf %unpack3A_874, %unpack3A_885 : vector<16xf32>
      %get3A_888 = arith.index_cast %add3A_863 : i32 to index
      %get3A_889 = arith.constant 32 : index
      %get3A_890 = tpu.vector_load %arg10[%get3A_888, %get3A_889] {strides = array<i32>} : memref<80x64xi32, #tpu.memory_space<vmem>>, vector<16xi32>,
      %bitcast3A_891 = vector.bitcast %get3A_890 : vector<16xi32> to vector<32xbf16>
      %get3A_892 = arith.index_cast %add3A_863 : i32 to index
      %get3A_893 = arith.constant 32 : index
      %get3A_894 = tpu.vector_load %arg11[%get3A_892, %get3A_893] {strides = array<i32>} : memref<80x64xi32, #tpu.memory_space<vmem>>, vector<16xi32>,
      %bitcast3A_895 = vector.bitcast %get3A_894 : vector<16xi32> to vector<32xbf16>
      %mul3A_896 = arith.mulf %bitcast3A_891, %bitcast3A_895 : vector<32xbf16>
      %unpack3A_897 = tpu.unpack_subelements %mul3A_896, 0 {pack_format = #tpu.pack_format<interleaved>} : vector<32xbf16> -> vector<16xf32>
      %unpack3A_898 = tpu.unpack_subelements %mul3A_896, 1 {pack_format = #tpu.pack_format<interleaved>} : vector<32xbf16> -> vector<16xf32>
      %add3A_899 = arith.addf %add3A_886, %unpack3A_897 : vector<16xf32>
      %add3A_900 = arith.addf %add3A_887, %unpack3A_898 : vector<16xf32>
      %get3A_901 = arith.index_cast %add3A_863 : i32 to index
      %get3A_902 = arith.constant 48 : index
      %get3A_903 = tpu.vector_load %arg10[%get3A_901, %get3A_902] {strides = array<i32>} : memref<80x64xi32, #tpu.memory_space<vmem>>, vector<16xi32>,
      %bitcast3A_904 = vector.bitcast %get3A_903 : vector<16xi32> to vector<32xbf16>
      %get3A_905 = arith.index_cast %add3A_863 : i32 to index
      %get3A_906 = arith.constant 48 : index
      %get3A_907 = tpu.vector_load %arg11[%get3A_905, %get3A_906] {strides = array<i32>} : memref<80x64xi32, #tpu.memory_space<vmem>>, vector<16xi32>,
      %bitcast3A_908 = vector.bitcast %get3A_907 : vector<16xi32> to vector<32xbf16>
      %mul3A_909 = arith.mulf %bitcast3A_904, %bitcast3A_908 : vector<32xbf16>
      %unpack3A_910 = tpu.unpack_subelements %mul3A_909, 0 {pack_format = #tpu.pack_format<interleaved>} : vector<32xbf16> -> vector<16xf32>
      %unpack3A_911 = tpu.unpack_subelements %mul3A_909, 1 {pack_format = #tpu.pack_format<interleaved>} : vector<32xbf16> -> vector<16xf32>
      %add3A_912 = arith.addf %add3A_899, %unpack3A_910 : vector<16xf32>
      %add3A_913 = arith.addf %add3A_900, %unpack3A_911 : vector<16xf32>
      %add3A_914 = arith.addf %add3A_912, %add3A_913 : vector<16xf32>
      %reduce_sum3A_915 = arith.constant true
      %reduce_sum3A_916 = vector.broadcast %reduce_sum3A_915 : i1 to vector<16xi1>
      %reduce_sum3A_917 = tpu.scan <sum>, %add3A_914 masked %reduce_sum3A_916 : vector<16xf32>, vector<16xi1> -> vector<16xf32>
      %reduce_sum3A_918 = vector.extract %reduce_sum3A_917[15] : f32 from vector<16xf32>
      %broadcast_in_dim3A_919 = vector.broadcast %reduce_sum3A_918 : f32 to vector<16xf32>
      %select_n3A_920 = arith.select %eq3A_861, %broadcast_in_dim3A_919, %select_n3A_858 : vector<16xi1>, vector<16xf32>
      %eq3A_921 = arith.constant 14 : i32
      %eq3A_922 = vector.broadcast %eq3A_921 : i32 to vector<16xi32>
      %eq3A_923 = arith.cmpi eq, %iota3A, %eq3A_922 : vector<16xi32>
      %add3A_924 = arith.constant 14 : i32
      %add3A_925 = arith.addi %multiple_of3A, %add3A_924 : i32
      %get3A_926 = arith.index_cast %add3A_925 : i32 to index
      %get3A_927 = arith.constant 0 : index
      %get3A_928 = tpu.vector_load %arg10[%get3A_926, %get3A_927] {strides = array<i32>} : memref<80x64xi32, #tpu.memory_space<vmem>>, vector<16xi32>,
      %bitcast3A_929 = vector.bitcast %get3A_928 : vector<16xi32> to vector<32xbf16>
      %get3A_930 = arith.index_cast %add3A_925 : i32 to index
      %get3A_931 = arith.constant 0 : index
      %get3A_932 = tpu.vector_load %arg11[%get3A_930, %get3A_931] {strides = array<i32>} : memref<80x64xi32, #tpu.memory_space<vmem>>, vector<16xi32>,
      %bitcast3A_933 = vector.bitcast %get3A_932 : vector<16xi32> to vector<32xbf16>
      %mul3A_934 = arith.mulf %bitcast3A_929, %bitcast3A_933 : vector<32xbf16>
      %unpack3A_935 = tpu.unpack_subelements %mul3A_934, 0 {pack_format = #tpu.pack_format<interleaved>} : vector<32xbf16> -> vector<16xf32>
      %unpack3A_936 = tpu.unpack_subelements %mul3A_934, 1 {pack_format = #tpu.pack_format<interleaved>} : vector<32xbf16> -> vector<16xf32>
      %get3A_937 = arith.index_cast %add3A_925 : i32 to index
      %get3A_938 = arith.constant 16 : index
      %get3A_939 = tpu.vector_load %arg10[%get3A_937, %get3A_938] {strides = array<i32>} : memref<80x64xi32, #tpu.memory_space<vmem>>, vector<16xi32>,
      %bitcast3A_940 = vector.bitcast %get3A_939 : vector<16xi32> to vector<32xbf16>
      %get3A_941 = arith.index_cast %add3A_925 : i32 to index
      %get3A_942 = arith.constant 16 : index
      %get3A_943 = tpu.vector_load %arg11[%get3A_941, %get3A_942] {strides = array<i32>} : memref<80x64xi32, #tpu.memory_space<vmem>>, vector<16xi32>,
      %bitcast3A_944 = vector.bitcast %get3A_943 : vector<16xi32> to vector<32xbf16>
      %mul3A_945 = arith.mulf %bitcast3A_940, %bitcast3A_944 : vector<32xbf16>
      %unpack3A_946 = tpu.unpack_subelements %mul3A_945, 0 {pack_format = #tpu.pack_format<interleaved>} : vector<32xbf16> -> vector<16xf32>
      %unpack3A_947 = tpu.unpack_subelements %mul3A_945, 1 {pack_format = #tpu.pack_format<interleaved>} : vector<32xbf16> -> vector<16xf32>
      %add3A_948 = arith.addf %unpack3A_935, %unpack3A_946 : vector<16xf32>
      %add3A_949 = arith.addf %unpack3A_936, %unpack3A_947 : vector<16xf32>
      %get3A_950 = arith.index_cast %add3A_925 : i32 to index
      %get3A_951 = arith.constant 32 : index
      %get3A_952 = tpu.vector_load %arg10[%get3A_950, %get3A_951] {strides = array<i32>} : memref<80x64xi32, #tpu.memory_space<vmem>>, vector<16xi32>,
      %bitcast3A_953 = vector.bitcast %get3A_952 : vector<16xi32> to vector<32xbf16>
      %get3A_954 = arith.index_cast %add3A_925 : i32 to index
      %get3A_955 = arith.constant 32 : index
      %get3A_956 = tpu.vector_load %arg11[%get3A_954, %get3A_955] {strides = array<i32>} : memref<80x64xi32, #tpu.memory_space<vmem>>, vector<16xi32>,
      %bitcast3A_957 = vector.bitcast %get3A_956 : vector<16xi32> to vector<32xbf16>
      %mul3A_958 = arith.mulf %bitcast3A_953, %bitcast3A_957 : vector<32xbf16>
      %unpack3A_959 = tpu.unpack_subelements %mul3A_958, 0 {pack_format = #tpu.pack_format<interleaved>} : vector<32xbf16> -> vector<16xf32>
      %unpack3A_960 = tpu.unpack_subelements %mul3A_958, 1 {pack_format = #tpu.pack_format<interleaved>} : vector<32xbf16> -> vector<16xf32>
      %add3A_961 = arith.addf %add3A_948, %unpack3A_959 : vector<16xf32>
      %add3A_962 = arith.addf %add3A_949, %unpack3A_960 : vector<16xf32>
      %get3A_963 = arith.index_cast %add3A_925 : i32 to index
      %get3A_964 = arith.constant 48 : index
      %get3A_965 = tpu.vector_load %arg10[%get3A_963, %get3A_964] {strides = array<i32>} : memref<80x64xi32, #tpu.memory_space<vmem>>, vector<16xi32>,
      %bitcast3A_966 = vector.bitcast %get3A_965 : vector<16xi32> to vector<32xbf16>
      %get3A_967 = arith.index_cast %add3A_925 : i32 to index
      %get3A_968 = arith.constant 48 : index
      %get3A_969 = tpu.vector_load %arg11[%get3A_967, %get3A_968] {strides = array<i32>} : memref<80x64xi32, #tpu.memory_space<vmem>>, vector<16xi32>,
      %bitcast3A_970 = vector.bitcast %get3A_969 : vector<16xi32> to vector<32xbf16>
      %mul3A_971 = arith.mulf %bitcast3A_966, %bitcast3A_970 : vector<32xbf16>
      %unpack3A_972 = tpu.unpack_subelements %mul3A_971, 0 {pack_format = #tpu.pack_format<interleaved>} : vector<32xbf16> -> vector<16xf32>
      %unpack3A_973 = tpu.unpack_subelements %mul3A_971, 1 {pack_format = #tpu.pack_format<interleaved>} : vector<32xbf16> -> vector<16xf32>
      %add3A_974 = arith.addf %add3A_961, %unpack3A_972 : vector<16xf32>
      %add3A_975 = arith.addf %add3A_962, %unpack3A_973 : vector<16xf32>
      %add3A_976 = arith.addf %add3A_974, %add3A_975 : vector<16xf32>
      %reduce_sum3A_977 = arith.constant true
      %reduce_sum3A_978 = vector.broadcast %reduce_sum3A_977 : i1 to vector<16xi1>
      %reduce_sum3A_979 = tpu.scan <sum>, %add3A_976 masked %reduce_sum3A_978 : vector<16xf32>, vector<16xi1> -> vector<16xf32>
      %reduce_sum3A_980 = vector.extract %reduce_sum3A_979[15] : f32 from vector<16xf32>
      %broadcast_in_dim3A_981 = vector.broadcast %reduce_sum3A_980 : f32 to vector<16xf32>
      %select_n3A_982 = arith.select %eq3A_923, %broadcast_in_dim3A_981, %select_n3A_920 : vector<16xi1>, vector<16xf32>
      %eq3A_983 = arith.constant 15 : i32
      %eq3A_984 = vector.broadcast %eq3A_983 : i32 to vector<16xi32>
      %eq3A_985 = arith.cmpi eq, %iota3A, %eq3A_984 : vector<16xi32>
      %add3A_986 = arith.constant 15 : i32
      %add3A_987 = arith.addi %multiple_of3A, %add3A_986 : i32
      %get3A_988 = arith.index_cast %add3A_987 : i32 to index
      %get3A_989 = arith.constant 0 : index
      %get3A_990 = tpu.vector_load %arg10[%get3A_988, %get3A_989] {strides = array<i32>} : memref<80x64xi32, #tpu.memory_space<vmem>>, vector<16xi32>,
      %bitcast3A_991 = vector.bitcast %get3A_990 : vector<16xi32> to vector<32xbf16>
      %get3A_992 = arith.index_cast %add3A_987 : i32 to index
      %get3A_993 = arith.constant 0 : index
      %get3A_994 = tpu.vector_load %arg11[%get3A_992, %get3A_993] {strides = array<i32>} : memref<80x64xi32, #tpu.memory_space<vmem>>, vector<16xi32>,
      %bitcast3A_995 = vector.bitcast %get3A_994 : vector<16xi32> to vector<32xbf16>
      %mul3A_996 = arith.mulf %bitcast3A_991, %bitcast3A_995 : vector<32xbf16>
      %unpack3A_997 = tpu.unpack_subelements %mul3A_996, 0 {pack_format = #tpu.pack_format<interleaved>} : vector<32xbf16> -> vector<16xf32>
      %unpack3A_998 = tpu.unpack_subelements %mul3A_996, 1 {pack_format = #tpu.pack_format<interleaved>} : vector<32xbf16> -> vector<16xf32>
      %get3A_999 = arith.index_cast %add3A_987 : i32 to index
      %get3A_1000 = arith.constant 16 : index
      %get3A_1001 = tpu.vector_load %arg10[%get3A_999, %get3A_1000] {strides = array<i32>} : memref<80x64xi32, #tpu.memory_space<vmem>>, vector<16xi32>,
      %bitcast3A_1002 = vector.bitcast %get3A_1001 : vector<16xi32> to vector<32xbf16>
      %get3A_1003 = arith.index_cast %add3A_987 : i32 to index
      %get3A_1004 = arith.constant 16 : index
      %get3A_1005 = tpu.vector_load %arg11[%get3A_1003, %get3A_1004] {strides = array<i32>} : memref<80x64xi32, #tpu.memory_space<vmem>>, vector<16xi32>,
      %bitcast3A_1006 = vector.bitcast %get3A_1005 : vector<16xi32> to vector<32xbf16>
      %mul3A_1007 = arith.mulf %bitcast3A_1002, %bitcast3A_1006 : vector<32xbf16>
      %unpack3A_1008 = tpu.unpack_subelements %mul3A_1007, 0 {pack_format = #tpu.pack_format<interleaved>} : vector<32xbf16> -> vector<16xf32>
      %unpack3A_1009 = tpu.unpack_subelements %mul3A_1007, 1 {pack_format = #tpu.pack_format<interleaved>} : vector<32xbf16> -> vector<16xf32>
      %add3A_1010 = arith.addf %unpack3A_997, %unpack3A_1008 : vector<16xf32>
      %add3A_1011 = arith.addf %unpack3A_998, %unpack3A_1009 : vector<16xf32>
      %get3A_1012 = arith.index_cast %add3A_987 : i32 to index
      %get3A_1013 = arith.constant 32 : index
      %get3A_1014 = tpu.vector_load %arg10[%get3A_1012, %get3A_1013] {strides = array<i32>} : memref<80x64xi32, #tpu.memory_space<vmem>>, vector<16xi32>,
      %bitcast3A_1015 = vector.bitcast %get3A_1014 : vector<16xi32> to vector<32xbf16>
      %get3A_1016 = arith.index_cast %add3A_987 : i32 to index
      %get3A_1017 = arith.constant 32 : index
      %get3A_1018 = tpu.vector_load %arg11[%get3A_1016, %get3A_1017] {strides = array<i32>} : memref<80x64xi32, #tpu.memory_space<vmem>>, vector<16xi32>,
      %bitcast3A_1019 = vector.bitcast %get3A_1018 : vector<16xi32> to vector<32xbf16>
      %mul3A_1020 = arith.mulf %bitcast3A_1015, %bitcast3A_1019 : vector<32xbf16>
      %unpack3A_1021 = tpu.unpack_subelements %mul3A_1020, 0 {pack_format = #tpu.pack_format<interleaved>} : vector<32xbf16> -> vector<16xf32>
      %unpack3A_1022 = tpu.unpack_subelements %mul3A_1020, 1 {pack_format = #tpu.pack_format<interleaved>} : vector<32xbf16> -> vector<16xf32>
      %add3A_1023 = arith.addf %add3A_1010, %unpack3A_1021 : vector<16xf32>
      %add3A_1024 = arith.addf %add3A_1011, %unpack3A_1022 : vector<16xf32>
      %get3A_1025 = arith.index_cast %add3A_987 : i32 to index
      %get3A_1026 = arith.constant 48 : index
      %get3A_1027 = tpu.vector_load %arg10[%get3A_1025, %get3A_1026] {strides = array<i32>} : memref<80x64xi32, #tpu.memory_space<vmem>>, vector<16xi32>,
      %bitcast3A_1028 = vector.bitcast %get3A_1027 : vector<16xi32> to vector<32xbf16>
      %get3A_1029 = arith.index_cast %add3A_987 : i32 to index
      %get3A_1030 = arith.constant 48 : index
      %get3A_1031 = tpu.vector_load %arg11[%get3A_1029, %get3A_1030] {strides = array<i32>} : memref<80x64xi32, #tpu.memory_space<vmem>>, vector<16xi32>,
      %bitcast3A_1032 = vector.bitcast %get3A_1031 : vector<16xi32> to vector<32xbf16>
      %mul3A_1033 = arith.mulf %bitcast3A_1028, %bitcast3A_1032 : vector<32xbf16>
      %unpack3A_1034 = tpu.unpack_subelements %mul3A_1033, 0 {pack_format = #tpu.pack_format<interleaved>} : vector<32xbf16> -> vector<16xf32>
      %unpack3A_1035 = tpu.unpack_subelements %mul3A_1033, 1 {pack_format = #tpu.pack_format<interleaved>} : vector<32xbf16> -> vector<16xf32>
      %add3A_1036 = arith.addf %add3A_1023, %unpack3A_1034 : vector<16xf32>
      %add3A_1037 = arith.addf %add3A_1024, %unpack3A_1035 : vector<16xf32>
      %add3A_1038 = arith.addf %add3A_1036, %add3A_1037 : vector<16xf32>
      %reduce_sum3A_1039 = arith.constant true
      %reduce_sum3A_1040 = vector.broadcast %reduce_sum3A_1039 : i1 to vector<16xi1>
      %reduce_sum3A_1041 = tpu.scan <sum>, %add3A_1038 masked %reduce_sum3A_1040 : vector<16xf32>, vector<16xi1> -> vector<16xf32>
      %reduce_sum3A_1042 = vector.extract %reduce_sum3A_1041[15] : f32 from vector<16xf32>
      %broadcast_in_dim3A_1043 = vector.broadcast %reduce_sum3A_1042 : f32 to vector<16xf32>
      %select_n3A_1044 = arith.select %eq3A_985, %broadcast_in_dim3A_1043, %select_n3A_982 : vector<16xi1>, vector<16xf32>
      %swap3A = arith.constant 124 : i32
      %swap3A_1045 = arith.index_cast %swap3A : i32 to index
      %swap3A_1046 = arith.index_cast %multiple_of3A : i32 to index
      %swap3A_1047 = tpu.vector_load %arg9[%swap3A_1045, %swap3A_1046] {strides = array<i32>} : memref<125x80xf32, #tpu.memory_space<vmem>>, vector<16xf32>,
      tpu.vector_store %arg9[%swap3A_1045, %swap3A_1046], %select_n3A_1044 {strides = array<i32>} : memref<125x80xf32, #tpu.memory_space<vmem>>, vector<16xf32>,
    }
    %scan3A_53 = arith.constant 5 : i32
    "tpu.region"() ({
      %run_scoped3A = tpu.sem_alloc : memref<!tpu.dma_semaphore, #tpu.memory_space<semaphore_mem>>
      %dma_start3A_54 = arith.constant 0 : i32
      %dma_start3A_55 = arith.constant 0 : i32
      %dma_start3A_56 = tpu.memref_slice %arg5[%add3A, %dma_start3A_54, %dma_start3A_55] : memref<32x125x80xf32, #tpu.memory_space<hbm>> -> memref<1x125x80xf32, #tpu.memory_space<hbm>>
      %dma_start3A_57 = tpu.memref_squeeze %dma_start3A_56 : memref<1x125x80xf32, #tpu.memory_space<hbm>> -> memref<125x80xf32, #tpu.memory_space<hbm>>
      %dma_start3A_58 = arith.constant 0 : i32
      %dma_start3A_59 = arith.constant 0 : i32
      %dma_start3A_60 = tpu.memref_slice %arg5[%add3A, %dma_start3A_58, %dma_start3A_59] : memref<32x125x80xf32, #tpu.memory_space<hbm>> -> memref<1x125x80xf32, #tpu.memory_space<hbm>>
      %dma_start3A_61 = tpu.memref_squeeze %dma_start3A_60 : memref<1x125x80xf32, #tpu.memory_space<hbm>> -> memref<125x80xf32, #tpu.memory_space<hbm>>
      tpu.enqueue_dma source(%arg9 : memref<125x80xf32, #tpu.memory_space<vmem>>) target(%dma_start3A_61 : memref<125x80xf32, #tpu.memory_space<hbm>>) target_semaphore(%run_scoped3A : memref<!tpu.dma_semaphore, #tpu.memory_space<semaphore_mem>>)
      %dma_wait3A_62 = arith.constant 0 : i32
      %dma_wait3A_63 = arith.constant 0 : i32
      %dma_wait3A_64 = tpu.memref_slice %arg5[%add3A, %dma_wait3A_62, %dma_wait3A_63] : memref<32x125x80xf32, #tpu.memory_space<hbm>> -> memref<1x125x80xf32, #tpu.memory_space<hbm>>
      %dma_wait3A_65 = tpu.memref_squeeze %dma_wait3A_64 : memref<1x125x80xf32, #tpu.memory_space<hbm>> -> memref<125x80xf32, #tpu.memory_space<hbm>>
      %dma_wait3A_66 = arith.constant 0 : i32
      %dma_wait3A_67 = arith.constant 0 : i32
      %dma_wait3A_68 = tpu.memref_slice %arg5[%add3A, %dma_wait3A_66, %dma_wait3A_67] : memref<32x125x80xf32, #tpu.memory_space<hbm>> -> memref<1x125x80xf32, #tpu.memory_space<hbm>>
      %dma_wait3A_69 = tpu.memref_squeeze %dma_wait3A_68 : memref<1x125x80xf32, #tpu.memory_space<hbm>> -> memref<125x80xf32, #tpu.memory_space<hbm>>
      tpu.wait_dma2 semaphore(%run_scoped3A : memref<!tpu.dma_semaphore, #tpu.memory_space<semaphore_mem>>) src(%arg9 : memref<125x80xf32, #tpu.memory_space<vmem>>) dst(%dma_wait3A_69 : memref<125x80xf32, #tpu.memory_space<hbm>>)
      tpu.yield
    }) : () -> ()
    return
  }
}

module attributes {stable_mosaic.version = 14 : i64} {
  func.func @_normalize_body(%arg0: memref<10000x128xf32, #tpu.memory_space<vmem>>, %arg1: memref<10000x128xf32, #tpu.memory_space<vmem>>) attributes {dimension_semantics = [], scalar_prefetch = 0 : i64, scratch_operands = 0 : i64, tpu.core_type = #tpu.core_type<tc>} {
    %get3A = arith.constant 0 : index
    %get3A_0 = arith.constant 0 : index
    %get3A_1 = vector.load %arg0[%get3A, %get3A_0] : memref<10000x128xf32, #tpu.memory_space<vmem>>, vector<10000x128xf32>
    %mul3A = arith.mulf %get3A_1, %get3A_1 : vector<10000x128xf32>
    %reduce_sum3A = arith.constant dense<0.000000e+00> : vector<10000xf32>
    %reduce_sum3A_2 = vector.multi_reduction <add>, %mul3A, %reduce_sum3A [1] : vector<10000x128xf32> to vector<10000xf32>
    %broadcast_in_dim3A = vector.shape_cast %reduce_sum3A_2 : vector<10000xf32> to vector<10000x1xf32>
    %sqrt3A = math.sqrt %broadcast_in_dim3A : vector<10000x1xf32>
    %max3A = arith.constant 9.99999996E-13 : f32
    %max3A_3 = vector.broadcast %max3A : f32 to vector<10000x1xf32>
    %max3A_4 = arith.maximumf %sqrt3A, %max3A_3 : vector<10000x1xf32>
    %div3A = vector.broadcast %max3A_4 : vector<10000x1xf32> to vector<10000x128xf32>
    %div3A_5 = arith.divf %get3A_1, %div3A : vector<10000x128xf32>
    %swap3A = arith.constant 0 : index
    %swap3A_6 = arith.constant 0 : index
    %swap3A_7 = vector.load %arg1[%swap3A, %swap3A_6] : memref<10000x128xf32, #tpu.memory_space<vmem>>, vector<10000x128xf32>
    tpu.vector_store %arg1[%swap3A, %swap3A_6], %div3A_5 {strides = array<i32>} : memref<10000x128xf32, #tpu.memory_space<vmem>>, vector<10000x128xf32>,
    return
  }
}

</mosaic_0001>

<sc_bundles>
// kernel: kernel.4.cloned.1.call-start
scs
__scs_entry_jumppad:
0x0: {  	(pc) =	sbr.rel $0x88, $3  }
0x1: {  	(tag) =	ssettag $0x0;
	lr =	simm.s32 $0x1  }
0x2: {  	[smem:$0x3F9F] =	sst lr;
	_ =	strace $0xD0000000  }
0x3: {  	_ = 	snop  }
0x4: {  	_ = 	snop  }
0x5: {  	_ = 	snop  }
0x6: {  	_ = 	snop  }
0x7: {  	_ = 	snop  }
__scs_overlays_trampoline_lowered:
0x8: {  	[smem:$0x3FAE] =	sst s0  }
0x9: {  	[smem:$0x3FAF] =	sst s1  }
0xa: {  	[smem:$0x3FB0] =	sst s2  }
0xb: {  	[smem:$0x3FB1] =	sst s3  }
0xc: {  	[smem:$0x3FB2] =	sst s4  }
0xd: {  	[smem:$0x3FB3] =	sst s5  }
0xe: {  	[smem:$0x3FB4] =	sst s6  }
0xf: {  	[smem:$0x3FB5] =	sst s7  }
0x10: {  	[smem:$0x3FB6] =	sst s8  }
0x11: {  	[smem:$0x3FB7] =	sst s9;
	s0 =	simm.s32 @!p0 $0x0  }
0x12: {  	s1 =	sld [smem:$0x3F9D];
	s0 =	simm.s32 @p0 $0x1  }
0x13: {  	[smem:$0x3FB8] =	sst s0;
	s0 =	simm.s32 @!p1 $0x0  }
0x14: {  	s2 =	sld [smem:$0x3F9C];
	s0 =	simm.s32 @p1 $0x1  }
0x15: {  	[smem:$0x3FB9] =	sst s0;
	s0 =	simm.s32 @!p2 $0x0  }
0x16: {  	s3 =	sld [smem:$0x3FDB];
	s0 =	simm.s32 @p2 $0x1  }
0x17: {  	s4 =	simm.s32 $0x1BF5;
	[smem:$0x3FBB] =	sst s0  }
0x18: {  	s0 =	sld [smem:$0x3F9E];
	_ =	swait.ge [sflag:s4], $0x0  }
0x19: {  	s7 =	sld [smem:$0x3F9F]  }
0x1a: {  	s8 =	sadd.s32 $0xFFFFE003, lr  }
0x1b: {  	s9 =	sadd.s32 $0xFFFFFEF7, lr;
	s5 =	simm.s32 $0xFFFFFFFF;
	p2 =	slt.u32 s8, $0xFFFFF086  }
0x1c: {  	p1 =	slt.u32 s9, $0xF7A;
	s5 =	simm.s32 @!p2 $0x0  }
0x1d: {  	s5 =	simm.s32 @p1 $0x1;
	p0 =	seq.s32 s7, s2  }
0x1e: {  	s7 =	smul.u32 @!p0 $0xF7A, s2;
	p2 =	seq.s32 @!p0 s5, $0x0  }
0x1f: {  	s9 =	smul.u32 $0xF7A, s1;
	s8 =	simm.s32 @!p0 $0x1BF5;
	p2 =	por !p2, p0  }
0x20: {  	[sflag:s8] =	ssyncset.s32 @!p0 $0xFFFFF086;
	s6 =	sadd.s32 @!p0 s3, s7;
	s7 =	simm.s32 @!p0 $0x108  }
0x21: {  	s3 =	sadd.s32 s3, s9;
	s6 =	sadd.s32 @!p0 $0x88, s6;
	s7 =	simm.s32 @p2 $0x1082  }
0x22: {  	[simem:s7], [sflag:s8] =	dma.local @!p0 [hbm:s6], $0xF7A  }
0x23: {  	s9 =	sor.u32 $0xD0000000, s2;
	s6 =	simm.s32 $0x108;
	_ =	swait.ge @!p0 [sflag:s8], $0x0  }
0x24: {  	s3 =	sadd.s32 $0x88, s3;
	s6 =	simm.s32 @!p1 $0x1082;
	[sflag:s4] =	ssyncset.s32 $0xFFFFF086  }
0x25: {  	[simem:s6], [sflag:s4] =	dma.local [hbm:s3], $0xF7A  }
0x26: {  	[smem:$0x3F9F] =	sst s1;
	(tag) =	ssettag s2;
	_ =	strace s9  }
0x27: {  	s1 =	sld [smem:$0x3FAF]  }
0x28: {  	s2 =	sld [smem:$0x3FB0]  }
0x29: {  	s4 =	sld [smem:$0x3FB2]  }
0x2a: {  	p0 =	seq.s32 s5, $0x0;
	s5 =	sld [smem:$0x3FB3]  }
0x2b: {  	s6 =	sld [smem:$0x3FB4]  }
0x2c: {  	s7 =	sld [smem:$0x3FB5]  }
0x2d: {  	s3 =	simm.s32 $0x108;
	s8 =	sld [smem:$0x3FB6]  }
0x2e: {  	s3 =	simm.s32 @!p0 $0x1082;
	s9 =	sld [smem:$0x3FB7]  }
0x2f: {  	lr =	sadd.s32 s0, s3;
	s0 =	sld [smem:$0x3FAE]  }
0x30: {  	s3 =	sld [smem:$0x3FB1]  }
0x31: {  	[smem:$0x3FBA] =	sst s10  }
0x32: {  	s10 =	sld [smem:$0x3FB8];
	_ =	sdelay $0x3  }
0x33: {  	p0 =	seq.s32 s10, $0x1;
	s10 =	sld [smem:$0x3FBA];
	_ =	sdelay $0x3  }
0x34: {  	[smem:$0x3FBA] =	sst s10  }
0x35: {  	s10 =	sld [smem:$0x3FB9];
	_ =	sdelay $0x3  }
0x36: {  	p1 =	seq.s32 s10, $0x1;
	s10 =	sld [smem:$0x3FBA];
	_ =	sdelay $0x3  }
0x37: {  	[smem:$0x3FBA] =	sst s10  }
0x38: {  	s10 =	sld [smem:$0x3FBB]  }
0x39: {  	_ = 	snop;
	(pc) =	sbr.ind lr, $3  }
0x3a: {  	_ = 	snop  }
0x3b: {  	_ = 	snop  }
0x3c: {  	p2 =	seq.s32 s10, $0x1;
	s10 =	sld [smem:$0x3FBA]  }
0x3d: {  	_ =	shalt  }
0x3e: {  	_ =	shalt  }
0x3f: {  	_ =	shalt  }
0x40: {  	_ =	shalt  }
0x41: {  	_ =	shalt  }
0x42: {  	_ =	shalt  }
0x43: {  	_ =	shalt  }
0x44: {  	_ =	shalt  }
0x45: {  	_ =	shalt  }
0x46: {  	_ =	shalt  }
0x47: {  	_ =	shalt  }
0x48: {  	_ =	shalt  }
0x49: {  	_ =	shalt  }
0x4a: {  	_ =	shalt  }
0x4b: {  	_ =	shalt  }
0x4c: {  	_ =	shalt  }
0x4d: {  	_ =	shalt  }
0x4e: {  	_ =	shalt  }
0x4f: {  	_ =	shalt  }
0x50: {  	_ =	shalt  }
0x51: {  	_ =	shalt  }
0x52: {  	_ =	shalt  }
0x53: {  	_ =	shalt  }
0x54: {  	_ =	shalt  }
0x55: {  	_ =	shalt  }
0x56: {  	_ =	shalt  }
0x57: {  	_ =	shalt  }
0x58: {  	_ =	shalt  }
0x59: {  	_ =	shalt  }
0x5a: {  	_ =	shalt  }
0x5b: {  	_ =	shalt  }
0x5c: {  	_ =	shalt  }
0x5d: {  	_ =	shalt  }
0x5e: {  	_ =	shalt  }
0x5f: {  	_ =	shalt  }
0x60: {  	_ =	shalt  }
0x61: {  	_ =	shalt  }
0x62: {  	_ =	shalt  }
0x63: {  	_ =	shalt  }
0x64: {  	_ =	shalt  }
0x65: {  	_ =	shalt  }
0x66: {  	_ =	shalt  }
0x67: {  	_ =	shalt  }
0x68: {  	_ =	shalt  }
0x69: {  	_ =	shalt  }
0x6a: {  	_ =	shalt  }
0x6b: {  	_ =	shalt  }
0x6c: {  	_ =	shalt  }
0x6d: {  	_ =	shalt  }
0x6e: {  	_ =	shalt  }
0x6f: {  	_ =	shalt  }
0x70: {  	_ =	shalt  }
0x71: {  	_ =	shalt  }
0x72: {  	_ =	shalt  }
0x73: {  	_ =	shalt  }
0x74: {  	_ =	shalt  }
0x75: {  	_ =	shalt  }
0x76: {  	_ =	shalt  }
0x77: {  	_ =	shalt  }
0x78: {  	_ =	shalt  }
0x79: {  	_ =	shalt  }
0x7a: {  	_ =	shalt  }
0x7b: {  	_ =	shalt  }
0x7c: {  	_ =	shalt  }
0x7d: {  	_ =	shalt  }
0x7e: {  	_ =	shalt  }
0x7f: {  	_ =	shalt  }
0x80: {  	_ =	shalt  }
0x81: {  	_ =	shalt  }
0x82: {  	_ =	shalt  }
0x83: {  	_ =	shalt  }
0x84: {  	_ =	shalt  }
0x85: {  	_ =	shalt  }
0x86: {  	_ =	shalt  }
0x87: {  	_ =	shalt  }
.Lfunc_end0:
.L_simem_size_0:
called_computation_lowered:
.L_overlay_start_0:
0x88: {  	s2 =	sld [smem:$0x3FD9]  }
0x89: {  	s3 =	sld [smem:$0x3FFE];
	_ =	sdelay $0x1  }
0x8a: {  	s1 =	srdreg.scid  }
0x8b: {  	s0 =	sand.u32 $0x1, s1  }
0x8c: {  	s17 =	sshll.u32 s0, $0xA;
	s2 =	sadd.s32 s3, s2  }
0x8d: {  	s2 =	sadd.s32 s2, s17  }
0x8e: {  	[smem:$0x3FC6] =	sst s2  }
0x8f: {  	_ = 	snop  }
0x90: {  	s2 =	sld [smem:$0x3FD0];
	(tm) =	ssettm $0x1  }
0x91: {  	s18 =	sld [smem:$0x3FFB];
	_ =	sdelay $0x3  }
0x92: {  	_ =	strace s18  }
0x93: {  	s3 =	sld [smem:$0x3FFC];
	_ =	sdelay $0x3  }
0x94: {  	_ =	strace s3  }
0x95: {  	s3 =	sld [smem:$0x3FFD];
	_ =	sdelay $0x3  }
0x96: {  	_ =	strace s3  }
0x97: {  	_ =	strace $0x8FFFFFFF  }
0x98: {  	s19 =	sld [smem:$0x3FDB];
	_ =	sdelay $0x1  }
0x99: {  	s4 =	simm.s32 $_scs_section_size  }
0x9a: {  	s5 =	simm.s32 $_size__tile_overlayer_lowered;
	s6 =	simm.s32 $_tile_overlayer_lowered  }
0x9b: {  	s22 =	simm.s32 $0x1BFF;
	s21 =	sshll.u32 s6, $0x1;
	s3 =	sadd.s32 s4, s19  }
0x9c: {  	s7 =	simm.s32 $0x0;
	s20 =	sshll.u32 s5, $0x1;
	s5 =	sadd.s32 s21, s3  }
0x9d: {  	[timem:s7], [sflag:s22] =	dma.local [hbm:s5], s20  }
0x9e: {  	_ =	swait.ge [sflag:s22], s20  }
0x9f: {  	s4 =	ssub.s32 $0x0, s20;
	[sflag:s22] =	ssyncset.done $0x0  }
0xa0: {  	[sflag:s22] =	ssyncadd.s32 s4;
	_ =	sdelay $0x1  }
0xa1: {  	s23 =	simm.s32 $0x1B8B  }
0xa2: {  	_ =	swait.ge [sflag:s23], $0x1  }
0xa3: {  	[sflag:s23] =	ssyncset.done $0x0  }
0xa4: {  	s25 =	simm.s32 $0x1B8E;
	s24 =	sld [smem:$0x3FFE];
	[sflag:s23] =	ssyncadd.s32 $0xFFFFFFFF  }
0xa5: {  	s26 =	simm.s32 $execute0_lowered;
	[smem:$0x3FD2] =	sst s25  }
0xa6: {  	s5 =	sshll.u32 s26, $0x1;
	_ =	strace $0x80000046;
	[dreg:$0x1] =	wrdreg $0xFFFFFFFF  }
0xa7: {  	s28 =	simm.s32 $_size_execute0_lowered;
	s3 =	sadd.s32 s3, s5;
	[dreg:$0x0] =	wrdreg $0x0  }
0xa8: {  	s5 =	sshll.u32 s28, $0x1;
	[dreg:$0x2] =	wrdreg s3  }
0xa9: {  	[dreg:$0x3] =	wrdreg s5  }
0xaa: {  	[dreg:$0x4] =	wrdreg $0xC0  }
0xab: {  	_ =	task [dreg:s7], $0x5FFFF  }
0xac: {  	[dreg:$0x1] =	wrdreg $0xFFFFFFFF  }
0xad: {  	[dreg:$0x0] =	wrdreg $0x60  }
0xae: {  	[dreg:$0x2] =	wrdreg s24  }
0xaf: {  	[dreg:$0x3] =	wrdreg s2  }
0xb0: {  	[dreg:$0x4] =	wrdreg $0x0  }
0xb1: {  	[dreg:$0x5] =	wrdreg $0x9  }
0xb2: {  	_ =	task.clear_ibuf [dreg:s7], $0x6FFFF;
	_ =	strace $0x90000046  }
0xb3: {  	s29 =	simm.s32 $0x9;
	_ =	strace $0x80000048  }
0xb4: {  	_ =	swait.ge [sflag:s29], $0x1  }
0xb5: {  	[sflag:s29] =	ssyncadd.s32 $0xFFFFFFFF  }
0xb6: {  	_ =	strace $0x90000048  }
0xb7: {  	_ =	sfence  }
0xb8: {  	s30 =	sld [smem:$0x0];
	_ =	sdelay $0x2  }
0xb9: {  	s31 =	sshll.u32 s1, $0xD;
	s1 =	sshrl.u32 s1, $0x2  }
0xba: {  	s3 =	sand.u32 $0x4000, s31;
	s1 =	sadd.s32 s1, s30  }
0xbb: {  	s0 =	sor.u32 s3, s0;
	s1 =	sshll.u32 s1, $0x11  }
0xbc: {  	s0 =	sor.u32 s1, s0  }
0xbd: {  	s0 =	sadd.s32 $0x8F2B, s0  }
0xbe: {  	[sflag:s0] =	ssyncadd.remote.s32 $0x1  }
0xbf: {  	_ =	sfence.sel $0xFFFF  }
0xc0: {  	[dreg:$0x0] =	wrdreg $0xFFFFFFFF;
	(pc) =	sbr.abs _section_cstart, $3  }
0xc1: {  	[dreg:$0x1] =	wrdreg $0xFFFFFFFF  }
0xc2: {  	_ =	task.clear_ibuf [dreg:s7], $0x2FFFF;
	_ =	strace $0x9FFFFFFF  }
0xc3: {  	(tm) =	ssettm $0x7FFFFFFF  }
tec
execute0_lowered:
.L_overlay_start_1:
0x0: {  	(tag) =	ssettag $0x1  }
0x1: {  	s0 =	rddreg [dreg:$0x0];
	s1 =	srdreg.scid  }
0x2: {  	s8 =	stileid.u32;
	s6 =	rddreg [dreg:$0x1]  }
0x3: {  	s2 =	rddreg [dreg:$0x2];
	s3 =	simm.s32 $0x0;
	s10 =	simm.s32 $0x3  }
0x4: {  	s11 =	simm.s32 $0xC350;
	s12 =	simm.s32 $0x50;
	s13 =	simm.s32 $0x11170  }
0x5: {  	s14 =	simm.s32 $0x12570;
	s15 =	simm.s32 $0x9C90;
	s16 =	simm.s32 $0x13970  }
0x6: {  	s17 =	simm.s32 $0xC3A0;
	s18 =	simm.s32 $0x14D70;
	s19 =	simm.s32 $0x1  }
0x7: {  	s20 =	simm.s32 $0x2;
	s21 =	simm.s32 $0xEA60;
	s22 =	simm.s32 $0x0  }
0x8: {  	s4 =	sand.u32 $0x1, s1;
	s31 =	sshll.u32 s8, $0x1;
	s1 =	rddreg [dreg:$0x3]  }
0x9: {  	vm0 =	vmmov $0x1;
	vm1 =	vmmov $0x3;
	vm2 =	vmmov $0x7;
	[smem:$0x7FF] =	sst s3;
	s5 =	sor.u32 s4, s31;
	s4 =	ssub.s32 $0x2, s4  }
0xa: {  	vm3 =	vmmov $0xf;
	vm4 =	vmmov $0x1f;
	vm5 =	vmmov $0x3f;
	p0 =	sne.s32 s8, $0x0;
	s7 =	smul.u32 $0x4E2, s5;
	s9 =	sshrl.u32 s4, $0x1  }
0xb: {  	vm6 =	vmmov $0x7f;
	vm7 =	vmmov $0xff;
	vm8 =	vmmov $0x1ff;
	_ =	strace $0x80000047;
	s8 =	sshrl.u32 @!p0 s2, $0x3;
	s9 =	ssub.s32 s4, s9  }
0xc: {  	vm9 =	vmmov $0x3ff;
	vm10 =	vmmov $0x7ff;
	vm11 =	vmmov $0xfff;
	s5 =	sadd.s32 s7, s0;
	s6 =	sadd.s32 s6, s7;
	s7 =	smax.u32 s9, $0x1  }
0xd: {  	vm12 =	vmmov $0x1fff;
	vm13 =	vmmov $0x3fff;
	vm14 =	vmmov $0x7fff;
	s9 =	simm.s32 $0x9C40;
	s4 =	sadd.s32 $0x1D800, s5;
	s5 =	sadd.s32 $0x13A00, s5  }
.LBB2_1:
0xe: {  	s23 =	simm.s32 @!p0 $0x1C03  }
0xf: {  	[spmem:s8], [sflag:s23] =	dma.local @!p0 [hbm:s0], $0x13880  }
0x10: {  	s23 =	simm.s32 @!p0 $0x3  }
0x11: {  	_ =	swait.ge @!p0 [sflag:s23], $0x13880  }
0x12: {  	[sflag:s23] =	ssyncset.done @!p0 $0x0  }
0x13: {  	[sflag:s23] =	ssyncadd.s32 @!p0 $0xFFFEC780  }
0x14: {  	[tilespmem:s9], [sflag:$0x3] =	stream.linear.gather [hbm4b:s4+s3], $0x2710, $0x38;
	[tilespmem:$0x16170] =	vst v63  }
0x15: {  	_ =	swait.ge [sflag:s10], $0x2710  }
0x16: {  	[sflag:s10] =	ssyncset.done $0x0  }
0x17: {  	[sflag:s10] =	ssyncadd.s32 $0xFFFFD8F0  }
0x18: {  	[tilespmem:s11], [sflag:$0x3] =	stream.linear.gather [hbm4b:s5+s3], $0x2710, $0x38;
	[tilespmem:$0x16170] =	vst v63  }
0x19: {  	_ =	swait.ge [sflag:s10], $0x2710  }
0x1a: {  	[sflag:s10] =	ssyncset.done $0x0  }
0x1b: {  	[sflag:s10] =	ssyncadd.s32 $0xFFFFD8F0  }
0x1c: {  	[bflag:$0x0] =	sbarrier.arrive $0xFFFF  }
0x1d: {  	[tilespmem:s13], [sflag:$0x1] =	stream.indirect.gather [spmem:s2], $0x40, s9, s12, $0xb8;
	[tilespmem:$0x16170] =	vst v63  }
0x1e: {  	_ = 	snop  }
0x1f: {  	[tilespmem:s14], [sflag:$0x1] =	stream.indirect.gather [spmem:s2], $0x40, s11, s12, $0xb8;
	[tilespmem:$0x16170] =	vst v63  }
0x20: {  	_ = 	snop  }
0x21: {  	[tilespmem:s16], [sflag:$0x2] =	stream.indirect.gather [spmem:s2], $0x40, s15, s12, $0xb8;
	[tilespmem:$0x16170] =	vst v63  }
0x22: {  	s24 =	simm.s32 $0xEA60;
	s25 =	simm.s32 $0x0;
	s23 =	simm.s32 $0xEAB0  }
0x23: {  	[tilespmem:s18], [sflag:$0x2] =	stream.indirect.gather [spmem:s2], $0x40, s17, s12, $0xb8;
	[tilespmem:$0x16170] =	vst v63  }
.LBB2_2:
0x24: {  	_ =	swait.ge [sflag:s19], $0x1400  }
0x25: {  	[sflag:s19] =	ssyncset.done $0x0  }
0x26: {  	[sflag:s19] =	ssyncadd.s32 $0xFFFFEC00  }
0x27: {  	_ =	swait.ge [sflag:s19], $0x1400  }
0x28: {  	[sflag:s19] =	ssyncset.done $0x0  }
0x29: {  	s26 =	simm.s32 $0x3F0;
	[sflag:s19] =	ssyncadd.s32 $0xFFFFEC00  }
0x2a: {  	v0 =	vld [tilespmem:s26+$0x12570]  }
0x2b: {  	v1 =	vld [tilespmem:s26+$0x11170]  }
0x2c: {  	v2 =	vld [tilespmem:s26+$0x12530]  }
0x2d: {  	v3 =	vld [tilespmem:s26+$0x11130]  }
0x2e: {  	v4 =	vld [tilespmem:s26+$0x12560]  }
0x2f: {  	v5 =	vld [tilespmem:s26+$0x11160]  }
0x30: {  	v6 =	vld [tilespmem:s26+$0x124F0]  }
0x31: {  	v7 =	vld [tilespmem:s26+$0x110F0]  }
0x32: {  	v8 =	vld [tilespmem:s26+$0x124B0]  }
0x33: {  	v9 =	vld [tilespmem:s26+$0x110B0]  }
0x34: {  	v10 =	vld [tilespmem:s26+$0x12520]  }
0x35: {  	v11 =	vld [tilespmem:s26+$0x11120]  }
0x36: {  	v12 =	vld [tilespmem:s26+$0x12540]  }
0x37: {  	v13 =	vld [tilespmem:s26+$0x11140]  }
0x38: {  	v14 =	vld [tilespmem:s26+$0x12550]  }
0x39: {  	v15 =	vld [tilespmem:s26+$0x11150]  }
0x3a: {  	v16 =	vld [tilespmem:s26+$0x12470]  }
0x3b: {  	v17 =	vld [tilespmem:s26+$0x11070]  }
0x3c: {  	v18 =	vld [tilespmem:s26+$0x124E0]  }
0x3d: {  	v19 =	vld [tilespmem:s26+$0x110E0]  }
0x3e: {  	v20 =	vld [tilespmem:s26+$0x12430]  }
0x3f: {  	v21 =	vld [tilespmem:s26+$0x11030]  }
0x40: {  	v22 =	vld [tilespmem:s26+$0x124A0]  }
0x41: {  	v24 =	vld [tilespmem:s26+$0x110A0]  }
0x42: {  	v23 =	vld [tilespmem:s26+$0x12500]  }
0x43: {  	v25 =	vld [tilespmem:s26+$0x11100]  }
0x44: {  	v26 =	vld [tilespmem:s26+$0x12510]  }
0x45: {  	v27 =	vld [tilespmem:s26+$0x11110]  }
0x46: {  	v28 =	vld [tilespmem:s26+$0x123F0]  }
0x47: {  	v29 =	vld [tilespmem:s26+$0x10FF0]  }
0x48: {  	v30 =	vld [tilespmem:s26+$0x12460]  }
0x49: {  	v31 =	vld [tilespmem:s26+$0x11060]  }
0x4a: {  	v32 =	vld [tilespmem:s26+$0x124C0]  }
0x4b: {  	v33 =	vld [tilespmem:s26+$0x110C0]  }
0x4c: {  	v34 =	vld [tilespmem:s26+$0x124D0]  }
0x4d: {  	v35 =	vld [tilespmem:s26+$0x110D0]  }
0x4e: {  	v36 =	vld [tilespmem:s26+$0x123B0]  }
0x4f: {  	v37 =	vld [tilespmem:s26+$0x10FB0]  }
0x50: {  	v38 =	vld [tilespmem:s26+$0x12420]  }
0x51: {  	v39 =	vld [tilespmem:s26+$0x11020]  }
0x52: {  	v40 =	vld [tilespmem:s26+$0x12480]  }
0x53: {  	v41 =	vld [tilespmem:s26+$0x11080]  }
0x54: {  	v42 =	vld [tilespmem:s26+$0x12490]  }
0x55: {  	v43 =	vld [tilespmem:s26+$0x11090]  }
0x56: {  	v44 =	vld [tilespmem:s26+$0x12370]  }
0x57: {  	v45 =	vld [tilespmem:s26+$0x10F70]  }
0x58: {  	v46 =	vld [tilespmem:s26+$0x123E0]  }
0x59: {  	v47 =	vld [tilespmem:s26+$0x10FE0]  }
0x5a: {  	v48 =	vld [tilespmem:s26+$0x12440]  }
0x5b: {  	v49 =	vld [tilespmem:s26+$0x11040]  }
0x5c: {  	v50 =	vld [tilespmem:s26+$0x12450]  }
0x5d: {  	v51 =	vld [tilespmem:s26+$0x11050]  }
0x5e: {  	v56 =	vld [tilespmem:s26+$0x12400]  }
0x5f: {  	v59 =	vld [tilespmem:s26+$0x11000];
	v3 =	vmul.bf16 v2, v3  }
0x60: {  	v52 =	vld [tilespmem:s26+$0x12330];
	v0 =	vmul.bf16 v0, v1;
	v8 =	vmul.bf16 v8, v9  }
0x61: {  	v53 =	vld [tilespmem:s26+$0x10F30];
	v2 =	vmul.bf16 v6, v7;
	v6 =	vmul.bf16 v12, v13  }
0x62: {  	v54 =	vld [tilespmem:s26+$0x123A0];
	v7 =	vmul.bf16 v23, v25;
	v12 =	vmul.bf16 v16, v17  }
0x63: {  	v23 =	vld [tilespmem:s26+$0x122F0];
	v16 =	vmul.bf16 v28, v29;
	v17 =	vmul.bf16 v30, v31  }
0x64: {  	v25 =	vld [tilespmem:s26+$0x10EF0];
	v46 =	vmul.bf16 v46, v47;
	v56 =	vmul.bf16 v56, v59;
	v57 =	vunpack.i.u.bf16.f32 v3  }
0x65: {  	v59 =	vld [tilespmem:s26+$0x122A0];
	v58 =	vunpack.i.l.bf16.f32 v3;
	v3 =	vmul.bf16 v4, v5;
	v60 =	vunpack.i.u.bf16.f32 v8  }
0x66: {  	v47 =	vld [tilespmem:s26+$0x10EA0];
	[tilespmem:$0x1FFB0] =	vst v0;
	v0 =	vunpack.i.u.bf16.f32 v2;
	v5 =	vmul.bf16 v10, v11;
	v62 =	vunpack.i.l.bf16.f32 v8  }
0x67: {  	v55 =	vld [tilespmem:s26+$0x10FA0];
	v4 =	vmul.bf16 v14, v15;
	v8 =	vmul.bf16 v26, v27;
	v13 =	vunpack.i.u.bf16.f32 v7  }
0x68: {  	v26 =	vld [tilespmem:s26+$0x12360];
	v7 =	vunpack.i.l.bf16.f32 v7;
	v30 =	vunpack.i.u.bf16.f32 v16;
	v9 =	vunpack.i.u.bf16.f32 v5  }
0x69: {  	v27 =	vld [tilespmem:s26+$0x10F60];
	v10 =	vunpack.i.l.bf16.f32 v5;
	v5 =	vunpack.i.l.bf16.f32 v6;
	v11 =	vunpack.i.l.bf16.f32 v4  }
0x6a: {  	v61 =	vld [tilespmem:s26+$0x12410];
	v2 =	vunpack.i.l.bf16.f32 v2;
	v5 =	vadd.f32 v11, v5;
	v11 =	vunpack.i.u.bf16.f32 v8  }
0x6b: {  	v63 =	vld [tilespmem:s26+$0x11010];
	v8 =	vunpack.i.l.bf16.f32 v8;
	v25 =	vmul.bf16 v23, v25;
	v47 =	vmul.bf16 v59, v47  }
0x6c: {  	v15 =	vld [tilespmem:s26+$0x123D0];
	v14 =	vadd.f32 v8, v7;
	v11 =	vadd.f32 v11, v13;
	v8 =	vmul.bf16 v20, v21  }
0x6d: {  	[tilespmem:$0x1FFA0] =	vst v0;
	v0 =	vld [tilespmem:s26+$0x10FD0];
	v20 =	vunpack.i.u.bf16.f32 v12;
	v7 =	vmul.bf16 v18, v19;
	v19 =	vunpack.i.l.bf16.f32 v12  }
0x6e: {  	v28 =	vld [tilespmem:s26+$0x122B0];
	v23 =	vmul.bf16 v26, v27;
	v1 =	vunpack.i.l.bf16.f32 v25;
	v59 =	vunpack.i.u.bf16.f32 v47  }
0x6f: {  	v29 =	vld [tilespmem:s26+$0x10EB0];
	v12 =	vadd.f32 v10, v14;
	v14 =	vmul.bf16 v22, v24;
	v24 =	vmul.bf16 v32, v33  }
0x70: {  	v31 =	vld [tilespmem:s26+$0x12320];
	v11 =	vadd.f32 v9, v11;
	v32 =	vmul.bf16 v42, v43;
	v33 =	vmul.bf16 v36, v37  }
0x71: {  	v13 =	vld [tilespmem:s26+$0x123C0];
	v9 =	vunpack.i.u.bf16.f32 v7;
	v42 =	vmul.bf16 v48, v49;
	v48 =	vmul.bf16 v50, v51  }
0x72: {  	v21 =	vld [tilespmem:s26+$0x10FC0];
	v0 =	vmul.bf16 v15, v0;
	v15 =	vunpack.i.l.bf16.f32 v56;
	v7 =	vunpack.i.l.bf16.f32 v7  }
0x73: {  	v36 =	vld [tilespmem:s26+$0x10F80];
	v12 =	vadd.f32 v58, v12;
	v11 =	vadd.f32 v57, v11;
	v22 =	vunpack.i.u.bf16.f32 v14  }
0x74: {  	v49 =	vld [tilespmem:s26+$0x12270];
	v14 =	vunpack.i.l.bf16.f32 v14;
	v57 =	vunpack.i.l.bf16.f32 v16;
	v58 =	vunpack.i.u.bf16.f32 v17  }
0x75: {  	v50 =	vld [tilespmem:s26+$0x10E70];
	v16 =	vmul.bf16 v40, v41;
	v40 =	vunpack.i.l.bf16.f32 v32;
	v32 =	vunpack.i.u.bf16.f32 v32  }
0x76: {  	v41 =	vld [tilespmem:s26+$0x12390];
	v18 =	vadd.f32 v12, v11;
	v11 =	vmul.bf16 v34, v35;
	v12 =	vunpack.i.u.bf16.f32 v24  }
0x77: {  	v34 =	vld [tilespmem:s26+$0x10F20];
	v24 =	vunpack.i.l.bf16.f32 v24;
	v37 =	vunpack.i.u.bf16.f32 v16;
	v16 =	vunpack.i.l.bf16.f32 v16  }
0x78: {  	v35 =	vld [tilespmem:s26+$0x12380];
	v16 =	vadd.f32 v40, v16;
	v37 =	vadd.f32 v32, v37;
	v43 =	vunpack.i.l.bf16.f32 v11  }
0x79: {  	v13 =	vmul.bf16 v13, v21;
	v40 =	vld [tilespmem:s26+$0x10F90];
	v32 =	vadd.f32 v43, v24;
	v24 =	vunpack.i.u.bf16.f32 v42  }
0x7a: {  	v43 =	vadd.f32 v14, v16;
	v22 =	vadd.f32 v22, v37;
	v16 =	vunpack.i.l.bf16.f32 v42;
	v42 =	vld [tilespmem:s26+$0x122E0]  }
0x7b: {  	v37 =	vunpack.i.l.bf16.f32 v48;
	v48 =	vunpack.i.u.bf16.f32 v48;
	v14 =	vmul.bf16 v38, v39;
	v38 =	vld [tilespmem:s26+$0x10EE0]  }
0x7c: {  	v17 =	vunpack.i.l.bf16.f32 v17;
	v51 =	vunpack.i.l.bf16.f32 v33;
	v24 =	vadd.f32 v48, v24;
	v48 =	vld [tilespmem:s26+$0x12340]  }
0x7d: {  	v21 =	vunpack.i.u.bf16.f32 v13;
	v37 =	vadd.f32 v37, v16;
	v16 =	vmul.bf16 v44, v45;
	v44 =	vld [tilespmem:s26+$0x10F40]  }
0x7e: {  	v13 =	vunpack.i.l.bf16.f32 v13;
	v11 =	vunpack.i.u.bf16.f32 v11;
	v39 =	vunpack.i.u.bf16.f32 v33;
	v45 =	vld [tilespmem:s26+$0x12350]  }
0x7f: {  	v11 =	vadd.f32 v11, v12;
	v43 =	vadd.f32 v62, v43;
	v62 =	vmul.bf16 v52, v53;
	v52 =	vld [tilespmem:s26+$0x12230]  }
0x80: {  	v22 =	vadd.f32 v60, v22;
	v33 =	vunpack.i.u.bf16.f32 v14;
	v53 =	vmul.bf16 v54, v55;
	v55 =	vld [tilespmem:s26+$0x10E30]  }
0x81: {  	v54 =	vunpack.i.u.bf16.f32 v46;
	v46 =	vunpack.i.l.bf16.f32 v46;
	v60 =	vld [tilespmem:s26+$0x12300];
	v35 =	vmul.bf16 v35, v36  }
0x82: {  	v36 =	vld [tilespmem:s26+$0x12310];
	v31 =	vmul.bf16 v31, v34;
	v34 =	vmul.bf16 v49, v50;
	v7 =	vadd.f32 v7, v32  }
0x83: {  	v50 =	vld [tilespmem:s26+$0x12220];
	v14 =	vunpack.i.l.bf16.f32 v14;
	v37 =	vadd.f32 v17, v37;
	v24 =	vadd.f32 v58, v24  }
0x84: {  	v40 =	vmul.bf16 v41, v40;
	v41 =	vld [tilespmem:s26+$0x121B0];
	v22 =	vadd.f32 v43, v22;
	v58 =	vunpack.i.u.bf16.f32 v62  }
0x85: {  	v43 =	vld [tilespmem:s26+$0x10F50];
	v26 =	vunpack.i.u.bf16.f32 v35;
	v2 =	vadd.f32 v2, v7;
	v37 =	vadd.f32 v19, v37  }
0x86: {  	v20 =	vadd.f32 v20, v24;
	v19 =	vmul.bf16 v61, v63;
	v61 =	vunpack.i.u.bf16.f32 v0;
	v63 =	vld [tilespmem:s26+$0x121F0]  }
0x87: {  	v0 =	vunpack.i.l.bf16.f32 v0;
	v27 =	vunpack.i.u.bf16.f32 v40;
	v44 =	vmul.bf16 v48, v44;
	v48 =	vld [tilespmem:s26+$0x10ED0]  }
0x88: {  	v0 =	vadd.f32 v0, v13;
	v24 =	vadd.f32 v37, v20;
	v37 =	vunpack.i.l.bf16.f32 v62;
	v62 =	vld [tilespmem:s26+$0x10F10]  }
0x89: {  	v61 =	vadd.f32 v61, v21;
	v20 =	vunpack.i.l.bf16.f32 v19;
	v52 =	vmul.bf16 v52, v55;
	v55 =	vld [tilespmem:s26+$0x12290]  }
0x8a: {  	v17 =	vunpack.i.u.bf16.f32 v16;
	v27 =	vadd.f32 v27, v26;
	v20 =	vadd.f32 v20, v15;
	v15 =	vld [tilespmem:s26+$0x10F00]  }
0x8b: {  	v13 =	vunpack.i.u.bf16.f32 v53;
	v0 =	vadd.f32 v46, v0;
	v46 =	vadd.f32 v54, v61;
	v54 =	vld [tilespmem:s26+$0x10DB0]  }
0x8c: {  	v21 =	vunpack.i.u.bf16.f32 v56;
	v56 =	vunpack.i.l.bf16.f32 v35;
	v61 =	vunpack.i.l.bf16.f32 v40;
	v40 =	vld [tilespmem:s26+$0x10DF0]  }
0x8d: {  	v53 =	vunpack.i.l.bf16.f32 v53;
	v13 =	vadd.f32 v13, v27;
	v35 =	vadd.f32 v61, v56;
	v61 =	vld [tilespmem:s26+$0x12260]  }
0x8e: {  	v26 =	vmul.bf16 v28, v29;
	v0 =	vadd.f32 v57, v0;
	v28 =	vadd.f32 v30, v46;
	v46 =	vld [tilespmem:s26+$0x10E60]  }
0x8f: {  	v49 =	vunpack.i.l.bf16.f32 v31;
	v13 =	vadd.f32 v39, v13;
	v39 =	vld [tilespmem:s26+$0x122D0];
	v30 =	vadd.f32 v53, v35  }
0x90: {  	v38 =	vmul.bf16 v42, v38;
	v42 =	vunpack.i.u.bf16.f32 v31;
	v56 =	vunpack.i.u.bf16.f32 v25;
	v35 =	vld [tilespmem:s26+$0x122C0]  }
0x91: {  	v53 =	vld [tilespmem:s26+$0x10E80];
	v29 =	vadd.f32 v0, v28;
	v28 =	vadd.f32 v51, v30;
	v15 =	vmul.bf16 v60, v15  }
0x92: {  	v0 =	vld [tilespmem:s26+$0x10EC0];
	v30 =	vmul.bf16 v36, v62;
	v36 =	vunpack.i.u.bf16.f32 v34;
	v34 =	vunpack.i.l.bf16.f32 v34  }
0x93: {  	v51 =	vld [tilespmem:s26+$0x10E20];
	v41 =	vmul.bf16 v41, v54;
	v31 =	vadd.f32 v28, v13;
	v13 =	vunpack.i.l.bf16.f32 v44  }
0x94: {  	v54 =	vld [tilespmem:s26+$0x10E40];
	v28 =	vmul.bf16 v45, v43;
	v57 =	vunpack.i.l.bf16.f32 v15;
	v60 =	vunpack.i.l.bf16.f32 v30  }
0x95: {  	v43 =	vld [tilespmem:s26+$0x12280];
	v15 =	vunpack.i.u.bf16.f32 v15;
	v30 =	vunpack.i.u.bf16.f32 v30;
	v39 =	vmul.bf16 v39, v48  }
0x96: {  	v48 =	vld [tilespmem:s26+$0x10DA0];
	v45 =	vadd.f32 v60, v57;
	v15 =	vadd.f32 v30, v15;
	v30 =	vunpack.i.l.bf16.f32 v28  }
0x97: {  	v40 =	vmul.bf16 v63, v40;
	v46 =	vmul.bf16 v61, v46;
	v30 =	vadd.f32 v30, v13;
	v13 =	vld [tilespmem:s26+$0x10E90]  }
0x98: {  	v0 =	vmul.bf16 v35, v0;
	v45 =	vadd.f32 v49, v45;
	v15 =	vadd.f32 v42, v15;
	v42 =	vld [tilespmem:s26+$0x121A0]  }
0x99: {  	v35 =	vunpack.i.u.bf16.f32 v52;
	v60 =	vunpack.i.l.bf16.f32 v39;
	v50 =	vmul.bf16 v50, v51;
	v51 =	vld [tilespmem:s26+$0x12210]  }
0x9a: {  	v39 =	vunpack.i.u.bf16.f32 v39;
	v52 =	vunpack.i.l.bf16.f32 v52;
	v37 =	vadd.f32 v37, v45;
	v45 =	vld [tilespmem:s26+$0x12240]  }
0x9b: {  	v62 =	vunpack.i.l.bf16.f32 v0;
	v0 =	vunpack.i.u.bf16.f32 v0;
	v15 =	vadd.f32 v58, v15;
	v58 =	vld [tilespmem:s26+$0x12250]  }
0x9c: {  	v49 =	vunpack.i.u.bf16.f32 v38;
	v57 =	vadd.f32 v60, v62;
	v0 =	vadd.f32 v39, v0;
	v39 =	vld [tilespmem:s26+$0x10E50]  }
0x9d: {  	v38 =	vunpack.i.l.bf16.f32 v38;
	v62 =	vld [tilespmem:s26+$0x10E10];
	v43 =	vmul.bf16 v43, v53;
	v15 =	vadd.f32 v37, v15  }
0x9e: {  	v37 =	vld [tilespmem:s26+$0x12200];
	v38 =	vadd.f32 v38, v57;
	v57 =	vunpack.i.u.bf16.f32 v41;
	v0 =	vadd.f32 v49, v0  }
0x9f: {  	v49 =	vld [tilespmem:s26+$0x10E00];
	v53 =	vunpack.i.l.bf16.f32 v43;
	v43 =	vunpack.i.u.bf16.f32 v43;
	v13 =	vmul.bf16 v55, v13  }
0xa0: {  	v42 =	vmul.bf16 v42, v48;
	v1 =	vadd.f32 v1, v38;
	v0 =	vadd.f32 v56, v0  }
0xa1: {  	v56 =	vunpack.i.u.bf16.f32 v46;
	v63 =	vunpack.i.l.bf16.f32 v13;
	v39 =	vmul.bf16 v58, v39  }
0xa2: {  	v48 =	vld [tilespmem:s26+$0x10DE0];
	v38 =	vmul.bf16 v51, v62;
	v13 =	vunpack.i.u.bf16.f32 v13;
	v0 =	vadd.f32 v1, v0  }
0xa3: {  	v1 =	vmul.bf16 v45, v54;
	v45 =	vld [tilespmem:s26+$0x121E0];
	v53 =	vadd.f32 v63, v53;
	v13 =	vadd.f32 v13, v43  }
0xa4: {  	v55 =	vld [tilespmem:s26+$0x10D80];
	v37 =	vmul.bf16 v37, v49;
	v62 =	vunpack.i.l.bf16.f32 v39;
	v39 =	vunpack.i.u.bf16.f32 v39  }
0xa5: {  	v49 =	vld [tilespmem:s26+$0x12180];
	v61 =	vunpack.i.l.bf16.f32 v1;
	v1 =	vunpack.i.u.bf16.f32 v1;
	v13 =	vadd.f32 v59, v13  }
0xa6: {  	v46 =	vunpack.i.l.bf16.f32 v46;
	v54 =	vld [tilespmem:s26+$0x12190];
	v51 =	vadd.f32 v62, v61;
	v1 =	vadd.f32 v39, v1  }
0xa7: {  	v63 =	vunpack.i.l.bf16.f32 v37;
	v61 =	vunpack.i.l.bf16.f32 v38;
	v62 =	vld [tilespmem:s26+$0x10D90];
	v37 =	vunpack.i.u.bf16.f32 v37  }
0xa8: {  	v38 =	vunpack.i.u.bf16.f32 v38;
	v39 =	vadd.f32 v61, v63;
	v45 =	vmul.bf16 v45, v48;
	v48 =	vld [tilespmem:s26+$0x121C0]  }
0xa9: {  	v41 =	vunpack.i.l.bf16.f32 v41;
	v37 =	vadd.f32 v38, v37;
	v46 =	vadd.f32 v46, v51;
	v51 =	vld [tilespmem:s26+$0x10DC0]  }
0xaa: {  	v63 =	vunpack.i.u.bf16.f32 v50;
	v50 =	vunpack.i.l.bf16.f32 v50;
	v49 =	vmul.bf16 v49, v55;
	v55 =	vld [tilespmem:s26+$0x121D0]  }
0xab: {  	v1 =	vadd.f32 v56, v1;
	v56 =	vunpack.i.u.bf16.f32 v42;
	v39 =	vadd.f32 v50, v39;
	v50 =	vld [tilespmem:s26+$0x10DD0]  }
0xac: {  	v42 =	vunpack.i.l.bf16.f32 v42;
	v37 =	vadd.f32 v63, v37;
	v58 =	vmul.bf16 v54, v62  }
0xad: {  	v34 =	vadd.f32 v34, v46;
	v1 =	vadd.f32 v36, v1;
	v61 =	vunpack.i.u.bf16.f32 v49  }
0xae: {  	v35 =	vadd.f32 v35, v37;
	v62 =	vunpack.i.l.bf16.f32 v49;
	v38 =	vunpack.i.l.bf16.f32 v58  }
0xaf: {  	v63 =	vunpack.i.u.bf16.f32 v58;
	v48 =	vmul.bf16 v48, v51;
	v37 =	vadd.f32 v38, v62  }
0xb0: {  	(xrf2) =	vadd.scan.msk.f32 $0xffff, v18;
	v39 =	vadd.f32 v52, v39;
	v36 =	vadd.f32 v63, v61;
	v49 =	vmul.bf16 v55, v50  }
0xb1: {  	(xrf2) =	vadd.scan.msk.f32 $0xffff, v22;
	v51 =	vunpack.i.u.bf16.f32 v48;
	v22 =	vunpack.i.l.bf16.f32 v48;
	v18 =	vadd.f32 v42, v37  }
0xb2: {  	v50 =	vadd.f32 v56, v36;
	v52 =	vunpack.i.u.bf16.f32 v49;
	v54 =	vunpack.i.l.bf16.f32 v49  }
0xb3: {  	(xrf2) =	vadd.scan.msk.f32 $0xffff, v24;
	v55 =	vunpack.i.u.bf16.f32 v45;
	v22 =	vadd.f32 v54, v22;
	v24 =	vadd.f32 v52, v51  }
0xb4: {  	(xrf2) =	vadd.scan.msk.f32 $0xffff, v29;
	v56 =	vunpack.i.l.bf16.f32 v45;
	v18 =	vadd.f32 v41, v18;
	v29 =	vadd.f32 v57, v50  }
0xb5: {  	(xrf2) =	vadd.scan.msk.f32 $0xffff, v31;
	v60 =	vunpack.i.u.bf16.f32 v40;
	v22 =	vadd.f32 v56, v22;
	v24 =	vadd.f32 v55, v24  }
0xb6: {  	(xrf2) =	vadd.scan.msk.f32 $0xffff, v15;
	v1 =	vadd.f32 v34, v1;
	v15 =	vadd.f32 v18, v29;
	v18 =	vunpack.i.l.bf16.f32 v40  }
0xb7: {  	(xrf2) =	vadd.scan.msk.f32 $0xffff, v0;
	v0 =	vadd.f32 v18, v22;
	v18 =	vadd.f32 v60, v24;
	v22 =	vunpack.i.l.bf16.f32 v47  }
0xb8: {  	v27 =	vunpack.i.u.bf16.f32 v26;
	v35 =	vadd.f32 v39, v35;
	(xrf2) =	vadd.scan.msk.f32 $0xffff, v1;
	v1 =	vadd.f32 v22, v53  }
0xb9: {  	v44 =	vunpack.i.u.bf16.f32 v44;
	v0 =	vadd.f32 v0, v18;
	v18 =	vunpack.i.l.bf16.f32 v26  }
0xba: {  	v13 =	vadd.f32 v27, v13;
	(xrf2) =	vadd.scan.msk.f32 $0xffff, v35;
	v22 =	vunpack.i.u.bf16.f32 v28;
	v1 =	vadd.f32 v18, v1  }
0xbb: {  	v19 =	vunpack.i.u.bf16.f32 v19;
	(xrf2) =	vadd.scan.msk.f32 $0xffff, v15;
	v15 =	vunpack.i.l.bf16.f32 v23;
	v22 =	vadd.f32 v22, v44  }
0xbc: {  	v25 =	vunpack.i.u.bf16.f32 v23;
	v15 =	vadd.f32 v15, v30;
	v18, _, _ =	vpop (xrf2);
	(xrf2) =	vadd.scan.msk.f32 $0xffff, v0;
	v1 =	vadd.f32 v1, v13  }
0xbd: {  	v7 =	vld [tilespmem:$0x1FFA0];
	v22 =	vadd.f32 v25, v22;
	v13 =	vunpack.i.l.bf16.f32 v16;
	v16 =	vadd.f32 v19, v21;
	v0, _, _ =	vpop (xrf2)  }
0xbe: {  	v14 =	vadd.f32 v14, v20;
	v13 =	vadd.f32 v13, v15;
	v19, _, _ =	vpop (xrf2)  }
0xbf: {  	v15 =	vadd.f32 v17, v22;
	v16 =	vadd.f32 v33, v16;
	v17, _, _ =	vpop (xrf2)  }
0xc0: {  	v10 =	vunpack.i.u.bf16.f32 v8;
	v9 =	vadd.f32 v9, v11;
	(xrf2) =	vadd.scan.msk.f32 $0xffff, v1;
	v1, _, _ =	vpop (xrf2)  }
0xc1: {  	v6 =	vunpack.i.u.bf16.f32 v6;
	v8 =	vunpack.i.l.bf16.f32 v8;
	v10 =	vadd.f32 v10, v16;
	v12, _, _ =	vpop (xrf2)  }
0xc2: {  	v7 =	vadd.f32 v7, v9;
	v8 =	vadd.f32 v8, v14;
	v14, _, _ =	vpop (xrf2)  }
0xc3: {  	v4 =	vunpack.i.u.bf16.f32 v4;
	v11, _, _ =	vpop (xrf2)  }
0xc4: {  	v4 =	vadd.f32 v4, v6;
	v13 =	vadd.f32 v13, v15;
	v6, _, _ =	vpop (xrf2)  }
0xc5: {  	v9 =	vunpack.i.l.bf16.f32 v3;
	v8 =	vadd.f32 v8, v10;
	v10, _, _ =	vpop (xrf2)  }
0xc6: {  	v5 =	vadd.f32 v9, v5;
	v9 =	vld [tilespmem:$0x1FFB0];
	v2 =	vadd.f32 v2, v7;
	(xrf2) =	vadd.scan.msk.f32 $0xffff, v13;
	v7, _, _ =	vpop (xrf2)  }
0xc7: {  	v7 =	vbroadcast v7, $0xF;
	_ =	sdelay $0x1  }
0xc8: {  	(xrf2) =	vadd.scan.msk.f32 $0xffff, v8;
	v8 =	vbroadcast v10, $0xF  }
0xc9: {  	v3 =	vunpack.i.u.bf16.f32 v3;
	v6 =	vbroadcast v6, $0xF  }
0xca: {  	v3 =	vadd.f32 v3, v4;
	v4 =	vunpack.i.u.bf16.f32 v9;
	(xrf2) =	vadd.scan.msk.f32 $0xffff, v2;
	v2 =	vsel vm0, v8, v7;
	v7, _, _ =	vpop (xrf2)  }
0xcb: {  	v9 =	vunpack.i.l.bf16.f32 v9;
	v2 =	vsel vm1, v2, v6;
	v6 =	vbroadcast v7, $0xF  }
0xcc: {  	v5 =	vadd.f32 v9, v5;
	v3 =	vadd.f32 v4, v3;
	v4 =	vbroadcast v11, $0xF;
	_ =	sdelay $0x1  }
0xcd: {  	v3 =	vadd.f32 v5, v3;
	v2 =	vsel vm2, v2, v4;
	v4 =	vbroadcast v14, $0xF  }
0xce: {  	v5 =	vbroadcast v12, $0xF;
	v2 =	vsel vm3, v2, v6;
	v6, _, _ =	vpop (xrf2)  }
0xcf: {  	v2 =	vsel vm4, v2, v4;
	(xrf2) =	vadd.scan.msk.f32 $0xffff, v3;
	v3 =	vbroadcast v6, $0xF  }
0xd0: {  	v1 =	vbroadcast v1, $0xF;
	v2 =	vsel vm5, v2, v5  }
0xd1: {  	v4, _, _ =	vpop (xrf2);
	v2 =	vsel vm6, v2, v3;
	v3 =	vbroadcast v17, $0xF  }
0xd2: {  	v1 =	vsel vm7, v2, v1;
	v2 =	vbroadcast v4, $0xF  }
0xd3: {  	v1 =	vsel vm8, v1, v3;
	v3 =	vbroadcast v19, $0xF  }
0xd4: {  	v0 =	vbroadcast v0, $0xF;
	v1 =	vsel vm9, v1, v2  }
0xd5: {  	v1 =	vsel vm10, v1, v3  }
0xd6: {  	v2, _, _ =	vpop (xrf2);
	v0 =	vsel vm11, v1, v0;
	v1 =	vbroadcast v18, $0xF  }
0xd7: {  	v2 =	vbroadcast v2, $0xF;
	_ =	sdelay $0x1  }
0xd8: {  	v0 =	vsel vm12, v0, v2  }
0xd9: {  	v0 =	vsel vm13, v0, v1;
	v1, _, _ =	vpop (xrf2)  }
0xda: {  	v0 =	vsel vm14, v0, v1  }
0xdb: {  	s26 =	simm.s32 $0x7F0;
	[tilespmem:s24+$0x0] =	vst v0  }
0xdc: {  	v0 =	vld [tilespmem:s26+$0x12570]  }
0xdd: {  	v1 =	vld [tilespmem:s26+$0x11170]  }
0xde: {  	v2 =	vld [tilespmem:s26+$0x12530]  }
0xdf: {  	v3 =	vld [tilespmem:s26+$0x11130]  }
0xe0: {  	v4 =	vld [tilespmem:s26+$0x12560]  }
0xe1: {  	v5 =	vld [tilespmem:s26+$0x11160]  }
0xe2: {  	v6 =	vld [tilespmem:s26+$0x124F0]  }
0xe3: {  	v7 =	vld [tilespmem:s26+$0x110F0]  }
0xe4: {  	v8 =	vld [tilespmem:s26+$0x124B0]  }
0xe5: {  	v9 =	vld [tilespmem:s26+$0x110B0]  }
0xe6: {  	v10 =	vld [tilespmem:s26+$0x12520]  }
0xe7: {  	v11 =	vld [tilespmem:s26+$0x11120]  }
0xe8: {  	v12 =	vld [tilespmem:s26+$0x12540]  }
0xe9: {  	v13 =	vld [tilespmem:s26+$0x11140]  }
0xea: {  	v14 =	vld [tilespmem:s26+$0x12550]  }
0xeb: {  	v15 =	vld [tilespmem:s26+$0x11150]  }
0xec: {  	v16 =	vld [tilespmem:s26+$0x12470]  }
0xed: {  	v17 =	vld [tilespmem:s26+$0x11070]  }
0xee: {  	v18 =	vld [tilespmem:s26+$0x124E0]  }
0xef: {  	v19 =	vld [tilespmem:s26+$0x110E0]  }
0xf0: {  	v20 =	vld [tilespmem:s26+$0x12430]  }
0xf1: {  	v21 =	vld [tilespmem:s26+$0x11030]  }
0xf2: {  	v22 =	vld [tilespmem:s26+$0x124A0]  }
0xf3: {  	v23 =	vld [tilespmem:s26+$0x110A0]  }
0xf4: {  	v24 =	vld [tilespmem:s26+$0x12500]  }
0xf5: {  	v25 =	vld [tilespmem:s26+$0x11100]  }
0xf6: {  	v26 =	vld [tilespmem:s26+$0x12510]  }
0xf7: {  	v27 =	vld [tilespmem:s26+$0x11110]  }
0xf8: {  	v28 =	vld [tilespmem:s26+$0x123F0]  }
0xf9: {  	v29 =	vld [tilespmem:s26+$0x10FF0]  }
0xfa: {  	v30 =	vld [tilespmem:s26+$0x12460]  }
0xfb: {  	v31 =	vld [tilespmem:s26+$0x11060]  }
0xfc: {  	v32 =	vld [tilespmem:s26+$0x124C0]  }
0xfd: {  	v33 =	vld [tilespmem:s26+$0x110C0]  }
0xfe: {  	v34 =	vld [tilespmem:s26+$0x124D0]  }
0xff: {  	v35 =	vld [tilespmem:s26+$0x110D0]  }
0x100: {  	v36 =	vld [tilespmem:s26+$0x123B0]  }
0x101: {  	v37 =	vld [tilespmem:s26+$0x10FB0]  }
0x102: {  	v38 =	vld [tilespmem:s26+$0x12420]  }
0x103: {  	v39 =	vld [tilespmem:s26+$0x11020]  }
0x104: {  	v40 =	vld [tilespmem:s26+$0x12480]  }
0x105: {  	v41 =	vld [tilespmem:s26+$0x11080]  }
0x106: {  	v42 =	vld [tilespmem:s26+$0x12490]  }
0x107: {  	v43 =	vld [tilespmem:s26+$0x11090]  }
0x108: {  	v44 =	vld [tilespmem:s26+$0x12370]  }
0x109: {  	v45 =	vld [tilespmem:s26+$0x10F70]  }
0x10a: {  	v46 =	vld [tilespmem:s26+$0x123E0]  }
0x10b: {  	v47 =	vld [tilespmem:s26+$0x10FE0]  }
0x10c: {  	v48 =	vld [tilespmem:s26+$0x12440]  }
0x10d: {  	v49 =	vld [tilespmem:s26+$0x11040]  }
0x10e: {  	v50 =	vld [tilespmem:s26+$0x12450]  }
0x10f: {  	v51 =	vld [tilespmem:s26+$0x11050]  }
0x110: {  	v52 =	vld [tilespmem:s26+$0x12330]  }
0x111: {  	v53 =	vld [tilespmem:s26+$0x10F30]  }
0x112: {  	v54 =	vld [tilespmem:s26+$0x123A0];
	v3 =	vmul.bf16 v2, v3  }
0x113: {  	v55 =	vld [tilespmem:s26+$0x10FA0];
	v0 =	vmul.bf16 v0, v1;
	v8 =	vmul.bf16 v8, v9  }
0x114: {  	v58 =	vld [tilespmem:s26+$0x12400];
	v2 =	vmul.bf16 v6, v7;
	v1 =	vmul.bf16 v4, v5  }
0x115: {  	v60 =	vld [tilespmem:s26+$0x11000];
	v5 =	vmul.bf16 v10, v11;
	v6 =	vmul.bf16 v12, v13  }
0x116: {  	v62 =	vld [tilespmem:s26+$0x12410];
	v4 =	vmul.bf16 v14, v15;
	v7 =	vmul.bf16 v24, v25  }
0x117: {  	v63 =	vld [tilespmem:s26+$0x12360];
	v15 =	vmul.bf16 v30, v31;
	v36 =	vmul.bf16 v36, v37  }
0x118: {  	v24 =	vld [tilespmem:s26+$0x11010];
	v46 =	vmul.bf16 v46, v47;
	v47 =	vmul.bf16 v54, v55  }
0x119: {  	v25 =	vld [tilespmem:s26+$0x10F60];
	v56 =	vunpack.i.u.bf16.f32 v3;
	v57 =	vunpack.i.l.bf16.f32 v3;
	v59 =	vunpack.i.u.bf16.f32 v8  }
0x11a: {  	v31 =	vld [tilespmem:s26+$0x10EB0];
	v3 =	vunpack.i.u.bf16.f32 v2;
	v61 =	vunpack.i.l.bf16.f32 v8;
	v9 =	vunpack.i.u.bf16.f32 v5  }
0x11b: {  	v37 =	vld [tilespmem:s26+$0x10F90];
	v10 =	vunpack.i.l.bf16.f32 v5;
	v8 =	vmul.bf16 v26, v27;
	v5 =	vunpack.i.l.bf16.f32 v6  }
0x11c: {  	v55 =	vld [tilespmem:s26+$0x10F00];
	v11 =	vunpack.i.l.bf16.f32 v4;
	v13 =	vunpack.i.u.bf16.f32 v7;
	v7 =	vunpack.i.l.bf16.f32 v7  }
0x11d: {  	v26 =	vld [tilespmem:s26+$0x122F0];
	[tilespmem:$0x1FFC0] =	vst v3;
	v3 =	vadd.f32 v11, v5;
	v11 =	vunpack.i.u.bf16.f32 v8;
	v8 =	vunpack.i.l.bf16.f32 v8  }
0x11e: {  	v12 =	vmul.bf16 v16, v17;
	v27 =	vld [tilespmem:s26+$0x10EF0];
	v14 =	vadd.f32 v8, v7;
	v11 =	vadd.f32 v11, v13  }
0x11f: {  	[tilespmem:$0x1FFD0] =	vst v3;
	v3 =	vunpack.i.u.bf16.f32 v6;
	v8 =	vmul.bf16 v20, v21;
	v7 =	vmul.bf16 v18, v19;
	v19 =	vld [tilespmem:s26+$0x123C0]  }
0x120: {  	v20 =	vunpack.i.u.bf16.f32 v12;
	v18 =	vunpack.i.l.bf16.f32 v12;
	v21 =	vld [tilespmem:s26+$0x10FC0];
	v13 =	vmul.bf16 v22, v23  }
0x121: {  	v22 =	vld [tilespmem:s26+$0x123D0];
	[tilespmem:$0x1FFE0] =	vst v3;
	v12 =	vadd.f32 v10, v14;
	v11 =	vadd.f32 v9, v11;
	v3 =	vunpack.i.u.bf16.f32 v7  }
0x122: {  	v23 =	vld [tilespmem:s26+$0x10FD0];
	v14 =	vmul.bf16 v28, v29;
	v16 =	vunpack.i.u.bf16.f32 v13;
	v17 =	vunpack.i.l.bf16.f32 v13  }
0x123: {  	v13 =	vmul.bf16 v32, v33;
	v33 =	vld [tilespmem:s26+$0x12320];
	v12 =	vadd.f32 v57, v12;
	v11 =	vadd.f32 v56, v11  }
0x124: {  	v30 =	vunpack.i.u.bf16.f32 v14;
	v32 =	vunpack.i.l.bf16.f32 v14;
	v14 =	vmul.bf16 v40, v41;
	v40 =	vld [tilespmem:s26+$0x10F80]  }
0x125: {  	v48 =	vmul.bf16 v48, v49;
	[tilespmem:$0x1FFF0] =	vst v3;
	v3 =	vadd.f32 v12, v11;
	v11 =	vmul.bf16 v34, v35;
	v35 =	vld [tilespmem:s26+$0x10F20]  }
0x126: {  	v29 =	vunpack.i.u.bf16.f32 v15;
	v34 =	vunpack.i.l.bf16.f32 v15;
	v15 =	vmul.bf16 v42, v43;
	v42 =	vld [tilespmem:s26+$0x12380]  }
0x127: {  	v49 =	vunpack.i.u.bf16.f32 v36;
	v41 =	vmul.bf16 v50, v51;
	v12 =	vunpack.i.l.bf16.f32 v13;
	v43 =	vld [tilespmem:s26+$0x12390]  }
0x128: {  	v28 =	vld [tilespmem:s26+$0x122B0];
	v56 =	vunpack.i.u.bf16.f32 v14;
	v14 =	vunpack.i.l.bf16.f32 v14;
	v57 =	vunpack.i.l.bf16.f32 v11  }
0x129: {  	v50 =	vld [tilespmem:s26+$0x12270];
	v12 =	vadd.f32 v57, v12;
	v57 =	vunpack.i.u.bf16.f32 v15;
	v15 =	vunpack.i.l.bf16.f32 v15  }
0x12a: {  	v36 =	vunpack.i.l.bf16.f32 v36;
	v14 =	vadd.f32 v15, v14;
	v15 =	vadd.f32 v57, v56;
	v57 =	vld [tilespmem:s26+$0x10E70]  }
0x12b: {  	v51 =	vunpack.i.u.bf16.f32 v48;
	v56 =	vunpack.i.u.bf16.f32 v41;
	v40 =	vmul.bf16 v42, v40;
	v42 =	vld [tilespmem:s26+$0x12310]  }
0x12c: {  	v41 =	vunpack.i.l.bf16.f32 v41;
	v37 =	vmul.bf16 v43, v37;
	v43 =	vld [tilespmem:s26+$0x121B0];
	v33 =	vmul.bf16 v33, v35  }
0x12d: {  	v35 =	vld [tilespmem:s26+$0x10ED0];
	v17 =	vadd.f32 v17, v14;
	v15 =	vadd.f32 v16, v15;
	v16 =	vunpack.i.l.bf16.f32 v48  }
0x12e: {  	v14 =	vmul.bf16 v38, v39;
	v38 =	vld [tilespmem:s26+$0x122E0];
	v39 =	vadd.f32 v41, v16;
	v41 =	vadd.f32 v56, v51  }
0x12f: {  	v10 =	vunpack.i.u.bf16.f32 v8;
	v13 =	vunpack.i.u.bf16.f32 v13;
	v48 =	vld [tilespmem:s26+$0x10EE0];
	v56 =	vadd.f32 v61, v17  }
0x130: {  	v16 =	vmul.bf16 v44, v45;
	v51 =	vld [tilespmem:s26+$0x12340];
	v34 =	vadd.f32 v34, v39;
	v29 =	vadd.f32 v29, v41  }
0x131: {  	v44 =	vld [tilespmem:s26+$0x12350];
	v59 =	vadd.f32 v59, v15;
	v61 =	vmul.bf16 v52, v53;
	v52 =	vunpack.i.u.bf16.f32 v46  }
0x132: {  	v46 =	vunpack.i.l.bf16.f32 v46;
	v53 =	vld [tilespmem:s26+$0x12230];
	v18 =	vadd.f32 v18, v34;
	v20 =	vadd.f32 v20, v29  }
0x133: {  	v39 =	vld [tilespmem:s26+$0x10F40];
	v41 =	vmul.bf16 v58, v60;
	v56 =	vadd.f32 v56, v59;
	v54 =	vunpack.i.u.bf16.f32 v61  }
0x134: {  	v58 =	vld [tilespmem:s26+$0x10E30];
	v45 =	vunpack.i.l.bf16.f32 v61;
	v59 =	vunpack.i.u.bf16.f32 v47;
	v5 =	vadd.f32 v18, v20  }
0x135: {  	v60 =	vld [tilespmem:s26+$0x122A0];
	v18 =	vmul.bf16 v62, v24;
	v24 =	vunpack.i.l.bf16.f32 v47;
	v20 =	vmul.bf16 v19, v21  }
0x136: {  	v34 =	vld [tilespmem:s26+$0x10F50];
	v21 =	vmul.bf16 v22, v23;
	v19 =	vunpack.i.u.bf16.f32 v41;
	v22 =	vunpack.i.l.bf16.f32 v41  }
0x137: {  	v29 =	vld [tilespmem:s26+$0x10DF0];
	v23 =	vmul.bf16 v26, v27;
	v62 =	vunpack.i.l.bf16.f32 v37;
	v37 =	vunpack.i.u.bf16.f32 v37  }
0x138: {  	v47 =	vld [tilespmem:s26+$0x10EA0];
	v27 =	vunpack.i.u.bf16.f32 v20;
	v20 =	vunpack.i.l.bf16.f32 v20;
	v61 =	vunpack.i.l.bf16.f32 v21  }
0x139: {  	v26 =	vld [tilespmem:s26+$0x12300];
	v21 =	vunpack.i.u.bf16.f32 v21;
	v61 =	vadd.f32 v61, v20;
	v20 =	vunpack.i.l.bf16.f32 v18  }
0x13a: {  	v41 =	vld [tilespmem:s26+$0x121F0];
	v39 =	vmul.bf16 v51, v39;
	v21 =	vadd.f32 v21, v27;
	v20 =	vadd.f32 v20, v22  }
0x13b: {  	v27 =	vld [tilespmem:s26+$0x10F10];
	v22 =	vunpack.i.u.bf16.f32 v40;
	v40 =	vunpack.i.l.bf16.f32 v40;
	v46 =	vadd.f32 v46, v61  }
0x13c: {  	v52 =	vadd.f32 v52, v21;
	v61 =	vld [tilespmem:s26+$0x10DB0];
	v21 =	vmul.bf16 v63, v25;
	v40 =	vadd.f32 v62, v40  }
0x13d: {  	v62 =	vunpack.i.u.bf16.f32 v23;
	v63 =	vunpack.i.l.bf16.f32 v23;
	v37 =	vadd.f32 v37, v22;
	v25 =	vld [tilespmem:s26+$0x121A0]  }
0x13e: {  	v23 =	vmul.bf16 v28, v31;
	v28 =	vadd.f32 v32, v46;
	v30 =	vadd.f32 v30, v52;
	v46 =	vld [tilespmem:s26+$0x12260]  }
0x13f: {  	v31 =	vadd.f32 v24, v40;
	v40 =	vadd.f32 v59, v37;
	v52 =	vld [tilespmem:s26+$0x10E60];
	v37 =	vmul.bf16 v38, v48  }
0x140: {  	v38 =	vunpack.i.u.bf16.f32 v33;
	v48 =	vld [tilespmem:s26+$0x12220];
	v59 =	vadd.f32 v28, v30;
	v30 =	vmul.bf16 v50, v57  }
0x141: {  	v33 =	vunpack.i.l.bf16.f32 v33;
	v28 =	vld [tilespmem:s26+$0x122C0];
	v50 =	vadd.f32 v36, v31;
	v32 =	vadd.f32 v49, v40  }
0x142: {  	v27 =	vmul.bf16 v42, v27;
	v36 =	vld [tilespmem:s26+$0x10EC0];
	v43 =	vmul.bf16 v43, v61;
	v31 =	vunpack.i.u.bf16.f32 v30  }
0x143: {  	v40 =	vld [tilespmem:s26+$0x122D0];
	v51 =	vadd.f32 v50, v32;
	v32 =	vunpack.i.l.bf16.f32 v30;
	v30 =	vmul.bf16 v26, v55  }
0x144: {  	v42 =	vunpack.i.l.bf16.f32 v39;
	v49 =	vld [tilespmem:s26+$0x10E20];
	v50 =	vmul.bf16 v53, v58;
	v26 =	vmul.bf16 v44, v34  }
0x145: {  	v61 =	vld [tilespmem:s26+$0x10E40];
	v58 =	vunpack.i.l.bf16.f32 v27;
	v27 =	vunpack.i.u.bf16.f32 v27;
	v52 =	vmul.bf16 v46, v52  }
0x146: {  	v44 =	vld [tilespmem:s26+$0x12280];
	v57 =	vunpack.i.u.bf16.f32 v30;
	v30 =	vunpack.i.l.bf16.f32 v30;
	v53 =	vunpack.i.l.bf16.f32 v26  }
0x147: {  	v55 =	vld [tilespmem:s26+$0x10E80];
	v30 =	vadd.f32 v58, v30;
	v34 =	vadd.f32 v27, v57;
	v57 =	vunpack.i.u.bf16.f32 v37  }
0x148: {  	v46 =	vld [tilespmem:s26+$0x10E00];
	v27 =	vadd.f32 v53, v42;
	v53 =	vunpack.i.l.bf16.f32 v37;
	v37 =	vmul.bf16 v28, v36  }
0x149: {  	v42 =	vld [tilespmem:s26+$0x12290];
	v36 =	vunpack.i.u.bf16.f32 v50;
	v28 =	vunpack.i.u.bf16.f32 v39;
	v35 =	vmul.bf16 v40, v35  }
0x14a: {  	v58 =	vld [tilespmem:s26+$0x10E90];
	v39 =	vunpack.i.l.bf16.f32 v50;
	v33 =	vadd.f32 v33, v30;
	v34 =	vadd.f32 v38, v34  }
0x14b: {  	v50 =	vld [tilespmem:s26+$0x12250];
	v30 =	vmul.bf16 v60, v47;
	v38 =	vunpack.i.u.bf16.f32 v37;
	v47 =	vunpack.i.u.bf16.f32 v35  }
0x14c: {  	v15 =	vunpack.i.u.bf16.f32 v14;
	v60 =	vld [tilespmem:s26+$0x10DA0];
	v35 =	vunpack.i.l.bf16.f32 v35;
	v38 =	vadd.f32 v47, v38  }
0x14d: {  	v40 =	vadd.f32 v45, v33;
	v45 =	vadd.f32 v54, v34;
	v54 =	vld [tilespmem:s26+$0x12240];
	v33 =	vunpack.i.l.bf16.f32 v37  }
0x14e: {  	v34 =	vmul.bf16 v41, v29;
	v29 =	vld [tilespmem:s26+$0x10E50];
	v37 =	vunpack.i.u.bf16.f32 v43;
	v35 =	vadd.f32 v35, v33  }
0x14f: {  	v57 =	vadd.f32 v57, v38;
	v38 =	vunpack.i.l.bf16.f32 v43;
	v43 =	vmul.bf16 v44, v55;
	v55 =	vld [tilespmem:s26+$0x10E10]  }
0x150: {  	v17 =	vunpack.i.u.bf16.f32 v16;
	v22 =	vunpack.i.u.bf16.f32 v21;
	v41 =	vadd.f32 v53, v35;
	v53 =	vld [tilespmem:s26+$0x12200]  }
0x151: {  	(xrf2) =	vadd.scan.msk.f32 $0xffff, v3;
	v48 =	vmul.bf16 v48, v49;
	v40 =	vadd.f32 v40, v45;
	v45 =	vadd.f32 v62, v57;
	v57 =	vld [tilespmem:s26+$0x12210]  }
0x152: {  	(xrf2) =	vadd.scan.msk.f32 $0xffff, v56;
	v62 =	vunpack.i.u.bf16.f32 v52;
	v56 =	vmul.bf16 v25, v60;
	v49 =	vadd.f32 v63, v41  }
0x153: {  	v63 =	vunpack.i.l.bf16.f32 v52;
	v41 =	vmul.bf16 v42, v58;
	v25 =	vmul.bf16 v54, v61  }
0x154: {  	v61 =	vunpack.i.l.bf16.f32 v43;
	v29 =	vmul.bf16 v50, v29;
	v42 =	vunpack.i.u.bf16.f32 v43  }
0x155: {  	v54 =	vld [tilespmem:s26+$0x10DE0];
	v44 =	vadd.f32 v49, v45;
	v58 =	vunpack.i.l.bf16.f32 v41;
	v60 =	vunpack.i.l.bf16.f32 v25  }
0x156: {  	v50 =	vld [tilespmem:s26+$0x12180];
	v43 =	vadd.f32 v58, v61;
	v46 =	vmul.bf16 v53, v46;
	v58 =	vmul.bf16 v57, v55  }
0x157: {  	v45 =	vld [tilespmem:s26+$0x121E0];
	v25 =	vunpack.i.u.bf16.f32 v25;
	v61 =	vunpack.i.l.bf16.f32 v29;
	v29 =	vunpack.i.u.bf16.f32 v29  }
0x158: {  	v52 =	vld [tilespmem:s26+$0x10D80];
	v29 =	vadd.f32 v29, v25;
	v25 =	vunpack.i.l.bf16.f32 v46;
	v57 =	vunpack.i.l.bf16.f32 v58  }
0x159: {  	v24 =	vunpack.i.u.bf16.f32 v23;
	v53 =	vld [tilespmem:s26+$0x12190];
	v57 =	vadd.f32 v57, v25;
	v25 =	vunpack.i.u.bf16.f32 v58  }
0x15a: {  	v47 =	vunpack.i.u.bf16.f32 v48;
	v33 =	vunpack.i.u.bf16.f32 v30;
	v35 =	vunpack.i.u.bf16.f32 v34;
	v55 =	vld [tilespmem:s26+$0x10D90]  }
0x15b: {  	(xrf2) =	vadd.scan.msk.f32 $0xffff, v5;
	v49 =	vunpack.i.l.bf16.f32 v48;
	v60 =	vadd.f32 v61, v60;
	v61 =	vunpack.i.u.bf16.f32 v46;
	v46 =	vld [tilespmem:s26+$0x121C0]  }
0x15c: {  	(xrf2) =	vadd.scan.msk.f32 $0xffff, v59;
	v48 =	vunpack.i.u.bf16.f32 v56;
	v58 =	vadd.f32 v25, v61;
	v45 =	vmul.bf16 v45, v54;
	v54 =	vld [tilespmem:s26+$0x10DC0];
	v25, _, _ =	vpop (xrf2)  }
0x15d: {  	s29 =	simm.s32 $0x2FC0;
	s28 =	smov.u32 s24;
	v59 =	vadd.f32 v63, v60;
	v60 =	vadd.f32 v62, v29;
	(xrf2) =	vadd.scan.msk.f32 $0xffff, v51;
	v51 =	vunpack.i.l.bf16.f32 v56;
	v56 =	vld [tilespmem:s26+$0x121D0];
	v29, _, _ =	vpop (xrf2)  }
.LBB2_3:
0x15e: {  	v41 =	vunpack.i.u.bf16.f32 v41;
	v30 =	vunpack.i.l.bf16.f32 v30;
	v26 =	vunpack.i.u.bf16.f32 v26  }
0x15f: {  	v21 =	vunpack.i.l.bf16.f32 v21;
	v18 =	vunpack.i.u.bf16.f32 v18;
	v49 =	vadd.f32 v49, v57  }
0x160: {  	v61 =	vld [tilespmem:s26+$0x10DD0];
	v14 =	vunpack.i.l.bf16.f32 v14;
	v47 =	vadd.f32 v47, v58;
	v32 =	vadd.f32 v32, v59  }
0x161: {  	v62 =	vadd.f32 v31, v60;
	v30 =	vadd.f32 v30, v43;
	v50 =	vmul.bf16 v50, v52  }
0x162: {  	v26 =	vadd.f32 v26, v28;
	v21 =	vadd.f32 v21, v27;
	v53 =	vmul.bf16 v53, v55  }
0x163: {  	v36 =	vadd.f32 v36, v47;
	v46 =	vmul.bf16 v46, v54;
	v63 =	vunpack.i.u.bf16.f32 v50  }
0x164: {  	v57 =	vunpack.i.l.bf16.f32 v50;
	v58 =	vunpack.i.u.bf16.f32 v53;
	v59 =	vunpack.i.l.bf16.f32 v53  }
0x165: {  	(xrf2) =	vadd.scan.msk.f32 $0xffff, v40;
	v60 =	vmul.bf16 v56, v61;
	v47 =	vadd.f32 v59, v57;
	v40 =	vadd.f32 v58, v63  }
0x166: {  	v18 =	vadd.f32 v18, v19;
	v39 =	vadd.f32 v39, v49;
	v3 =	vunpack.i.u.bf16.f32 v46  }
0x167: {  	v63 =	vunpack.i.u.bf16.f32 v60;
	v47 =	vadd.f32 v51, v47;
	v40 =	vadd.f32 v48, v40  }
0x168: {  	v31, _, _ =	vpop (xrf2);
	(xrf2) =	vadd.scan.msk.f32 $0xffff, v44;
	v61 =	vadd.f32 v32, v62;
	v46 =	vunpack.i.l.bf16.f32 v46;
	v53 =	vadd.f32 v63, v3  }
0x169: {  	v44 =	vunpack.i.l.bf16.f32 v60;
	v3 =	vadd.f32 v38, v47;
	v37 =	vadd.f32 v37, v40  }
0x16a: {  	v14 =	vadd.f32 v14, v20;
	v54 =	vunpack.i.u.bf16.f32 v45;
	v52 =	vadd.f32 v44, v46  }
0x16b: {  	v36 =	vadd.f32 v39, v36;
	v56 =	vunpack.i.l.bf16.f32 v45;
	v62, _, _ =	vpop (xrf2);
	(xrf2) =	vadd.scan.msk.f32 $0xffff, v61;
	v58 =	vadd.f32 v3, v37;
	v3 =	vld [tilespmem:$0x1FFF0]  }
0x16c: {  	v11 =	vunpack.i.u.bf16.f32 v11;
	v39 =	vadd.f32 v56, v52;
	v57 =	vadd.f32 v54, v53  }
0x16d: {  	v34 =	vunpack.i.l.bf16.f32 v34;
	v11 =	vadd.f32 v11, v13;
	v59 =	vadd.f32 v41, v42  }
0x16e: {  	v23 =	vunpack.i.l.bf16.f32 v23;
	v55, _, _ =	vpop (xrf2);
	(xrf2) =	vadd.scan.msk.f32 $0xffff, v36;
	v34 =	vadd.f32 v34, v39;
	v35 =	vadd.f32 v35, v57  }
0x16f: {  	v23 =	vadd.f32 v23, v30;
	v33 =	vadd.f32 v33, v59  }
0x170: {  	v34 =	vadd.f32 v34, v35;
	v9 =	vadd.f32 v3, v11;
	v3 =	vld [tilespmem:$0x1FFE0]  }
0x171: {  	v8 =	vunpack.i.l.bf16.f32 v8;
	v15 =	vadd.f32 v15, v18;
	v60, _, _ =	vpop (xrf2);
	v24 =	vadd.f32 v24, v33;
	(xrf2) =	vadd.scan.msk.f32 $0xffff, v58  }
0x172: {  	v22 =	vadd.f32 v22, v26;
	v8 =	vadd.f32 v8, v14;
	v28, _, _ =	vpop (xrf2);
	(xrf2) =	vadd.scan.msk.f32 $0xffff, v34  }
0x173: {  	v16 =	vunpack.i.l.bf16.f32 v16;
	v10 =	vadd.f32 v10, v15;
	v23 =	vadd.f32 v23, v24  }
0x174: {  	v4 =	vunpack.i.u.bf16.f32 v4;
	v16 =	vadd.f32 v16, v21;
	v17 =	vadd.f32 v17, v22  }
0x175: {  	v8 =	vadd.f32 v8, v10;
	v19, _, _ =	vpop (xrf2);
	(xrf2) =	vadd.scan.msk.f32 $0xffff, v23;
	v10 =	vadd.f32 v4, v3;
	v3 =	vld [tilespmem:$0x1FFC0]  }
0x176: {  	v5 =	vld [tilespmem:$0x1FFD0];
	v16 =	vadd.f32 v16, v17  }
0x177: {  	v7 =	vunpack.i.l.bf16.f32 v7  }
0x178: {  	v7 =	vadd.f32 v7, v12;
	v13, _, _ =	vpop (xrf2);
	(xrf2) =	vadd.scan.msk.f32 $0xffff, v16  }
0x179: {  	v2 =	vunpack.i.l.bf16.f32 v2  }
0x17a: {  	v2 =	vadd.f32 v2, v7;
	v7 =	vunpack.i.l.bf16.f32 v1;
	v3 =	vadd.f32 v3, v9  }
0x17b: {  	v1 =	vunpack.i.u.bf16.f32 v1;
	v5 =	vadd.f32 v7, v5;
	v6, _, _ =	vpop (xrf2);
	(xrf2) =	vadd.scan.msk.f32 $0xffff, v8  }
0x17c: {  	v1 =	vadd.f32 v1, v10;
	v4, _, _ =	vpop (xrf2);
	v6 =	vbroadcast v6, $0xF;
	v2 =	vadd.f32 v2, v3  }
0x17d: {  	v8 =	vbroadcast v4, $0xF;
	v3 =	vunpack.i.u.bf16.f32 v0;
	v0 =	vunpack.i.l.bf16.f32 v0  }
0x17e: {  	v7 =	vbroadcast v13, $0xF;
	v0 =	vadd.f32 v0, v5;
	v1 =	vadd.f32 v3, v1;
	(xrf2) =	vadd.scan.msk.f32 $0xffff, v2  }
0x17f: {  	v4, _, _ =	vpop (xrf2);
	v3 =	vbroadcast v19, $0xF;
	v2 =	vsel vm0, v6, v8  }
0x180: {  	v5 =	vbroadcast v4, $0xF;
	v2 =	vsel vm1, v2, v7;
	v0 =	vadd.f32 v0, v1  }
0x181: {  	v1 =	vsel vm2, v2, v3;
	v2 =	vbroadcast v28, $0xF  }
0x182: {  	v4, _, _ =	vpop (xrf2);
	v1 =	vsel vm3, v1, v5;
	v5 =	vbroadcast v60, $0xF;
	(xrf2) =	vadd.scan.msk.f32 $0xffff, v0  }
0x183: {  	v0 =	vsel vm4, v1, v2;
	v1 =	vbroadcast v4, $0xF  }
0x184: {  	v2 =	vbroadcast v55, $0xF;
	v0 =	vsel vm5, v0, v5  }
0x185: {  	v3, _, _ =	vpop (xrf2);
	v0 =	vsel vm6, v0, v1;
	v1 =	vbroadcast v62, $0xF  }
0x186: {  	v0 =	vsel vm7, v0, v2;
	v2 =	vbroadcast v3, $0xF  }
0x187: {  	v0 =	vsel vm8, v0, v1;
	v1 =	vbroadcast v31, $0xF  }
0x188: {  	v0 =	vsel vm9, v0, v2;
	v2 =	vbroadcast v29, $0xF;
	v3, _, _ =	vpop (xrf2)  }
0x189: {  	v0 =	vsel vm10, v0, v1;
	v3 =	vbroadcast v3, $0xF  }
0x18a: {  	v0 =	vsel vm11, v0, v2;
	v2 =	vbroadcast v25, $0xF  }
0x18b: {  	v0 =	vsel vm12, v0, v3  }
0x18c: {  	v1, _, _ =	vpop (xrf2);
	v0 =	vsel vm13, v0, v2  }
0x18d: {  	s28 =	sadd.s32 $0x10, s28;
	v0 =	vsel vm14, v0, v1  }
0x18e: {  	s26 =	sshra.s32 s29, $0x2;
	[tilespmem:s28+$0x0] =	vst v0  }
0x18f: {  	v0 =	vld [tilespmem:s26+$0x12570]  }
0x190: {  	v1 =	vld [tilespmem:s26+$0x11170]  }
0x191: {  	v2 =	vld [tilespmem:s26+$0x12530]  }
0x192: {  	v3 =	vld [tilespmem:s26+$0x11130]  }
0x193: {  	v4 =	vld [tilespmem:s26+$0x12560]  }
0x194: {  	v5 =	vld [tilespmem:s26+$0x11160]  }
0x195: {  	v6 =	vld [tilespmem:s26+$0x124F0]  }
0x196: {  	v7 =	vld [tilespmem:s26+$0x110F0]  }
0x197: {  	v8 =	vld [tilespmem:s26+$0x124B0]  }
0x198: {  	v9 =	vld [tilespmem:s26+$0x110B0]  }
0x199: {  	v10 =	vld [tilespmem:s26+$0x12520]  }
0x19a: {  	v11 =	vld [tilespmem:s26+$0x11120]  }
0x19b: {  	v12 =	vld [tilespmem:s26+$0x12540]  }
0x19c: {  	v13 =	vld [tilespmem:s26+$0x11140]  }
0x19d: {  	v21 =	vld [tilespmem:s26+$0x12550]  }
0x19e: {  	v22 =	vld [tilespmem:s26+$0x11150]  }
0x19f: {  	v25 =	vld [tilespmem:s26+$0x12470]  }
0x1a0: {  	v31 =	vld [tilespmem:s26+$0x11070]  }
0x1a1: {  	v32 =	vld [tilespmem:s26+$0x124E0]  }
0x1a2: {  	v33 =	vld [tilespmem:s26+$0x110E0]  }
0x1a3: {  	v36 =	vld [tilespmem:s26+$0x12430]  }
0x1a4: {  	v37 =	vld [tilespmem:s26+$0x11030]  }
0x1a5: {  	v38 =	vld [tilespmem:s26+$0x124A0]  }
0x1a6: {  	v39 =	vld [tilespmem:s26+$0x110A0]  }
0x1a7: {  	v28 =	vld [tilespmem:s26+$0x12500]  }
0x1a8: {  	v34 =	vld [tilespmem:s26+$0x11100]  }
0x1a9: {  	v40 =	vld [tilespmem:s26+$0x12510]  }
0x1aa: {  	v41 =	vld [tilespmem:s26+$0x11110]  }
0x1ab: {  	v42 =	vld [tilespmem:s26+$0x123F0]  }
0x1ac: {  	v43 =	vld [tilespmem:s26+$0x10FF0]  }
0x1ad: {  	v44 =	vld [tilespmem:s26+$0x12460]  }
0x1ae: {  	v45 =	vld [tilespmem:s26+$0x11060]  }
0x1af: {  	v46 =	vld [tilespmem:s26+$0x124C0]  }
0x1b0: {  	v47 =	vld [tilespmem:s26+$0x110C0]  }
0x1b1: {  	v48 =	vld [tilespmem:s26+$0x124D0]  }
0x1b2: {  	v49 =	vld [tilespmem:s26+$0x110D0]  }
0x1b3: {  	v50 =	vld [tilespmem:s26+$0x123B0]  }
0x1b4: {  	v51 =	vld [tilespmem:s26+$0x10FB0]  }
0x1b5: {  	v14 =	vld [tilespmem:s26+$0x12420]  }
0x1b6: {  	v15 =	vld [tilespmem:s26+$0x11020]  }
0x1b7: {  	v52 =	vld [tilespmem:s26+$0x12480]  }
0x1b8: {  	v53 =	vld [tilespmem:s26+$0x11080]  }
0x1b9: {  	v54 =	vld [tilespmem:s26+$0x12490]  }
0x1ba: {  	v55 =	vld [tilespmem:s26+$0x11090]  }
0x1bb: {  	v16 =	vld [tilespmem:s26+$0x12370]  }
0x1bc: {  	v17 =	vld [tilespmem:s26+$0x10F70]  }
0x1bd: {  	v18 =	vld [tilespmem:s26+$0x123E0]  }
0x1be: {  	v19 =	vld [tilespmem:s26+$0x10FE0]  }
0x1bf: {  	v56 =	vld [tilespmem:s26+$0x12440]  }
0x1c0: {  	v57 =	vld [tilespmem:s26+$0x11040]  }
0x1c1: {  	v20 =	vld [tilespmem:s26+$0x12330]  }
0x1c2: {  	v24 =	vld [tilespmem:s26+$0x10F30]  }
0x1c3: {  	v23 =	vld [tilespmem:s26+$0x123A0];
	v3 =	vmul.bf16 v2, v3;
	v0 =	vmul.bf16 v0, v1  }
0x1c4: {  	v27 =	vld [tilespmem:s26+$0x10FA0];
	v8 =	vmul.bf16 v8, v9;
	v2 =	vmul.bf16 v6, v7  }
0x1c5: {  	v26 =	vld [tilespmem:s26+$0x12400];
	v1 =	vmul.bf16 v4, v5;
	v5 =	vmul.bf16 v10, v11  }
0x1c6: {  	v29 =	vld [tilespmem:s26+$0x11000];
	v6 =	vmul.bf16 v12, v13;
	v4 =	vmul.bf16 v21, v22  }
0x1c7: {  	v58 =	vld [tilespmem:s26+$0x12450];
	v7 =	vmul.bf16 v28, v34;
	v12 =	vmul.bf16 v25, v31  }
0x1c8: {  	v59 =	vld [tilespmem:s26+$0x11050];
	v31 =	vmul.bf16 v42, v43;
	v50 =	vmul.bf16 v50, v51  }
0x1c9: {  	v30 =	vld [tilespmem:s26+$0x12410];
	v14 =	vmul.bf16 v14, v15;
	v16 =	vmul.bf16 v16, v17  }
0x1ca: {  	v35 =	vld [tilespmem:s26+$0x11010];
	v18 =	vmul.bf16 v18, v19;
	v19 =	vmul.bf16 v20, v24  }
0x1cb: {  	v28 =	vld [tilespmem:s26+$0x122F0];
	v23 =	vmul.bf16 v23, v27;
	v26 =	vmul.bf16 v26, v29;
	v60 =	vunpack.i.u.bf16.f32 v3  }
0x1cc: {  	v34 =	vld [tilespmem:s26+$0x10EF0];
	v61 =	vunpack.i.l.bf16.f32 v3;
	v62 =	vunpack.i.u.bf16.f32 v8;
	v3 =	vunpack.i.u.bf16.f32 v2  }
0x1cd: {  	v21 =	vld [tilespmem:s26+$0x12360];
	v63 =	vunpack.i.l.bf16.f32 v8;
	v9 =	vunpack.i.u.bf16.f32 v5;
	v10 =	vunpack.i.l.bf16.f32 v5  }
0x1ce: {  	v22 =	vld [tilespmem:s26+$0x10F60];
	v8 =	vmul.bf16 v40, v41;
	v5 =	vunpack.i.l.bf16.f32 v6;
	v11 =	vunpack.i.l.bf16.f32 v4  }
0x1cf: {  	v42 =	vld [tilespmem:s26+$0x10FD0];
	v13 =	vunpack.i.u.bf16.f32 v7;
	v7 =	vunpack.i.l.bf16.f32 v7;
	[tilespmem:$0x1FFC0] =	vst v3;
	v3 =	vadd.f32 v11, v5  }
0x1d0: {  	v24 =	vunpack.i.u.bf16.f32 v18;
	v27 =	vunpack.i.l.bf16.f32 v18;
	v18 =	vmul.bf16 v30, v35;
	v30 =	vld [tilespmem:s26+$0x122A0]  }
0x1d1: {  	v40 =	vunpack.i.u.bf16.f32 v12;
	v11 =	vunpack.i.u.bf16.f32 v8;
	[tilespmem:$0x1FFD0] =	vst v3;
	v3 =	vunpack.i.u.bf16.f32 v6;
	v6 =	vld [tilespmem:s26+$0x10FC0]  }
0x1d2: {  	v8 =	vunpack.i.l.bf16.f32 v8;
	v11 =	vadd.f32 v11, v13;
	v13 =	vmul.bf16 v38, v39;
	v39 =	vld [tilespmem:s26+$0x123D0]  }
0x1d3: {  	v15 =	vunpack.i.u.bf16.f32 v14;
	v25 =	vadd.f32 v8, v7;
	v7 =	vmul.bf16 v32, v33;
	v33 =	vld [tilespmem:s26+$0x122B0]  }
0x1d4: {  	v5 =	vunpack.i.l.bf16.f32 v12;
	v8 =	vmul.bf16 v36, v37;
	v32 =	vunpack.i.u.bf16.f32 v31;
	v37 =	vld [tilespmem:s26+$0x10EB0]  }
0x1d5: {  	v38 =	vunpack.i.l.bf16.f32 v31;
	v31 =	vld [tilespmem:s26+$0x12320];
	v12 =	vadd.f32 v10, v25;
	v11 =	vadd.f32 v9, v11  }
0x1d6: {  	v17 =	vunpack.i.u.bf16.f32 v16;
	v35 =	vunpack.i.l.bf16.f32 v23;
	v36 =	vld [tilespmem:s26+$0x10F20];
	v28 =	vmul.bf16 v28, v34  }
0x1d7: {  	v21 =	vmul.bf16 v21, v22;
	[tilespmem:$0x1FFE0] =	vst v3;
	v3 =	vld [tilespmem:s26+$0x123C0];
	v12 =	vadd.f32 v61, v12;
	v11 =	vadd.f32 v60, v11  }
0x1d8: {  	v34 =	vld [tilespmem:s26+$0x12300];
	v9 =	vunpack.i.u.bf16.f32 v7;
	v41 =	vunpack.i.u.bf16.f32 v13;
	v61 =	vmul.bf16 v44, v45  }
0x1d9: {  	v43 =	vunpack.i.l.bf16.f32 v13;
	[tilespmem:$0x1FFF0] =	vst v9;
	v9 =	vld [tilespmem:s26+$0x10E60];
	v60 =	vmul.bf16 v46, v47;
	v25 =	vadd.f32 v12, v11  }
0x1da: {  	v44 =	vld [tilespmem:s26+$0x10F80];
	v45 =	vunpack.i.u.bf16.f32 v61;
	v11 =	vmul.bf16 v48, v49;
	v46 =	vunpack.i.l.bf16.f32 v61  }
0x1db: {  	v61 =	vmul.bf16 v52, v53;
	v13 =	vunpack.i.u.bf16.f32 v60;
	v48 =	vmul.bf16 v54, v55;
	v49 =	vld [tilespmem:s26+$0x12380]  }
0x1dc: {  	v12 =	vunpack.i.l.bf16.f32 v60;
	v53 =	vld [tilespmem:s26+$0x12390];
	v55 =	vmul.bf16 v58, v59;
	v3 =	vmul.bf16 v3, v6  }
0x1dd: {  	v58 =	vld [tilespmem:s26+$0x122E0];
	v60 =	vunpack.i.l.bf16.f32 v11;
	v51 =	vunpack.i.u.bf16.f32 v61;
	v47 =	vunpack.i.l.bf16.f32 v61  }
0x1de: {  	v6 =	vld [tilespmem:s26+$0x10EA0];
	v61 =	vunpack.i.u.bf16.f32 v48;
	v48 =	vunpack.i.l.bf16.f32 v48;
	v12 =	vadd.f32 v60, v12  }
0x1df: {  	(xrf2) =	vadd.scan.msk.f32 $0xffff, v25;
	v25 =	vld [tilespmem:s26+$0x12200];
	v60 =	vmul.bf16 v56, v57;
	v47 =	vadd.f32 v48, v47;
	v61 =	vadd.f32 v61, v51  }
0x1e0: {  	v10 =	vunpack.i.u.bf16.f32 v8;
	v22 =	vunpack.i.u.bf16.f32 v21;
	v31 =	vmul.bf16 v31, v36;
	v51 =	vld [tilespmem:s26+$0x10F90]  }
0x1e1: {  	v56 =	vld [tilespmem:s26+$0x12270];
	v57 =	vunpack.i.u.bf16.f32 v60;
	v43 =	vadd.f32 v43, v47;
	v41 =	vadd.f32 v41, v61  }
0x1e2: {  	v47 =	vld [tilespmem:s26+$0x10E70];
	v60 =	vunpack.i.l.bf16.f32 v60;
	v61 =	vunpack.i.u.bf16.f32 v55;
	v55 =	vunpack.i.l.bf16.f32 v55  }
0x1e3: {  	v52 =	vunpack.i.u.bf16.f32 v50;
	v50 =	vunpack.i.l.bf16.f32 v50;
	v48 =	vadd.f32 v55, v60;
	v55 =	vld [tilespmem:s26+$0x10EE0]  }
0x1e4: {  	v59 =	vunpack.i.u.bf16.f32 v19;
	v44 =	vmul.bf16 v49, v44;
	v54 =	vadd.f32 v61, v57;
	v57 =	vld [tilespmem:s26+$0x12340]  }
0x1e5: {  	v49 =	vunpack.i.l.bf16.f32 v28;
	v61 =	vld [tilespmem:s26+$0x12310];
	v43 =	vadd.f32 v63, v43;
	v41 =	vadd.f32 v62, v41  }
0x1e6: {  	v30 =	vmul.bf16 v30, v6;
	v46 =	vadd.f32 v46, v48;
	v45 =	vadd.f32 v45, v54;
	v48 =	vld [tilespmem:s26+$0x10F40]  }
0x1e7: {  	v60 =	vunpack.i.l.bf16.f32 v19;
	v19 =	vunpack.i.u.bf16.f32 v26;
	v54 =	vld [tilespmem:s26+$0x12230];
	v41 =	vadd.f32 v43, v41  }
0x1e8: {  	v62 =	vmul.bf16 v53, v51;
	v51 =	vld [tilespmem:s26+$0x121B0];
	v5 =	vadd.f32 v5, v46;
	v20 =	vadd.f32 v40, v45  }
0x1e9: {  	v53 =	vld [tilespmem:s26+$0x10DB0];
	v45 =	vunpack.i.u.bf16.f32 v23;
	v23 =	vmul.bf16 v39, v42;
	v39 =	vunpack.i.u.bf16.f32 v3  }
0x1ea: {  	v43 =	vld [tilespmem:s26+$0x12350];
	v3 =	vunpack.i.l.bf16.f32 v3;
	v58 =	vmul.bf16 v58, v55;
	v29 =	vadd.f32 v5, v20  }
0x1eb: {  	v40 =	vld [tilespmem:s26+$0x10F50];
	v20 =	vunpack.i.l.bf16.f32 v26;
	v42 =	vunpack.i.u.bf16.f32 v23;
	v23 =	vunpack.i.l.bf16.f32 v23  }
0x1ec: {  	v55 =	vld [tilespmem:s26+$0x10E20];
	v26 =	vunpack.i.l.bf16.f32 v18;
	v3 =	vadd.f32 v23, v3;
	v23 =	vadd.f32 v42, v39  }
0x1ed: {  	v63 =	vunpack.i.u.bf16.f32 v44;
	v5 =	vld [tilespmem:s26+$0x10E30];
	v20 =	vadd.f32 v26, v20;
	v42 =	vunpack.i.u.bf16.f32 v28  }
0x1ee: {  	v28 =	vld [tilespmem:s26+$0x10F10];
	v39 =	vunpack.i.l.bf16.f32 v62;
	v24 =	vadd.f32 v24, v23;
	v23 =	vunpack.i.l.bf16.f32 v44  }
0x1ef: {  	v26 =	vld [tilespmem:s26+$0x10F00];
	v3 =	vadd.f32 v27, v3;
	v27 =	vunpack.i.u.bf16.f32 v62;
	v39 =	vadd.f32 v39, v23  }
0x1f0: {  	v44 =	vld [tilespmem:s26+$0x121F0];
	v27 =	vadd.f32 v27, v63;
	v23 =	vmul.bf16 v33, v37;
	v37 =	vunpack.i.u.bf16.f32 v31  }
0x1f1: {  	v63 =	vld [tilespmem:s26+$0x12260];
	v3 =	vadd.f32 v38, v3;
	v32 =	vadd.f32 v32, v24;
	v38 =	vunpack.i.l.bf16.f32 v31  }
0x1f2: {  	v62 =	vld [tilespmem:s26+$0x10DF0];
	v5 =	vmul.bf16 v54, v5;
	v39 =	vadd.f32 v35, v39;
	v27 =	vadd.f32 v45, v27  }
0x1f3: {  	v33 =	vld [tilespmem:s26+$0x10EC0];
	v24 =	vunpack.i.u.bf16.f32 v23;
	v28 =	vmul.bf16 v61, v28;
	v46 =	vadd.f32 v3, v32  }
0x1f4: {  	v35 =	vld [tilespmem:s26+$0x122C0];
	v3 =	vmul.bf16 v56, v47;
	v56 =	vadd.f32 v50, v39;
	v27 =	vadd.f32 v52, v27  }
0x1f5: {  	v47 =	vld [tilespmem:s26+$0x122D0];
	v39 =	vmul.bf16 v57, v48;
	v48 =	vunpack.i.u.bf16.f32 v58;
	v52 =	vunpack.i.l.bf16.f32 v58  }
0x1f6: {  	v57 =	vld [tilespmem:s26+$0x12290];
	v31 =	vunpack.i.u.bf16.f32 v3;
	v32 =	vunpack.i.l.bf16.f32 v3;
	v9 =	vmul.bf16 v63, v9  }
0x1f7: {  	v58 =	vld [tilespmem:s26+$0x10E90];
	v45 =	vadd.f32 v56, v27;
	v27 =	vmul.bf16 v34, v26;
	v34 =	vunpack.i.l.bf16.f32 v39  }
0x1f8: {  	v3 =	vld [tilespmem:s26+$0x10ED0];
	v26 =	vmul.bf16 v43, v40;
	v40 =	vunpack.i.u.bf16.f32 v28;
	v28 =	vunpack.i.l.bf16.f32 v28  }
0x1f9: {  	v54 =	vld [tilespmem:s26+$0x10E80];
	v33 =	vmul.bf16 v35, v33;
	v36 =	vunpack.i.u.bf16.f32 v27;
	v27 =	vunpack.i.l.bf16.f32 v27  }
0x1fa: {  	v50 =	vld [tilespmem:s26+$0x12220];
	v61 =	vadd.f32 v28, v27;
	v40 =	vadd.f32 v40, v36;
	v27 =	vunpack.i.l.bf16.f32 v26  }
0x1fb: {  	v63 =	vld [tilespmem:s26+$0x10E10];
	v36 =	vunpack.i.u.bf16.f32 v5;
	v28 =	vunpack.i.u.bf16.f32 v39;
	v39 =	vunpack.i.l.bf16.f32 v5  }
0x1fc: {  	(xrf2) =	vadd.scan.msk.f32 $0xffff, v41;
	v43 =	vld [tilespmem:s26+$0x12280];
	v6 =	vunpack.i.u.bf16.f32 v33;
	v33 =	vunpack.i.l.bf16.f32 v33;
	v41 =	vmul.bf16 v57, v58  }
0x1fd: {  	v56 =	vld [tilespmem:s26+$0x121A0];
	v27 =	vadd.f32 v27, v34;
	v3 =	vmul.bf16 v47, v3;
	v47 =	vmul.bf16 v51, v53  }
0x1fe: {  	v5 =	vld [tilespmem:s26+$0x10DA0];
	v34 =	vmul.bf16 v44, v62;
	v62 =	vunpack.i.u.bf16.f32 v9;
	v61 =	vadd.f32 v38, v61  }
0x1ff: {  	v51 =	vld [tilespmem:s26+$0x10E40];
	v35 =	vadd.f32 v37, v40;
	v40 =	vunpack.i.u.bf16.f32 v3;
	v3 =	vunpack.i.l.bf16.f32 v3  }
0x200: {  	v53 =	vld [tilespmem:s26+$0x12250];
	v9 =	vunpack.i.l.bf16.f32 v9;
	v61 =	vadd.f32 v60, v61;
	v3 =	vadd.f32 v3, v33  }
0x201: {  	v43 =	vmul.bf16 v43, v54;
	v35 =	vadd.f32 v59, v35;
	v59 =	vld [tilespmem:s26+$0x12240];
	v6 =	vadd.f32 v40, v6  }
0x202: {  	v37 =	vunpack.i.u.bf16.f32 v47;
	v38 =	vunpack.i.l.bf16.f32 v47;
	v60 =	vld [tilespmem:s26+$0x10E50];
	v3 =	vadd.f32 v52, v3  }
0x203: {  	v40 =	vadd.f32 v61, v35;
	v6 =	vadd.f32 v48, v6;
	v61 =	vld [tilespmem:s26+$0x10E00];
	v48 =	vmul.bf16 v50, v55  }
0x204: {  	v33 =	vunpack.i.u.bf16.f32 v30;
	v35 =	vunpack.i.u.bf16.f32 v34;
	v55 =	vld [tilespmem:s26+$0x12210];
	v3 =	vadd.f32 v49, v3  }
0x205: {  	(xrf2) =	vadd.scan.msk.f32 $0xffff, v29;
	v6 =	vadd.f32 v42, v6;
	v47 =	vunpack.i.u.bf16.f32 v48;
	v49 =	vunpack.i.l.bf16.f32 v48  }
0x206: {  	(xrf2) =	vadd.scan.msk.f32 $0xffff, v46;
	v46 =	vld [tilespmem:s26+$0x121C0];
	v42 =	vunpack.i.u.bf16.f32 v43;
	v43 =	vunpack.i.l.bf16.f32 v43;
	v51 =	vmul.bf16 v59, v51  }
0x207: {  	v50 =	vld [tilespmem:s26+$0x12180];
	v59 =	vunpack.i.l.bf16.f32 v41;
	v29 =	vmul.bf16 v53, v60;
	v44 =	vadd.f32 v3, v6  }
0x208: {  	v3 =	vmul.bf16 v56, v5;
	v5 =	vld [tilespmem:s26+$0x121E0];
	v43 =	vadd.f32 v59, v43;
	v56 =	vmul.bf16 v25, v61  }
0x209: {  	p1 =	sne.s32 s29, $0x4FC0;
	v6 =	vld [tilespmem:s26+$0x10DE0];
	v59 =	vunpack.i.u.bf16.f32 v51;
	v51 =	vunpack.i.l.bf16.f32 v51;
	v54 =	vmul.bf16 v55, v63  }
.Ltmp0:
0x20a: {  	v52 =	vld [tilespmem:s26+$0x10D80];
	v57 =	vunpack.i.u.bf16.f32 v29;
	v29 =	vunpack.i.l.bf16.f32 v29;
	v48 =	vunpack.i.u.bf16.f32 v3;
	(pc) =	sbr.rel @p1 .LBB2_3-.Ltmp0, $4  }
0x20b: {  	v53 =	vld [tilespmem:s26+$0x12190];
	v61 =	vadd.f32 v29, v51;
	v60 =	vadd.f32 v57, v59;
	v58 =	vunpack.i.u.bf16.f32 v56  }
0x20c: {  	v55 =	vld [tilespmem:s26+$0x10D90];
	v56 =	vunpack.i.l.bf16.f32 v56;
	v59 =	vunpack.i.u.bf16.f32 v54;
	v63 =	vunpack.i.l.bf16.f32 v54  }
0x20d: {  	v25, _, _ =	vpop (xrf2);
	v51 =	vunpack.i.l.bf16.f32 v3;
	v54 =	vld [tilespmem:s26+$0x10DC0];
	v57 =	vadd.f32 v63, v56;
	v58 =	vadd.f32 v59, v58  }
0x20e: {  	s29 =	sadd.s32 $0x1000, s29;
	(xrf2) =	vadd.scan.msk.f32 $0xffff, v45;
	v56 =	vld [tilespmem:s26+$0x121D0];
	v59 =	vadd.f32 v9, v61;
	v60 =	vadd.f32 v62, v60;
	v29, _, _ =	vpop (xrf2);
	v45 =	vmul.bf16 v5, v6  }
0x20f: {  	v3 =	vmul.bf16 v50, v52;
	v6 =	vadd.f32 v49, v57;
	v9 =	vadd.f32 v47, v58  }
0x210: {  	v30 =	vunpack.i.l.bf16.f32 v30;
	v26 =	vunpack.i.u.bf16.f32 v26;
	v14 =	vunpack.i.l.bf16.f32 v14  }
0x211: {  	v5 =	vld [tilespmem:s26+$0x10DD0];
	v32 =	vadd.f32 v32, v59;
	v31 =	vadd.f32 v31, v60;
	v60 =	vunpack.i.u.bf16.f32 v41  }
0x212: {  	v14 =	vadd.f32 v14, v20;
	v62 =	vmul.bf16 v53, v55;
	v63 =	vunpack.i.u.bf16.f32 v3  }
0x213: {  	v6 =	vadd.f32 v39, v6;
	v9 =	vadd.f32 v36, v9;
	v3 =	vunpack.i.l.bf16.f32 v3  }
0x214: {  	v61 =	vadd.f32 v60, v42;
	v52 =	vunpack.i.u.bf16.f32 v62;
	v53 =	vunpack.i.l.bf16.f32 v62  }
0x215: {  	v54 =	vmul.bf16 v46, v54;
	v3 =	vadd.f32 v53, v3;
	v36 =	vadd.f32 v52, v63  }
0x216: {  	(xrf2) =	vadd.scan.msk.f32 $0xffff, v40;
	v6 =	vadd.f32 v6, v9;
	v9 =	vadd.f32 v32, v31;
	v5 =	vmul.bf16 v56, v5  }
0x217: {  	(xrf2) =	vadd.scan.msk.f32 $0xffff, v44;
	v55 =	vunpack.i.u.bf16.f32 v54;
	v3 =	vadd.f32 v51, v3;
	v31 =	vadd.f32 v48, v36  }
0x218: {  	v56 =	vunpack.i.l.bf16.f32 v54;
	(xrf2) =	vadd.scan.msk.f32 $0xffff, v9;
	v9 =	vadd.f32 v30, v43;
	v57 =	vunpack.i.u.bf16.f32 v5  }
0x219: {  	v5 =	vunpack.i.l.bf16.f32 v5;
	v3 =	vadd.f32 v38, v3;
	v31 =	vadd.f32 v37, v31  }
0x21a: {  	v58 =	vunpack.i.u.bf16.f32 v45;
	v5 =	vadd.f32 v5, v56;
	v32 =	vadd.f32 v57, v55  }
0x21b: {  	v59 =	vunpack.i.l.bf16.f32 v45;
	v30 =	vadd.f32 v33, v61;
	v3 =	vadd.f32 v3, v31  }
0x21c: {  	(xrf2) =	vadd.scan.msk.f32 $0xffff, v6;
	v6 =	vunpack.i.l.bf16.f32 v23;
	v5 =	vadd.f32 v59, v5;
	v32 =	vadd.f32 v58, v32  }
0x21d: {  	v31 =	vunpack.i.l.bf16.f32 v34;
	(xrf2) =	vadd.scan.msk.f32 $0xffff, v3;
	v3 =	vadd.f32 v6, v9;
	v6 =	vadd.f32 v24, v30  }
0x21e: {  	v18 =	vunpack.i.u.bf16.f32 v18;
	v5 =	vadd.f32 v31, v5;
	v31 =	vadd.f32 v35, v32  }
0x21f: {  	v7 =	vunpack.i.l.bf16.f32 v7;
	v3 =	vadd.f32 v3, v6;
	v6 =	vadd.f32 v18, v19  }
0x220: {  	v7 =	vadd.f32 v7, v12;
	v23 =	vadd.f32 v26, v28  }
0x221: {  	v9 =	vunpack.i.l.bf16.f32 v21;
	v5 =	vadd.f32 v5, v31;
	v6 =	vadd.f32 v15, v6  }
0x222: {  	v8 =	vunpack.i.l.bf16.f32 v8;
	v21 =	vadd.f32 v22, v23;
	v9 =	vadd.f32 v9, v27  }
0x223: {  	v8 =	vadd.f32 v8, v14;
	(xrf2) =	vadd.scan.msk.f32 $0xffff, v5;
	v5 =	vunpack.i.l.bf16.f32 v16;
	v16, _, _ =	vpop (xrf2);
	v6 =	vadd.f32 v10, v6  }
0x224: {  	v12 =	vld [tilespmem:$0x1FFF0];
	v5 =	vadd.f32 v5, v9;
	v9 =	vadd.f32 v17, v21;
	v17, _, _ =	vpop (xrf2);
	(xrf2) =	vadd.scan.msk.f32 $0xffff, v3  }
0x225: {  	v11 =	vunpack.i.u.bf16.f32 v11;
	v2 =	vunpack.i.l.bf16.f32 v2;
	v6 =	vadd.f32 v8, v6;
	v8 =	vld [tilespmem:$0x1FFE0]  }
0x226: {  	v2 =	vadd.f32 v2, v7;
	v7 =	vld [tilespmem:$0x1FFC0];
	v5 =	vadd.f32 v5, v9  }
0x227: {  	v3, _, _ =	vpop (xrf2);
	v9 =	vadd.f32 v11, v13;
	v13 =	vld [tilespmem:$0x1FFD0]  }
0x228: {  	v11, _, _ =	vpop (xrf2)  }
0x229: {  	v4 =	vunpack.i.u.bf16.f32 v4;
	v10, _, _ =	vpop (xrf2);
	v9 =	vadd.f32 v12, v9;
	(xrf2) =	vadd.scan.msk.f32 $0xffff, v5  }
0x22a: {  	v5, _, _ =	vpop (xrf2);
	v4 =	vadd.f32 v4, v8  }
0x22b: {  	v7 =	vadd.f32 v7, v9;
	v9 =	vunpack.i.l.bf16.f32 v1;
	v1 =	vunpack.i.u.bf16.f32 v1;
	v8, _, _ =	vpop (xrf2)  }
0x22c: {  	v9 =	vadd.f32 v9, v13;
	v12, _, _ =	vpop (xrf2);
	(xrf2) =	vadd.scan.msk.f32 $0xffff, v6;
	v1 =	vadd.f32 v1, v4  }
0x22d: {  	v2 =	vadd.f32 v2, v7;
	v4 =	vunpack.i.u.bf16.f32 v0;
	v6, _, _ =	vpop (xrf2);
	v7 =	vbroadcast v12, $0xF  }
0x22e: {  	v6 =	vbroadcast v6, $0xF;
	v1 =	vadd.f32 v4, v1;
	v4 =	vbroadcast v5, $0xF;
	v5, _, _ =	vpop (xrf2)  }
0x22f: {  	v8 =	vbroadcast v8, $0xF;
	v0 =	vunpack.i.l.bf16.f32 v0;
	(xrf2) =	vadd.scan.msk.f32 $0xffff, v2;
	v5 =	vbroadcast v5, $0xF  }
0x230: {  	v0 =	vadd.f32 v0, v9;
	v2 =	vsel vm0, v7, v6  }
0x231: {  	v2 =	vsel vm1, v2, v8  }
0x232: {  	v0 =	vadd.f32 v0, v1;
	v1 =	vsel vm2, v2, v4;
	v2 =	vbroadcast v10, $0xF  }
0x233: {  	v4 =	vbroadcast v11, $0xF;
	v1 =	vsel vm3, v1, v5;
	v5, _, _ =	vpop (xrf2)  }
0x234: {  	(xrf2) =	vadd.scan.msk.f32 $0xffff, v0;
	v0 =	vsel vm4, v1, v2;
	v1 =	vbroadcast v5, $0xF  }
0x235: {  	v2 =	vbroadcast v3, $0xF;
	v0 =	vsel vm5, v0, v4  }
0x236: {  	v3, _, _ =	vpop (xrf2);
	v0 =	vsel vm6, v0, v1;
	v1 =	vbroadcast v17, $0xF  }
0x237: {  	v0 =	vsel vm7, v0, v2;
	v2 =	vbroadcast v3, $0xF  }
0x238: {  	v0 =	vsel vm8, v0, v1;
	v1 =	vbroadcast v16, $0xF  }
0x239: {  	v3, _, _ =	vpop (xrf2);
	v0 =	vsel vm9, v0, v2  }
0x23a: {  	v2 =	vbroadcast v29, $0xF;
	v0 =	vsel vm10, v0, v1;
	v1 =	vbroadcast v3, $0xF;
	_ =	sdelay $0x1  }
0x23b: {  	v0 =	vsel vm11, v0, v2;
	v2 =	vbroadcast v25, $0xF  }
0x23c: {  	v0 =	vsel vm12, v0, v1  }
0x23d: {  	s26 =	smul.u32 $0xA0, s25;
	v0 =	vsel vm13, v0, v2;
	v1, _, _ =	vpop (xrf2)  }
0x23e: {  	s28 =	sadd.s32 $0x10, s28;
	v0 =	vsel vm14, v0, v1  }
0x23f: {  	[tilespmem:s28+$0x0] =	vst v0;
	s28 =	sadd.s32 $0x9CE0, s26  }
0x240: {  	[tilespmem:s13], [sflag:$0x1] =	stream.indirect.gather [spmem:s2], $0x40, s28, s12, $0xb8;
	[tilespmem:$0x16170] =	vst v63  }
0x241: {  	s28 =	sadd.s32 $0xC3F0, s26  }
0x242: {  	[tilespmem:s14], [sflag:$0x1] =	stream.indirect.gather [spmem:s2], $0x40, s28, s12, $0xb8;
	[tilespmem:$0x16170] =	vst v63  }
0x243: {  	_ =	swait.ge [sflag:s20], $0x1400  }
0x244: {  	[sflag:s20] =	ssyncset.done $0x0  }
0x245: {  	[sflag:s20] =	ssyncadd.s32 $0xFFFFEC00  }
0x246: {  	_ =	swait.ge [sflag:s20], $0x1400  }
0x247: {  	[sflag:s20] =	ssyncset.done $0x0  }
0x248: {  	s28 =	simm.s32 $0x3F0;
	[sflag:s20] =	ssyncadd.s32 $0xFFFFEC00  }
0x249: {  	v0 =	vld [tilespmem:s28+$0x14D70]  }
0x24a: {  	v1 =	vld [tilespmem:s28+$0x13970]  }
0x24b: {  	v2 =	vld [tilespmem:s28+$0x14D30]  }
0x24c: {  	v3 =	vld [tilespmem:s28+$0x13930]  }
0x24d: {  	v4 =	vld [tilespmem:s28+$0x14D60]  }
0x24e: {  	v5 =	vld [tilespmem:s28+$0x13960]  }
0x24f: {  	v6 =	vld [tilespmem:s28+$0x14CF0]  }
0x250: {  	v7 =	vld [tilespmem:s28+$0x138F0]  }
0x251: {  	v8 =	vld [tilespmem:s28+$0x14CB0]  }
0x252: {  	v9 =	vld [tilespmem:s28+$0x138B0]  }
0x253: {  	v10 =	vld [tilespmem:s28+$0x14D20]  }
0x254: {  	v11 =	vld [tilespmem:s28+$0x13920]  }
0x255: {  	v12 =	vld [tilespmem:s28+$0x14D40]  }
0x256: {  	v13 =	vld [tilespmem:s28+$0x13940]  }
0x257: {  	v14 =	vld [tilespmem:s28+$0x14D50]  }
0x258: {  	v15 =	vld [tilespmem:s28+$0x13950]  }
0x259: {  	v16 =	vld [tilespmem:s28+$0x14C70]  }
0x25a: {  	v17 =	vld [tilespmem:s28+$0x13870]  }
0x25b: {  	v18 =	vld [tilespmem:s28+$0x14CE0]  }
0x25c: {  	v19 =	vld [tilespmem:s28+$0x138E0]  }
0x25d: {  	v20 =	vld [tilespmem:s28+$0x14C30]  }
0x25e: {  	v21 =	vld [tilespmem:s28+$0x13830]  }
0x25f: {  	v22 =	vld [tilespmem:s28+$0x14CA0]  }
0x260: {  	v24 =	vld [tilespmem:s28+$0x138A0]  }
0x261: {  	v23 =	vld [tilespmem:s28+$0x14D00]  }
0x262: {  	v25 =	vld [tilespmem:s28+$0x13900]  }
0x263: {  	v26 =	vld [tilespmem:s28+$0x14D10]  }
0x264: {  	v27 =	vld [tilespmem:s28+$0x13910]  }
0x265: {  	v28 =	vld [tilespmem:s28+$0x14BF0]  }
0x266: {  	v29 =	vld [tilespmem:s28+$0x137F0]  }
0x267: {  	v30 =	vld [tilespmem:s28+$0x14C60]  }
0x268: {  	v31 =	vld [tilespmem:s28+$0x13860]  }
0x269: {  	v32 =	vld [tilespmem:s28+$0x14CC0]  }
0x26a: {  	v33 =	vld [tilespmem:s28+$0x138C0]  }
0x26b: {  	v34 =	vld [tilespmem:s28+$0x14CD0]  }
0x26c: {  	v35 =	vld [tilespmem:s28+$0x138D0]  }
0x26d: {  	v36 =	vld [tilespmem:s28+$0x14BB0]  }
0x26e: {  	v37 =	vld [tilespmem:s28+$0x137B0]  }
0x26f: {  	v38 =	vld [tilespmem:s28+$0x14C20]  }
0x270: {  	v39 =	vld [tilespmem:s28+$0x13820]  }
0x271: {  	v40 =	vld [tilespmem:s28+$0x14C80]  }
0x272: {  	v41 =	vld [tilespmem:s28+$0x13880]  }
0x273: {  	v42 =	vld [tilespmem:s28+$0x14C90]  }
0x274: {  	v43 =	vld [tilespmem:s28+$0x13890]  }
0x275: {  	v44 =	vld [tilespmem:s28+$0x14B70]  }
0x276: {  	v45 =	vld [tilespmem:s28+$0x13770]  }
0x277: {  	v46 =	vld [tilespmem:s28+$0x14BE0]  }
0x278: {  	v47 =	vld [tilespmem:s28+$0x137E0]  }
0x279: {  	v48 =	vld [tilespmem:s28+$0x14C40]  }
0x27a: {  	v49 =	vld [tilespmem:s28+$0x13840]  }
0x27b: {  	v50 =	vld [tilespmem:s28+$0x14C50]  }
0x27c: {  	v51 =	vld [tilespmem:s28+$0x13850]  }
0x27d: {  	v56 =	vld [tilespmem:s28+$0x14C00]  }
0x27e: {  	v59 =	vld [tilespmem:s28+$0x13800];
	v3 =	vmul.bf16 v2, v3  }
0x27f: {  	v52 =	vld [tilespmem:s28+$0x14B30];
	v0 =	vmul.bf16 v0, v1;
	v8 =	vmul.bf16 v8, v9  }
0x280: {  	v53 =	vld [tilespmem:s28+$0x13730];
	v2 =	vmul.bf16 v6, v7;
	v6 =	vmul.bf16 v12, v13  }
0x281: {  	v54 =	vld [tilespmem:s28+$0x14BA0];
	v7 =	vmul.bf16 v23, v25;
	v12 =	vmul.bf16 v16, v17  }
0x282: {  	v23 =	vld [tilespmem:s28+$0x14AF0];
	v16 =	vmul.bf16 v28, v29;
	v17 =	vmul.bf16 v30, v31  }
0x283: {  	v25 =	vld [tilespmem:s28+$0x136F0];
	v46 =	vmul.bf16 v46, v47;
	v56 =	vmul.bf16 v56, v59;
	v57 =	vunpack.i.u.bf16.f32 v3  }
0x284: {  	v59 =	vld [tilespmem:s28+$0x14AA0];
	v58 =	vunpack.i.l.bf16.f32 v3;
	v3 =	vmul.bf16 v4, v5;
	v60 =	vunpack.i.u.bf16.f32 v8  }
0x285: {  	v47 =	vld [tilespmem:s28+$0x136A0];
	[tilespmem:$0x1FF50] =	vst v0;
	v0 =	vunpack.i.u.bf16.f32 v2;
	v5 =	vmul.bf16 v10, v11;
	v62 =	vunpack.i.l.bf16.f32 v8  }
0x286: {  	v55 =	vld [tilespmem:s28+$0x137A0];
	v4 =	vmul.bf16 v14, v15;
	v8 =	vmul.bf16 v26, v27;
	v13 =	vunpack.i.u.bf16.f32 v7  }
0x287: {  	v26 =	vld [tilespmem:s28+$0x14B60];
	v7 =	vunpack.i.l.bf16.f32 v7;
	v30 =	vunpack.i.u.bf16.f32 v16;
	v9 =	vunpack.i.u.bf16.f32 v5  }
0x288: {  	v27 =	vld [tilespmem:s28+$0x13760];
	v10 =	vunpack.i.l.bf16.f32 v5;
	v5 =	vunpack.i.l.bf16.f32 v6;
	v11 =	vunpack.i.l.bf16.f32 v4  }
0x289: {  	v61 =	vld [tilespmem:s28+$0x14C10];
	v2 =	vunpack.i.l.bf16.f32 v2;
	v5 =	vadd.f32 v11, v5;
	v11 =	vunpack.i.u.bf16.f32 v8  }
0x28a: {  	v63 =	vld [tilespmem:s28+$0x13810];
	v8 =	vunpack.i.l.bf16.f32 v8;
	v25 =	vmul.bf16 v23, v25;
	v47 =	vmul.bf16 v59, v47  }
0x28b: {  	v15 =	vld [tilespmem:s28+$0x14BD0];
	v14 =	vadd.f32 v8, v7;
	v11 =	vadd.f32 v11, v13;
	v8 =	vmul.bf16 v20, v21  }
0x28c: {  	[tilespmem:$0x1FF40] =	vst v0;
	v0 =	vld [tilespmem:s28+$0x137D0];
	v20 =	vunpack.i.u.bf16.f32 v12;
	v7 =	vmul.bf16 v18, v19;
	v19 =	vunpack.i.l.bf16.f32 v12  }
0x28d: {  	v28 =	vld [tilespmem:s28+$0x14AB0];
	v23 =	vmul.bf16 v26, v27;
	v1 =	vunpack.i.l.bf16.f32 v25;
	v59 =	vunpack.i.u.bf16.f32 v47  }
0x28e: {  	v29 =	vld [tilespmem:s28+$0x136B0];
	v12 =	vadd.f32 v10, v14;
	v14 =	vmul.bf16 v22, v24;
	v24 =	vmul.bf16 v32, v33  }
0x28f: {  	v31 =	vld [tilespmem:s28+$0x14B20];
	v11 =	vadd.f32 v9, v11;
	v32 =	vmul.bf16 v42, v43;
	v33 =	vmul.bf16 v36, v37  }
0x290: {  	v13 =	vld [tilespmem:s28+$0x14BC0];
	v9 =	vunpack.i.u.bf16.f32 v7;
	v42 =	vmul.bf16 v48, v49;
	v48 =	vmul.bf16 v50, v51  }
0x291: {  	v21 =	vld [tilespmem:s28+$0x137C0];
	v0 =	vmul.bf16 v15, v0;
	v15 =	vunpack.i.l.bf16.f32 v56;
	v7 =	vunpack.i.l.bf16.f32 v7  }
0x292: {  	v36 =	vld [tilespmem:s28+$0x13780];
	v12 =	vadd.f32 v58, v12;
	v11 =	vadd.f32 v57, v11;
	v22 =	vunpack.i.u.bf16.f32 v14  }
0x293: {  	v49 =	vld [tilespmem:s28+$0x14A70];
	v14 =	vunpack.i.l.bf16.f32 v14;
	v57 =	vunpack.i.l.bf16.f32 v16;
	v58 =	vunpack.i.u.bf16.f32 v17  }
0x294: {  	v50 =	vld [tilespmem:s28+$0x13670];
	v16 =	vmul.bf16 v40, v41;
	v40 =	vunpack.i.l.bf16.f32 v32;
	v32 =	vunpack.i.u.bf16.f32 v32  }
0x295: {  	v41 =	vld [tilespmem:s28+$0x14B90];
	v18 =	vadd.f32 v12, v11;
	v11 =	vmul.bf16 v34, v35;
	v12 =	vunpack.i.u.bf16.f32 v24  }
0x296: {  	v34 =	vld [tilespmem:s28+$0x13720];
	v24 =	vunpack.i.l.bf16.f32 v24;
	v37 =	vunpack.i.u.bf16.f32 v16;
	v16 =	vunpack.i.l.bf16.f32 v16  }
0x297: {  	v35 =	vld [tilespmem:s28+$0x14B80];
	v16 =	vadd.f32 v40, v16;
	v37 =	vadd.f32 v32, v37;
	v43 =	vunpack.i.l.bf16.f32 v11  }
0x298: {  	v13 =	vmul.bf16 v13, v21;
	v40 =	vld [tilespmem:s28+$0x13790];
	v32 =	vadd.f32 v43, v24;
	v24 =	vunpack.i.u.bf16.f32 v42  }
0x299: {  	v43 =	vadd.f32 v14, v16;
	v22 =	vadd.f32 v22, v37;
	v16 =	vunpack.i.l.bf16.f32 v42;
	v42 =	vld [tilespmem:s28+$0x14AE0]  }
0x29a: {  	v37 =	vunpack.i.l.bf16.f32 v48;
	v48 =	vunpack.i.u.bf16.f32 v48;
	v14 =	vmul.bf16 v38, v39;
	v38 =	vld [tilespmem:s28+$0x136E0]  }
0x29b: {  	v17 =	vunpack.i.l.bf16.f32 v17;
	v51 =	vunpack.i.l.bf16.f32 v33;
	v24 =	vadd.f32 v48, v24;
	v48 =	vld [tilespmem:s28+$0x14B40]  }
0x29c: {  	v21 =	vunpack.i.u.bf16.f32 v13;
	v37 =	vadd.f32 v37, v16;
	v16 =	vmul.bf16 v44, v45;
	v44 =	vld [tilespmem:s28+$0x13740]  }
0x29d: {  	v13 =	vunpack.i.l.bf16.f32 v13;
	v11 =	vunpack.i.u.bf16.f32 v11;
	v39 =	vunpack.i.u.bf16.f32 v33;
	v45 =	vld [tilespmem:s28+$0x14B50]  }
0x29e: {  	v11 =	vadd.f32 v11, v12;
	v43 =	vadd.f32 v62, v43;
	v62 =	vmul.bf16 v52, v53;
	v52 =	vld [tilespmem:s28+$0x14A30]  }
0x29f: {  	v22 =	vadd.f32 v60, v22;
	v33 =	vunpack.i.u.bf16.f32 v14;
	v53 =	vmul.bf16 v54, v55;
	v55 =	vld [tilespmem:s28+$0x13630]  }
0x2a0: {  	v54 =	vunpack.i.u.bf16.f32 v46;
	v46 =	vunpack.i.l.bf16.f32 v46;
	v60 =	vld [tilespmem:s28+$0x14B00];
	v35 =	vmul.bf16 v35, v36  }
0x2a1: {  	v36 =	vld [tilespmem:s28+$0x14B10];
	v31 =	vmul.bf16 v31, v34;
	v34 =	vmul.bf16 v49, v50;
	v7 =	vadd.f32 v7, v32  }
0x2a2: {  	v50 =	vld [tilespmem:s28+$0x14A20];
	v14 =	vunpack.i.l.bf16.f32 v14;
	v37 =	vadd.f32 v17, v37;
	v24 =	vadd.f32 v58, v24  }
0x2a3: {  	v40 =	vmul.bf16 v41, v40;
	v41 =	vld [tilespmem:s28+$0x149B0];
	v22 =	vadd.f32 v43, v22;
	v58 =	vunpack.i.u.bf16.f32 v62  }
0x2a4: {  	v43 =	vld [tilespmem:s28+$0x13750];
	v26 =	vunpack.i.u.bf16.f32 v35;
	v2 =	vadd.f32 v2, v7;
	v37 =	vadd.f32 v19, v37  }
0x2a5: {  	v20 =	vadd.f32 v20, v24;
	v19 =	vmul.bf16 v61, v63;
	v61 =	vunpack.i.u.bf16.f32 v0;
	v63 =	vld [tilespmem:s28+$0x149F0]  }
0x2a6: {  	v0 =	vunpack.i.l.bf16.f32 v0;
	v27 =	vunpack.i.u.bf16.f32 v40;
	v44 =	vmul.bf16 v48, v44;
	v48 =	vld [tilespmem:s28+$0x136D0]  }
0x2a7: {  	v0 =	vadd.f32 v0, v13;
	v24 =	vadd.f32 v37, v20;
	v37 =	vunpack.i.l.bf16.f32 v62;
	v62 =	vld [tilespmem:s28+$0x13710]  }
0x2a8: {  	v61 =	vadd.f32 v61, v21;
	v20 =	vunpack.i.l.bf16.f32 v19;
	v52 =	vmul.bf16 v52, v55;
	v55 =	vld [tilespmem:s28+$0x14A90]  }
0x2a9: {  	v17 =	vunpack.i.u.bf16.f32 v16;
	v27 =	vadd.f32 v27, v26;
	v20 =	vadd.f32 v20, v15;
	v15 =	vld [tilespmem:s28+$0x13700]  }
0x2aa: {  	v13 =	vunpack.i.u.bf16.f32 v53;
	v0 =	vadd.f32 v46, v0;
	v46 =	vadd.f32 v54, v61;
	v54 =	vld [tilespmem:s28+$0x135B0]  }
0x2ab: {  	v21 =	vunpack.i.u.bf16.f32 v56;
	v56 =	vunpack.i.l.bf16.f32 v35;
	v61 =	vunpack.i.l.bf16.f32 v40;
	v40 =	vld [tilespmem:s28+$0x135F0]  }
0x2ac: {  	v53 =	vunpack.i.l.bf16.f32 v53;
	v13 =	vadd.f32 v13, v27;
	v35 =	vadd.f32 v61, v56;
	v61 =	vld [tilespmem:s28+$0x14A60]  }
0x2ad: {  	v26 =	vmul.bf16 v28, v29;
	v0 =	vadd.f32 v57, v0;
	v28 =	vadd.f32 v30, v46;
	v46 =	vld [tilespmem:s28+$0x13660]  }
0x2ae: {  	v49 =	vunpack.i.l.bf16.f32 v31;
	v13 =	vadd.f32 v39, v13;
	v39 =	vld [tilespmem:s28+$0x14AD0];
	v30 =	vadd.f32 v53, v35  }
0x2af: {  	v38 =	vmul.bf16 v42, v38;
	v42 =	vunpack.i.u.bf16.f32 v31;
	v56 =	vunpack.i.u.bf16.f32 v25;
	v35 =	vld [tilespmem:s28+$0x14AC0]  }
0x2b0: {  	v53 =	vld [tilespmem:s28+$0x13680];
	v29 =	vadd.f32 v0, v28;
	v28 =	vadd.f32 v51, v30;
	v15 =	vmul.bf16 v60, v15  }
0x2b1: {  	v0 =	vld [tilespmem:s28+$0x136C0];
	v30 =	vmul.bf16 v36, v62;
	v36 =	vunpack.i.u.bf16.f32 v34;
	v34 =	vunpack.i.l.bf16.f32 v34  }
0x2b2: {  	v51 =	vld [tilespmem:s28+$0x13620];
	v41 =	vmul.bf16 v41, v54;
	v31 =	vadd.f32 v28, v13;
	v13 =	vunpack.i.l.bf16.f32 v44  }
0x2b3: {  	v54 =	vld [tilespmem:s28+$0x13640];
	v28 =	vmul.bf16 v45, v43;
	v57 =	vunpack.i.l.bf16.f32 v15;
	v60 =	vunpack.i.l.bf16.f32 v30  }
0x2b4: {  	v43 =	vld [tilespmem:s28+$0x14A80];
	v15 =	vunpack.i.u.bf16.f32 v15;
	v30 =	vunpack.i.u.bf16.f32 v30;
	v39 =	vmul.bf16 v39, v48  }
0x2b5: {  	v48 =	vld [tilespmem:s28+$0x135A0];
	v45 =	vadd.f32 v60, v57;
	v15 =	vadd.f32 v30, v15;
	v30 =	vunpack.i.l.bf16.f32 v28  }
0x2b6: {  	v40 =	vmul.bf16 v63, v40;
	v46 =	vmul.bf16 v61, v46;
	v30 =	vadd.f32 v30, v13;
	v13 =	vld [tilespmem:s28+$0x13690]  }
0x2b7: {  	v0 =	vmul.bf16 v35, v0;
	v45 =	vadd.f32 v49, v45;
	v15 =	vadd.f32 v42, v15;
	v42 =	vld [tilespmem:s28+$0x149A0]  }
0x2b8: {  	v35 =	vunpack.i.u.bf16.f32 v52;
	v60 =	vunpack.i.l.bf16.f32 v39;
	v50 =	vmul.bf16 v50, v51;
	v51 =	vld [tilespmem:s28+$0x14A10]  }
0x2b9: {  	v39 =	vunpack.i.u.bf16.f32 v39;
	v52 =	vunpack.i.l.bf16.f32 v52;
	v37 =	vadd.f32 v37, v45;
	v45 =	vld [tilespmem:s28+$0x14A40]  }
0x2ba: {  	v62 =	vunpack.i.l.bf16.f32 v0;
	v0 =	vunpack.i.u.bf16.f32 v0;
	v15 =	vadd.f32 v58, v15;
	v58 =	vld [tilespmem:s28+$0x14A50]  }
0x2bb: {  	v49 =	vunpack.i.u.bf16.f32 v38;
	v57 =	vadd.f32 v60, v62;
	v0 =	vadd.f32 v39, v0;
	v39 =	vld [tilespmem:s28+$0x13650]  }
0x2bc: {  	v38 =	vunpack.i.l.bf16.f32 v38;
	v62 =	vld [tilespmem:s28+$0x13610];
	v43 =	vmul.bf16 v43, v53;
	v15 =	vadd.f32 v37, v15  }
0x2bd: {  	v37 =	vld [tilespmem:s28+$0x14A00];
	v38 =	vadd.f32 v38, v57;
	v57 =	vunpack.i.u.bf16.f32 v41;
	v0 =	vadd.f32 v49, v0  }
0x2be: {  	v49 =	vld [tilespmem:s28+$0x13600];
	v53 =	vunpack.i.l.bf16.f32 v43;
	v43 =	vunpack.i.u.bf16.f32 v43;
	v13 =	vmul.bf16 v55, v13  }
0x2bf: {  	v42 =	vmul.bf16 v42, v48;
	v1 =	vadd.f32 v1, v38;
	v0 =	vadd.f32 v56, v0  }
0x2c0: {  	v56 =	vunpack.i.u.bf16.f32 v46;
	v63 =	vunpack.i.l.bf16.f32 v13;
	v39 =	vmul.bf16 v58, v39  }
0x2c1: {  	v48 =	vld [tilespmem:s28+$0x135E0];
	v38 =	vmul.bf16 v51, v62;
	v13 =	vunpack.i.u.bf16.f32 v13;
	v0 =	vadd.f32 v1, v0  }
0x2c2: {  	v1 =	vmul.bf16 v45, v54;
	v45 =	vld [tilespmem:s28+$0x149E0];
	v53 =	vadd.f32 v63, v53;
	v13 =	vadd.f32 v13, v43  }
0x2c3: {  	v55 =	vld [tilespmem:s28+$0x13580];
	v37 =	vmul.bf16 v37, v49;
	v62 =	vunpack.i.l.bf16.f32 v39;
	v39 =	vunpack.i.u.bf16.f32 v39  }
0x2c4: {  	v49 =	vld [tilespmem:s28+$0x14980];
	v61 =	vunpack.i.l.bf16.f32 v1;
	v1 =	vunpack.i.u.bf16.f32 v1;
	v13 =	vadd.f32 v59, v13  }
0x2c5: {  	v46 =	vunpack.i.l.bf16.f32 v46;
	v54 =	vld [tilespmem:s28+$0x14990];
	v51 =	vadd.f32 v62, v61;
	v1 =	vadd.f32 v39, v1  }
0x2c6: {  	v63 =	vunpack.i.l.bf16.f32 v37;
	v61 =	vunpack.i.l.bf16.f32 v38;
	v62 =	vld [tilespmem:s28+$0x13590];
	v37 =	vunpack.i.u.bf16.f32 v37  }
0x2c7: {  	v38 =	vunpack.i.u.bf16.f32 v38;
	v39 =	vadd.f32 v61, v63;
	v45 =	vmul.bf16 v45, v48;
	v48 =	vld [tilespmem:s28+$0x149C0]  }
0x2c8: {  	v41 =	vunpack.i.l.bf16.f32 v41;
	v37 =	vadd.f32 v38, v37;
	v46 =	vadd.f32 v46, v51;
	v51 =	vld [tilespmem:s28+$0x135C0]  }
0x2c9: {  	v63 =	vunpack.i.u.bf16.f32 v50;
	v50 =	vunpack.i.l.bf16.f32 v50;
	v49 =	vmul.bf16 v49, v55;
	v55 =	vld [tilespmem:s28+$0x149D0]  }
0x2ca: {  	v1 =	vadd.f32 v56, v1;
	v56 =	vunpack.i.u.bf16.f32 v42;
	v39 =	vadd.f32 v50, v39;
	v50 =	vld [tilespmem:s28+$0x135D0]  }
0x2cb: {  	v42 =	vunpack.i.l.bf16.f32 v42;
	v37 =	vadd.f32 v63, v37;
	v58 =	vmul.bf16 v54, v62  }
0x2cc: {  	v34 =	vadd.f32 v34, v46;
	v1 =	vadd.f32 v36, v1;
	v61 =	vunpack.i.u.bf16.f32 v49  }
0x2cd: {  	v35 =	vadd.f32 v35, v37;
	v62 =	vunpack.i.l.bf16.f32 v49;
	v38 =	vunpack.i.l.bf16.f32 v58  }
0x2ce: {  	v63 =	vunpack.i.u.bf16.f32 v58;
	v48 =	vmul.bf16 v48, v51;
	v37 =	vadd.f32 v38, v62  }
0x2cf: {  	(xrf2) =	vadd.scan.msk.f32 $0xffff, v18;
	v39 =	vadd.f32 v52, v39;
	v36 =	vadd.f32 v63, v61;
	v49 =	vmul.bf16 v55, v50  }
0x2d0: {  	(xrf2) =	vadd.scan.msk.f32 $0xffff, v22;
	v51 =	vunpack.i.u.bf16.f32 v48;
	v22 =	vunpack.i.l.bf16.f32 v48;
	v18 =	vadd.f32 v42, v37  }
0x2d1: {  	v50 =	vadd.f32 v56, v36;
	v52 =	vunpack.i.u.bf16.f32 v49;
	v54 =	vunpack.i.l.bf16.f32 v49  }
0x2d2: {  	(xrf2) =	vadd.scan.msk.f32 $0xffff, v24;
	v55 =	vunpack.i.u.bf16.f32 v45;
	v22 =	vadd.f32 v54, v22;
	v24 =	vadd.f32 v52, v51  }
0x2d3: {  	(xrf2) =	vadd.scan.msk.f32 $0xffff, v29;
	v56 =	vunpack.i.l.bf16.f32 v45;
	v18 =	vadd.f32 v41, v18;
	v29 =	vadd.f32 v57, v50  }
0x2d4: {  	(xrf2) =	vadd.scan.msk.f32 $0xffff, v31;
	v60 =	vunpack.i.u.bf16.f32 v40;
	v22 =	vadd.f32 v56, v22;
	v24 =	vadd.f32 v55, v24  }
0x2d5: {  	(xrf2) =	vadd.scan.msk.f32 $0xffff, v15;
	v1 =	vadd.f32 v34, v1;
	v15 =	vadd.f32 v18, v29;
	v18 =	vunpack.i.l.bf16.f32 v40  }
0x2d6: {  	(xrf2) =	vadd.scan.msk.f32 $0xffff, v0;
	v0 =	vadd.f32 v18, v22;
	v18 =	vadd.f32 v60, v24;
	v22 =	vunpack.i.l.bf16.f32 v47  }
0x2d7: {  	v27 =	vunpack.i.u.bf16.f32 v26;
	v35 =	vadd.f32 v39, v35;
	(xrf2) =	vadd.scan.msk.f32 $0xffff, v1;
	v1 =	vadd.f32 v22, v53  }
0x2d8: {  	v44 =	vunpack.i.u.bf16.f32 v44;
	v0 =	vadd.f32 v0, v18;
	v18 =	vunpack.i.l.bf16.f32 v26  }
0x2d9: {  	v13 =	vadd.f32 v27, v13;
	(xrf2) =	vadd.scan.msk.f32 $0xffff, v35;
	v22 =	vunpack.i.u.bf16.f32 v28;
	v1 =	vadd.f32 v18, v1  }
0x2da: {  	v19 =	vunpack.i.u.bf16.f32 v19;
	(xrf2) =	vadd.scan.msk.f32 $0xffff, v15;
	v15 =	vunpack.i.l.bf16.f32 v23;
	v22 =	vadd.f32 v22, v44  }
0x2db: {  	v25 =	vunpack.i.u.bf16.f32 v23;
	v15 =	vadd.f32 v15, v30;
	v18, _, _ =	vpop (xrf2);
	(xrf2) =	vadd.scan.msk.f32 $0xffff, v0;
	v1 =	vadd.f32 v1, v13  }
0x2dc: {  	v7 =	vld [tilespmem:$0x1FF40];
	v22 =	vadd.f32 v25, v22;
	v13 =	vunpack.i.l.bf16.f32 v16;
	v16 =	vadd.f32 v19, v21;
	v0, _, _ =	vpop (xrf2)  }
0x2dd: {  	v14 =	vadd.f32 v14, v20;
	v13 =	vadd.f32 v13, v15;
	v19, _, _ =	vpop (xrf2)  }
0x2de: {  	v15 =	vadd.f32 v17, v22;
	v16 =	vadd.f32 v33, v16;
	v17, _, _ =	vpop (xrf2)  }
0x2df: {  	v10 =	vunpack.i.u.bf16.f32 v8;
	v9 =	vadd.f32 v9, v11;
	(xrf2) =	vadd.scan.msk.f32 $0xffff, v1;
	v1, _, _ =	vpop (xrf2)  }
0x2e0: {  	v6 =	vunpack.i.u.bf16.f32 v6;
	v8 =	vunpack.i.l.bf16.f32 v8;
	v10 =	vadd.f32 v10, v16;
	v12, _, _ =	vpop (xrf2)  }
0x2e1: {  	v7 =	vadd.f32 v7, v9;
	v8 =	vadd.f32 v8, v14;
	v14, _, _ =	vpop (xrf2)  }
0x2e2: {  	v4 =	vunpack.i.u.bf16.f32 v4;
	v11, _, _ =	vpop (xrf2)  }
0x2e3: {  	v4 =	vadd.f32 v4, v6;
	v13 =	vadd.f32 v13, v15;
	v6, _, _ =	vpop (xrf2)  }
0x2e4: {  	v9 =	vunpack.i.l.bf16.f32 v3;
	v8 =	vadd.f32 v8, v10;
	v10, _, _ =	vpop (xrf2)  }
0x2e5: {  	v5 =	vadd.f32 v9, v5;
	v9 =	vld [tilespmem:$0x1FF50];
	v2 =	vadd.f32 v2, v7;
	(xrf2) =	vadd.scan.msk.f32 $0xffff, v13;
	v7, _, _ =	vpop (xrf2)  }
0x2e6: {  	v7 =	vbroadcast v7, $0xF;
	_ =	sdelay $0x1  }
0x2e7: {  	(xrf2) =	vadd.scan.msk.f32 $0xffff, v8;
	v8 =	vbroadcast v10, $0xF  }
0x2e8: {  	v3 =	vunpack.i.u.bf16.f32 v3;
	v6 =	vbroadcast v6, $0xF  }
0x2e9: {  	v3 =	vadd.f32 v3, v4;
	v4 =	vunpack.i.u.bf16.f32 v9;
	(xrf2) =	vadd.scan.msk.f32 $0xffff, v2;
	v2 =	vsel vm0, v8, v7;
	v7, _, _ =	vpop (xrf2)  }
0x2ea: {  	v9 =	vunpack.i.l.bf16.f32 v9;
	v2 =	vsel vm1, v2, v6;
	v6 =	vbroadcast v7, $0xF  }
0x2eb: {  	v5 =	vadd.f32 v9, v5;
	v3 =	vadd.f32 v4, v3;
	v4 =	vbroadcast v11, $0xF;
	_ =	sdelay $0x1  }
0x2ec: {  	v3 =	vadd.f32 v5, v3;
	v2 =	vsel vm2, v2, v4;
	v4 =	vbroadcast v14, $0xF  }
0x2ed: {  	v5 =	vbroadcast v12, $0xF;
	v2 =	vsel vm3, v2, v6;
	v6, _, _ =	vpop (xrf2)  }
0x2ee: {  	v2 =	vsel vm4, v2, v4;
	(xrf2) =	vadd.scan.msk.f32 $0xffff, v3;
	v3 =	vbroadcast v6, $0xF  }
0x2ef: {  	v1 =	vbroadcast v1, $0xF;
	v2 =	vsel vm5, v2, v5  }
0x2f0: {  	v4, _, _ =	vpop (xrf2);
	v2 =	vsel vm6, v2, v3;
	v3 =	vbroadcast v17, $0xF  }
0x2f1: {  	v1 =	vsel vm7, v2, v1;
	v2 =	vbroadcast v4, $0xF  }
0x2f2: {  	v1 =	vsel vm8, v1, v3;
	v3 =	vbroadcast v19, $0xF  }
0x2f3: {  	v0 =	vbroadcast v0, $0xF;
	v1 =	vsel vm9, v1, v2  }
0x2f4: {  	v1 =	vsel vm10, v1, v3  }
0x2f5: {  	v2, _, _ =	vpop (xrf2);
	v0 =	vsel vm11, v1, v0;
	v1 =	vbroadcast v18, $0xF  }
0x2f6: {  	v2 =	vbroadcast v2, $0xF;
	_ =	sdelay $0x1  }
0x2f7: {  	v0 =	vsel vm12, v0, v2  }
0x2f8: {  	v0 =	vsel vm13, v0, v1;
	v1, _, _ =	vpop (xrf2)  }
0x2f9: {  	v0 =	vsel vm14, v0, v1  }
0x2fa: {  	s28 =	simm.s32 $0x7F0;
	[tilespmem:s23+$0x0] =	vst v0  }
0x2fb: {  	v0 =	vld [tilespmem:s28+$0x14D70]  }
0x2fc: {  	v1 =	vld [tilespmem:s28+$0x13970]  }
0x2fd: {  	v2 =	vld [tilespmem:s28+$0x14D30]  }
0x2fe: {  	v3 =	vld [tilespmem:s28+$0x13930]  }
0x2ff: {  	v4 =	vld [tilespmem:s28+$0x14D60]  }
0x300: {  	v5 =	vld [tilespmem:s28+$0x13960]  }
0x301: {  	v6 =	vld [tilespmem:s28+$0x14CF0]  }
0x302: {  	v7 =	vld [tilespmem:s28+$0x138F0]  }
0x303: {  	v8 =	vld [tilespmem:s28+$0x14CB0]  }
0x304: {  	v9 =	vld [tilespmem:s28+$0x138B0]  }
0x305: {  	v10 =	vld [tilespmem:s28+$0x14D20]  }
0x306: {  	v11 =	vld [tilespmem:s28+$0x13920]  }
0x307: {  	v12 =	vld [tilespmem:s28+$0x14D40]  }
0x308: {  	v13 =	vld [tilespmem:s28+$0x13940]  }
0x309: {  	v14 =	vld [tilespmem:s28+$0x14D50]  }
0x30a: {  	v15 =	vld [tilespmem:s28+$0x13950]  }
0x30b: {  	v16 =	vld [tilespmem:s28+$0x14C70]  }
0x30c: {  	v17 =	vld [tilespmem:s28+$0x13870]  }
0x30d: {  	v18 =	vld [tilespmem:s28+$0x14CE0]  }
0x30e: {  	v19 =	vld [tilespmem:s28+$0x138E0]  }
0x30f: {  	v20 =	vld [tilespmem:s28+$0x14C30]  }
0x310: {  	v21 =	vld [tilespmem:s28+$0x13830]  }
0x311: {  	v22 =	vld [tilespmem:s28+$0x14CA0]  }
0x312: {  	v23 =	vld [tilespmem:s28+$0x138A0]  }
0x313: {  	v24 =	vld [tilespmem:s28+$0x14D00]  }
0x314: {  	v25 =	vld [tilespmem:s28+$0x13900]  }
0x315: {  	v26 =	vld [tilespmem:s28+$0x14D10]  }
0x316: {  	v27 =	vld [tilespmem:s28+$0x13910]  }
0x317: {  	v28 =	vld [tilespmem:s28+$0x14BF0]  }
0x318: {  	v29 =	vld [tilespmem:s28+$0x137F0]  }
0x319: {  	v30 =	vld [tilespmem:s28+$0x14C60]  }
0x31a: {  	v31 =	vld [tilespmem:s28+$0x13860]  }
0x31b: {  	v32 =	vld [tilespmem:s28+$0x14CC0]  }
0x31c: {  	v33 =	vld [tilespmem:s28+$0x138C0]  }
0x31d: {  	v34 =	vld [tilespmem:s28+$0x14CD0]  }
0x31e: {  	v35 =	vld [tilespmem:s28+$0x138D0]  }
0x31f: {  	v36 =	vld [tilespmem:s28+$0x14BB0]  }
0x320: {  	v37 =	vld [tilespmem:s28+$0x137B0]  }
0x321: {  	v38 =	vld [tilespmem:s28+$0x14C20]  }
0x322: {  	v39 =	vld [tilespmem:s28+$0x13820]  }
0x323: {  	v40 =	vld [tilespmem:s28+$0x14C80]  }
0x324: {  	v41 =	vld [tilespmem:s28+$0x13880]  }
0x325: {  	v42 =	vld [tilespmem:s28+$0x14C90]  }
0x326: {  	v43 =	vld [tilespmem:s28+$0x13890]  }
0x327: {  	v44 =	vld [tilespmem:s28+$0x14B70]  }
0x328: {  	v45 =	vld [tilespmem:s28+$0x13770]  }
0x329: {  	v46 =	vld [tilespmem:s28+$0x14BE0]  }
0x32a: {  	v47 =	vld [tilespmem:s28+$0x137E0]  }
0x32b: {  	v48 =	vld [tilespmem:s28+$0x14C40]  }
0x32c: {  	v49 =	vld [tilespmem:s28+$0x13840]  }
0x32d: {  	v50 =	vld [tilespmem:s28+$0x14C50]  }
0x32e: {  	v51 =	vld [tilespmem:s28+$0x13850]  }
0x32f: {  	v52 =	vld [tilespmem:s28+$0x14B30]  }
0x330: {  	v53 =	vld [tilespmem:s28+$0x13730]  }
0x331: {  	v54 =	vld [tilespmem:s28+$0x14BA0];
	v3 =	vmul.bf16 v2, v3  }
0x332: {  	v55 =	vld [tilespmem:s28+$0x137A0];
	v0 =	vmul.bf16 v0, v1;
	v8 =	vmul.bf16 v8, v9  }
0x333: {  	v58 =	vld [tilespmem:s28+$0x14C00];
	v2 =	vmul.bf16 v6, v7;
	v1 =	vmul.bf16 v4, v5  }
0x334: {  	v60 =	vld [tilespmem:s28+$0x13800];
	v5 =	vmul.bf16 v10, v11;
	v6 =	vmul.bf16 v12, v13  }
0x335: {  	v62 =	vld [tilespmem:s28+$0x14C10];
	v4 =	vmul.bf16 v14, v15;
	v7 =	vmul.bf16 v24, v25  }
0x336: {  	v63 =	vld [tilespmem:s28+$0x14B60];
	v15 =	vmul.bf16 v30, v31;
	v36 =	vmul.bf16 v36, v37  }
0x337: {  	v24 =	vld [tilespmem:s28+$0x13810];
	v46 =	vmul.bf16 v46, v47;
	v47 =	vmul.bf16 v54, v55  }
0x338: {  	v25 =	vld [tilespmem:s28+$0x13760];
	v56 =	vunpack.i.u.bf16.f32 v3;
	v57 =	vunpack.i.l.bf16.f32 v3;
	v59 =	vunpack.i.u.bf16.f32 v8  }
0x339: {  	v31 =	vld [tilespmem:s28+$0x136B0];
	v3 =	vunpack.i.u.bf16.f32 v2;
	v61 =	vunpack.i.l.bf16.f32 v8;
	v9 =	vunpack.i.u.bf16.f32 v5  }
0x33a: {  	v37 =	vld [tilespmem:s28+$0x13790];
	v10 =	vunpack.i.l.bf16.f32 v5;
	v8 =	vmul.bf16 v26, v27;
	v5 =	vunpack.i.l.bf16.f32 v6  }
0x33b: {  	v55 =	vld [tilespmem:s28+$0x13700];
	v11 =	vunpack.i.l.bf16.f32 v4;
	v13 =	vunpack.i.u.bf16.f32 v7;
	v7 =	vunpack.i.l.bf16.f32 v7  }
0x33c: {  	v26 =	vld [tilespmem:s28+$0x14AF0];
	[tilespmem:$0x1FF60] =	vst v3;
	v3 =	vadd.f32 v11, v5;
	v11 =	vunpack.i.u.bf16.f32 v8;
	v8 =	vunpack.i.l.bf16.f32 v8  }
0x33d: {  	v12 =	vmul.bf16 v16, v17;
	v27 =	vld [tilespmem:s28+$0x136F0];
	v14 =	vadd.f32 v8, v7;
	v11 =	vadd.f32 v11, v13  }
0x33e: {  	[tilespmem:$0x1FF70] =	vst v3;
	v3 =	vunpack.i.u.bf16.f32 v6;
	v8 =	vmul.bf16 v20, v21;
	v7 =	vmul.bf16 v18, v19;
	v19 =	vld [tilespmem:s28+$0x14BC0]  }
0x33f: {  	v20 =	vunpack.i.u.bf16.f32 v12;
	v18 =	vunpack.i.l.bf16.f32 v12;
	v21 =	vld [tilespmem:s28+$0x137C0];
	v13 =	vmul.bf16 v22, v23  }
0x340: {  	v22 =	vld [tilespmem:s28+$0x14BD0];
	[tilespmem:$0x1FF80] =	vst v3;
	v12 =	vadd.f32 v10, v14;
	v11 =	vadd.f32 v9, v11;
	v3 =	vunpack.i.u.bf16.f32 v7  }
0x341: {  	v23 =	vld [tilespmem:s28+$0x137D0];
	v14 =	vmul.bf16 v28, v29;
	v16 =	vunpack.i.u.bf16.f32 v13;
	v17 =	vunpack.i.l.bf16.f32 v13  }
0x342: {  	v13 =	vmul.bf16 v32, v33;
	v33 =	vld [tilespmem:s28+$0x14B20];
	v12 =	vadd.f32 v57, v12;
	v11 =	vadd.f32 v56, v11  }
0x343: {  	v30 =	vunpack.i.u.bf16.f32 v14;
	v32 =	vunpack.i.l.bf16.f32 v14;
	v14 =	vmul.bf16 v40, v41;
	v40 =	vld [tilespmem:s28+$0x13780]  }
0x344: {  	v48 =	vmul.bf16 v48, v49;
	[tilespmem:$0x1FF90] =	vst v3;
	v3 =	vadd.f32 v12, v11;
	v11 =	vmul.bf16 v34, v35;
	v35 =	vld [tilespmem:s28+$0x13720]  }
0x345: {  	v29 =	vunpack.i.u.bf16.f32 v15;
	v34 =	vunpack.i.l.bf16.f32 v15;
	v15 =	vmul.bf16 v42, v43;
	v42 =	vld [tilespmem:s28+$0x14B80]  }
0x346: {  	v49 =	vunpack.i.u.bf16.f32 v36;
	v41 =	vmul.bf16 v50, v51;
	v12 =	vunpack.i.l.bf16.f32 v13;
	v43 =	vld [tilespmem:s28+$0x14B90]  }
0x347: {  	v28 =	vld [tilespmem:s28+$0x14AB0];
	v56 =	vunpack.i.u.bf16.f32 v14;
	v14 =	vunpack.i.l.bf16.f32 v14;
	v57 =	vunpack.i.l.bf16.f32 v11  }
0x348: {  	v50 =	vld [tilespmem:s28+$0x14A70];
	v12 =	vadd.f32 v57, v12;
	v57 =	vunpack.i.u.bf16.f32 v15;
	v15 =	vunpack.i.l.bf16.f32 v15  }
0x349: {  	v36 =	vunpack.i.l.bf16.f32 v36;
	v14 =	vadd.f32 v15, v14;
	v15 =	vadd.f32 v57, v56;
	v57 =	vld [tilespmem:s28+$0x13670]  }
0x34a: {  	v51 =	vunpack.i.u.bf16.f32 v48;
	v56 =	vunpack.i.u.bf16.f32 v41;
	v40 =	vmul.bf16 v42, v40;
	v42 =	vld [tilespmem:s28+$0x14B10]  }
0x34b: {  	v41 =	vunpack.i.l.bf16.f32 v41;
	v37 =	vmul.bf16 v43, v37;
	v43 =	vld [tilespmem:s28+$0x149B0];
	v33 =	vmul.bf16 v33, v35  }
0x34c: {  	v35 =	vld [tilespmem:s28+$0x136D0];
	v17 =	vadd.f32 v17, v14;
	v15 =	vadd.f32 v16, v15;
	v16 =	vunpack.i.l.bf16.f32 v48  }
0x34d: {  	v14 =	vmul.bf16 v38, v39;
	v38 =	vld [tilespmem:s28+$0x14AE0];
	v39 =	vadd.f32 v41, v16;
	v41 =	vadd.f32 v56, v51  }
0x34e: {  	v10 =	vunpack.i.u.bf16.f32 v8;
	v13 =	vunpack.i.u.bf16.f32 v13;
	v48 =	vld [tilespmem:s28+$0x136E0];
	v56 =	vadd.f32 v61, v17  }
0x34f: {  	v16 =	vmul.bf16 v44, v45;
	v51 =	vld [tilespmem:s28+$0x14B40];
	v34 =	vadd.f32 v34, v39;
	v29 =	vadd.f32 v29, v41  }
0x350: {  	v44 =	vld [tilespmem:s28+$0x14B50];
	v59 =	vadd.f32 v59, v15;
	v61 =	vmul.bf16 v52, v53;
	v52 =	vunpack.i.u.bf16.f32 v46  }
0x351: {  	v46 =	vunpack.i.l.bf16.f32 v46;
	v53 =	vld [tilespmem:s28+$0x14A30];
	v18 =	vadd.f32 v18, v34;
	v20 =	vadd.f32 v20, v29  }
0x352: {  	v39 =	vld [tilespmem:s28+$0x13740];
	v41 =	vmul.bf16 v58, v60;
	v56 =	vadd.f32 v56, v59;
	v54 =	vunpack.i.u.bf16.f32 v61  }
0x353: {  	v58 =	vld [tilespmem:s28+$0x13630];
	v45 =	vunpack.i.l.bf16.f32 v61;
	v59 =	vunpack.i.u.bf16.f32 v47;
	v5 =	vadd.f32 v18, v20  }
0x354: {  	v60 =	vld [tilespmem:s28+$0x14AA0];
	v18 =	vmul.bf16 v62, v24;
	v24 =	vunpack.i.l.bf16.f32 v47;
	v20 =	vmul.bf16 v19, v21  }
0x355: {  	v34 =	vld [tilespmem:s28+$0x13750];
	v21 =	vmul.bf16 v22, v23;
	v19 =	vunpack.i.u.bf16.f32 v41;
	v22 =	vunpack.i.l.bf16.f32 v41  }
0x356: {  	v29 =	vld [tilespmem:s28+$0x135F0];
	v23 =	vmul.bf16 v26, v27;
	v62 =	vunpack.i.l.bf16.f32 v37;
	v37 =	vunpack.i.u.bf16.f32 v37  }
0x357: {  	v47 =	vld [tilespmem:s28+$0x136A0];
	v27 =	vunpack.i.u.bf16.f32 v20;
	v20 =	vunpack.i.l.bf16.f32 v20;
	v61 =	vunpack.i.l.bf16.f32 v21  }
0x358: {  	v26 =	vld [tilespmem:s28+$0x14B00];
	v21 =	vunpack.i.u.bf16.f32 v21;
	v61 =	vadd.f32 v61, v20;
	v20 =	vunpack.i.l.bf16.f32 v18  }
0x359: {  	v41 =	vld [tilespmem:s28+$0x149F0];
	v39 =	vmul.bf16 v51, v39;
	v21 =	vadd.f32 v21, v27;
	v20 =	vadd.f32 v20, v22  }
0x35a: {  	v27 =	vld [tilespmem:s28+$0x13710];
	v22 =	vunpack.i.u.bf16.f32 v40;
	v40 =	vunpack.i.l.bf16.f32 v40;
	v46 =	vadd.f32 v46, v61  }
0x35b: {  	v52 =	vadd.f32 v52, v21;
	v61 =	vld [tilespmem:s28+$0x135B0];
	v21 =	vmul.bf16 v63, v25;
	v40 =	vadd.f32 v62, v40  }
0x35c: {  	v62 =	vunpack.i.u.bf16.f32 v23;
	v63 =	vunpack.i.l.bf16.f32 v23;
	v37 =	vadd.f32 v37, v22;
	v25 =	vld [tilespmem:s28+$0x149A0]  }
0x35d: {  	v23 =	vmul.bf16 v28, v31;
	v28 =	vadd.f32 v32, v46;
	v30 =	vadd.f32 v30, v52;
	v46 =	vld [tilespmem:s28+$0x14A60]  }
0x35e: {  	v31 =	vadd.f32 v24, v40;
	v40 =	vadd.f32 v59, v37;
	v52 =	vld [tilespmem:s28+$0x13660];
	v37 =	vmul.bf16 v38, v48  }
0x35f: {  	v38 =	vunpack.i.u.bf16.f32 v33;
	v48 =	vld [tilespmem:s28+$0x14A20];
	v59 =	vadd.f32 v28, v30;
	v30 =	vmul.bf16 v50, v57  }
0x360: {  	v33 =	vunpack.i.l.bf16.f32 v33;
	v28 =	vld [tilespmem:s28+$0x14AC0];
	v50 =	vadd.f32 v36, v31;
	v32 =	vadd.f32 v49, v40  }
0x361: {  	v27 =	vmul.bf16 v42, v27;
	v36 =	vld [tilespmem:s28+$0x136C0];
	v43 =	vmul.bf16 v43, v61;
	v31 =	vunpack.i.u.bf16.f32 v30  }
0x362: {  	v40 =	vld [tilespmem:s28+$0x14AD0];
	v51 =	vadd.f32 v50, v32;
	v32 =	vunpack.i.l.bf16.f32 v30;
	v30 =	vmul.bf16 v26, v55  }
0x363: {  	v42 =	vunpack.i.l.bf16.f32 v39;
	v49 =	vld [tilespmem:s28+$0x13620];
	v50 =	vmul.bf16 v53, v58;
	v26 =	vmul.bf16 v44, v34  }
0x364: {  	v61 =	vld [tilespmem:s28+$0x13640];
	v58 =	vunpack.i.l.bf16.f32 v27;
	v27 =	vunpack.i.u.bf16.f32 v27;
	v52 =	vmul.bf16 v46, v52  }
0x365: {  	v44 =	vld [tilespmem:s28+$0x14A80];
	v57 =	vunpack.i.u.bf16.f32 v30;
	v30 =	vunpack.i.l.bf16.f32 v30;
	v53 =	vunpack.i.l.bf16.f32 v26  }
0x366: {  	v55 =	vld [tilespmem:s28+$0x13680];
	v30 =	vadd.f32 v58, v30;
	v34 =	vadd.f32 v27, v57;
	v57 =	vunpack.i.u.bf16.f32 v37  }
0x367: {  	v46 =	vld [tilespmem:s28+$0x13600];
	v27 =	vadd.f32 v53, v42;
	v53 =	vunpack.i.l.bf16.f32 v37;
	v37 =	vmul.bf16 v28, v36  }
0x368: {  	v42 =	vld [tilespmem:s28+$0x14A90];
	v36 =	vunpack.i.u.bf16.f32 v50;
	v28 =	vunpack.i.u.bf16.f32 v39;
	v35 =	vmul.bf16 v40, v35  }
0x369: {  	v58 =	vld [tilespmem:s28+$0x13690];
	v39 =	vunpack.i.l.bf16.f32 v50;
	v33 =	vadd.f32 v33, v30;
	v34 =	vadd.f32 v38, v34  }
0x36a: {  	v50 =	vld [tilespmem:s28+$0x14A50];
	v30 =	vmul.bf16 v60, v47;
	v38 =	vunpack.i.u.bf16.f32 v37;
	v47 =	vunpack.i.u.bf16.f32 v35  }
0x36b: {  	v15 =	vunpack.i.u.bf16.f32 v14;
	v60 =	vld [tilespmem:s28+$0x135A0];
	v35 =	vunpack.i.l.bf16.f32 v35;
	v38 =	vadd.f32 v47, v38  }
0x36c: {  	v40 =	vadd.f32 v45, v33;
	v45 =	vadd.f32 v54, v34;
	v54 =	vld [tilespmem:s28+$0x14A40];
	v33 =	vunpack.i.l.bf16.f32 v37  }
0x36d: {  	v34 =	vmul.bf16 v41, v29;
	v29 =	vld [tilespmem:s28+$0x13650];
	v37 =	vunpack.i.u.bf16.f32 v43;
	v35 =	vadd.f32 v35, v33  }
0x36e: {  	v57 =	vadd.f32 v57, v38;
	v38 =	vunpack.i.l.bf16.f32 v43;
	v43 =	vmul.bf16 v44, v55;
	v55 =	vld [tilespmem:s28+$0x13610]  }
0x36f: {  	v17 =	vunpack.i.u.bf16.f32 v16;
	v22 =	vunpack.i.u.bf16.f32 v21;
	v41 =	vadd.f32 v53, v35;
	v53 =	vld [tilespmem:s28+$0x14A00]  }
0x370: {  	(xrf2) =	vadd.scan.msk.f32 $0xffff, v3;
	v48 =	vmul.bf16 v48, v49;
	v40 =	vadd.f32 v40, v45;
	v45 =	vadd.f32 v62, v57;
	v57 =	vld [tilespmem:s28+$0x14A10]  }
0x371: {  	(xrf2) =	vadd.scan.msk.f32 $0xffff, v56;
	v62 =	vunpack.i.u.bf16.f32 v52;
	v56 =	vmul.bf16 v25, v60;
	v49 =	vadd.f32 v63, v41  }
0x372: {  	v63 =	vunpack.i.l.bf16.f32 v52;
	v41 =	vmul.bf16 v42, v58;
	v25 =	vmul.bf16 v54, v61  }
0x373: {  	v61 =	vunpack.i.l.bf16.f32 v43;
	v29 =	vmul.bf16 v50, v29;
	v42 =	vunpack.i.u.bf16.f32 v43  }
0x374: {  	v54 =	vld [tilespmem:s28+$0x135E0];
	v44 =	vadd.f32 v49, v45;
	v58 =	vunpack.i.l.bf16.f32 v41;
	v60 =	vunpack.i.l.bf16.f32 v25  }
0x375: {  	v50 =	vld [tilespmem:s28+$0x14980];
	v43 =	vadd.f32 v58, v61;
	v46 =	vmul.bf16 v53, v46;
	v58 =	vmul.bf16 v57, v55  }
0x376: {  	v45 =	vld [tilespmem:s28+$0x149E0];
	v25 =	vunpack.i.u.bf16.f32 v25;
	v61 =	vunpack.i.l.bf16.f32 v29;
	v29 =	vunpack.i.u.bf16.f32 v29  }
0x377: {  	v52 =	vld [tilespmem:s28+$0x13580];
	v29 =	vadd.f32 v29, v25;
	v25 =	vunpack.i.l.bf16.f32 v46;
	v57 =	vunpack.i.l.bf16.f32 v58  }
0x378: {  	v24 =	vunpack.i.u.bf16.f32 v23;
	v53 =	vld [tilespmem:s28+$0x14990];
	v57 =	vadd.f32 v57, v25;
	v25 =	vunpack.i.u.bf16.f32 v58  }
0x379: {  	v47 =	vunpack.i.u.bf16.f32 v48;
	v33 =	vunpack.i.u.bf16.f32 v30;
	v35 =	vunpack.i.u.bf16.f32 v34;
	v55 =	vld [tilespmem:s28+$0x13590]  }
0x37a: {  	(xrf2) =	vadd.scan.msk.f32 $0xffff, v5;
	v49 =	vunpack.i.l.bf16.f32 v48;
	v60 =	vadd.f32 v61, v60;
	v61 =	vunpack.i.u.bf16.f32 v46;
	v46 =	vld [tilespmem:s28+$0x149C0]  }
0x37b: {  	(xrf2) =	vadd.scan.msk.f32 $0xffff, v59;
	v48 =	vunpack.i.u.bf16.f32 v56;
	v58 =	vadd.f32 v25, v61;
	v45 =	vmul.bf16 v45, v54;
	v54 =	vld [tilespmem:s28+$0x135C0];
	v25, _, _ =	vpop (xrf2)  }
0x37c: {  	s30 =	simm.s32 $0x2FC0;
	s29 =	smov.u32 s23;
	v59 =	vadd.f32 v63, v60;
	v60 =	vadd.f32 v62, v29;
	(xrf2) =	vadd.scan.msk.f32 $0xffff, v51;
	v51 =	vunpack.i.l.bf16.f32 v56;
	v56 =	vld [tilespmem:s28+$0x149D0];
	v29, _, _ =	vpop (xrf2)  }
.LBB2_5:
0x37d: {  	v41 =	vunpack.i.u.bf16.f32 v41;
	v30 =	vunpack.i.l.bf16.f32 v30;
	v26 =	vunpack.i.u.bf16.f32 v26  }
0x37e: {  	v21 =	vunpack.i.l.bf16.f32 v21;
	v18 =	vunpack.i.u.bf16.f32 v18;
	v49 =	vadd.f32 v49, v57  }
0x37f: {  	v61 =	vld [tilespmem:s28+$0x135D0];
	v14 =	vunpack.i.l.bf16.f32 v14;
	v47 =	vadd.f32 v47, v58;
	v32 =	vadd.f32 v32, v59  }
0x380: {  	v62 =	vadd.f32 v31, v60;
	v30 =	vadd.f32 v30, v43;
	v50 =	vmul.bf16 v50, v52  }
0x381: {  	v26 =	vadd.f32 v26, v28;
	v21 =	vadd.f32 v21, v27;
	v53 =	vmul.bf16 v53, v55  }
0x382: {  	v36 =	vadd.f32 v36, v47;
	v46 =	vmul.bf16 v46, v54;
	v63 =	vunpack.i.u.bf16.f32 v50  }
0x383: {  	v57 =	vunpack.i.l.bf16.f32 v50;
	v58 =	vunpack.i.u.bf16.f32 v53;
	v59 =	vunpack.i.l.bf16.f32 v53  }
0x384: {  	(xrf2) =	vadd.scan.msk.f32 $0xffff, v40;
	v60 =	vmul.bf16 v56, v61;
	v47 =	vadd.f32 v59, v57;
	v40 =	vadd.f32 v58, v63  }
0x385: {  	v18 =	vadd.f32 v18, v19;
	v39 =	vadd.f32 v39, v49;
	v3 =	vunpack.i.u.bf16.f32 v46  }
0x386: {  	v63 =	vunpack.i.u.bf16.f32 v60;
	v47 =	vadd.f32 v51, v47;
	v40 =	vadd.f32 v48, v40  }
0x387: {  	v31, _, _ =	vpop (xrf2);
	(xrf2) =	vadd.scan.msk.f32 $0xffff, v44;
	v61 =	vadd.f32 v32, v62;
	v46 =	vunpack.i.l.bf16.f32 v46;
	v53 =	vadd.f32 v63, v3  }
0x388: {  	v44 =	vunpack.i.l.bf16.f32 v60;
	v3 =	vadd.f32 v38, v47;
	v37 =	vadd.f32 v37, v40  }
0x389: {  	v14 =	vadd.f32 v14, v20;
	v54 =	vunpack.i.u.bf16.f32 v45;
	v52 =	vadd.f32 v44, v46  }
0x38a: {  	v36 =	vadd.f32 v39, v36;
	v56 =	vunpack.i.l.bf16.f32 v45;
	v62, _, _ =	vpop (xrf2);
	(xrf2) =	vadd.scan.msk.f32 $0xffff, v61;
	v58 =	vadd.f32 v3, v37;
	v3 =	vld [tilespmem:$0x1FF90]  }
0x38b: {  	v11 =	vunpack.i.u.bf16.f32 v11;
	v39 =	vadd.f32 v56, v52;
	v57 =	vadd.f32 v54, v53  }
0x38c: {  	v34 =	vunpack.i.l.bf16.f32 v34;
	v11 =	vadd.f32 v11, v13;
	v59 =	vadd.f32 v41, v42  }
0x38d: {  	v23 =	vunpack.i.l.bf16.f32 v23;
	v55, _, _ =	vpop (xrf2);
	(xrf2) =	vadd.scan.msk.f32 $0xffff, v36;
	v34 =	vadd.f32 v34, v39;
	v35 =	vadd.f32 v35, v57  }
0x38e: {  	v23 =	vadd.f32 v23, v30;
	v33 =	vadd.f32 v33, v59  }
0x38f: {  	v34 =	vadd.f32 v34, v35;
	v9 =	vadd.f32 v3, v11;
	v3 =	vld [tilespmem:$0x1FF80]  }
0x390: {  	v8 =	vunpack.i.l.bf16.f32 v8;
	v15 =	vadd.f32 v15, v18;
	v60, _, _ =	vpop (xrf2);
	v24 =	vadd.f32 v24, v33;
	(xrf2) =	vadd.scan.msk.f32 $0xffff, v58  }
0x391: {  	v22 =	vadd.f32 v22, v26;
	v8 =	vadd.f32 v8, v14;
	v28, _, _ =	vpop (xrf2);
	(xrf2) =	vadd.scan.msk.f32 $0xffff, v34  }
0x392: {  	v16 =	vunpack.i.l.bf16.f32 v16;
	v10 =	vadd.f32 v10, v15;
	v23 =	vadd.f32 v23, v24  }
0x393: {  	v4 =	vunpack.i.u.bf16.f32 v4;
	v16 =	vadd.f32 v16, v21;
	v17 =	vadd.f32 v17, v22  }
0x394: {  	v8 =	vadd.f32 v8, v10;
	v19, _, _ =	vpop (xrf2);
	(xrf2) =	vadd.scan.msk.f32 $0xffff, v23;
	v10 =	vadd.f32 v4, v3;
	v3 =	vld [tilespmem:$0x1FF60]  }
0x395: {  	v5 =	vld [tilespmem:$0x1FF70];
	v16 =	vadd.f32 v16, v17  }
0x396: {  	v7 =	vunpack.i.l.bf16.f32 v7  }
0x397: {  	v7 =	vadd.f32 v7, v12;
	v13, _, _ =	vpop (xrf2);
	(xrf2) =	vadd.scan.msk.f32 $0xffff, v16  }
0x398: {  	v2 =	vunpack.i.l.bf16.f32 v2  }
0x399: {  	v2 =	vadd.f32 v2, v7;
	v7 =	vunpack.i.l.bf16.f32 v1;
	v3 =	vadd.f32 v3, v9  }
0x39a: {  	v1 =	vunpack.i.u.bf16.f32 v1;
	v5 =	vadd.f32 v7, v5;
	v6, _, _ =	vpop (xrf2);
	(xrf2) =	vadd.scan.msk.f32 $0xffff, v8  }
0x39b: {  	v1 =	vadd.f32 v1, v10;
	v4, _, _ =	vpop (xrf2);
	v6 =	vbroadcast v6, $0xF;
	v2 =	vadd.f32 v2, v3  }
0x39c: {  	v8 =	vbroadcast v4, $0xF;
	v3 =	vunpack.i.u.bf16.f32 v0;
	v0 =	vunpack.i.l.bf16.f32 v0  }
0x39d: {  	v7 =	vbroadcast v13, $0xF;
	v0 =	vadd.f32 v0, v5;
	v1 =	vadd.f32 v3, v1;
	(xrf2) =	vadd.scan.msk.f32 $0xffff, v2  }
0x39e: {  	v4, _, _ =	vpop (xrf2);
	v3 =	vbroadcast v19, $0xF;
	v2 =	vsel vm0, v6, v8  }
0x39f: {  	v5 =	vbroadcast v4, $0xF;
	v2 =	vsel vm1, v2, v7;
	v0 =	vadd.f32 v0, v1  }
0x3a0: {  	v1 =	vsel vm2, v2, v3;
	v2 =	vbroadcast v28, $0xF  }
0x3a1: {  	v4, _, _ =	vpop (xrf2);
	v1 =	vsel vm3, v1, v5;
	v5 =	vbroadcast v60, $0xF;
	(xrf2) =	vadd.scan.msk.f32 $0xffff, v0  }
0x3a2: {  	v0 =	vsel vm4, v1, v2;
	v1 =	vbroadcast v4, $0xF  }
0x3a3: {  	v2 =	vbroadcast v55, $0xF;
	v0 =	vsel vm5, v0, v5  }
0x3a4: {  	v3, _, _ =	vpop (xrf2);
	v0 =	vsel vm6, v0, v1;
	v1 =	vbroadcast v62, $0xF  }
0x3a5: {  	v0 =	vsel vm7, v0, v2;
	v2 =	vbroadcast v3, $0xF  }
0x3a6: {  	v0 =	vsel vm8, v0, v1;
	v1 =	vbroadcast v31, $0xF  }
0x3a7: {  	v0 =	vsel vm9, v0, v2;
	v2 =	vbroadcast v29, $0xF;
	v3, _, _ =	vpop (xrf2)  }
0x3a8: {  	v0 =	vsel vm10, v0, v1;
	v3 =	vbroadcast v3, $0xF  }
0x3a9: {  	v0 =	vsel vm11, v0, v2;
	v2 =	vbroadcast v25, $0xF  }
0x3aa: {  	v0 =	vsel vm12, v0, v3  }
0x3ab: {  	v1, _, _ =	vpop (xrf2);
	v0 =	vsel vm13, v0, v2  }
0x3ac: {  	s29 =	sadd.s32 $0x10, s29;
	v0 =	vsel vm14, v0, v1  }
0x3ad: {  	s28 =	sshra.s32 s30, $0x2;
	[tilespmem:s29+$0x0] =	vst v0  }
0x3ae: {  	v0 =	vld [tilespmem:s28+$0x14D70]  }
0x3af: {  	v1 =	vld [tilespmem:s28+$0x13970]  }
0x3b0: {  	v2 =	vld [tilespmem:s28+$0x14D30]  }
0x3b1: {  	v3 =	vld [tilespmem:s28+$0x13930]  }
0x3b2: {  	v4 =	vld [tilespmem:s28+$0x14D60]  }
0x3b3: {  	v5 =	vld [tilespmem:s28+$0x13960]  }
0x3b4: {  	v6 =	vld [tilespmem:s28+$0x14CF0]  }
0x3b5: {  	v7 =	vld [tilespmem:s28+$0x138F0]  }
0x3b6: {  	v8 =	vld [tilespmem:s28+$0x14CB0]  }
0x3b7: {  	v9 =	vld [tilespmem:s28+$0x138B0]  }
0x3b8: {  	v10 =	vld [tilespmem:s28+$0x14D20]  }
0x3b9: {  	v11 =	vld [tilespmem:s28+$0x13920]  }
0x3ba: {  	v12 =	vld [tilespmem:s28+$0x14D40]  }
0x3bb: {  	v13 =	vld [tilespmem:s28+$0x13940]  }
0x3bc: {  	v21 =	vld [tilespmem:s28+$0x14D50]  }
0x3bd: {  	v22 =	vld [tilespmem:s28+$0x13950]  }
0x3be: {  	v25 =	vld [tilespmem:s28+$0x14C70]  }
0x3bf: {  	v31 =	vld [tilespmem:s28+$0x13870]  }
0x3c0: {  	v32 =	vld [tilespmem:s28+$0x14CE0]  }
0x3c1: {  	v33 =	vld [tilespmem:s28+$0x138E0]  }
0x3c2: {  	v36 =	vld [tilespmem:s28+$0x14C30]  }
0x3c3: {  	v37 =	vld [tilespmem:s28+$0x13830]  }
0x3c4: {  	v38 =	vld [tilespmem:s28+$0x14CA0]  }
0x3c5: {  	v39 =	vld [tilespmem:s28+$0x138A0]  }
0x3c6: {  	v28 =	vld [tilespmem:s28+$0x14D00]  }
0x3c7: {  	v34 =	vld [tilespmem:s28+$0x13900]  }
0x3c8: {  	v40 =	vld [tilespmem:s28+$0x14D10]  }
0x3c9: {  	v41 =	vld [tilespmem:s28+$0x13910]  }
0x3ca: {  	v42 =	vld [tilespmem:s28+$0x14BF0]  }
0x3cb: {  	v43 =	vld [tilespmem:s28+$0x137F0]  }
0x3cc: {  	v44 =	vld [tilespmem:s28+$0x14C60]  }
0x3cd: {  	v45 =	vld [tilespmem:s28+$0x13860]  }
0x3ce: {  	v46 =	vld [tilespmem:s28+$0x14CC0]  }
0x3cf: {  	v47 =	vld [tilespmem:s28+$0x138C0]  }
0x3d0: {  	v48 =	vld [tilespmem:s28+$0x14CD0]  }
0x3d1: {  	v49 =	vld [tilespmem:s28+$0x138D0]  }
0x3d2: {  	v50 =	vld [tilespmem:s28+$0x14BB0]  }
0x3d3: {  	v51 =	vld [tilespmem:s28+$0x137B0]  }
0x3d4: {  	v14 =	vld [tilespmem:s28+$0x14C20]  }
0x3d5: {  	v15 =	vld [tilespmem:s28+$0x13820]  }
0x3d6: {  	v52 =	vld [tilespmem:s28+$0x14C80]  }
0x3d7: {  	v53 =	vld [tilespmem:s28+$0x13880]  }
0x3d8: {  	v54 =	vld [tilespmem:s28+$0x14C90]  }
0x3d9: {  	v55 =	vld [tilespmem:s28+$0x13890]  }
0x3da: {  	v16 =	vld [tilespmem:s28+$0x14B70]  }
0x3db: {  	v17 =	vld [tilespmem:s28+$0x13770]  }
0x3dc: {  	v18 =	vld [tilespmem:s28+$0x14BE0]  }
0x3dd: {  	v19 =	vld [tilespmem:s28+$0x137E0]  }
0x3de: {  	v56 =	vld [tilespmem:s28+$0x14C40]  }
0x3df: {  	v57 =	vld [tilespmem:s28+$0x13840]  }
0x3e0: {  	v20 =	vld [tilespmem:s28+$0x14B30]  }
0x3e1: {  	v24 =	vld [tilespmem:s28+$0x13730]  }
0x3e2: {  	v23 =	vld [tilespmem:s28+$0x14BA0];
	v3 =	vmul.bf16 v2, v3;
	v0 =	vmul.bf16 v0, v1  }
0x3e3: {  	v27 =	vld [tilespmem:s28+$0x137A0];
	v8 =	vmul.bf16 v8, v9;
	v2 =	vmul.bf16 v6, v7  }
0x3e4: {  	v26 =	vld [tilespmem:s28+$0x14C00];
	v1 =	vmul.bf16 v4, v5;
	v5 =	vmul.bf16 v10, v11  }
0x3e5: {  	v29 =	vld [tilespmem:s28+$0x13800];
	v6 =	vmul.bf16 v12, v13;
	v4 =	vmul.bf16 v21, v22  }
0x3e6: {  	v58 =	vld [tilespmem:s28+$0x14C50];
	v7 =	vmul.bf16 v28, v34;
	v12 =	vmul.bf16 v25, v31  }
0x3e7: {  	v59 =	vld [tilespmem:s28+$0x13850];
	v31 =	vmul.bf16 v42, v43;
	v50 =	vmul.bf16 v50, v51  }
0x3e8: {  	v30 =	vld [tilespmem:s28+$0x14C10];
	v14 =	vmul.bf16 v14, v15;
	v16 =	vmul.bf16 v16, v17  }
0x3e9: {  	v35 =	vld [tilespmem:s28+$0x13810];
	v18 =	vmul.bf16 v18, v19;
	v19 =	vmul.bf16 v20, v24  }
0x3ea: {  	v28 =	vld [tilespmem:s28+$0x14AF0];
	v23 =	vmul.bf16 v23, v27;
	v26 =	vmul.bf16 v26, v29;
	v60 =	vunpack.i.u.bf16.f32 v3  }
0x3eb: {  	v34 =	vld [tilespmem:s28+$0x136F0];
	v61 =	vunpack.i.l.bf16.f32 v3;
	v62 =	vunpack.i.u.bf16.f32 v8;
	v3 =	vunpack.i.u.bf16.f32 v2  }
0x3ec: {  	v21 =	vld [tilespmem:s28+$0x14B60];
	v63 =	vunpack.i.l.bf16.f32 v8;
	v9 =	vunpack.i.u.bf16.f32 v5;
	v10 =	vunpack.i.l.bf16.f32 v5  }
0x3ed: {  	v22 =	vld [tilespmem:s28+$0x13760];
	v8 =	vmul.bf16 v40, v41;
	v5 =	vunpack.i.l.bf16.f32 v6;
	v11 =	vunpack.i.l.bf16.f32 v4  }
0x3ee: {  	v42 =	vld [tilespmem:s28+$0x137D0];
	v13 =	vunpack.i.u.bf16.f32 v7;
	v7 =	vunpack.i.l.bf16.f32 v7;
	[tilespmem:$0x1FF60] =	vst v3;
	v3 =	vadd.f32 v11, v5  }
0x3ef: {  	v24 =	vunpack.i.u.bf16.f32 v18;
	v27 =	vunpack.i.l.bf16.f32 v18;
	v18 =	vmul.bf16 v30, v35;
	v30 =	vld [tilespmem:s28+$0x14AA0]  }
0x3f0: {  	v40 =	vunpack.i.u.bf16.f32 v12;
	v11 =	vunpack.i.u.bf16.f32 v8;
	[tilespmem:$0x1FF70] =	vst v3;
	v3 =	vunpack.i.u.bf16.f32 v6;
	v6 =	vld [tilespmem:s28+$0x137C0]  }
0x3f1: {  	v8 =	vunpack.i.l.bf16.f32 v8;
	v11 =	vadd.f32 v11, v13;
	v13 =	vmul.bf16 v38, v39;
	v39 =	vld [tilespmem:s28+$0x14BD0]  }
0x3f2: {  	v15 =	vunpack.i.u.bf16.f32 v14;
	v25 =	vadd.f32 v8, v7;
	v7 =	vmul.bf16 v32, v33;
	v33 =	vld [tilespmem:s28+$0x14AB0]  }
0x3f3: {  	v5 =	vunpack.i.l.bf16.f32 v12;
	v8 =	vmul.bf16 v36, v37;
	v32 =	vunpack.i.u.bf16.f32 v31;
	v37 =	vld [tilespmem:s28+$0x136B0]  }
0x3f4: {  	v38 =	vunpack.i.l.bf16.f32 v31;
	v31 =	vld [tilespmem:s28+$0x14B20];
	v12 =	vadd.f32 v10, v25;
	v11 =	vadd.f32 v9, v11  }
0x3f5: {  	v17 =	vunpack.i.u.bf16.f32 v16;
	v35 =	vunpack.i.l.bf16.f32 v23;
	v36 =	vld [tilespmem:s28+$0x13720];
	v28 =	vmul.bf16 v28, v34  }
0x3f6: {  	v21 =	vmul.bf16 v21, v22;
	[tilespmem:$0x1FF80] =	vst v3;
	v3 =	vld [tilespmem:s28+$0x14BC0];
	v12 =	vadd.f32 v61, v12;
	v11 =	vadd.f32 v60, v11  }
0x3f7: {  	v34 =	vld [tilespmem:s28+$0x14B00];
	v9 =	vunpack.i.u.bf16.f32 v7;
	v41 =	vunpack.i.u.bf16.f32 v13;
	v61 =	vmul.bf16 v44, v45  }
0x3f8: {  	v43 =	vunpack.i.l.bf16.f32 v13;
	[tilespmem:$0x1FF90] =	vst v9;
	v9 =	vld [tilespmem:s28+$0x13660];
	v60 =	vmul.bf16 v46, v47;
	v25 =	vadd.f32 v12, v11  }
0x3f9: {  	v44 =	vld [tilespmem:s28+$0x13780];
	v45 =	vunpack.i.u.bf16.f32 v61;
	v11 =	vmul.bf16 v48, v49;
	v46 =	vunpack.i.l.bf16.f32 v61  }
0x3fa: {  	v61 =	vmul.bf16 v52, v53;
	v13 =	vunpack.i.u.bf16.f32 v60;
	v48 =	vmul.bf16 v54, v55;
	v49 =	vld [tilespmem:s28+$0x14B80]  }
0x3fb: {  	v12 =	vunpack.i.l.bf16.f32 v60;
	v53 =	vld [tilespmem:s28+$0x14B90];
	v55 =	vmul.bf16 v58, v59;
	v3 =	vmul.bf16 v3, v6  }
0x3fc: {  	v58 =	vld [tilespmem:s28+$0x14AE0];
	v60 =	vunpack.i.l.bf16.f32 v11;
	v51 =	vunpack.i.u.bf16.f32 v61;
	v47 =	vunpack.i.l.bf16.f32 v61  }
0x3fd: {  	v6 =	vld [tilespmem:s28+$0x136A0];
	v61 =	vunpack.i.u.bf16.f32 v48;
	v48 =	vunpack.i.l.bf16.f32 v48;
	v12 =	vadd.f32 v60, v12  }
0x3fe: {  	(xrf2) =	vadd.scan.msk.f32 $0xffff, v25;
	v25 =	vld [tilespmem:s28+$0x14A00];
	v60 =	vmul.bf16 v56, v57;
	v47 =	vadd.f32 v48, v47;
	v61 =	vadd.f32 v61, v51  }
0x3ff: {  	v10 =	vunpack.i.u.bf16.f32 v8;
	v22 =	vunpack.i.u.bf16.f32 v21;
	v31 =	vmul.bf16 v31, v36;
	v51 =	vld [tilespmem:s28+$0x13790]  }
0x400: {  	v56 =	vld [tilespmem:s28+$0x14A70];
	v57 =	vunpack.i.u.bf16.f32 v60;
	v43 =	vadd.f32 v43, v47;
	v41 =	vadd.f32 v41, v61  }
0x401: {  	v47 =	vld [tilespmem:s28+$0x13670];
	v60 =	vunpack.i.l.bf16.f32 v60;
	v61 =	vunpack.i.u.bf16.f32 v55;
	v55 =	vunpack.i.l.bf16.f32 v55  }
0x402: {  	v52 =	vunpack.i.u.bf16.f32 v50;
	v50 =	vunpack.i.l.bf16.f32 v50;
	v48 =	vadd.f32 v55, v60;
	v55 =	vld [tilespmem:s28+$0x136E0]  }
0x403: {  	v59 =	vunpack.i.u.bf16.f32 v19;
	v44 =	vmul.bf16 v49, v44;
	v54 =	vadd.f32 v61, v57;
	v57 =	vld [tilespmem:s28+$0x14B40]  }
0x404: {  	v49 =	vunpack.i.l.bf16.f32 v28;
	v61 =	vld [tilespmem:s28+$0x14B10];
	v43 =	vadd.f32 v63, v43;
	v41 =	vadd.f32 v62, v41  }
0x405: {  	v30 =	vmul.bf16 v30, v6;
	v46 =	vadd.f32 v46, v48;
	v45 =	vadd.f32 v45, v54;
	v48 =	vld [tilespmem:s28+$0x13740]  }
0x406: {  	v60 =	vunpack.i.l.bf16.f32 v19;
	v19 =	vunpack.i.u.bf16.f32 v26;
	v54 =	vld [tilespmem:s28+$0x14A30];
	v41 =	vadd.f32 v43, v41  }
0x407: {  	v62 =	vmul.bf16 v53, v51;
	v51 =	vld [tilespmem:s28+$0x149B0];
	v5 =	vadd.f32 v5, v46;
	v20 =	vadd.f32 v40, v45  }
0x408: {  	v53 =	vld [tilespmem:s28+$0x135B0];
	v45 =	vunpack.i.u.bf16.f32 v23;
	v23 =	vmul.bf16 v39, v42;
	v39 =	vunpack.i.u.bf16.f32 v3  }
0x409: {  	v43 =	vld [tilespmem:s28+$0x14B50];
	v3 =	vunpack.i.l.bf16.f32 v3;
	v58 =	vmul.bf16 v58, v55;
	v29 =	vadd.f32 v5, v20  }
0x40a: {  	v40 =	vld [tilespmem:s28+$0x13750];
	v20 =	vunpack.i.l.bf16.f32 v26;
	v42 =	vunpack.i.u.bf16.f32 v23;
	v23 =	vunpack.i.l.bf16.f32 v23  }
0x40b: {  	v55 =	vld [tilespmem:s28+$0x13620];
	v26 =	vunpack.i.l.bf16.f32 v18;
	v3 =	vadd.f32 v23, v3;
	v23 =	vadd.f32 v42, v39  }
0x40c: {  	v63 =	vunpack.i.u.bf16.f32 v44;
	v5 =	vld [tilespmem:s28+$0x13630];
	v20 =	vadd.f32 v26, v20;
	v42 =	vunpack.i.u.bf16.f32 v28  }
0x40d: {  	v28 =	vld [tilespmem:s28+$0x13710];
	v39 =	vunpack.i.l.bf16.f32 v62;
	v24 =	vadd.f32 v24, v23;
	v23 =	vunpack.i.l.bf16.f32 v44  }
0x40e: {  	v26 =	vld [tilespmem:s28+$0x13700];
	v3 =	vadd.f32 v27, v3;
	v27 =	vunpack.i.u.bf16.f32 v62;
	v39 =	vadd.f32 v39, v23  }
0x40f: {  	v44 =	vld [tilespmem:s28+$0x149F0];
	v27 =	vadd.f32 v27, v63;
	v23 =	vmul.bf16 v33, v37;
	v37 =	vunpack.i.u.bf16.f32 v31  }
0x410: {  	v63 =	vld [tilespmem:s28+$0x14A60];
	v3 =	vadd.f32 v38, v3;
	v32 =	vadd.f32 v32, v24;
	v38 =	vunpack.i.l.bf16.f32 v31  }
0x411: {  	v62 =	vld [tilespmem:s28+$0x135F0];
	v5 =	vmul.bf16 v54, v5;
	v39 =	vadd.f32 v35, v39;
	v27 =	vadd.f32 v45, v27  }
0x412: {  	v33 =	vld [tilespmem:s28+$0x136C0];
	v24 =	vunpack.i.u.bf16.f32 v23;
	v28 =	vmul.bf16 v61, v28;
	v46 =	vadd.f32 v3, v32  }
0x413: {  	v35 =	vld [tilespmem:s28+$0x14AC0];
	v3 =	vmul.bf16 v56, v47;
	v56 =	vadd.f32 v50, v39;
	v27 =	vadd.f32 v52, v27  }
0x414: {  	v47 =	vld [tilespmem:s28+$0x14AD0];
	v39 =	vmul.bf16 v57, v48;
	v48 =	vunpack.i.u.bf16.f32 v58;
	v52 =	vunpack.i.l.bf16.f32 v58  }
0x415: {  	v57 =	vld [tilespmem:s28+$0x14A90];
	v31 =	vunpack.i.u.bf16.f32 v3;
	v32 =	vunpack.i.l.bf16.f32 v3;
	v9 =	vmul.bf16 v63, v9  }
0x416: {  	v58 =	vld [tilespmem:s28+$0x13690];
	v45 =	vadd.f32 v56, v27;
	v27 =	vmul.bf16 v34, v26;
	v34 =	vunpack.i.l.bf16.f32 v39  }
0x417: {  	v3 =	vld [tilespmem:s28+$0x136D0];
	v26 =	vmul.bf16 v43, v40;
	v40 =	vunpack.i.u.bf16.f32 v28;
	v28 =	vunpack.i.l.bf16.f32 v28  }
0x418: {  	v54 =	vld [tilespmem:s28+$0x13680];
	v33 =	vmul.bf16 v35, v33;
	v36 =	vunpack.i.u.bf16.f32 v27;
	v27 =	vunpack.i.l.bf16.f32 v27  }
0x419: {  	v50 =	vld [tilespmem:s28+$0x14A20];
	v61 =	vadd.f32 v28, v27;
	v40 =	vadd.f32 v40, v36;
	v27 =	vunpack.i.l.bf16.f32 v26  }
0x41a: {  	v63 =	vld [tilespmem:s28+$0x13610];
	v36 =	vunpack.i.u.bf16.f32 v5;
	v28 =	vunpack.i.u.bf16.f32 v39;
	v39 =	vunpack.i.l.bf16.f32 v5  }
0x41b: {  	(xrf2) =	vadd.scan.msk.f32 $0xffff, v41;
	v43 =	vld [tilespmem:s28+$0x14A80];
	v6 =	vunpack.i.u.bf16.f32 v33;
	v33 =	vunpack.i.l.bf16.f32 v33;
	v41 =	vmul.bf16 v57, v58  }
0x41c: {  	v56 =	vld [tilespmem:s28+$0x149A0];
	v27 =	vadd.f32 v27, v34;
	v3 =	vmul.bf16 v47, v3;
	v47 =	vmul.bf16 v51, v53  }
0x41d: {  	v5 =	vld [tilespmem:s28+$0x135A0];
	v34 =	vmul.bf16 v44, v62;
	v62 =	vunpack.i.u.bf16.f32 v9;
	v61 =	vadd.f32 v38, v61  }
0x41e: {  	v51 =	vld [tilespmem:s28+$0x13640];
	v35 =	vadd.f32 v37, v40;
	v40 =	vunpack.i.u.bf16.f32 v3;
	v3 =	vunpack.i.l.bf16.f32 v3  }
0x41f: {  	v53 =	vld [tilespmem:s28+$0x14A50];
	v9 =	vunpack.i.l.bf16.f32 v9;
	v61 =	vadd.f32 v60, v61;
	v3 =	vadd.f32 v3, v33  }
0x420: {  	v43 =	vmul.bf16 v43, v54;
	v35 =	vadd.f32 v59, v35;
	v59 =	vld [tilespmem:s28+$0x14A40];
	v6 =	vadd.f32 v40, v6  }
0x421: {  	v37 =	vunpack.i.u.bf16.f32 v47;
	v38 =	vunpack.i.l.bf16.f32 v47;
	v60 =	vld [tilespmem:s28+$0x13650];
	v3 =	vadd.f32 v52, v3  }
0x422: {  	v40 =	vadd.f32 v61, v35;
	v6 =	vadd.f32 v48, v6;
	v61 =	vld [tilespmem:s28+$0x13600];
	v48 =	vmul.bf16 v50, v55  }
0x423: {  	v33 =	vunpack.i.u.bf16.f32 v30;
	v35 =	vunpack.i.u.bf16.f32 v34;
	v55 =	vld [tilespmem:s28+$0x14A10];
	v3 =	vadd.f32 v49, v3  }
0x424: {  	(xrf2) =	vadd.scan.msk.f32 $0xffff, v29;
	v6 =	vadd.f32 v42, v6;
	v47 =	vunpack.i.u.bf16.f32 v48;
	v49 =	vunpack.i.l.bf16.f32 v48  }
0x425: {  	(xrf2) =	vadd.scan.msk.f32 $0xffff, v46;
	v46 =	vld [tilespmem:s28+$0x149C0];
	v42 =	vunpack.i.u.bf16.f32 v43;
	v43 =	vunpack.i.l.bf16.f32 v43;
	v51 =	vmul.bf16 v59, v51  }
0x426: {  	v50 =	vld [tilespmem:s28+$0x14980];
	v59 =	vunpack.i.l.bf16.f32 v41;
	v29 =	vmul.bf16 v53, v60;
	v44 =	vadd.f32 v3, v6  }
0x427: {  	v3 =	vmul.bf16 v56, v5;
	v5 =	vld [tilespmem:s28+$0x149E0];
	v43 =	vadd.f32 v59, v43;
	v56 =	vmul.bf16 v25, v61  }
0x428: {  	p1 =	sne.s32 s30, $0x4FC0;
	v6 =	vld [tilespmem:s28+$0x135E0];
	v59 =	vunpack.i.u.bf16.f32 v51;
	v51 =	vunpack.i.l.bf16.f32 v51;
	v54 =	vmul.bf16 v55, v63  }
.Ltmp1:
0x429: {  	v52 =	vld [tilespmem:s28+$0x13580];
	v57 =	vunpack.i.u.bf16.f32 v29;
	v29 =	vunpack.i.l.bf16.f32 v29;
	v48 =	vunpack.i.u.bf16.f32 v3;
	(pc) =	sbr.rel @p1 .LBB2_5-.Ltmp1, $4  }
0x42a: {  	v53 =	vld [tilespmem:s28+$0x14990];
	v61 =	vadd.f32 v29, v51;
	v60 =	vadd.f32 v57, v59;
	v58 =	vunpack.i.u.bf16.f32 v56  }
0x42b: {  	v55 =	vld [tilespmem:s28+$0x13590];
	v56 =	vunpack.i.l.bf16.f32 v56;
	v59 =	vunpack.i.u.bf16.f32 v54;
	v63 =	vunpack.i.l.bf16.f32 v54  }
0x42c: {  	v25, _, _ =	vpop (xrf2);
	v51 =	vunpack.i.l.bf16.f32 v3;
	v54 =	vld [tilespmem:s28+$0x135C0];
	v57 =	vadd.f32 v63, v56;
	v58 =	vadd.f32 v59, v58  }
0x42d: {  	s30 =	sadd.s32 $0x1000, s30;
	(xrf2) =	vadd.scan.msk.f32 $0xffff, v45;
	v56 =	vld [tilespmem:s28+$0x149D0];
	v59 =	vadd.f32 v9, v61;
	v60 =	vadd.f32 v62, v60;
	v29, _, _ =	vpop (xrf2);
	v45 =	vmul.bf16 v5, v6  }
0x42e: {  	v3 =	vmul.bf16 v50, v52;
	v6 =	vadd.f32 v49, v57  }
0x42f: {  	v5 =	vld [tilespmem:s28+$0x135D0];
	v9 =	vadd.f32 v47, v58;
	v30 =	vunpack.i.l.bf16.f32 v30;
	v32 =	vadd.f32 v32, v59  }
0x430: {  	v31 =	vadd.f32 v31, v60;
	v49 =	vunpack.i.u.bf16.f32 v45;
	v57 =	vmul.bf16 v53, v55  }
0x431: {  	v58 =	vunpack.i.u.bf16.f32 v3;
	v6 =	vadd.f32 v39, v6;
	v9 =	vadd.f32 v36, v9  }
0x432: {  	v3 =	vunpack.i.l.bf16.f32 v3;
	v55 =	vadd.f32 v30, v43;
	v60 =	vunpack.i.l.bf16.f32 v57  }
0x433: {  	v61 =	vmul.bf16 v46, v54;
	v59 =	vunpack.i.u.bf16.f32 v57;
	v3 =	vadd.f32 v60, v3  }
0x434: {  	v62 =	vadd.f32 v32, v31;
	v36 =	vadd.f32 v59, v58;
	v5 =	vmul.bf16 v56, v5  }
0x435: {  	v46 =	vunpack.i.u.bf16.f32 v61;
	v47 =	vunpack.i.l.bf16.f32 v61;
	v3 =	vadd.f32 v51, v3  }
0x436: {  	v63 =	vadd.f32 v48, v36;
	v48 =	vunpack.i.u.bf16.f32 v5;
	v5 =	vunpack.i.l.bf16.f32 v5  }
0x437: {  	v51 =	vunpack.i.u.bf16.f32 v41;
	v5 =	vadd.f32 v5, v47;
	v32 =	vadd.f32 v48, v46  }
0x438: {  	v50 =	vunpack.i.l.bf16.f32 v45;
	v6 =	vadd.f32 v6, v9;
	v53 =	vadd.f32 v51, v42  }
0x439: {  	v5 =	vadd.f32 v50, v5;
	v32 =	vadd.f32 v49, v32  }
0x43a: {  	(xrf2) =	vadd.scan.msk.f32 $0xffff, v40;
	v52 =	vunpack.i.l.bf16.f32 v34;
	v3 =	vadd.f32 v38, v3;
	v31 =	vadd.f32 v37, v63  }
0x43b: {  	(xrf2) =	vadd.scan.msk.f32 $0xffff, v44;
	v5 =	vadd.f32 v52, v5;
	v54 =	vadd.f32 v35, v32  }
0x43c: {  	v26 =	vunpack.i.u.bf16.f32 v26;
	(xrf2) =	vadd.scan.msk.f32 $0xffff, v62;
	v56 =	vadd.f32 v33, v53;
	v3 =	vadd.f32 v3, v31  }
0x43d: {  	v57 =	vunpack.i.l.bf16.f32 v23;
	v58 =	vadd.f32 v26, v28;
	(xrf2) =	vadd.scan.msk.f32 $0xffff, v6;
	v5 =	vadd.f32 v5, v54  }
0x43e: {  	v59 =	vadd.f32 v57, v55;
	v61 =	vunpack.i.l.bf16.f32 v21;
	v60 =	vadd.f32 v24, v56;
	(xrf2) =	vadd.scan.msk.f32 $0xffff, v3  }
0x43f: {  	v18 =	vunpack.i.u.bf16.f32 v18;
	v9 =	vadd.f32 v61, v27;
	v62 =	vadd.f32 v22, v58;
	(xrf2) =	vadd.scan.msk.f32 $0xffff, v5  }
0x440: {  	v22 =	vadd.f32 v18, v19;
	v63 =	vunpack.i.l.bf16.f32 v16;
	v32 =	vld [tilespmem:$0x1FF90];
	v3 =	vadd.f32 v59, v60  }
0x441: {  	v14 =	vunpack.i.l.bf16.f32 v14;
	v34 =	vld [tilespmem:$0x1FF80];
	v23, _, _ =	vpop (xrf2);
	v24 =	vadd.f32 v17, v62;
	v5 =	vadd.f32 v63, v9  }
0x442: {  	v11 =	vunpack.i.u.bf16.f32 v11;
	v14 =	vadd.f32 v14, v20;
	v26, _, _ =	vpop (xrf2);
	v36 =	vld [tilespmem:$0x1FF60];
	v6 =	vadd.f32 v15, v22;
	(xrf2) =	vadd.scan.msk.f32 $0xffff, v3  }
0x443: {  	v8 =	vunpack.i.l.bf16.f32 v8;
	v28 =	vadd.f32 v11, v13;
	v27, _, _ =	vpop (xrf2);
	v5 =	vadd.f32 v5, v24  }
0x444: {  	v7 =	vunpack.i.l.bf16.f32 v7;
	v40 =	vld [tilespmem:$0x1FF70];
	v8 =	vadd.f32 v8, v14;
	v30, _, _ =	vpop (xrf2);
	v6 =	vadd.f32 v10, v6  }
0x445: {  	v4 =	vunpack.i.u.bf16.f32 v4;
	v7 =	vadd.f32 v7, v12;
	v31, _, _ =	vpop (xrf2);
	v9 =	vadd.f32 v32, v28;
	(xrf2) =	vadd.scan.msk.f32 $0xffff, v5  }
0x446: {  	v2 =	vunpack.i.l.bf16.f32 v2;
	v4 =	vadd.f32 v4, v34;
	v6 =	vadd.f32 v8, v6;
	v33, _, _ =	vpop (xrf2)  }
0x447: {  	v39 =	vunpack.i.u.bf16.f32 v1;
	v2 =	vadd.f32 v2, v7;
	v35, _, _ =	vpop (xrf2);
	v7 =	vadd.f32 v36, v9  }
0x448: {  	v37 =	vunpack.i.l.bf16.f32 v1;
	v1 =	vadd.f32 v39, v4;
	(xrf2) =	vadd.scan.msk.f32 $0xffff, v6;
	v38, _, _ =	vpop (xrf2)  }
0x449: {  	v44 =	vunpack.i.l.bf16.f32 v0;
	v9 =	vadd.f32 v37, v40;
	v2 =	vadd.f32 v2, v7;
	v42, _, _ =	vpop (xrf2)  }
0x44a: {  	v41 =	vunpack.i.u.bf16.f32 v0;
	v43 =	vbroadcast v38, $0xF;
	v6 =	vbroadcast v42, $0xF  }
0x44b: {  	v1 =	vadd.f32 v41, v1;
	v8 =	vbroadcast v35, $0xF;
	v0 =	vadd.f32 v44, v9;
	(xrf2) =	vadd.scan.msk.f32 $0xffff, v2  }
0x44c: {  	v46 =	vbroadcast v33, $0xF;
	v47, _, _ =	vpop (xrf2);
	v45 =	vsel vm0, v43, v6  }
0x44d: {  	v0 =	vadd.f32 v0, v1;
	v5 =	vbroadcast v47, $0xF;
	v2 =	vsel vm1, v45, v8  }
0x44e: {  	v49 =	vbroadcast v31, $0xF;
	v48 =	vsel vm2, v2, v46  }
0x44f: {  	v50 =	vbroadcast v30, $0xF;
	(xrf2) =	vadd.scan.msk.f32 $0xffff, v0;
	v51, _, _ =	vpop (xrf2);
	v1 =	vsel vm3, v48, v5  }
0x450: {  	v53 =	vbroadcast v51, $0xF;
	v52 =	vsel vm4, v1, v49  }
0x451: {  	v54 =	vbroadcast v27, $0xF;
	v0 =	vsel vm5, v52, v50  }
0x452: {  	v55 =	vbroadcast v26, $0xF;
	v56, _, _ =	vpop (xrf2);
	v0 =	vsel vm6, v0, v53  }
0x453: {  	v57 =	vbroadcast v56, $0xF;
	v0 =	vsel vm7, v0, v54  }
0x454: {  	v58 =	vbroadcast v23, $0xF;
	v0 =	vsel vm8, v0, v55  }
0x455: {  	v59 =	vbroadcast v29, $0xF;
	v60, _, _ =	vpop (xrf2);
	v0 =	vsel vm9, v0, v57  }
0x456: {  	p1 =	seq.s32 s25, $0x3D;
	v61 =	vbroadcast v60, $0xF;
	v0 =	vsel vm10, v0, v58  }
.Ltmp2:
0x457: {  	v62 =	vbroadcast v25, $0xF;
	v0 =	vsel vm11, v0, v59;
	(pc) =	sbr.rel @p1 .LBB2_8-.Ltmp2, $4  }
0x458: {  	v0 =	vsel vm12, v0, v61  }
0x459: {  	v63, _, _ =	vpop (xrf2);
	v0 =	vsel vm13, v0, v62  }
0x45a: {  	s31 =	sadd.s32 $0x10, s29;
	v0 =	vsel vm14, v0, v63  }
0x45b: {  	[tilespmem:s31+$0x0] =	vst v0  }
.Ltmp3:
0x45c: {  	(pc) =	sbr.rel .LBB2_2-.Ltmp3, $4  }
0x45d: {  	s28 =	sadd.s32 $0x9D30, s26;
	s31 =	sadd.s32 $0xC440, s26  }
0x45e: {  	[tilespmem:s16], [sflag:$0x2] =	stream.indirect.gather [spmem:s2], $0x40, s28, s12, $0xb8;
	[tilespmem:$0x16170] =	vst v63  }
0x45f: {  	s25 =	sadd.s32 $0x1, s25;
	s24 =	sadd.s32 $0xA0, s24;
	s23 =	sadd.s32 $0xA0, s23  }
0x460: {  	[tilespmem:s18], [sflag:$0x2] =	stream.indirect.gather [spmem:s2], $0x40, s31, s12, $0xb8;
	[tilespmem:$0x16170] =	vst v63  }
.LBB2_8:
0x461: {  	_ =	swait.ge [sflag:s19], $0x1400  }
0x462: {  	[sflag:s19] =	ssyncset.done $0x0  }
0x463: {  	[sflag:s19] =	ssyncadd.s32 $0xFFFFEC00  }
0x464: {  	_ =	swait.ge [sflag:s19], $0x1400  }
0x465: {  	[sflag:s19] =	ssyncset.done $0x0  }
0x466: {  	s23 =	simm.s32 $0x3F0;
	[sflag:s19] =	ssyncadd.s32 $0xFFFFEC00  }
0x467: {  	v0 =	vld [tilespmem:s23+$0x12570]  }
0x468: {  	v1 =	vld [tilespmem:s23+$0x11170]  }
0x469: {  	v2 =	vld [tilespmem:s23+$0x12530]  }
0x46a: {  	v3 =	vld [tilespmem:s23+$0x11130]  }
0x46b: {  	v4 =	vld [tilespmem:s23+$0x12560]  }
0x46c: {  	v5 =	vld [tilespmem:s23+$0x11160]  }
0x46d: {  	v6 =	vld [tilespmem:s23+$0x124F0]  }
0x46e: {  	v7 =	vld [tilespmem:s23+$0x110F0]  }
0x46f: {  	v8 =	vld [tilespmem:s23+$0x124B0]  }
0x470: {  	v9 =	vld [tilespmem:s23+$0x110B0]  }
0x471: {  	v10 =	vld [tilespmem:s23+$0x12520]  }
0x472: {  	v11 =	vld [tilespmem:s23+$0x11120]  }
0x473: {  	v12 =	vld [tilespmem:s23+$0x12540]  }
0x474: {  	v13 =	vld [tilespmem:s23+$0x11140]  }
0x475: {  	v14 =	vld [tilespmem:s23+$0x12550]  }
0x476: {  	v15 =	vld [tilespmem:s23+$0x11150]  }
0x477: {  	v16 =	vld [tilespmem:s23+$0x12470]  }
0x478: {  	v17 =	vld [tilespmem:s23+$0x11070]  }
0x479: {  	v18 =	vld [tilespmem:s23+$0x124E0]  }
0x47a: {  	v19 =	vld [tilespmem:s23+$0x110E0]  }
0x47b: {  	v20 =	vld [tilespmem:s23+$0x12430]  }
0x47c: {  	v21 =	vld [tilespmem:s23+$0x11030]  }
0x47d: {  	v22 =	vld [tilespmem:s23+$0x124A0]  }
0x47e: {  	v24 =	vld [tilespmem:s23+$0x110A0]  }
0x47f: {  	v23 =	vld [tilespmem:s23+$0x12500]  }
0x480: {  	v25 =	vld [tilespmem:s23+$0x11100]  }
0x481: {  	v26 =	vld [tilespmem:s23+$0x12510]  }
0x482: {  	v27 =	vld [tilespmem:s23+$0x11110]  }
0x483: {  	v28 =	vld [tilespmem:s23+$0x123F0]  }
0x484: {  	v29 =	vld [tilespmem:s23+$0x10FF0]  }
0x485: {  	v30 =	vld [tilespmem:s23+$0x12460]  }
0x486: {  	v31 =	vld [tilespmem:s23+$0x11060]  }
0x487: {  	v32 =	vld [tilespmem:s23+$0x124C0]  }
0x488: {  	v33 =	vld [tilespmem:s23+$0x110C0]  }
0x489: {  	v34 =	vld [tilespmem:s23+$0x124D0]  }
0x48a: {  	v35 =	vld [tilespmem:s23+$0x110D0]  }
0x48b: {  	v36 =	vld [tilespmem:s23+$0x123B0]  }
0x48c: {  	v37 =	vld [tilespmem:s23+$0x10FB0]  }
0x48d: {  	v38 =	vld [tilespmem:s23+$0x12420]  }
0x48e: {  	v39 =	vld [tilespmem:s23+$0x11020]  }
0x48f: {  	v40 =	vld [tilespmem:s23+$0x12480]  }
0x490: {  	v41 =	vld [tilespmem:s23+$0x11080]  }
0x491: {  	v42 =	vld [tilespmem:s23+$0x12490]  }
0x492: {  	v43 =	vld [tilespmem:s23+$0x11090]  }
0x493: {  	v44 =	vld [tilespmem:s23+$0x12370]  }
0x494: {  	v45 =	vld [tilespmem:s23+$0x10F70]  }
0x495: {  	v46 =	vld [tilespmem:s23+$0x123E0]  }
0x496: {  	v47 =	vld [tilespmem:s23+$0x10FE0]  }
0x497: {  	v48 =	vld [tilespmem:s23+$0x12440]  }
0x498: {  	v49 =	vld [tilespmem:s23+$0x11040]  }
0x499: {  	v50 =	vld [tilespmem:s23+$0x12450]  }
0x49a: {  	v51 =	vld [tilespmem:s23+$0x11050]  }
0x49b: {  	v56 =	vld [tilespmem:s23+$0x12400]  }
0x49c: {  	v59 =	vld [tilespmem:s23+$0x11000];
	v3 =	vmul.bf16 v2, v3  }
0x49d: {  	v52 =	vld [tilespmem:s23+$0x12330];
	v0 =	vmul.bf16 v0, v1;
	v8 =	vmul.bf16 v8, v9  }
0x49e: {  	v53 =	vld [tilespmem:s23+$0x10F30];
	v2 =	vmul.bf16 v6, v7;
	v6 =	vmul.bf16 v12, v13  }
0x49f: {  	v54 =	vld [tilespmem:s23+$0x123A0];
	v7 =	vmul.bf16 v23, v25;
	v12 =	vmul.bf16 v16, v17  }
0x4a0: {  	v23 =	vld [tilespmem:s23+$0x122F0];
	v16 =	vmul.bf16 v28, v29;
	v17 =	vmul.bf16 v30, v31  }
0x4a1: {  	v25 =	vld [tilespmem:s23+$0x10EF0];
	v46 =	vmul.bf16 v46, v47;
	v56 =	vmul.bf16 v56, v59;
	v57 =	vunpack.i.u.bf16.f32 v3  }
0x4a2: {  	v59 =	vld [tilespmem:s23+$0x122A0];
	v58 =	vunpack.i.l.bf16.f32 v3;
	v3 =	vmul.bf16 v4, v5;
	v60 =	vunpack.i.u.bf16.f32 v8  }
0x4a3: {  	v47 =	vld [tilespmem:s23+$0x10EA0];
	[tilespmem:$0x1FEF0] =	vst v0;
	v0 =	vunpack.i.u.bf16.f32 v2;
	v5 =	vmul.bf16 v10, v11;
	v62 =	vunpack.i.l.bf16.f32 v8  }
0x4a4: {  	v55 =	vld [tilespmem:s23+$0x10FA0];
	v4 =	vmul.bf16 v14, v15;
	v8 =	vmul.bf16 v26, v27;
	v13 =	vunpack.i.u.bf16.f32 v7  }
0x4a5: {  	v26 =	vld [tilespmem:s23+$0x12360];
	v7 =	vunpack.i.l.bf16.f32 v7;
	v30 =	vunpack.i.u.bf16.f32 v16;
	v9 =	vunpack.i.u.bf16.f32 v5  }
0x4a6: {  	v27 =	vld [tilespmem:s23+$0x10F60];
	v10 =	vunpack.i.l.bf16.f32 v5;
	v5 =	vunpack.i.l.bf16.f32 v6;
	v11 =	vunpack.i.l.bf16.f32 v4  }
0x4a7: {  	v61 =	vld [tilespmem:s23+$0x12410];
	v2 =	vunpack.i.l.bf16.f32 v2;
	v5 =	vadd.f32 v11, v5;
	v11 =	vunpack.i.u.bf16.f32 v8  }
0x4a8: {  	v63 =	vld [tilespmem:s23+$0x11010];
	v8 =	vunpack.i.l.bf16.f32 v8;
	v25 =	vmul.bf16 v23, v25;
	v47 =	vmul.bf16 v59, v47  }
0x4a9: {  	v15 =	vld [tilespmem:s23+$0x123D0];
	v14 =	vadd.f32 v8, v7;
	v11 =	vadd.f32 v11, v13;
	v8 =	vmul.bf16 v20, v21  }
0x4aa: {  	[tilespmem:$0x1FEE0] =	vst v0;
	v0 =	vld [tilespmem:s23+$0x10FD0];
	v20 =	vunpack.i.u.bf16.f32 v12;
	v7 =	vmul.bf16 v18, v19;
	v19 =	vunpack.i.l.bf16.f32 v12  }
0x4ab: {  	v28 =	vld [tilespmem:s23+$0x122B0];
	v23 =	vmul.bf16 v26, v27;
	v1 =	vunpack.i.l.bf16.f32 v25;
	v59 =	vunpack.i.u.bf16.f32 v47  }
0x4ac: {  	v29 =	vld [tilespmem:s23+$0x10EB0];
	v12 =	vadd.f32 v10, v14;
	v14 =	vmul.bf16 v22, v24;
	v24 =	vmul.bf16 v32, v33  }
0x4ad: {  	v31 =	vld [tilespmem:s23+$0x12320];
	v11 =	vadd.f32 v9, v11;
	v32 =	vmul.bf16 v42, v43;
	v33 =	vmul.bf16 v36, v37  }
0x4ae: {  	v13 =	vld [tilespmem:s23+$0x123C0];
	v9 =	vunpack.i.u.bf16.f32 v7;
	v42 =	vmul.bf16 v48, v49;
	v48 =	vmul.bf16 v50, v51  }
0x4af: {  	v21 =	vld [tilespmem:s23+$0x10FC0];
	v0 =	vmul.bf16 v15, v0;
	v15 =	vunpack.i.l.bf16.f32 v56;
	v7 =	vunpack.i.l.bf16.f32 v7  }
0x4b0: {  	v36 =	vld [tilespmem:s23+$0x10F80];
	v12 =	vadd.f32 v58, v12;
	v11 =	vadd.f32 v57, v11;
	v22 =	vunpack.i.u.bf16.f32 v14  }
0x4b1: {  	v49 =	vld [tilespmem:s23+$0x12270];
	v14 =	vunpack.i.l.bf16.f32 v14;
	v57 =	vunpack.i.l.bf16.f32 v16;
	v58 =	vunpack.i.u.bf16.f32 v17  }
0x4b2: {  	v50 =	vld [tilespmem:s23+$0x10E70];
	v16 =	vmul.bf16 v40, v41;
	v40 =	vunpack.i.l.bf16.f32 v32;
	v32 =	vunpack.i.u.bf16.f32 v32  }
0x4b3: {  	v41 =	vld [tilespmem:s23+$0x12390];
	v18 =	vadd.f32 v12, v11;
	v11 =	vmul.bf16 v34, v35;
	v12 =	vunpack.i.u.bf16.f32 v24  }
0x4b4: {  	v34 =	vld [tilespmem:s23+$0x10F20];
	v24 =	vunpack.i.l.bf16.f32 v24;
	v37 =	vunpack.i.u.bf16.f32 v16;
	v16 =	vunpack.i.l.bf16.f32 v16  }
0x4b5: {  	v35 =	vld [tilespmem:s23+$0x12380];
	v16 =	vadd.f32 v40, v16;
	v37 =	vadd.f32 v32, v37;
	v43 =	vunpack.i.l.bf16.f32 v11  }
0x4b6: {  	v13 =	vmul.bf16 v13, v21;
	v40 =	vld [tilespmem:s23+$0x10F90];
	v32 =	vadd.f32 v43, v24;
	v24 =	vunpack.i.u.bf16.f32 v42  }
0x4b7: {  	v43 =	vadd.f32 v14, v16;
	v22 =	vadd.f32 v22, v37;
	v16 =	vunpack.i.l.bf16.f32 v42;
	v42 =	vld [tilespmem:s23+$0x122E0]  }
0x4b8: {  	v37 =	vunpack.i.l.bf16.f32 v48;
	v48 =	vunpack.i.u.bf16.f32 v48;
	v14 =	vmul.bf16 v38, v39;
	v38 =	vld [tilespmem:s23+$0x10EE0]  }
0x4b9: {  	v17 =	vunpack.i.l.bf16.f32 v17;
	v51 =	vunpack.i.l.bf16.f32 v33;
	v24 =	vadd.f32 v48, v24;
	v48 =	vld [tilespmem:s23+$0x12340]  }
0x4ba: {  	v21 =	vunpack.i.u.bf16.f32 v13;
	v37 =	vadd.f32 v37, v16;
	v16 =	vmul.bf16 v44, v45;
	v44 =	vld [tilespmem:s23+$0x10F40]  }
0x4bb: {  	v13 =	vunpack.i.l.bf16.f32 v13;
	v11 =	vunpack.i.u.bf16.f32 v11;
	v39 =	vunpack.i.u.bf16.f32 v33;
	v45 =	vld [tilespmem:s23+$0x12350]  }
0x4bc: {  	v11 =	vadd.f32 v11, v12;
	v43 =	vadd.f32 v62, v43;
	v62 =	vmul.bf16 v52, v53;
	v52 =	vld [tilespmem:s23+$0x12230]  }
0x4bd: {  	v22 =	vadd.f32 v60, v22;
	v33 =	vunpack.i.u.bf16.f32 v14;
	v53 =	vmul.bf16 v54, v55;
	v55 =	vld [tilespmem:s23+$0x10E30]  }
0x4be: {  	v54 =	vunpack.i.u.bf16.f32 v46;
	v46 =	vunpack.i.l.bf16.f32 v46;
	v60 =	vld [tilespmem:s23+$0x12300];
	v35 =	vmul.bf16 v35, v36  }
0x4bf: {  	v36 =	vld [tilespmem:s23+$0x12310];
	v31 =	vmul.bf16 v31, v34;
	v34 =	vmul.bf16 v49, v50;
	v7 =	vadd.f32 v7, v32  }
0x4c0: {  	v50 =	vld [tilespmem:s23+$0x12220];
	v14 =	vunpack.i.l.bf16.f32 v14;
	v37 =	vadd.f32 v17, v37;
	v24 =	vadd.f32 v58, v24  }
0x4c1: {  	v40 =	vmul.bf16 v41, v40;
	v41 =	vld [tilespmem:s23+$0x121B0];
	v22 =	vadd.f32 v43, v22;
	v58 =	vunpack.i.u.bf16.f32 v62  }
0x4c2: {  	v43 =	vld [tilespmem:s23+$0x10F50];
	v26 =	vunpack.i.u.bf16.f32 v35;
	v2 =	vadd.f32 v2, v7;
	v37 =	vadd.f32 v19, v37  }
0x4c3: {  	v20 =	vadd.f32 v20, v24;
	v19 =	vmul.bf16 v61, v63;
	v61 =	vunpack.i.u.bf16.f32 v0;
	v63 =	vld [tilespmem:s23+$0x121F0]  }
0x4c4: {  	v0 =	vunpack.i.l.bf16.f32 v0;
	v27 =	vunpack.i.u.bf16.f32 v40;
	v44 =	vmul.bf16 v48, v44;
	v48 =	vld [tilespmem:s23+$0x10ED0]  }
0x4c5: {  	v0 =	vadd.f32 v0, v13;
	v24 =	vadd.f32 v37, v20;
	v37 =	vunpack.i.l.bf16.f32 v62;
	v62 =	vld [tilespmem:s23+$0x10F10]  }
0x4c6: {  	v61 =	vadd.f32 v61, v21;
	v20 =	vunpack.i.l.bf16.f32 v19;
	v52 =	vmul.bf16 v52, v55;
	v55 =	vld [tilespmem:s23+$0x12290]  }
0x4c7: {  	v17 =	vunpack.i.u.bf16.f32 v16;
	v27 =	vadd.f32 v27, v26;
	v20 =	vadd.f32 v20, v15;
	v15 =	vld [tilespmem:s23+$0x10F00]  }
0x4c8: {  	v13 =	vunpack.i.u.bf16.f32 v53;
	v0 =	vadd.f32 v46, v0;
	v46 =	vadd.f32 v54, v61;
	v54 =	vld [tilespmem:s23+$0x10DB0]  }
0x4c9: {  	v21 =	vunpack.i.u.bf16.f32 v56;
	v56 =	vunpack.i.l.bf16.f32 v35;
	v61 =	vunpack.i.l.bf16.f32 v40;
	v40 =	vld [tilespmem:s23+$0x10DF0]  }
0x4ca: {  	v53 =	vunpack.i.l.bf16.f32 v53;
	v13 =	vadd.f32 v13, v27;
	v35 =	vadd.f32 v61, v56;
	v61 =	vld [tilespmem:s23+$0x12260]  }
0x4cb: {  	v26 =	vmul.bf16 v28, v29;
	v0 =	vadd.f32 v57, v0;
	v28 =	vadd.f32 v30, v46;
	v46 =	vld [tilespmem:s23+$0x10E60]  }
0x4cc: {  	v49 =	vunpack.i.l.bf16.f32 v31;
	v13 =	vadd.f32 v39, v13;
	v39 =	vld [tilespmem:s23+$0x122D0];
	v30 =	vadd.f32 v53, v35  }
0x4cd: {  	v38 =	vmul.bf16 v42, v38;
	v42 =	vunpack.i.u.bf16.f32 v31;
	v56 =	vunpack.i.u.bf16.f32 v25;
	v35 =	vld [tilespmem:s23+$0x122C0]  }
0x4ce: {  	v53 =	vld [tilespmem:s23+$0x10E80];
	v29 =	vadd.f32 v0, v28;
	v28 =	vadd.f32 v51, v30;
	v15 =	vmul.bf16 v60, v15  }
0x4cf: {  	v0 =	vld [tilespmem:s23+$0x10EC0];
	v30 =	vmul.bf16 v36, v62;
	v36 =	vunpack.i.u.bf16.f32 v34;
	v34 =	vunpack.i.l.bf16.f32 v34  }
0x4d0: {  	v51 =	vld [tilespmem:s23+$0x10E20];
	v41 =	vmul.bf16 v41, v54;
	v31 =	vadd.f32 v28, v13;
	v13 =	vunpack.i.l.bf16.f32 v44  }
0x4d1: {  	v54 =	vld [tilespmem:s23+$0x10E40];
	v28 =	vmul.bf16 v45, v43;
	v57 =	vunpack.i.l.bf16.f32 v15;
	v60 =	vunpack.i.l.bf16.f32 v30  }
0x4d2: {  	v43 =	vld [tilespmem:s23+$0x12280];
	v15 =	vunpack.i.u.bf16.f32 v15;
	v30 =	vunpack.i.u.bf16.f32 v30;
	v39 =	vmul.bf16 v39, v48  }
0x4d3: {  	v48 =	vld [tilespmem:s23+$0x10DA0];
	v45 =	vadd.f32 v60, v57;
	v15 =	vadd.f32 v30, v15;
	v30 =	vunpack.i.l.bf16.f32 v28  }
0x4d4: {  	v40 =	vmul.bf16 v63, v40;
	v46 =	vmul.bf16 v61, v46;
	v30 =	vadd.f32 v30, v13;
	v13 =	vld [tilespmem:s23+$0x10E90]  }
0x4d5: {  	v0 =	vmul.bf16 v35, v0;
	v45 =	vadd.f32 v49, v45;
	v15 =	vadd.f32 v42, v15;
	v42 =	vld [tilespmem:s23+$0x121A0]  }
0x4d6: {  	v35 =	vunpack.i.u.bf16.f32 v52;
	v60 =	vunpack.i.l.bf16.f32 v39;
	v50 =	vmul.bf16 v50, v51;
	v51 =	vld [tilespmem:s23+$0x12210]  }
0x4d7: {  	v39 =	vunpack.i.u.bf16.f32 v39;
	v52 =	vunpack.i.l.bf16.f32 v52;
	v37 =	vadd.f32 v37, v45;
	v45 =	vld [tilespmem:s23+$0x12240]  }
0x4d8: {  	v62 =	vunpack.i.l.bf16.f32 v0;
	v0 =	vunpack.i.u.bf16.f32 v0;
	v15 =	vadd.f32 v58, v15;
	v58 =	vld [tilespmem:s23+$0x12250]  }
0x4d9: {  	v49 =	vunpack.i.u.bf16.f32 v38;
	v57 =	vadd.f32 v60, v62;
	v0 =	vadd.f32 v39, v0;
	v39 =	vld [tilespmem:s23+$0x10E50]  }
0x4da: {  	v38 =	vunpack.i.l.bf16.f32 v38;
	v62 =	vld [tilespmem:s23+$0x10E10];
	v43 =	vmul.bf16 v43, v53;
	v15 =	vadd.f32 v37, v15  }
0x4db: {  	v37 =	vld [tilespmem:s23+$0x12200];
	v38 =	vadd.f32 v38, v57;
	v57 =	vunpack.i.u.bf16.f32 v41;
	v0 =	vadd.f32 v49, v0  }
0x4dc: {  	v49 =	vld [tilespmem:s23+$0x10E00];
	v53 =	vunpack.i.l.bf16.f32 v43;
	v43 =	vunpack.i.u.bf16.f32 v43;
	v13 =	vmul.bf16 v55, v13  }
0x4dd: {  	v42 =	vmul.bf16 v42, v48;
	v1 =	vadd.f32 v1, v38;
	v0 =	vadd.f32 v56, v0  }
0x4de: {  	v56 =	vunpack.i.u.bf16.f32 v46;
	v63 =	vunpack.i.l.bf16.f32 v13;
	v39 =	vmul.bf16 v58, v39  }
0x4df: {  	v48 =	vld [tilespmem:s23+$0x10DE0];
	v38 =	vmul.bf16 v51, v62;
	v13 =	vunpack.i.u.bf16.f32 v13;
	v0 =	vadd.f32 v1, v0  }
0x4e0: {  	v1 =	vmul.bf16 v45, v54;
	v45 =	vld [tilespmem:s23+$0x121E0];
	v53 =	vadd.f32 v63, v53;
	v13 =	vadd.f32 v13, v43  }
0x4e1: {  	v55 =	vld [tilespmem:s23+$0x10D80];
	v37 =	vmul.bf16 v37, v49;
	v62 =	vunpack.i.l.bf16.f32 v39;
	v39 =	vunpack.i.u.bf16.f32 v39  }
0x4e2: {  	v49 =	vld [tilespmem:s23+$0x12180];
	v61 =	vunpack.i.l.bf16.f32 v1;
	v1 =	vunpack.i.u.bf16.f32 v1;
	v13 =	vadd.f32 v59, v13  }
0x4e3: {  	v46 =	vunpack.i.l.bf16.f32 v46;
	v54 =	vld [tilespmem:s23+$0x12190];
	v51 =	vadd.f32 v62, v61;
	v1 =	vadd.f32 v39, v1  }
0x4e4: {  	v63 =	vunpack.i.l.bf16.f32 v37;
	v61 =	vunpack.i.l.bf16.f32 v38;
	v62 =	vld [tilespmem:s23+$0x10D90];
	v37 =	vunpack.i.u.bf16.f32 v37  }
0x4e5: {  	v38 =	vunpack.i.u.bf16.f32 v38;
	v39 =	vadd.f32 v61, v63;
	v45 =	vmul.bf16 v45, v48;
	v48 =	vld [tilespmem:s23+$0x121C0]  }
0x4e6: {  	v41 =	vunpack.i.l.bf16.f32 v41;
	v37 =	vadd.f32 v38, v37;
	v46 =	vadd.f32 v46, v51;
	v51 =	vld [tilespmem:s23+$0x10DC0]  }
0x4e7: {  	v63 =	vunpack.i.u.bf16.f32 v50;
	v50 =	vunpack.i.l.bf16.f32 v50;
	v49 =	vmul.bf16 v49, v55;
	v55 =	vld [tilespmem:s23+$0x121D0]  }
0x4e8: {  	v1 =	vadd.f32 v56, v1;
	v56 =	vunpack.i.u.bf16.f32 v42;
	v39 =	vadd.f32 v50, v39;
	v50 =	vld [tilespmem:s23+$0x10DD0]  }
0x4e9: {  	v42 =	vunpack.i.l.bf16.f32 v42;
	v37 =	vadd.f32 v63, v37;
	v58 =	vmul.bf16 v54, v62  }
0x4ea: {  	v34 =	vadd.f32 v34, v46;
	v1 =	vadd.f32 v36, v1;
	v61 =	vunpack.i.u.bf16.f32 v49  }
0x4eb: {  	v35 =	vadd.f32 v35, v37;
	v62 =	vunpack.i.l.bf16.f32 v49;
	v38 =	vunpack.i.l.bf16.f32 v58  }
0x4ec: {  	v63 =	vunpack.i.u.bf16.f32 v58;
	v48 =	vmul.bf16 v48, v51;
	v37 =	vadd.f32 v38, v62  }
0x4ed: {  	(xrf2) =	vadd.scan.msk.f32 $0xffff, v18;
	v39 =	vadd.f32 v52, v39;
	v36 =	vadd.f32 v63, v61;
	v49 =	vmul.bf16 v55, v50  }
0x4ee: {  	(xrf2) =	vadd.scan.msk.f32 $0xffff, v22;
	v51 =	vunpack.i.u.bf16.f32 v48;
	v22 =	vunpack.i.l.bf16.f32 v48;
	v18 =	vadd.f32 v42, v37  }
0x4ef: {  	v50 =	vadd.f32 v56, v36;
	v52 =	vunpack.i.u.bf16.f32 v49;
	v54 =	vunpack.i.l.bf16.f32 v49  }
0x4f0: {  	(xrf2) =	vadd.scan.msk.f32 $0xffff, v24;
	v55 =	vunpack.i.u.bf16.f32 v45;
	v22 =	vadd.f32 v54, v22;
	v24 =	vadd.f32 v52, v51  }
0x4f1: {  	(xrf2) =	vadd.scan.msk.f32 $0xffff, v29;
	v56 =	vunpack.i.l.bf16.f32 v45;
	v18 =	vadd.f32 v41, v18;
	v29 =	vadd.f32 v57, v50  }
0x4f2: {  	(xrf2) =	vadd.scan.msk.f32 $0xffff, v31;
	v60 =	vunpack.i.u.bf16.f32 v40;
	v22 =	vadd.f32 v56, v22;
	v24 =	vadd.f32 v55, v24  }
0x4f3: {  	(xrf2) =	vadd.scan.msk.f32 $0xffff, v15;
	v1 =	vadd.f32 v34, v1;
	v15 =	vadd.f32 v18, v29;
	v18 =	vunpack.i.l.bf16.f32 v40  }
0x4f4: {  	(xrf2) =	vadd.scan.msk.f32 $0xffff, v0;
	v0 =	vadd.f32 v18, v22;
	v18 =	vadd.f32 v60, v24;
	v22 =	vunpack.i.l.bf16.f32 v47  }
0x4f5: {  	v27 =	vunpack.i.u.bf16.f32 v26;
	v35 =	vadd.f32 v39, v35;
	(xrf2) =	vadd.scan.msk.f32 $0xffff, v1;
	v1 =	vadd.f32 v22, v53  }
0x4f6: {  	v44 =	vunpack.i.u.bf16.f32 v44;
	v0 =	vadd.f32 v0, v18;
	v18 =	vunpack.i.l.bf16.f32 v26  }
0x4f7: {  	v13 =	vadd.f32 v27, v13;
	(xrf2) =	vadd.scan.msk.f32 $0xffff, v35;
	v22 =	vunpack.i.u.bf16.f32 v28;
	v1 =	vadd.f32 v18, v1  }
0x4f8: {  	v19 =	vunpack.i.u.bf16.f32 v19;
	(xrf2) =	vadd.scan.msk.f32 $0xffff, v15;
	v15 =	vunpack.i.l.bf16.f32 v23;
	v22 =	vadd.f32 v22, v44  }
0x4f9: {  	v25 =	vunpack.i.u.bf16.f32 v23;
	v15 =	vadd.f32 v15, v30;
	v18, _, _ =	vpop (xrf2);
	(xrf2) =	vadd.scan.msk.f32 $0xffff, v0;
	v1 =	vadd.f32 v1, v13  }
0x4fa: {  	v7 =	vld [tilespmem:$0x1FEE0];
	v22 =	vadd.f32 v25, v22;
	v13 =	vunpack.i.l.bf16.f32 v16;
	v16 =	vadd.f32 v19, v21;
	v0, _, _ =	vpop (xrf2)  }
0x4fb: {  	v14 =	vadd.f32 v14, v20;
	v13 =	vadd.f32 v13, v15;
	v19, _, _ =	vpop (xrf2)  }
0x4fc: {  	v15 =	vadd.f32 v17, v22;
	v16 =	vadd.f32 v33, v16;
	v17, _, _ =	vpop (xrf2)  }
0x4fd: {  	v10 =	vunpack.i.u.bf16.f32 v8;
	v9 =	vadd.f32 v9, v11;
	(xrf2) =	vadd.scan.msk.f32 $0xffff, v1;
	v1, _, _ =	vpop (xrf2)  }
0x4fe: {  	v6 =	vunpack.i.u.bf16.f32 v6;
	v8 =	vunpack.i.l.bf16.f32 v8;
	v10 =	vadd.f32 v10, v16;
	v12, _, _ =	vpop (xrf2)  }
0x4ff: {  	v7 =	vadd.f32 v7, v9;
	v8 =	vadd.f32 v8, v14;
	v14, _, _ =	vpop (xrf2)  }
0x500: {  	v4 =	vunpack.i.u.bf16.f32 v4;
	v11, _, _ =	vpop (xrf2)  }
0x501: {  	v4 =	vadd.f32 v4, v6;
	v13 =	vadd.f32 v13, v15;
	v6, _, _ =	vpop (xrf2)  }
0x502: {  	v9 =	vunpack.i.l.bf16.f32 v3;
	v8 =	vadd.f32 v8, v10;
	v10, _, _ =	vpop (xrf2)  }
0x503: {  	v5 =	vadd.f32 v9, v5;
	v9 =	vld [tilespmem:$0x1FEF0];
	v2 =	vadd.f32 v2, v7;
	(xrf2) =	vadd.scan.msk.f32 $0xffff, v13;
	v7, _, _ =	vpop (xrf2)  }
0x504: {  	v7 =	vbroadcast v7, $0xF;
	_ =	sdelay $0x1  }
0x505: {  	(xrf2) =	vadd.scan.msk.f32 $0xffff, v8;
	v8 =	vbroadcast v10, $0xF  }
0x506: {  	v3 =	vunpack.i.u.bf16.f32 v3;
	v6 =	vbroadcast v6, $0xF  }
0x507: {  	v3 =	vadd.f32 v3, v4;
	v4 =	vunpack.i.u.bf16.f32 v9;
	(xrf2) =	vadd.scan.msk.f32 $0xffff, v2;
	v2 =	vsel vm0, v8, v7;
	v7, _, _ =	vpop (xrf2)  }
0x508: {  	v9 =	vunpack.i.l.bf16.f32 v9;
	v2 =	vsel vm1, v2, v6;
	v6 =	vbroadcast v7, $0xF  }
0x509: {  	v5 =	vadd.f32 v9, v5;
	v3 =	vadd.f32 v4, v3;
	v4 =	vbroadcast v11, $0xF;
	_ =	sdelay $0x1  }
0x50a: {  	v3 =	vadd.f32 v5, v3;
	v2 =	vsel vm2, v2, v4;
	v4 =	vbroadcast v14, $0xF  }
0x50b: {  	v5 =	vbroadcast v12, $0xF;
	v2 =	vsel vm3, v2, v6;
	v6, _, _ =	vpop (xrf2)  }
0x50c: {  	v2 =	vsel vm4, v2, v4;
	(xrf2) =	vadd.scan.msk.f32 $0xffff, v3;
	v3 =	vbroadcast v6, $0xF  }
0x50d: {  	v1 =	vbroadcast v1, $0xF;
	v2 =	vsel vm5, v2, v5  }
0x50e: {  	v4, _, _ =	vpop (xrf2);
	v2 =	vsel vm6, v2, v3;
	v3 =	vbroadcast v17, $0xF  }
0x50f: {  	v1 =	vsel vm7, v2, v1;
	v2 =	vbroadcast v4, $0xF  }
0x510: {  	v1 =	vsel vm8, v1, v3;
	v3 =	vbroadcast v19, $0xF  }
0x511: {  	v0 =	vbroadcast v0, $0xF;
	v1 =	vsel vm9, v1, v2  }
0x512: {  	v1 =	vsel vm10, v1, v3  }
0x513: {  	v2, _, _ =	vpop (xrf2);
	v0 =	vsel vm11, v1, v0;
	v1 =	vbroadcast v18, $0xF  }
0x514: {  	v2 =	vbroadcast v2, $0xF;
	_ =	sdelay $0x1  }
0x515: {  	v0 =	vsel vm12, v0, v2  }
0x516: {  	v0 =	vsel vm13, v0, v1;
	v1, _, _ =	vpop (xrf2)  }
0x517: {  	s23 =	simm.s32 $0x11120;
	v0 =	vsel vm14, v0, v1  }
0x518: {  	s24 =	simm.s32 $0x7F0;
	[tilespmem:s23+$0x0] =	vst v0  }
0x519: {  	v0 =	vld [tilespmem:s24+$0x12570]  }
0x51a: {  	v1 =	vld [tilespmem:s24+$0x11170]  }
0x51b: {  	v2 =	vld [tilespmem:s24+$0x12530]  }
0x51c: {  	v3 =	vld [tilespmem:s24+$0x11130]  }
0x51d: {  	v4 =	vld [tilespmem:s24+$0x12560]  }
0x51e: {  	v5 =	vld [tilespmem:s24+$0x11160]  }
0x51f: {  	v6 =	vld [tilespmem:s24+$0x124F0]  }
0x520: {  	v7 =	vld [tilespmem:s24+$0x110F0]  }
0x521: {  	v8 =	vld [tilespmem:s24+$0x124B0]  }
0x522: {  	v9 =	vld [tilespmem:s24+$0x110B0]  }
0x523: {  	v10 =	vld [tilespmem:s24+$0x12520]  }
0x524: {  	v11 =	vld [tilespmem:s24+$0x11120]  }
0x525: {  	v12 =	vld [tilespmem:s24+$0x12540]  }
0x526: {  	v13 =	vld [tilespmem:s24+$0x11140]  }
0x527: {  	v14 =	vld [tilespmem:s24+$0x12550]  }
0x528: {  	v15 =	vld [tilespmem:s24+$0x11150]  }
0x529: {  	v16 =	vld [tilespmem:s24+$0x12470]  }
0x52a: {  	v17 =	vld [tilespmem:s24+$0x11070]  }
0x52b: {  	v18 =	vld [tilespmem:s24+$0x124E0]  }
0x52c: {  	v19 =	vld [tilespmem:s24+$0x110E0]  }
0x52d: {  	v20 =	vld [tilespmem:s24+$0x12430]  }
0x52e: {  	v21 =	vld [tilespmem:s24+$0x11030]  }
0x52f: {  	v22 =	vld [tilespmem:s24+$0x124A0]  }
0x530: {  	v23 =	vld [tilespmem:s24+$0x110A0]  }
0x531: {  	v24 =	vld [tilespmem:s24+$0x12500]  }
0x532: {  	v25 =	vld [tilespmem:s24+$0x11100]  }
0x533: {  	v26 =	vld [tilespmem:s24+$0x12510]  }
0x534: {  	v27 =	vld [tilespmem:s24+$0x11110]  }
0x535: {  	v28 =	vld [tilespmem:s24+$0x123F0]  }
0x536: {  	v29 =	vld [tilespmem:s24+$0x10FF0]  }
0x537: {  	v30 =	vld [tilespmem:s24+$0x12460]  }
0x538: {  	v31 =	vld [tilespmem:s24+$0x11060]  }
0x539: {  	v32 =	vld [tilespmem:s24+$0x124C0]  }
0x53a: {  	v33 =	vld [tilespmem:s24+$0x110C0]  }
0x53b: {  	v34 =	vld [tilespmem:s24+$0x124D0]  }
0x53c: {  	v35 =	vld [tilespmem:s24+$0x110D0]  }
0x53d: {  	v36 =	vld [tilespmem:s24+$0x123B0]  }
0x53e: {  	v37 =	vld [tilespmem:s24+$0x10FB0]  }
0x53f: {  	v38 =	vld [tilespmem:s24+$0x12420]  }
0x540: {  	v39 =	vld [tilespmem:s24+$0x11020]  }
0x541: {  	v40 =	vld [tilespmem:s24+$0x12480]  }
0x542: {  	v41 =	vld [tilespmem:s24+$0x11080]  }
0x543: {  	v42 =	vld [tilespmem:s24+$0x12490]  }
0x544: {  	v43 =	vld [tilespmem:s24+$0x11090]  }
0x545: {  	v44 =	vld [tilespmem:s24+$0x12370]  }
0x546: {  	v45 =	vld [tilespmem:s24+$0x10F70]  }
0x547: {  	v46 =	vld [tilespmem:s24+$0x123E0]  }
0x548: {  	v47 =	vld [tilespmem:s24+$0x10FE0]  }
0x549: {  	v48 =	vld [tilespmem:s24+$0x12440]  }
0x54a: {  	v49 =	vld [tilespmem:s24+$0x11040]  }
0x54b: {  	v50 =	vld [tilespmem:s24+$0x12450]  }
0x54c: {  	v51 =	vld [tilespmem:s24+$0x11050]  }
0x54d: {  	v52 =	vld [tilespmem:s24+$0x12330]  }
0x54e: {  	v53 =	vld [tilespmem:s24+$0x10F30]  }
0x54f: {  	v54 =	vld [tilespmem:s24+$0x123A0];
	v3 =	vmul.bf16 v2, v3  }
0x550: {  	v55 =	vld [tilespmem:s24+$0x10FA0];
	v0 =	vmul.bf16 v0, v1;
	v8 =	vmul.bf16 v8, v9  }
0x551: {  	v58 =	vld [tilespmem:s24+$0x12400];
	v2 =	vmul.bf16 v6, v7;
	v1 =	vmul.bf16 v4, v5  }
0x552: {  	v60 =	vld [tilespmem:s24+$0x11000];
	v5 =	vmul.bf16 v10, v11;
	v6 =	vmul.bf16 v12, v13  }
0x553: {  	v62 =	vld [tilespmem:s24+$0x12410];
	v4 =	vmul.bf16 v14, v15;
	v7 =	vmul.bf16 v24, v25  }
0x554: {  	v63 =	vld [tilespmem:s24+$0x12360];
	v15 =	vmul.bf16 v30, v31;
	v36 =	vmul.bf16 v36, v37  }
0x555: {  	v24 =	vld [tilespmem:s24+$0x11010];
	v46 =	vmul.bf16 v46, v47;
	v47 =	vmul.bf16 v54, v55  }
0x556: {  	v25 =	vld [tilespmem:s24+$0x10F60];
	v56 =	vunpack.i.u.bf16.f32 v3;
	v57 =	vunpack.i.l.bf16.f32 v3;
	v59 =	vunpack.i.u.bf16.f32 v8  }
0x557: {  	v31 =	vld [tilespmem:s24+$0x10EB0];
	v3 =	vunpack.i.u.bf16.f32 v2;
	v61 =	vunpack.i.l.bf16.f32 v8;
	v9 =	vunpack.i.u.bf16.f32 v5  }
0x558: {  	v37 =	vld [tilespmem:s24+$0x10F90];
	v10 =	vunpack.i.l.bf16.f32 v5;
	v8 =	vmul.bf16 v26, v27;
	v5 =	vunpack.i.l.bf16.f32 v6  }
0x559: {  	v55 =	vld [tilespmem:s24+$0x10F00];
	v11 =	vunpack.i.l.bf16.f32 v4;
	v13 =	vunpack.i.u.bf16.f32 v7;
	v7 =	vunpack.i.l.bf16.f32 v7  }
0x55a: {  	v26 =	vld [tilespmem:s24+$0x122F0];
	[tilespmem:$0x1FF00] =	vst v3;
	v3 =	vadd.f32 v11, v5;
	v11 =	vunpack.i.u.bf16.f32 v8;
	v8 =	vunpack.i.l.bf16.f32 v8  }
0x55b: {  	v12 =	vmul.bf16 v16, v17;
	v27 =	vld [tilespmem:s24+$0x10EF0];
	v14 =	vadd.f32 v8, v7;
	v11 =	vadd.f32 v11, v13  }
0x55c: {  	[tilespmem:$0x1FF10] =	vst v3;
	v3 =	vunpack.i.u.bf16.f32 v6;
	v8 =	vmul.bf16 v20, v21;
	v7 =	vmul.bf16 v18, v19;
	v19 =	vld [tilespmem:s24+$0x123C0]  }
0x55d: {  	v20 =	vunpack.i.u.bf16.f32 v12;
	v18 =	vunpack.i.l.bf16.f32 v12;
	v21 =	vld [tilespmem:s24+$0x10FC0];
	v13 =	vmul.bf16 v22, v23  }
0x55e: {  	v22 =	vld [tilespmem:s24+$0x123D0];
	[tilespmem:$0x1FF20] =	vst v3;
	v12 =	vadd.f32 v10, v14;
	v11 =	vadd.f32 v9, v11;
	v3 =	vunpack.i.u.bf16.f32 v7  }
0x55f: {  	v23 =	vld [tilespmem:s24+$0x10FD0];
	v14 =	vmul.bf16 v28, v29;
	v16 =	vunpack.i.u.bf16.f32 v13;
	v17 =	vunpack.i.l.bf16.f32 v13  }
0x560: {  	v13 =	vmul.bf16 v32, v33;
	v33 =	vld [tilespmem:s24+$0x12320];
	v12 =	vadd.f32 v57, v12;
	v11 =	vadd.f32 v56, v11  }
0x561: {  	v30 =	vunpack.i.u.bf16.f32 v14;
	v32 =	vunpack.i.l.bf16.f32 v14;
	v14 =	vmul.bf16 v40, v41;
	v40 =	vld [tilespmem:s24+$0x10F80]  }
0x562: {  	v48 =	vmul.bf16 v48, v49;
	[tilespmem:$0x1FF30] =	vst v3;
	v3 =	vadd.f32 v12, v11;
	v11 =	vmul.bf16 v34, v35;
	v35 =	vld [tilespmem:s24+$0x10F20]  }
0x563: {  	v29 =	vunpack.i.u.bf16.f32 v15;
	v34 =	vunpack.i.l.bf16.f32 v15;
	v15 =	vmul.bf16 v42, v43;
	v42 =	vld [tilespmem:s24+$0x12380]  }
0x564: {  	v49 =	vunpack.i.u.bf16.f32 v36;
	v41 =	vmul.bf16 v50, v51;
	v12 =	vunpack.i.l.bf16.f32 v13;
	v43 =	vld [tilespmem:s24+$0x12390]  }
0x565: {  	v28 =	vld [tilespmem:s24+$0x122B0];
	v56 =	vunpack.i.u.bf16.f32 v14;
	v14 =	vunpack.i.l.bf16.f32 v14;
	v57 =	vunpack.i.l.bf16.f32 v11  }
0x566: {  	v50 =	vld [tilespmem:s24+$0x12270];
	v12 =	vadd.f32 v57, v12;
	v57 =	vunpack.i.u.bf16.f32 v15;
	v15 =	vunpack.i.l.bf16.f32 v15  }
0x567: {  	v36 =	vunpack.i.l.bf16.f32 v36;
	v14 =	vadd.f32 v15, v14;
	v15 =	vadd.f32 v57, v56;
	v57 =	vld [tilespmem:s24+$0x10E70]  }
0x568: {  	v51 =	vunpack.i.u.bf16.f32 v48;
	v56 =	vunpack.i.u.bf16.f32 v41;
	v40 =	vmul.bf16 v42, v40;
	v42 =	vld [tilespmem:s24+$0x12310]  }
0x569: {  	v41 =	vunpack.i.l.bf16.f32 v41;
	v37 =	vmul.bf16 v43, v37;
	v43 =	vld [tilespmem:s24+$0x121B0];
	v33 =	vmul.bf16 v33, v35  }
0x56a: {  	v35 =	vld [tilespmem:s24+$0x10ED0];
	v17 =	vadd.f32 v17, v14;
	v15 =	vadd.f32 v16, v15;
	v16 =	vunpack.i.l.bf16.f32 v48  }
0x56b: {  	v14 =	vmul.bf16 v38, v39;
	v38 =	vld [tilespmem:s24+$0x122E0];
	v39 =	vadd.f32 v41, v16;
	v41 =	vadd.f32 v56, v51  }
0x56c: {  	v10 =	vunpack.i.u.bf16.f32 v8;
	v13 =	vunpack.i.u.bf16.f32 v13;
	v48 =	vld [tilespmem:s24+$0x10EE0];
	v56 =	vadd.f32 v61, v17  }
0x56d: {  	v16 =	vmul.bf16 v44, v45;
	v51 =	vld [tilespmem:s24+$0x12340];
	v34 =	vadd.f32 v34, v39;
	v29 =	vadd.f32 v29, v41  }
0x56e: {  	v44 =	vld [tilespmem:s24+$0x12350];
	v59 =	vadd.f32 v59, v15;
	v61 =	vmul.bf16 v52, v53;
	v52 =	vunpack.i.u.bf16.f32 v46  }
0x56f: {  	v46 =	vunpack.i.l.bf16.f32 v46;
	v53 =	vld [tilespmem:s24+$0x12230];
	v18 =	vadd.f32 v18, v34;
	v20 =	vadd.f32 v20, v29  }
0x570: {  	v39 =	vld [tilespmem:s24+$0x10F40];
	v41 =	vmul.bf16 v58, v60;
	v56 =	vadd.f32 v56, v59;
	v54 =	vunpack.i.u.bf16.f32 v61  }
0x571: {  	v58 =	vld [tilespmem:s24+$0x10E30];
	v45 =	vunpack.i.l.bf16.f32 v61;
	v59 =	vunpack.i.u.bf16.f32 v47;
	v5 =	vadd.f32 v18, v20  }
0x572: {  	v60 =	vld [tilespmem:s24+$0x122A0];
	v18 =	vmul.bf16 v62, v24;
	v24 =	vunpack.i.l.bf16.f32 v47;
	v20 =	vmul.bf16 v19, v21  }
0x573: {  	v34 =	vld [tilespmem:s24+$0x10F50];
	v21 =	vmul.bf16 v22, v23;
	v19 =	vunpack.i.u.bf16.f32 v41;
	v22 =	vunpack.i.l.bf16.f32 v41  }
0x574: {  	v29 =	vld [tilespmem:s24+$0x10DF0];
	v23 =	vmul.bf16 v26, v27;
	v62 =	vunpack.i.l.bf16.f32 v37;
	v37 =	vunpack.i.u.bf16.f32 v37  }
0x575: {  	v47 =	vld [tilespmem:s24+$0x10EA0];
	v27 =	vunpack.i.u.bf16.f32 v20;
	v20 =	vunpack.i.l.bf16.f32 v20;
	v61 =	vunpack.i.l.bf16.f32 v21  }
0x576: {  	v26 =	vld [tilespmem:s24+$0x12300];
	v21 =	vunpack.i.u.bf16.f32 v21;
	v61 =	vadd.f32 v61, v20;
	v20 =	vunpack.i.l.bf16.f32 v18  }
0x577: {  	v41 =	vld [tilespmem:s24+$0x121F0];
	v39 =	vmul.bf16 v51, v39;
	v21 =	vadd.f32 v21, v27;
	v20 =	vadd.f32 v20, v22  }
0x578: {  	v27 =	vld [tilespmem:s24+$0x10F10];
	v22 =	vunpack.i.u.bf16.f32 v40;
	v40 =	vunpack.i.l.bf16.f32 v40;
	v46 =	vadd.f32 v46, v61  }
0x579: {  	v52 =	vadd.f32 v52, v21;
	v61 =	vld [tilespmem:s24+$0x10DB0];
	v21 =	vmul.bf16 v63, v25;
	v40 =	vadd.f32 v62, v40  }
0x57a: {  	v62 =	vunpack.i.u.bf16.f32 v23;
	v63 =	vunpack.i.l.bf16.f32 v23;
	v37 =	vadd.f32 v37, v22;
	v25 =	vld [tilespmem:s24+$0x121A0]  }
0x57b: {  	v23 =	vmul.bf16 v28, v31;
	v28 =	vadd.f32 v32, v46;
	v30 =	vadd.f32 v30, v52;
	v46 =	vld [tilespmem:s24+$0x12260]  }
0x57c: {  	v31 =	vadd.f32 v24, v40;
	v40 =	vadd.f32 v59, v37;
	v52 =	vld [tilespmem:s24+$0x10E60];
	v37 =	vmul.bf16 v38, v48  }
0x57d: {  	v38 =	vunpack.i.u.bf16.f32 v33;
	v48 =	vld [tilespmem:s24+$0x12220];
	v59 =	vadd.f32 v28, v30;
	v30 =	vmul.bf16 v50, v57  }
0x57e: {  	v33 =	vunpack.i.l.bf16.f32 v33;
	v28 =	vld [tilespmem:s24+$0x122C0];
	v50 =	vadd.f32 v36, v31;
	v32 =	vadd.f32 v49, v40  }
0x57f: {  	v27 =	vmul.bf16 v42, v27;
	v36 =	vld [tilespmem:s24+$0x10EC0];
	v43 =	vmul.bf16 v43, v61;
	v31 =	vunpack.i.u.bf16.f32 v30  }
0x580: {  	v40 =	vld [tilespmem:s24+$0x122D0];
	v51 =	vadd.f32 v50, v32;
	v32 =	vunpack.i.l.bf16.f32 v30;
	v30 =	vmul.bf16 v26, v55  }
0x581: {  	v42 =	vunpack.i.l.bf16.f32 v39;
	v49 =	vld [tilespmem:s24+$0x10E20];
	v50 =	vmul.bf16 v53, v58;
	v26 =	vmul.bf16 v44, v34  }
0x582: {  	v61 =	vld [tilespmem:s24+$0x10E40];
	v58 =	vunpack.i.l.bf16.f32 v27;
	v27 =	vunpack.i.u.bf16.f32 v27;
	v52 =	vmul.bf16 v46, v52  }
0x583: {  	v44 =	vld [tilespmem:s24+$0x12280];
	v57 =	vunpack.i.u.bf16.f32 v30;
	v30 =	vunpack.i.l.bf16.f32 v30;
	v53 =	vunpack.i.l.bf16.f32 v26  }
0x584: {  	v55 =	vld [tilespmem:s24+$0x10E80];
	v30 =	vadd.f32 v58, v30;
	v34 =	vadd.f32 v27, v57;
	v57 =	vunpack.i.u.bf16.f32 v37  }
0x585: {  	v46 =	vld [tilespmem:s24+$0x10E00];
	v27 =	vadd.f32 v53, v42;
	v53 =	vunpack.i.l.bf16.f32 v37;
	v37 =	vmul.bf16 v28, v36  }
0x586: {  	v42 =	vld [tilespmem:s24+$0x12290];
	v36 =	vunpack.i.u.bf16.f32 v50;
	v28 =	vunpack.i.u.bf16.f32 v39;
	v35 =	vmul.bf16 v40, v35  }
0x587: {  	v58 =	vld [tilespmem:s24+$0x10E90];
	v39 =	vunpack.i.l.bf16.f32 v50;
	v33 =	vadd.f32 v33, v30;
	v34 =	vadd.f32 v38, v34  }
0x588: {  	v50 =	vld [tilespmem:s24+$0x12250];
	v30 =	vmul.bf16 v60, v47;
	v38 =	vunpack.i.u.bf16.f32 v37;
	v47 =	vunpack.i.u.bf16.f32 v35  }
0x589: {  	v15 =	vunpack.i.u.bf16.f32 v14;
	v60 =	vld [tilespmem:s24+$0x10DA0];
	v35 =	vunpack.i.l.bf16.f32 v35;
	v38 =	vadd.f32 v47, v38  }
0x58a: {  	v40 =	vadd.f32 v45, v33;
	v45 =	vadd.f32 v54, v34;
	v54 =	vld [tilespmem:s24+$0x12240];
	v33 =	vunpack.i.l.bf16.f32 v37  }
0x58b: {  	v34 =	vmul.bf16 v41, v29;
	v29 =	vld [tilespmem:s24+$0x10E50];
	v37 =	vunpack.i.u.bf16.f32 v43;
	v35 =	vadd.f32 v35, v33  }
0x58c: {  	v57 =	vadd.f32 v57, v38;
	v38 =	vunpack.i.l.bf16.f32 v43;
	v43 =	vmul.bf16 v44, v55;
	v55 =	vld [tilespmem:s24+$0x10E10]  }
0x58d: {  	v17 =	vunpack.i.u.bf16.f32 v16;
	v22 =	vunpack.i.u.bf16.f32 v21;
	v41 =	vadd.f32 v53, v35;
	v53 =	vld [tilespmem:s24+$0x12200]  }
0x58e: {  	(xrf2) =	vadd.scan.msk.f32 $0xffff, v3;
	v48 =	vmul.bf16 v48, v49;
	v40 =	vadd.f32 v40, v45;
	v45 =	vadd.f32 v62, v57;
	v57 =	vld [tilespmem:s24+$0x12210]  }
0x58f: {  	(xrf2) =	vadd.scan.msk.f32 $0xffff, v56;
	v62 =	vunpack.i.u.bf16.f32 v52;
	v56 =	vmul.bf16 v25, v60;
	v49 =	vadd.f32 v63, v41  }
0x590: {  	v63 =	vunpack.i.l.bf16.f32 v52;
	v41 =	vmul.bf16 v42, v58;
	v25 =	vmul.bf16 v54, v61  }
0x591: {  	v61 =	vunpack.i.l.bf16.f32 v43;
	v29 =	vmul.bf16 v50, v29;
	v42 =	vunpack.i.u.bf16.f32 v43  }
0x592: {  	v54 =	vld [tilespmem:s24+$0x10DE0];
	v44 =	vadd.f32 v49, v45;
	v58 =	vunpack.i.l.bf16.f32 v41;
	v60 =	vunpack.i.l.bf16.f32 v25  }
0x593: {  	v50 =	vld [tilespmem:s24+$0x12180];
	v43 =	vadd.f32 v58, v61;
	v46 =	vmul.bf16 v53, v46;
	v58 =	vmul.bf16 v57, v55  }
0x594: {  	v45 =	vld [tilespmem:s24+$0x121E0];
	v25 =	vunpack.i.u.bf16.f32 v25;
	v61 =	vunpack.i.l.bf16.f32 v29;
	v29 =	vunpack.i.u.bf16.f32 v29  }
0x595: {  	v52 =	vld [tilespmem:s24+$0x10D80];
	v29 =	vadd.f32 v29, v25;
	v25 =	vunpack.i.l.bf16.f32 v46;
	v57 =	vunpack.i.l.bf16.f32 v58  }
0x596: {  	v24 =	vunpack.i.u.bf16.f32 v23;
	v53 =	vld [tilespmem:s24+$0x12190];
	v57 =	vadd.f32 v57, v25;
	v25 =	vunpack.i.u.bf16.f32 v58  }
0x597: {  	v47 =	vunpack.i.u.bf16.f32 v48;
	v33 =	vunpack.i.u.bf16.f32 v30;
	v35 =	vunpack.i.u.bf16.f32 v34;
	v55 =	vld [tilespmem:s24+$0x10D90]  }
0x598: {  	(xrf2) =	vadd.scan.msk.f32 $0xffff, v5;
	v49 =	vunpack.i.l.bf16.f32 v48;
	v60 =	vadd.f32 v61, v60;
	v61 =	vunpack.i.u.bf16.f32 v46;
	v46 =	vld [tilespmem:s24+$0x121C0]  }
0x599: {  	(xrf2) =	vadd.scan.msk.f32 $0xffff, v59;
	v48 =	vunpack.i.u.bf16.f32 v56;
	v58 =	vadd.f32 v25, v61;
	v45 =	vmul.bf16 v45, v54;
	v54 =	vld [tilespmem:s24+$0x10DC0];
	v25, _, _ =	vpop (xrf2)  }
0x59a: {  	s25 =	simm.s32 $0x2FC0;
	v59 =	vadd.f32 v63, v60;
	v60 =	vadd.f32 v62, v29;
	(xrf2) =	vadd.scan.msk.f32 $0xffff, v51;
	v51 =	vunpack.i.l.bf16.f32 v56;
	v56 =	vld [tilespmem:s24+$0x121D0];
	v29, _, _ =	vpop (xrf2)  }
.LBB2_9:
0x59b: {  	v41 =	vunpack.i.u.bf16.f32 v41;
	v30 =	vunpack.i.l.bf16.f32 v30;
	v26 =	vunpack.i.u.bf16.f32 v26  }
0x59c: {  	v21 =	vunpack.i.l.bf16.f32 v21;
	v18 =	vunpack.i.u.bf16.f32 v18;
	v49 =	vadd.f32 v49, v57  }
0x59d: {  	v61 =	vld [tilespmem:s24+$0x10DD0];
	v14 =	vunpack.i.l.bf16.f32 v14;
	v47 =	vadd.f32 v47, v58;
	v32 =	vadd.f32 v32, v59  }
0x59e: {  	v62 =	vadd.f32 v31, v60;
	v30 =	vadd.f32 v30, v43;
	v50 =	vmul.bf16 v50, v52  }
0x59f: {  	v26 =	vadd.f32 v26, v28;
	v21 =	vadd.f32 v21, v27;
	v53 =	vmul.bf16 v53, v55  }
0x5a0: {  	v36 =	vadd.f32 v36, v47;
	v46 =	vmul.bf16 v46, v54;
	v63 =	vunpack.i.u.bf16.f32 v50  }
0x5a1: {  	v57 =	vunpack.i.l.bf16.f32 v50;
	v58 =	vunpack.i.u.bf16.f32 v53;
	v59 =	vunpack.i.l.bf16.f32 v53  }
0x5a2: {  	(xrf2) =	vadd.scan.msk.f32 $0xffff, v40;
	v60 =	vmul.bf16 v56, v61;
	v47 =	vadd.f32 v59, v57;
	v40 =	vadd.f32 v58, v63  }
0x5a3: {  	v18 =	vadd.f32 v18, v19;
	v39 =	vadd.f32 v39, v49;
	v3 =	vunpack.i.u.bf16.f32 v46  }
0x5a4: {  	v63 =	vunpack.i.u.bf16.f32 v60;
	v47 =	vadd.f32 v51, v47;
	v40 =	vadd.f32 v48, v40  }
0x5a5: {  	v31, _, _ =	vpop (xrf2);
	(xrf2) =	vadd.scan.msk.f32 $0xffff, v44;
	v61 =	vadd.f32 v32, v62;
	v46 =	vunpack.i.l.bf16.f32 v46;
	v53 =	vadd.f32 v63, v3  }
0x5a6: {  	v44 =	vunpack.i.l.bf16.f32 v60;
	v3 =	vadd.f32 v38, v47;
	v37 =	vadd.f32 v37, v40  }
0x5a7: {  	v14 =	vadd.f32 v14, v20;
	v54 =	vunpack.i.u.bf16.f32 v45;
	v52 =	vadd.f32 v44, v46  }
0x5a8: {  	v36 =	vadd.f32 v39, v36;
	v56 =	vunpack.i.l.bf16.f32 v45;
	v62, _, _ =	vpop (xrf2);
	(xrf2) =	vadd.scan.msk.f32 $0xffff, v61;
	v58 =	vadd.f32 v3, v37;
	v3 =	vld [tilespmem:$0x1FF30]  }
0x5a9: {  	v11 =	vunpack.i.u.bf16.f32 v11;
	v39 =	vadd.f32 v56, v52;
	v57 =	vadd.f32 v54, v53  }
0x5aa: {  	v34 =	vunpack.i.l.bf16.f32 v34;
	v11 =	vadd.f32 v11, v13;
	v59 =	vadd.f32 v41, v42  }
0x5ab: {  	v23 =	vunpack.i.l.bf16.f32 v23;
	v55, _, _ =	vpop (xrf2);
	(xrf2) =	vadd.scan.msk.f32 $0xffff, v36;
	v34 =	vadd.f32 v34, v39;
	v35 =	vadd.f32 v35, v57  }
0x5ac: {  	v23 =	vadd.f32 v23, v30;
	v33 =	vadd.f32 v33, v59  }
0x5ad: {  	v34 =	vadd.f32 v34, v35;
	v9 =	vadd.f32 v3, v11;
	v3 =	vld [tilespmem:$0x1FF20]  }
0x5ae: {  	v8 =	vunpack.i.l.bf16.f32 v8;
	v15 =	vadd.f32 v15, v18;
	v60, _, _ =	vpop (xrf2);
	v24 =	vadd.f32 v24, v33;
	(xrf2) =	vadd.scan.msk.f32 $0xffff, v58  }
0x5af: {  	v22 =	vadd.f32 v22, v26;
	v8 =	vadd.f32 v8, v14;
	v28, _, _ =	vpop (xrf2);
	(xrf2) =	vadd.scan.msk.f32 $0xffff, v34  }
0x5b0: {  	v16 =	vunpack.i.l.bf16.f32 v16;
	v10 =	vadd.f32 v10, v15;
	v23 =	vadd.f32 v23, v24  }
0x5b1: {  	v4 =	vunpack.i.u.bf16.f32 v4;
	v16 =	vadd.f32 v16, v21;
	v17 =	vadd.f32 v17, v22  }
0x5b2: {  	v8 =	vadd.f32 v8, v10;
	v19, _, _ =	vpop (xrf2);
	(xrf2) =	vadd.scan.msk.f32 $0xffff, v23;
	v10 =	vadd.f32 v4, v3;
	v3 =	vld [tilespmem:$0x1FF00]  }
0x5b3: {  	v5 =	vld [tilespmem:$0x1FF10];
	v16 =	vadd.f32 v16, v17  }
0x5b4: {  	v7 =	vunpack.i.l.bf16.f32 v7  }
0x5b5: {  	v7 =	vadd.f32 v7, v12;
	v13, _, _ =	vpop (xrf2);
	(xrf2) =	vadd.scan.msk.f32 $0xffff, v16  }
0x5b6: {  	v2 =	vunpack.i.l.bf16.f32 v2  }
0x5b7: {  	v2 =	vadd.f32 v2, v7;
	v7 =	vunpack.i.l.bf16.f32 v1;
	v3 =	vadd.f32 v3, v9  }
0x5b8: {  	v1 =	vunpack.i.u.bf16.f32 v1;
	v5 =	vadd.f32 v7, v5;
	v6, _, _ =	vpop (xrf2);
	(xrf2) =	vadd.scan.msk.f32 $0xffff, v8  }
0x5b9: {  	v1 =	vadd.f32 v1, v10;
	v4, _, _ =	vpop (xrf2);
	v6 =	vbroadcast v6, $0xF;
	v2 =	vadd.f32 v2, v3  }
0x5ba: {  	v8 =	vbroadcast v4, $0xF;
	v3 =	vunpack.i.u.bf16.f32 v0;
	v0 =	vunpack.i.l.bf16.f32 v0  }
0x5bb: {  	v7 =	vbroadcast v13, $0xF;
	v0 =	vadd.f32 v0, v5;
	v1 =	vadd.f32 v3, v1;
	(xrf2) =	vadd.scan.msk.f32 $0xffff, v2  }
0x5bc: {  	v4, _, _ =	vpop (xrf2);
	v3 =	vbroadcast v19, $0xF;
	v2 =	vsel vm0, v6, v8  }
0x5bd: {  	v5 =	vbroadcast v4, $0xF;
	v2 =	vsel vm1, v2, v7;
	v0 =	vadd.f32 v0, v1  }
0x5be: {  	v1 =	vsel vm2, v2, v3;
	v2 =	vbroadcast v28, $0xF  }
0x5bf: {  	v4, _, _ =	vpop (xrf2);
	v1 =	vsel vm3, v1, v5;
	v5 =	vbroadcast v60, $0xF;
	(xrf2) =	vadd.scan.msk.f32 $0xffff, v0  }
0x5c0: {  	v0 =	vsel vm4, v1, v2;
	v1 =	vbroadcast v4, $0xF  }
0x5c1: {  	v2 =	vbroadcast v55, $0xF;
	v0 =	vsel vm5, v0, v5  }
0x5c2: {  	v3, _, _ =	vpop (xrf2);
	v0 =	vsel vm6, v0, v1;
	v1 =	vbroadcast v62, $0xF  }
0x5c3: {  	v0 =	vsel vm7, v0, v2;
	v2 =	vbroadcast v3, $0xF  }
0x5c4: {  	v0 =	vsel vm8, v0, v1;
	v1 =	vbroadcast v31, $0xF  }
0x5c5: {  	v0 =	vsel vm9, v0, v2;
	v2 =	vbroadcast v29, $0xF;
	v3, _, _ =	vpop (xrf2)  }
0x5c6: {  	v0 =	vsel vm10, v0, v1;
	v3 =	vbroadcast v3, $0xF  }
0x5c7: {  	v0 =	vsel vm11, v0, v2;
	v2 =	vbroadcast v25, $0xF  }
0x5c8: {  	v0 =	vsel vm12, v0, v3  }
0x5c9: {  	v1, _, _ =	vpop (xrf2);
	v0 =	vsel vm13, v0, v2  }
0x5ca: {  	s23 =	sadd.s32 $0x10, s23;
	v0 =	vsel vm14, v0, v1  }
0x5cb: {  	s24 =	sshra.s32 s25, $0x2;
	[tilespmem:s23+$0x0] =	vst v0  }
0x5cc: {  	v0 =	vld [tilespmem:s24+$0x12570]  }
0x5cd: {  	v1 =	vld [tilespmem:s24+$0x11170]  }
0x5ce: {  	v2 =	vld [tilespmem:s24+$0x12530]  }
0x5cf: {  	v3 =	vld [tilespmem:s24+$0x11130]  }
0x5d0: {  	v4 =	vld [tilespmem:s24+$0x12560]  }
0x5d1: {  	v5 =	vld [tilespmem:s24+$0x11160]  }
0x5d2: {  	v6 =	vld [tilespmem:s24+$0x124F0]  }
0x5d3: {  	v7 =	vld [tilespmem:s24+$0x110F0]  }
0x5d4: {  	v8 =	vld [tilespmem:s24+$0x124B0]  }
0x5d5: {  	v9 =	vld [tilespmem:s24+$0x110B0]  }
0x5d6: {  	v10 =	vld [tilespmem:s24+$0x12520]  }
0x5d7: {  	v11 =	vld [tilespmem:s24+$0x11120]  }
0x5d8: {  	v12 =	vld [tilespmem:s24+$0x12540]  }
0x5d9: {  	v13 =	vld [tilespmem:s24+$0x11140]  }
0x5da: {  	v21 =	vld [tilespmem:s24+$0x12550]  }
0x5db: {  	v22 =	vld [tilespmem:s24+$0x11150]  }
0x5dc: {  	v25 =	vld [tilespmem:s24+$0x12470]  }
0x5dd: {  	v31 =	vld [tilespmem:s24+$0x11070]  }
0x5de: {  	v32 =	vld [tilespmem:s24+$0x124E0]  }
0x5df: {  	v33 =	vld [tilespmem:s24+$0x110E0]  }
0x5e0: {  	v36 =	vld [tilespmem:s24+$0x12430]  }
0x5e1: {  	v37 =	vld [tilespmem:s24+$0x11030]  }
0x5e2: {  	v38 =	vld [tilespmem:s24+$0x124A0]  }
0x5e3: {  	v39 =	vld [tilespmem:s24+$0x110A0]  }
0x5e4: {  	v28 =	vld [tilespmem:s24+$0x12500]  }
0x5e5: {  	v34 =	vld [tilespmem:s24+$0x11100]  }
0x5e6: {  	v40 =	vld [tilespmem:s24+$0x12510]  }
0x5e7: {  	v41 =	vld [tilespmem:s24+$0x11110]  }
0x5e8: {  	v42 =	vld [tilespmem:s24+$0x123F0]  }
0x5e9: {  	v43 =	vld [tilespmem:s24+$0x10FF0]  }
0x5ea: {  	v44 =	vld [tilespmem:s24+$0x12460]  }
0x5eb: {  	v45 =	vld [tilespmem:s24+$0x11060]  }
0x5ec: {  	v46 =	vld [tilespmem:s24+$0x124C0]  }
0x5ed: {  	v47 =	vld [tilespmem:s24+$0x110C0]  }
0x5ee: {  	v48 =	vld [tilespmem:s24+$0x124D0]  }
0x5ef: {  	v49 =	vld [tilespmem:s24+$0x110D0]  }
0x5f0: {  	v50 =	vld [tilespmem:s24+$0x123B0]  }
0x5f1: {  	v51 =	vld [tilespmem:s24+$0x10FB0]  }
0x5f2: {  	v14 =	vld [tilespmem:s24+$0x12420]  }
0x5f3: {  	v15 =	vld [tilespmem:s24+$0x11020]  }
0x5f4: {  	v52 =	vld [tilespmem:s24+$0x12480]  }
0x5f5: {  	v53 =	vld [tilespmem:s24+$0x11080]  }
0x5f6: {  	v54 =	vld [tilespmem:s24+$0x12490]  }
0x5f7: {  	v55 =	vld [tilespmem:s24+$0x11090]  }
0x5f8: {  	v16 =	vld [tilespmem:s24+$0x12370]  }
0x5f9: {  	v17 =	vld [tilespmem:s24+$0x10F70]  }
0x5fa: {  	v18 =	vld [tilespmem:s24+$0x123E0]  }
0x5fb: {  	v19 =	vld [tilespmem:s24+$0x10FE0]  }
0x5fc: {  	v56 =	vld [tilespmem:s24+$0x12440]  }
0x5fd: {  	v57 =	vld [tilespmem:s24+$0x11040]  }
0x5fe: {  	v20 =	vld [tilespmem:s24+$0x12330]  }
0x5ff: {  	v24 =	vld [tilespmem:s24+$0x10F30]  }
0x600: {  	v23 =	vld [tilespmem:s24+$0x123A0];
	v3 =	vmul.bf16 v2, v3;
	v0 =	vmul.bf16 v0, v1  }
0x601: {  	v27 =	vld [tilespmem:s24+$0x10FA0];
	v8 =	vmul.bf16 v8, v9;
	v2 =	vmul.bf16 v6, v7  }
0x602: {  	v26 =	vld [tilespmem:s24+$0x12400];
	v1 =	vmul.bf16 v4, v5;
	v5 =	vmul.bf16 v10, v11  }
0x603: {  	v29 =	vld [tilespmem:s24+$0x11000];
	v6 =	vmul.bf16 v12, v13;
	v4 =	vmul.bf16 v21, v22  }
0x604: {  	v58 =	vld [tilespmem:s24+$0x12450];
	v7 =	vmul.bf16 v28, v34;
	v12 =	vmul.bf16 v25, v31  }
0x605: {  	v59 =	vld [tilespmem:s24+$0x11050];
	v31 =	vmul.bf16 v42, v43;
	v50 =	vmul.bf16 v50, v51  }
0x606: {  	v30 =	vld [tilespmem:s24+$0x12410];
	v14 =	vmul.bf16 v14, v15;
	v16 =	vmul.bf16 v16, v17  }
0x607: {  	v35 =	vld [tilespmem:s24+$0x11010];
	v18 =	vmul.bf16 v18, v19;
	v19 =	vmul.bf16 v20, v24  }
0x608: {  	v28 =	vld [tilespmem:s24+$0x122F0];
	v23 =	vmul.bf16 v23, v27;
	v26 =	vmul.bf16 v26, v29;
	v60 =	vunpack.i.u.bf16.f32 v3  }
0x609: {  	v34 =	vld [tilespmem:s24+$0x10EF0];
	v61 =	vunpack.i.l.bf16.f32 v3;
	v62 =	vunpack.i.u.bf16.f32 v8;
	v3 =	vunpack.i.u.bf16.f32 v2  }
0x60a: {  	v21 =	vld [tilespmem:s24+$0x12360];
	v63 =	vunpack.i.l.bf16.f32 v8;
	v9 =	vunpack.i.u.bf16.f32 v5;
	v10 =	vunpack.i.l.bf16.f32 v5  }
0x60b: {  	v22 =	vld [tilespmem:s24+$0x10F60];
	v8 =	vmul.bf16 v40, v41;
	v5 =	vunpack.i.l.bf16.f32 v6;
	v11 =	vunpack.i.l.bf16.f32 v4  }
0x60c: {  	v42 =	vld [tilespmem:s24+$0x10FD0];
	v13 =	vunpack.i.u.bf16.f32 v7;
	v7 =	vunpack.i.l.bf16.f32 v7;
	[tilespmem:$0x1FF00] =	vst v3;
	v3 =	vadd.f32 v11, v5  }
0x60d: {  	v24 =	vunpack.i.u.bf16.f32 v18;
	v27 =	vunpack.i.l.bf16.f32 v18;
	v18 =	vmul.bf16 v30, v35;
	v30 =	vld [tilespmem:s24+$0x122A0]  }
0x60e: {  	v40 =	vunpack.i.u.bf16.f32 v12;
	v11 =	vunpack.i.u.bf16.f32 v8;
	[tilespmem:$0x1FF10] =	vst v3;
	v3 =	vunpack.i.u.bf16.f32 v6;
	v6 =	vld [tilespmem:s24+$0x10FC0]  }
0x60f: {  	v8 =	vunpack.i.l.bf16.f32 v8;
	v11 =	vadd.f32 v11, v13;
	v13 =	vmul.bf16 v38, v39;
	v39 =	vld [tilespmem:s24+$0x123D0]  }
0x610: {  	v15 =	vunpack.i.u.bf16.f32 v14;
	v25 =	vadd.f32 v8, v7;
	v7 =	vmul.bf16 v32, v33;
	v33 =	vld [tilespmem:s24+$0x122B0]  }
0x611: {  	v5 =	vunpack.i.l.bf16.f32 v12;
	v8 =	vmul.bf16 v36, v37;
	v32 =	vunpack.i.u.bf16.f32 v31;
	v37 =	vld [tilespmem:s24+$0x10EB0]  }
0x612: {  	v38 =	vunpack.i.l.bf16.f32 v31;
	v31 =	vld [tilespmem:s24+$0x12320];
	v12 =	vadd.f32 v10, v25;
	v11 =	vadd.f32 v9, v11  }
0x613: {  	v17 =	vunpack.i.u.bf16.f32 v16;
	v35 =	vunpack.i.l.bf16.f32 v23;
	v36 =	vld [tilespmem:s24+$0x10F20];
	v28 =	vmul.bf16 v28, v34  }
0x614: {  	v21 =	vmul.bf16 v21, v22;
	[tilespmem:$0x1FF20] =	vst v3;
	v3 =	vld [tilespmem:s24+$0x123C0];
	v12 =	vadd.f32 v61, v12;
	v11 =	vadd.f32 v60, v11  }
0x615: {  	v34 =	vld [tilespmem:s24+$0x12300];
	v9 =	vunpack.i.u.bf16.f32 v7;
	v41 =	vunpack.i.u.bf16.f32 v13;
	v61 =	vmul.bf16 v44, v45  }
0x616: {  	v43 =	vunpack.i.l.bf16.f32 v13;
	[tilespmem:$0x1FF30] =	vst v9;
	v9 =	vld [tilespmem:s24+$0x10E60];
	v60 =	vmul.bf16 v46, v47;
	v25 =	vadd.f32 v12, v11  }
0x617: {  	v44 =	vld [tilespmem:s24+$0x10F80];
	v45 =	vunpack.i.u.bf16.f32 v61;
	v11 =	vmul.bf16 v48, v49;
	v46 =	vunpack.i.l.bf16.f32 v61  }
0x618: {  	v61 =	vmul.bf16 v52, v53;
	v13 =	vunpack.i.u.bf16.f32 v60;
	v48 =	vmul.bf16 v54, v55;
	v49 =	vld [tilespmem:s24+$0x12380]  }
0x619: {  	v12 =	vunpack.i.l.bf16.f32 v60;
	v53 =	vld [tilespmem:s24+$0x12390];
	v55 =	vmul.bf16 v58, v59;
	v3 =	vmul.bf16 v3, v6  }
0x61a: {  	v58 =	vld [tilespmem:s24+$0x122E0];
	v60 =	vunpack.i.l.bf16.f32 v11;
	v51 =	vunpack.i.u.bf16.f32 v61;
	v47 =	vunpack.i.l.bf16.f32 v61  }
0x61b: {  	v6 =	vld [tilespmem:s24+$0x10EA0];
	v61 =	vunpack.i.u.bf16.f32 v48;
	v48 =	vunpack.i.l.bf16.f32 v48;
	v12 =	vadd.f32 v60, v12  }
0x61c: {  	(xrf2) =	vadd.scan.msk.f32 $0xffff, v25;
	v25 =	vld [tilespmem:s24+$0x12200];
	v60 =	vmul.bf16 v56, v57;
	v47 =	vadd.f32 v48, v47;
	v61 =	vadd.f32 v61, v51  }
0x61d: {  	v10 =	vunpack.i.u.bf16.f32 v8;
	v22 =	vunpack.i.u.bf16.f32 v21;
	v31 =	vmul.bf16 v31, v36;
	v51 =	vld [tilespmem:s24+$0x10F90]  }
0x61e: {  	v56 =	vld [tilespmem:s24+$0x12270];
	v57 =	vunpack.i.u.bf16.f32 v60;
	v43 =	vadd.f32 v43, v47;
	v41 =	vadd.f32 v41, v61  }
0x61f: {  	v47 =	vld [tilespmem:s24+$0x10E70];
	v60 =	vunpack.i.l.bf16.f32 v60;
	v61 =	vunpack.i.u.bf16.f32 v55;
	v55 =	vunpack.i.l.bf16.f32 v55  }
0x620: {  	v52 =	vunpack.i.u.bf16.f32 v50;
	v50 =	vunpack.i.l.bf16.f32 v50;
	v48 =	vadd.f32 v55, v60;
	v55 =	vld [tilespmem:s24+$0x10EE0]  }
0x621: {  	v59 =	vunpack.i.u.bf16.f32 v19;
	v44 =	vmul.bf16 v49, v44;
	v54 =	vadd.f32 v61, v57;
	v57 =	vld [tilespmem:s24+$0x12340]  }
0x622: {  	v49 =	vunpack.i.l.bf16.f32 v28;
	v61 =	vld [tilespmem:s24+$0x12310];
	v43 =	vadd.f32 v63, v43;
	v41 =	vadd.f32 v62, v41  }
0x623: {  	v30 =	vmul.bf16 v30, v6;
	v46 =	vadd.f32 v46, v48;
	v45 =	vadd.f32 v45, v54;
	v48 =	vld [tilespmem:s24+$0x10F40]  }
0x624: {  	v60 =	vunpack.i.l.bf16.f32 v19;
	v19 =	vunpack.i.u.bf16.f32 v26;
	v54 =	vld [tilespmem:s24+$0x12230];
	v41 =	vadd.f32 v43, v41  }
0x625: {  	v62 =	vmul.bf16 v53, v51;
	v51 =	vld [tilespmem:s24+$0x121B0];
	v5 =	vadd.f32 v5, v46;
	v20 =	vadd.f32 v40, v45  }
0x626: {  	v53 =	vld [tilespmem:s24+$0x10DB0];
	v45 =	vunpack.i.u.bf16.f32 v23;
	v23 =	vmul.bf16 v39, v42;
	v39 =	vunpack.i.u.bf16.f32 v3  }
0x627: {  	v43 =	vld [tilespmem:s24+$0x12350];
	v3 =	vunpack.i.l.bf16.f32 v3;
	v58 =	vmul.bf16 v58, v55;
	v29 =	vadd.f32 v5, v20  }
0x628: {  	v40 =	vld [tilespmem:s24+$0x10F50];
	v20 =	vunpack.i.l.bf16.f32 v26;
	v42 =	vunpack.i.u.bf16.f32 v23;
	v23 =	vunpack.i.l.bf16.f32 v23  }
0x629: {  	v55 =	vld [tilespmem:s24+$0x10E20];
	v26 =	vunpack.i.l.bf16.f32 v18;
	v3 =	vadd.f32 v23, v3;
	v23 =	vadd.f32 v42, v39  }
0x62a: {  	v63 =	vunpack.i.u.bf16.f32 v44;
	v5 =	vld [tilespmem:s24+$0x10E30];
	v20 =	vadd.f32 v26, v20;
	v42 =	vunpack.i.u.bf16.f32 v28  }
0x62b: {  	v28 =	vld [tilespmem:s24+$0x10F10];
	v39 =	vunpack.i.l.bf16.f32 v62;
	v24 =	vadd.f32 v24, v23;
	v23 =	vunpack.i.l.bf16.f32 v44  }
0x62c: {  	v26 =	vld [tilespmem:s24+$0x10F00];
	v3 =	vadd.f32 v27, v3;
	v27 =	vunpack.i.u.bf16.f32 v62;
	v39 =	vadd.f32 v39, v23  }
0x62d: {  	v44 =	vld [tilespmem:s24+$0x121F0];
	v27 =	vadd.f32 v27, v63;
	v23 =	vmul.bf16 v33, v37;
	v37 =	vunpack.i.u.bf16.f32 v31  }
0x62e: {  	v63 =	vld [tilespmem:s24+$0x12260];
	v3 =	vadd.f32 v38, v3;
	v32 =	vadd.f32 v32, v24;
	v38 =	vunpack.i.l.bf16.f32 v31  }
0x62f: {  	v62 =	vld [tilespmem:s24+$0x10DF0];
	v5 =	vmul.bf16 v54, v5;
	v39 =	vadd.f32 v35, v39;
	v27 =	vadd.f32 v45, v27  }
0x630: {  	v33 =	vld [tilespmem:s24+$0x10EC0];
	v24 =	vunpack.i.u.bf16.f32 v23;
	v28 =	vmul.bf16 v61, v28;
	v46 =	vadd.f32 v3, v32  }
0x631: {  	v35 =	vld [tilespmem:s24+$0x122C0];
	v3 =	vmul.bf16 v56, v47;
	v56 =	vadd.f32 v50, v39;
	v27 =	vadd.f32 v52, v27  }
0x632: {  	v47 =	vld [tilespmem:s24+$0x122D0];
	v39 =	vmul.bf16 v57, v48;
	v48 =	vunpack.i.u.bf16.f32 v58;
	v52 =	vunpack.i.l.bf16.f32 v58  }
0x633: {  	v57 =	vld [tilespmem:s24+$0x12290];
	v31 =	vunpack.i.u.bf16.f32 v3;
	v32 =	vunpack.i.l.bf16.f32 v3;
	v9 =	vmul.bf16 v63, v9  }
0x634: {  	v58 =	vld [tilespmem:s24+$0x10E90];
	v45 =	vadd.f32 v56, v27;
	v27 =	vmul.bf16 v34, v26;
	v34 =	vunpack.i.l.bf16.f32 v39  }
0x635: {  	v3 =	vld [tilespmem:s24+$0x10ED0];
	v26 =	vmul.bf16 v43, v40;
	v40 =	vunpack.i.u.bf16.f32 v28;
	v28 =	vunpack.i.l.bf16.f32 v28  }
0x636: {  	v54 =	vld [tilespmem:s24+$0x10E80];
	v33 =	vmul.bf16 v35, v33;
	v36 =	vunpack.i.u.bf16.f32 v27;
	v27 =	vunpack.i.l.bf16.f32 v27  }
0x637: {  	v50 =	vld [tilespmem:s24+$0x12220];
	v61 =	vadd.f32 v28, v27;
	v40 =	vadd.f32 v40, v36;
	v27 =	vunpack.i.l.bf16.f32 v26  }
0x638: {  	v63 =	vld [tilespmem:s24+$0x10E10];
	v36 =	vunpack.i.u.bf16.f32 v5;
	v28 =	vunpack.i.u.bf16.f32 v39;
	v39 =	vunpack.i.l.bf16.f32 v5  }
0x639: {  	(xrf2) =	vadd.scan.msk.f32 $0xffff, v41;
	v43 =	vld [tilespmem:s24+$0x12280];
	v6 =	vunpack.i.u.bf16.f32 v33;
	v33 =	vunpack.i.l.bf16.f32 v33;
	v41 =	vmul.bf16 v57, v58  }
0x63a: {  	v56 =	vld [tilespmem:s24+$0x121A0];
	v27 =	vadd.f32 v27, v34;
	v3 =	vmul.bf16 v47, v3;
	v47 =	vmul.bf16 v51, v53  }
0x63b: {  	v5 =	vld [tilespmem:s24+$0x10DA0];
	v34 =	vmul.bf16 v44, v62;
	v62 =	vunpack.i.u.bf16.f32 v9;
	v61 =	vadd.f32 v38, v61  }
0x63c: {  	v51 =	vld [tilespmem:s24+$0x10E40];
	v35 =	vadd.f32 v37, v40;
	v40 =	vunpack.i.u.bf16.f32 v3;
	v3 =	vunpack.i.l.bf16.f32 v3  }
0x63d: {  	v53 =	vld [tilespmem:s24+$0x12250];
	v9 =	vunpack.i.l.bf16.f32 v9;
	v61 =	vadd.f32 v60, v61;
	v3 =	vadd.f32 v3, v33  }
0x63e: {  	v43 =	vmul.bf16 v43, v54;
	v35 =	vadd.f32 v59, v35;
	v59 =	vld [tilespmem:s24+$0x12240];
	v6 =	vadd.f32 v40, v6  }
0x63f: {  	v37 =	vunpack.i.u.bf16.f32 v47;
	v38 =	vunpack.i.l.bf16.f32 v47;
	v60 =	vld [tilespmem:s24+$0x10E50];
	v3 =	vadd.f32 v52, v3  }
0x640: {  	v40 =	vadd.f32 v61, v35;
	v6 =	vadd.f32 v48, v6;
	v61 =	vld [tilespmem:s24+$0x10E00];
	v48 =	vmul.bf16 v50, v55  }
0x641: {  	v33 =	vunpack.i.u.bf16.f32 v30;
	v35 =	vunpack.i.u.bf16.f32 v34;
	v55 =	vld [tilespmem:s24+$0x12210];
	v3 =	vadd.f32 v49, v3  }
0x642: {  	(xrf2) =	vadd.scan.msk.f32 $0xffff, v29;
	v6 =	vadd.f32 v42, v6;
	v47 =	vunpack.i.u.bf16.f32 v48;
	v49 =	vunpack.i.l.bf16.f32 v48  }
0x643: {  	(xrf2) =	vadd.scan.msk.f32 $0xffff, v46;
	v46 =	vld [tilespmem:s24+$0x121C0];
	v42 =	vunpack.i.u.bf16.f32 v43;
	v43 =	vunpack.i.l.bf16.f32 v43;
	v51 =	vmul.bf16 v59, v51  }
0x644: {  	v50 =	vld [tilespmem:s24+$0x12180];
	v59 =	vunpack.i.l.bf16.f32 v41;
	v29 =	vmul.bf16 v53, v60;
	v44 =	vadd.f32 v3, v6  }
0x645: {  	v3 =	vmul.bf16 v56, v5;
	v5 =	vld [tilespmem:s24+$0x121E0];
	v43 =	vadd.f32 v59, v43;
	v56 =	vmul.bf16 v25, v61  }
0x646: {  	p1 =	sne.s32 s25, $0x4FC0;
	v6 =	vld [tilespmem:s24+$0x10DE0];
	v59 =	vunpack.i.u.bf16.f32 v51;
	v51 =	vunpack.i.l.bf16.f32 v51;
	v54 =	vmul.bf16 v55, v63  }
.Ltmp4:
0x647: {  	v52 =	vld [tilespmem:s24+$0x10D80];
	v57 =	vunpack.i.u.bf16.f32 v29;
	v29 =	vunpack.i.l.bf16.f32 v29;
	v48 =	vunpack.i.u.bf16.f32 v3;
	(pc) =	sbr.rel @p1 .LBB2_9-.Ltmp4, $4  }
0x648: {  	v53 =	vld [tilespmem:s24+$0x12190];
	v61 =	vadd.f32 v29, v51;
	v60 =	vadd.f32 v57, v59;
	v58 =	vunpack.i.u.bf16.f32 v56  }
0x649: {  	v55 =	vld [tilespmem:s24+$0x10D90];
	v56 =	vunpack.i.l.bf16.f32 v56;
	v59 =	vunpack.i.u.bf16.f32 v54;
	v63 =	vunpack.i.l.bf16.f32 v54  }
0x64a: {  	v25, _, _ =	vpop (xrf2);
	v51 =	vunpack.i.l.bf16.f32 v3;
	v54 =	vld [tilespmem:s24+$0x10DC0];
	v57 =	vadd.f32 v63, v56;
	v58 =	vadd.f32 v59, v58  }
0x64b: {  	s25 =	sadd.s32 $0x1000, s25;
	(xrf2) =	vadd.scan.msk.f32 $0xffff, v45;
	v56 =	vld [tilespmem:s24+$0x121D0];
	v59 =	vadd.f32 v9, v61;
	v60 =	vadd.f32 v62, v60;
	v29, _, _ =	vpop (xrf2);
	v45 =	vmul.bf16 v5, v6  }
0x64c: {  	v3 =	vmul.bf16 v50, v52;
	v6 =	vadd.f32 v49, v57  }
0x64d: {  	v5 =	vld [tilespmem:s24+$0x10DD0];
	v9 =	vadd.f32 v47, v58;
	v30 =	vunpack.i.l.bf16.f32 v30;
	v32 =	vadd.f32 v32, v59  }
0x64e: {  	v31 =	vadd.f32 v31, v60;
	v49 =	vunpack.i.u.bf16.f32 v45;
	v57 =	vmul.bf16 v53, v55  }
0x64f: {  	v58 =	vunpack.i.u.bf16.f32 v3;
	v6 =	vadd.f32 v39, v6;
	v9 =	vadd.f32 v36, v9  }
0x650: {  	v3 =	vunpack.i.l.bf16.f32 v3;
	v55 =	vadd.f32 v30, v43;
	v60 =	vunpack.i.l.bf16.f32 v57  }
0x651: {  	v61 =	vmul.bf16 v46, v54;
	v59 =	vunpack.i.u.bf16.f32 v57;
	v3 =	vadd.f32 v60, v3  }
0x652: {  	v62 =	vadd.f32 v32, v31;
	v36 =	vadd.f32 v59, v58;
	v5 =	vmul.bf16 v56, v5  }
0x653: {  	v46 =	vunpack.i.u.bf16.f32 v61;
	v47 =	vunpack.i.l.bf16.f32 v61;
	v3 =	vadd.f32 v51, v3  }
0x654: {  	v63 =	vadd.f32 v48, v36;
	v48 =	vunpack.i.u.bf16.f32 v5;
	v5 =	vunpack.i.l.bf16.f32 v5  }
0x655: {  	v51 =	vunpack.i.u.bf16.f32 v41;
	v5 =	vadd.f32 v5, v47;
	v32 =	vadd.f32 v48, v46  }
0x656: {  	v50 =	vunpack.i.l.bf16.f32 v45;
	v6 =	vadd.f32 v6, v9;
	v53 =	vadd.f32 v51, v42  }
0x657: {  	v5 =	vadd.f32 v50, v5;
	v32 =	vadd.f32 v49, v32  }
0x658: {  	(xrf2) =	vadd.scan.msk.f32 $0xffff, v40;
	v52 =	vunpack.i.l.bf16.f32 v34;
	v3 =	vadd.f32 v38, v3;
	v31 =	vadd.f32 v37, v63  }
0x659: {  	(xrf2) =	vadd.scan.msk.f32 $0xffff, v44;
	v5 =	vadd.f32 v52, v5;
	v54 =	vadd.f32 v35, v32  }
0x65a: {  	v26 =	vunpack.i.u.bf16.f32 v26;
	(xrf2) =	vadd.scan.msk.f32 $0xffff, v62;
	v56 =	vadd.f32 v33, v53;
	v3 =	vadd.f32 v3, v31  }
0x65b: {  	v57 =	vunpack.i.l.bf16.f32 v23;
	v58 =	vadd.f32 v26, v28;
	(xrf2) =	vadd.scan.msk.f32 $0xffff, v6;
	v5 =	vadd.f32 v5, v54  }
0x65c: {  	v59 =	vadd.f32 v57, v55;
	v61 =	vunpack.i.l.bf16.f32 v21;
	v60 =	vadd.f32 v24, v56;
	(xrf2) =	vadd.scan.msk.f32 $0xffff, v3  }
0x65d: {  	v18 =	vunpack.i.u.bf16.f32 v18;
	v9 =	vadd.f32 v61, v27;
	v62 =	vadd.f32 v22, v58;
	(xrf2) =	vadd.scan.msk.f32 $0xffff, v5  }
0x65e: {  	v22 =	vadd.f32 v18, v19;
	v63 =	vunpack.i.l.bf16.f32 v16;
	v32 =	vld [tilespmem:$0x1FF30];
	v3 =	vadd.f32 v59, v60  }
0x65f: {  	v14 =	vunpack.i.l.bf16.f32 v14;
	v34 =	vld [tilespmem:$0x1FF20];
	v23, _, _ =	vpop (xrf2);
	v24 =	vadd.f32 v17, v62;
	v5 =	vadd.f32 v63, v9  }
0x660: {  	v11 =	vunpack.i.u.bf16.f32 v11;
	v14 =	vadd.f32 v14, v20;
	v26, _, _ =	vpop (xrf2);
	v36 =	vld [tilespmem:$0x1FF00];
	v6 =	vadd.f32 v15, v22;
	(xrf2) =	vadd.scan.msk.f32 $0xffff, v3  }
0x661: {  	v8 =	vunpack.i.l.bf16.f32 v8;
	v28 =	vadd.f32 v11, v13;
	v27, _, _ =	vpop (xrf2);
	v5 =	vadd.f32 v5, v24  }
0x662: {  	v7 =	vunpack.i.l.bf16.f32 v7;
	v40 =	vld [tilespmem:$0x1FF10];
	v8 =	vadd.f32 v8, v14;
	v30, _, _ =	vpop (xrf2);
	v6 =	vadd.f32 v10, v6  }
0x663: {  	v4 =	vunpack.i.u.bf16.f32 v4;
	v7 =	vadd.f32 v7, v12;
	v31, _, _ =	vpop (xrf2);
	v9 =	vadd.f32 v32, v28;
	(xrf2) =	vadd.scan.msk.f32 $0xffff, v5  }
0x664: {  	v2 =	vunpack.i.l.bf16.f32 v2;
	v4 =	vadd.f32 v4, v34;
	v6 =	vadd.f32 v8, v6;
	v33, _, _ =	vpop (xrf2)  }
0x665: {  	v39 =	vunpack.i.u.bf16.f32 v1;
	v2 =	vadd.f32 v2, v7;
	v35, _, _ =	vpop (xrf2);
	v7 =	vadd.f32 v36, v9  }
0x666: {  	v37 =	vunpack.i.l.bf16.f32 v1;
	v1 =	vadd.f32 v39, v4;
	(xrf2) =	vadd.scan.msk.f32 $0xffff, v6;
	v38, _, _ =	vpop (xrf2)  }
0x667: {  	v44 =	vunpack.i.l.bf16.f32 v0;
	v9 =	vadd.f32 v37, v40;
	v2 =	vadd.f32 v2, v7;
	v42, _, _ =	vpop (xrf2)  }
0x668: {  	v41 =	vunpack.i.u.bf16.f32 v0;
	v43 =	vbroadcast v38, $0xF;
	v6 =	vbroadcast v42, $0xF  }
0x669: {  	v1 =	vadd.f32 v41, v1;
	v8 =	vbroadcast v35, $0xF;
	v0 =	vadd.f32 v44, v9;
	(xrf2) =	vadd.scan.msk.f32 $0xffff, v2  }
0x66a: {  	v46 =	vbroadcast v33, $0xF;
	v47, _, _ =	vpop (xrf2);
	v45 =	vsel vm0, v43, v6  }
0x66b: {  	v0 =	vadd.f32 v0, v1;
	v5 =	vbroadcast v47, $0xF;
	v2 =	vsel vm1, v45, v8  }
0x66c: {  	v49 =	vbroadcast v31, $0xF;
	v48 =	vsel vm2, v2, v46  }
0x66d: {  	v50 =	vbroadcast v30, $0xF;
	(xrf2) =	vadd.scan.msk.f32 $0xffff, v0;
	v51, _, _ =	vpop (xrf2);
	v1 =	vsel vm3, v48, v5  }
0x66e: {  	v53 =	vbroadcast v51, $0xF;
	v52 =	vsel vm4, v1, v49  }
0x66f: {  	v54 =	vbroadcast v27, $0xF;
	v0 =	vsel vm5, v52, v50  }
0x670: {  	v55 =	vbroadcast v26, $0xF;
	v56, _, _ =	vpop (xrf2);
	v0 =	vsel vm6, v0, v53  }
0x671: {  	v57 =	vbroadcast v56, $0xF;
	v0 =	vsel vm7, v0, v54  }
0x672: {  	v58 =	vbroadcast v23, $0xF;
	v0 =	vsel vm8, v0, v55  }
0x673: {  	v59 =	vbroadcast v29, $0xF;
	v60, _, _ =	vpop (xrf2);
	v0 =	vsel vm9, v0, v57  }
0x674: {  	v61 =	vbroadcast v60, $0xF;
	v0 =	vsel vm10, v0, v58  }
0x675: {  	v62 =	vbroadcast v25, $0xF;
	v0 =	vsel vm11, v0, v59  }
0x676: {  	v0 =	vsel vm12, v0, v61  }
0x677: {  	s22 =	sadd.s32 $0x1, s22;
	v63, _, _ =	vpop (xrf2);
	v0 =	vsel vm13, v0, v62  }
0x678: {  	s23 =	sadd.s32 $0x10, s23;
	p1 =	sne.s32 s22, s7;
	v0 =	vsel vm14, v0, v63  }
.Ltmp5:
0x679: {  	[tilespmem:s23+$0x0] =	vst v0;
	(pc) =	sbr.rel @p1 .LBB2_1-.Ltmp5, $4  }
0x67a: {  	[hbm4b:s6+s3] =	stream.linear.scatter [tilespmem:s21], [sflag:$0x3], $0x2710, $0x38;
	[tilespmem:$0x16170] =	vst v63  }
0x67b: {  	_ =	swait.ge [sflag:s10], $0x2710  }
0x67c: {  	[sflag:s10] =	ssyncset.done $0x0  }
0x67d: {  	[sflag:s10] =	ssyncadd.s32 $0xFFFFD8F0  }
0x67e: {  	_ =	sfence.sel $0x180000  }
0x67f: {  	[bflag:$0x0] =	sbarrier.arrive $0xFFFF  }
0x680: {  	_ =	strace $0x90000047  }
0x681: {  	s0 =	sadd.s32 @!p0 $0x100000, s1;
	[bflag:$0x2] =	sbarrier.arrive $0xFFFF  }
0x682: {  	[sflag:s0] =	ssyncadd.tile.s32 @!p0 $0x1;
	_ =	shalt  }
.Lfunc_end2:
_tile_overlayer_lowered:
.L_overlay_start_2:
0x683: {  	(tag) =	ssettag $0x2  }
0x684: {  	s0 =	rddreg [dreg:$0x0];
	s2 =	stileid.u32  }
0x685: {  	s1 =	rddreg [dreg:$0x1];
	p0 =	sne.s32 s2, $0x0  }
0x686: {  	s3 =	rddreg [dreg:$0x2];
	[bflag:$0x3] =	sbarrier.arrive $0xFFFF;
	s2 =	simm.s32 @!p0 $0x1C03  }
0x687: {  	[timem:s3], [sflag:s2] =	dma.local @!p0 [hbm:s0], s1  }
0x688: {  	s0 =	simm.s32 @!p0 $0x3  }
0x689: {  	_ =	swait.ge @!p0 [sflag:s0], s1  }
0x68a: {  	s1 =	ssub.s32 @!p0 $0x0, s1;
	[sflag:s0] =	ssyncset.done @!p0 $0x0  }
0x68b: {  	[sflag:s0] =	ssyncadd.s32 @!p0 s1  }
0x68c: {  	[bflag:$0x3] =	sbarrier.arrive $0xFFFF  }
0x68d: {  	_ =	shalt  }

</sc_bundles>
